<compile_context>
chip_gen: v7x
topology: tpu7x:2x2x1
jax: 0.10.2.dev20260603
libtpu: 0.0.44.dev20260713+nightly
codegen_flags: <defaults>
</compile_context>

<pallas_src>
import functools

import jax
import jax.numpy as jnp
from jax import lax
from jax.experimental import pallas as pl
from jax.experimental.pallas import tpu as pltpu
from jax.experimental.pallas import tpu_sc as plsc

N_USERS = 50000
N_NODES = 100000
HALF = 50000
EMB = 32
E = 1600000

NC = 2
NS = 16
B = 512
CH = 128
NCH = B // CH
NBLK = 196
EPT = NBLK * B
E_PAD = EPT * NS
ACC_ROWS = 50048
DUMMY = 50000
ZROWS = ACC_ROWS // NS
WROWS = 3128

_GDN = lax.GatherDimensionNumbers(
    offset_dims=(), collapsed_slice_dims=(0,), start_index_map=(0,))


def _bcast_lane(v, l):
    idx = jnp.full((16, 1), l, jnp.int32)
    return lax.gather(v, idx, dimension_numbers=_GDN, slice_sizes=(1,),
                      mode=lax.GatherScatterMode.PROMISE_IN_BOUNDS)


_mesh = functools.partial(
    plsc.VectorSubcoreMesh, core_axis_name="c", subcore_axis_name="s",
    num_cores=NC, num_subcores=NS)


def _layer_body(x_hbm, col_hbm, row_hbm, val_hbm, y_hbm,
                col_v, row_v, val_v, lidx_v, rows_v, acc, sem_g, sem_s):
    c = lax.axis_index("c")
    s = lax.axis_index("s")
    base_node = c * HALF

    zvec = jnp.zeros((16,), jnp.float32)

    def zero_rows(t, _):
        rows_v[t, pl.ds(0, 16)] = zvec
        rows_v[t, pl.ds(16, 16)] = zvec
        return 0

    lax.fori_loop(0, B, zero_rows, 0)
    zb = s * ZROWS

    def zero_acc(k, _):
        pltpu.sync_copy(rows_v, acc.at[pl.ds(zb + k * B, B)])
        return 0

    lax.fori_loop(0, ZROWS // B, zero_acc, 0)
    ztail = ZROWS % B
    pltpu.sync_copy(rows_v.at[pl.ds(0, ztail)],
                    acc.at[pl.ds(zb + ZROWS - ztail, ztail)])
    plsc.subcore_barrier()

    def block(b, _):
        rb = s * (EPT // CH) + b * NCH
        eb = s * EPT + b * B
        pltpu.sync_copy(col_hbm.at[pl.ds(rb, NCH)], col_v)
        pltpu.sync_copy(row_hbm.at[pl.ds(eb, B)], row_v)
        pltpu.sync_copy(val_hbm.at[pl.ds(eb, B)], val_v)

        descs = [
            pltpu.async_copy(x_hbm.at[col_v.at[j]],
                             rows_v.at[pl.ds(j * CH, CH)], sem_g)
            for j in range(NCH)
        ]

        for d in descs:
            d.wait()

        def lidx(t, _):
            r = row_v[pl.ds(t * 16, 16)]
            ok = (r >= base_node) & (r < base_node + HALF)
            lidx_v[t >> 3, pl.ds((t & 7) * 16, 16)] = jnp.where(
                ok, r - base_node, DUMMY)
            return 0

        lax.fori_loop(0, B // 16, lidx, 0)

        def scale(g, _):
            v = val_v[pl.ds(g * 16, 16)]
            e0 = g * 16
            for l in range(16):
                vb = _bcast_lane(v, l)
                e = e0 + l
                r0 = rows_v[e, pl.ds(0, 16)]
                rows_v[e, pl.ds(0, 16)] = r0 * vb
                r1 = rows_v[e, pl.ds(16, 16)]
                rows_v[e, pl.ds(16, 16)] = r1 * vb
            return 0

        lax.fori_loop(0, B // 16, scale, 0)

        descs2 = [
            pltpu.async_copy(rows_v.at[pl.ds(j * CH, CH)],
                             acc.at[lidx_v.at[j]], sem_s, add=True)
            for j in range(NCH)
        ]
        for d in descs2:
            d.wait()
        return 0

    lax.fori_loop(0, NBLK, block, 0)
    plsc.subcore_barrier()

    g0 = s * WROWS

    def wb(k, _):
        pltpu.sync_copy(acc.at[pl.ds(g0 + k * B, B)], rows_v)
        pltpu.sync_copy(rows_v, y_hbm.at[pl.ds(base_node + g0 + k * B, B)])
        return 0

    lax.fori_loop(0, WROWS // B, wb, 0)
    done = (WROWS // B) * B

    @pl.when(s < NS - 1)
    def _():
        rem = WROWS - done
        pltpu.sync_copy(acc.at[pl.ds(g0 + done, rem)],
                        rows_v.at[pl.ds(0, rem)])
        pltpu.sync_copy(rows_v.at[pl.ds(0, rem)],
                        y_hbm.at[pl.ds(base_node + g0 + done, rem)])

    @pl.when(s == NS - 1)
    def _():
        rem = HALF - (NS - 1) * WROWS - done
        pltpu.sync_copy(acc.at[pl.ds(g0 + done, rem)],
                        rows_v.at[pl.ds(0, rem)])
        pltpu.sync_copy(rows_v.at[pl.ds(0, rem)],
                        y_hbm.at[pl.ds(base_node + g0 + done, rem)])


_layer = pl.kernel(
    _layer_body,
    out_type=jax.ShapeDtypeStruct((N_NODES, EMB), jnp.float32),
    mesh=_mesh(),
    compiler_params=pltpu.CompilerParams(use_tc_tiling_on_sc=False),
    scratch_types=[
        pltpu.VMEM((NCH, CH), jnp.int32),
        pltpu.VMEM((B,), jnp.int32),
        pltpu.VMEM((B,), jnp.float32),
        pltpu.VMEM((NCH, CH), jnp.int32),
        pltpu.VMEM((B, EMB), jnp.float32),
        pltpu.VMEM_SHARED((ACC_ROWS, EMB), jnp.float32),
        pltpu.SemaphoreType.DMA,
        pltpu.SemaphoreType.DMA,
    ],
)

MCH = 1024


def _mean_body(y1_hbm, y2_hbm, y3_hbm, out_hbm, a_v, b_v, c_v):
    c = lax.axis_index("c")
    s = lax.axis_index("s")
    base = c * HALF + s * WROWS
    third = jnp.float32(1.0 / 3.0)

    def chunk(rb, n):
        pltpu.sync_copy(y1_hbm.at[pl.ds(rb, n)], a_v.at[pl.ds(0, n)])
        pltpu.sync_copy(y2_hbm.at[pl.ds(rb, n)], b_v.at[pl.ds(0, n)])
        pltpu.sync_copy(y3_hbm.at[pl.ds(rb, n)], c_v.at[pl.ds(0, n)])

        def avg(t, _):
            i = t >> 1
            o = (t & 1) * 16
            v = (a_v[i, pl.ds(o, 16)] + b_v[i, pl.ds(o, 16)]
                 + c_v[i, pl.ds(o, 16)])
            a_v[i, pl.ds(o, 16)] = v * third
            return 0

        lax.fori_loop(0, n * 2, avg, 0)
        pltpu.sync_copy(a_v.at[pl.ds(0, n)], out_hbm.at[pl.ds(rb, n)])

    for k in range(3):
        chunk(base + k * MCH, MCH)

    @pl.when(s < NS - 1)
    def _():
        chunk(base + 3 * MCH, WROWS - 3 * MCH)

    @pl.when(s == NS - 1)
    def _():
        chunk(base + 3 * MCH, HALF - (NS - 1) * WROWS - 3 * MCH)


_mean = pl.kernel(
    _mean_body,
    out_type=jax.ShapeDtypeStruct((N_NODES, EMB), jnp.float32),
    mesh=_mesh(),
    compiler_params=pltpu.CompilerParams(use_tc_tiling_on_sc=False),
    scratch_types=[
        pltpu.VMEM((MCH, EMB), jnp.float32),
        pltpu.VMEM((MCH, EMB), jnp.float32),
        pltpu.VMEM((MCH, EMB), jnp.float32),
    ],
)


def _chk():
    assert NS * WROWS >= HALF and (NS - 1) * WROWS < HALF
    assert WROWS % 8 == 0 and ACC_ROWS == NS * ZROWS and ZROWS % 8 == 0
    assert NBLK * B * NS == E_PAD and E_PAD >= E


_chk()


@jax.jit
def kernel(ego_embeddings, adj_row, adj_col, adj_val):
    x = ego_embeddings.astype(jnp.float32)
    pad = E_PAD - E
    col = jnp.concatenate(
        [adj_col.astype(jnp.int32), jnp.zeros((pad,), jnp.int32)]
    ).reshape(E_PAD // CH, CH)
    row = jnp.concatenate(
        [adj_row.astype(jnp.int32), jnp.zeros((pad,), jnp.int32)])
    val = jnp.concatenate(
        [adj_val.astype(jnp.float32), jnp.zeros((pad,), jnp.float32)])

    y1 = _layer(x, col, row, val)
    y2 = _layer(y1, col, row, val)
    y3 = _layer(y2, col, row, val)
    m = _mean(y1, y2, y3)
    return m[:N_USERS], m[N_USERS:]

# --- scband reference (transcript-rebuilt; emitter-appended) ---
"""Pipeline reference for scband-simsgl-frame-bsl-12721693131119 (READ-ONLY COPY).

The authoritative reference and input builder live on the scoring server;
editing this copy changes nothing except your own understanding.
"""

import jax, jax.numpy as jnp
import numpy as np

N_USERS = 50000
N_ITEMS = 50000
N_NODES = N_USERS + N_ITEMS
N_EDGES = 1600000
EMB = 32
N_LAYERS = 3


def setup_inputs(seed: int = 0) -> dict:
    key = jax.random.key(seed)
    k1, k2, k3, k4 = jax.random.split(key, 4)
    ego_embeddings = jax.random.normal(k1, (N_NODES, EMB), dtype=jnp.float32)
    adj_row = jax.random.randint(k2, (N_EDGES,), 0, N_NODES, dtype=jnp.int64)
    adj_col = jax.random.randint(k3, (N_EDGES,), 0, N_NODES, dtype=jnp.int64)
    adj_val = jax.random.uniform(k4, (N_EDGES,), dtype=jnp.float32)
    return {"ego_embeddings": ego_embeddings, "adj_row": adj_row, "adj_col": adj_col, "adj_val": adj_val}


def reference(ego_embeddings, adj_row, adj_col, adj_val):
    # SimGCL_Encoder.forward with perturbed=False:
    #   for k in range(n_layers): ego = sparse_norm_adj @ ego
    #   all = mean(stack(layer_outputs, axis=1), axis=1)
    #   split into user / item embeddings
    x = ego_embeddings
    all_embeddings = []
    for _ in range(N_LAYERS):
        # torch.sparse.mm(A_coo, x): out[row] += val * x[col]
        gathered = jnp.take(x, adj_col, axis=0) * adj_val[:, None]
        x = jax.ops.segment_sum(gathered, adj_row, num_segments=N_NODES)
        all_embeddings.append(x)
    stacked = jnp.stack(all_embeddings, axis=1)
    mean_emb = jnp.mean(stacked, axis=1)
    user_all_embeddings = mean_emb[:N_USERS]
    item_all_embeddings = mean_emb[N_USERS:]
    return (user_all_embeddings, item_all_embeddings)

if __name__ == "__main__":
    import jax
    _d = setup_inputs()
    print(jax.jit(kernel)(*tuple(_d.values())))

</pallas_src>

<mosaic_0001>
#map = affine_map<(d0, d1) -> (0, 0)>
#map1 = affine_map<(d0, d1) -> (0)>
module attributes {stable_mosaic.version = 14 : i64} {
  func.func @_layer_body(%arg0: i32, %arg1: i32, %arg2: memref<100000x32xf32, #tpu.memory_space<hbm>>, %arg3: memref<12544x128xi32, #tpu.memory_space<hbm>>, %arg4: memref<1605632xi32, #tpu.memory_space<hbm>>, %arg5: memref<1605632xf32, #tpu.memory_space<hbm>>, %arg6: memref<100000x32xf32, #tpu.memory_space<hbm>>, %arg7: memref<4x128xi32, #tpu.memory_space<vmem>>, %arg8: memref<512xi32, #tpu.memory_space<vmem>>, %arg9: memref<512xf32, #tpu.memory_space<vmem>>, %arg10: memref<4x128xi32, #tpu.memory_space<vmem>>, %arg11: memref<512x32xf32, #tpu.memory_space<vmem>>, %arg12: memref<50048x32xf32, #tpu.memory_space<vmem_shared>>, %arg13: memref<!tpu.dma_semaphore, #tpu.memory_space<semaphore_mem>>, %arg14: memref<!tpu.dma_semaphore, #tpu.memory_space<semaphore_mem>>) attributes {dimension_semantics = [#tpu.dimension_semantics<core_parallel>, #tpu.dimension_semantics<subcore_parallel>], iteration_bounds = array<i64: 2, 16>, scalar_prefetch = 0 : i64, scratch_operands = 8 : i64, tpu.core_type = #tpu.core_type<sc_vector_subcore>, window_params = [{transform_indices = #map}, {transform_indices = #map}, {transform_indices = #map1}, {transform_indices = #map1}, {transform_indices = #map}]} {
    %mul3A = arith.constant 50000 : i32
    %mul3A_0 = arith.muli %arg0, %mul3A : i32
    %broadcast_in_dim3A = arith.constant 0.000000e+00 : f32
    %broadcast_in_dim3A_1 = vector.broadcast %broadcast_in_dim3A : f32 to vector<16xf32>
    %scan3A = arith.constant 0 : i32
    %scan3A_2 = arith.constant 0 : i32
    %scan3A_3 = arith.constant 512 : i32
    %scan3A_4 = arith.addi %scan3A_2, %scan3A_3 : i32
    %scan3A_5 = arith.constant 1 : i32
    %scan3A_6 = scf.for %scan3A_42 = %scan3A_2 to %scan3A_4 step %scan3A_5 iter_args(%scan3A_43 = %scan3A) -> (i32)  : i32 {
      %swap3A = arith.index_cast %scan3A_42 : i32 to index
      %swap3A_44 = arith.constant 0 : index
      %swap3A_45 = tpu.vector_load %arg11[%swap3A, %swap3A_44] {strides = array<i32>} : memref<512x32xf32, #tpu.memory_space<vmem>>, vector<1x16xf32>,
      %swap3A_46 = vector.shape_cast %swap3A_45 : vector<1x16xf32> to vector<16xf32>
      %swap3A_47 = vector.shape_cast %broadcast_in_dim3A_1 : vector<16xf32> to vector<1x16xf32>
      tpu.vector_store %arg11[%swap3A, %swap3A_44], %swap3A_47 {strides = array<i32>} : memref<512x32xf32, #tpu.memory_space<vmem>>, vector<1x16xf32>,
      %swap3A_48 = arith.index_cast %scan3A_42 : i32 to index
      %swap3A_49 = arith.constant 16 : index
      %swap3A_50 = tpu.vector_load %arg11[%swap3A_48, %swap3A_49] {strides = array<i32>} : memref<512x32xf32, #tpu.memory_space<vmem>>, vector<1x16xf32>,
      %swap3A_51 = vector.shape_cast %swap3A_50 : vector<1x16xf32> to vector<16xf32>
      %swap3A_52 = vector.shape_cast %broadcast_in_dim3A_1 : vector<16xf32> to vector<1x16xf32>
      tpu.vector_store %arg11[%swap3A_48, %swap3A_49], %swap3A_52 {strides = array<i32>} : memref<512x32xf32, #tpu.memory_space<vmem>>, vector<1x16xf32>,
      %scan3A_53 = arith.constant 0 : i32
      scf.yield %scan3A_53 : i32
    }
    %scan3A_7 = arith.constant 512 : i32
    %mul3A_8 = arith.constant 3128 : i32
    %mul3A_9 = arith.muli %arg1, %mul3A_8 : i32
    %scan3A_10 = arith.constant 0 : i32
    %scan3A_11 = arith.constant 0 : i32
    %scan3A_12 = arith.constant 6 : i32
    %scan3A_13 = arith.addi %scan3A_11, %scan3A_12 : i32
    %scan3A_14 = arith.constant 1 : i32
    %scan3A_15 = scf.for %scan3A_42 = %scan3A_11 to %scan3A_13 step %scan3A_14 iter_args(%scan3A_43 = %scan3A_10) -> (i32)  : i32 {
      %mul3A_44 = arith.constant 512 : i32
      %mul3A_45 = arith.muli %scan3A_42, %mul3A_44 : i32
      %add3A_46 = arith.addi %mul3A_9, %mul3A_45 : i32
      "tpu.region"() ({
        %run_scoped3A = tpu.sem_alloc : memref<!tpu.dma_semaphore, #tpu.memory_space<semaphore_mem>>
        %dma_start3A = arith.constant 0 : i32
        %dma_start3A_48 = tpu.memref_slice %arg12[%add3A_46, %dma_start3A] : memref<50048x32xf32, #tpu.memory_space<vmem_shared>> -> memref<512x32xf32, #tpu.memory_space<vmem_shared>>
        %dma_start3A_49 = arith.constant 0 : i32
        %dma_start3A_50 = tpu.memref_slice %arg12[%add3A_46, %dma_start3A_49] : memref<50048x32xf32, #tpu.memory_space<vmem_shared>> -> memref<512x32xf32, #tpu.memory_space<vmem_shared>>
        tpu.enqueue_dma source(%arg11 : memref<512x32xf32, #tpu.memory_space<vmem>>) target(%dma_start3A_50 : memref<512x32xf32, #tpu.memory_space<vmem_shared>>) target_semaphore(%run_scoped3A : memref<!tpu.dma_semaphore, #tpu.memory_space<semaphore_mem>>)
        %dma_wait3A = arith.constant 0 : i32
        %dma_wait3A_51 = tpu.memref_slice %arg12[%add3A_46, %dma_wait3A] : memref<50048x32xf32, #tpu.memory_space<vmem_shared>> -> memref<512x32xf32, #tpu.memory_space<vmem_shared>>
        %dma_wait3A_52 = arith.constant 0 : i32
        %dma_wait3A_53 = tpu.memref_slice %arg12[%add3A_46, %dma_wait3A_52] : memref<50048x32xf32, #tpu.memory_space<vmem_shared>> -> memref<512x32xf32, #tpu.memory_space<vmem_shared>>
        tpu.wait_dma2 semaphore(%run_scoped3A : memref<!tpu.dma_semaphore, #tpu.memory_space<semaphore_mem>>) src(%arg11 : memref<512x32xf32, #tpu.memory_space<vmem>>) dst(%dma_wait3A_53 : memref<512x32xf32, #tpu.memory_space<vmem_shared>>)
        tpu.yield
      }) : () -> ()
      %scan3A_47 = arith.constant 0 : i32
      scf.yield %scan3A_47 : i32
    }
    %scan3A_16 = arith.constant 6 : i32
    %add3A = arith.constant 3128 : i32
    %add3A_17 = arith.addi %mul3A_9, %add3A : i32
    %sub3A = arith.constant 56 : i32
    %sub3A_18 = arith.subi %add3A_17, %sub3A : i32
    "tpu.region"() ({
      %run_scoped3A = tpu.sem_alloc : memref<!tpu.dma_semaphore, #tpu.memory_space<semaphore_mem>>
      %dma_start3A = arith.constant 0 : i32
      %dma_start3A_42 = arith.constant 0 : i32
      %dma_start3A_43 = tpu.memref_slice %arg11[%dma_start3A, %dma_start3A_42] : memref<512x32xf32, #tpu.memory_space<vmem>> -> memref<56x32xf32, #tpu.memory_space<vmem>>
      %dma_start3A_44 = arith.constant 0 : i32
      %dma_start3A_45 = tpu.memref_slice %arg12[%sub3A_18, %dma_start3A_44] : memref<50048x32xf32, #tpu.memory_space<vmem_shared>> -> memref<56x32xf32, #tpu.memory_space<vmem_shared>>
      %dma_start3A_46 = arith.constant 0 : i32
      %dma_start3A_47 = tpu.memref_slice %arg12[%sub3A_18, %dma_start3A_46] : memref<50048x32xf32, #tpu.memory_space<vmem_shared>> -> memref<56x32xf32, #tpu.memory_space<vmem_shared>>
      %dma_start3A_48 = arith.constant 0 : i32
      %dma_start3A_49 = arith.constant 0 : i32
      %dma_start3A_50 = tpu.memref_slice %arg11[%dma_start3A_48, %dma_start3A_49] : memref<512x32xf32, #tpu.memory_space<vmem>> -> memref<56x32xf32, #tpu.memory_space<vmem>>
      tpu.enqueue_dma source(%dma_start3A_50 : memref<56x32xf32, #tpu.memory_space<vmem>>) target(%dma_start3A_47 : memref<56x32xf32, #tpu.memory_space<vmem_shared>>) target_semaphore(%run_scoped3A : memref<!tpu.dma_semaphore, #tpu.memory_space<semaphore_mem>>)
      %dma_wait3A = arith.constant 0 : i32
      %dma_wait3A_51 = arith.constant 0 : i32
      %dma_wait3A_52 = tpu.memref_slice %arg11[%dma_wait3A, %dma_wait3A_51] : memref<512x32xf32, #tpu.memory_space<vmem>> -> memref<56x32xf32, #tpu.memory_space<vmem>>
      %dma_wait3A_53 = arith.constant 0 : i32
      %dma_wait3A_54 = tpu.memref_slice %arg12[%sub3A_18, %dma_wait3A_53] : memref<50048x32xf32, #tpu.memory_space<vmem_shared>> -> memref<56x32xf32, #tpu.memory_space<vmem_shared>>
      %dma_wait3A_55 = arith.constant 0 : i32
      %dma_wait3A_56 = tpu.memref_slice %arg12[%sub3A_18, %dma_wait3A_55] : memref<50048x32xf32, #tpu.memory_space<vmem_shared>> -> memref<56x32xf32, #tpu.memory_space<vmem_shared>>
      %dma_wait3A_57 = arith.constant 0 : i32
      %dma_wait3A_58 = arith.constant 0 : i32
      %dma_wait3A_59 = tpu.memref_slice %arg11[%dma_wait3A_57, %dma_wait3A_58] : memref<512x32xf32, #tpu.memory_space<vmem>> -> memref<56x32xf32, #tpu.memory_space<vmem>>
      tpu.wait_dma2 semaphore(%run_scoped3A : memref<!tpu.dma_semaphore, #tpu.memory_space<semaphore_mem>>) src(%dma_wait3A_59 : memref<56x32xf32, #tpu.memory_space<vmem>>) dst(%dma_wait3A_56 : memref<56x32xf32, #tpu.memory_space<vmem_shared>>)
      tpu.yield
    }) : () -> ()
    %barrier3A = arith.constant 0 : index
    tpu.barrier barrier_id(%barrier3A)
    %scan3A_19 = arith.constant 0 : i32
    %scan3A_20 = arith.constant 0 : i32
    %scan3A_21 = arith.constant 196 : i32
    %scan3A_22 = arith.addi %scan3A_20, %scan3A_21 : i32
    %scan3A_23 = arith.constant 1 : i32
    %scan3A_24 = scf.for %scan3A_42 = %scan3A_20 to %scan3A_22 step %scan3A_23 iter_args(%scan3A_43 = %scan3A_19) -> (i32)  : i32 {
      %mul3A_44 = arith.constant 784 : i32
      %mul3A_45 = arith.muli %arg1, %mul3A_44 : i32
      %mul3A_46 = arith.constant 4 : i32
      %mul3A_47 = arith.muli %scan3A_42, %mul3A_46 : i32
      %add3A_48 = arith.addi %mul3A_45, %mul3A_47 : i32
      %mul3A_49 = arith.constant 100352 : i32
      %mul3A_50 = arith.muli %arg1, %mul3A_49 : i32
      %mul3A_51 = arith.constant 512 : i32
      %mul3A_52 = arith.muli %scan3A_42, %mul3A_51 : i32
      %add3A_53 = arith.addi %mul3A_50, %mul3A_52 : i32
      "tpu.region"() ({
        %run_scoped3A = tpu.sem_alloc : memref<!tpu.dma_semaphore, #tpu.memory_space<semaphore_mem>>
        %dma_start3A_227 = arith.constant 0 : i32
        %dma_start3A_228 = tpu.memref_slice %arg3[%add3A_48, %dma_start3A_227] : memref<12544x128xi32, #tpu.memory_space<hbm>> -> memref<4x128xi32, #tpu.memory_space<hbm>>
        %dma_start3A_229 = arith.constant 0 : i32
        %dma_start3A_230 = tpu.memref_slice %arg3[%add3A_48, %dma_start3A_229] : memref<12544x128xi32, #tpu.memory_space<hbm>> -> memref<4x128xi32, #tpu.memory_space<hbm>>
        tpu.enqueue_dma source(%dma_start3A_230 : memref<4x128xi32, #tpu.memory_space<hbm>>) target(%arg7 : memref<4x128xi32, #tpu.memory_space<vmem>>) target_semaphore(%run_scoped3A : memref<!tpu.dma_semaphore, #tpu.memory_space<semaphore_mem>>)
        %dma_wait3A_231 = arith.constant 0 : i32
        %dma_wait3A_232 = tpu.memref_slice %arg3[%add3A_48, %dma_wait3A_231] : memref<12544x128xi32, #tpu.memory_space<hbm>> -> memref<4x128xi32, #tpu.memory_space<hbm>>
        %dma_wait3A_233 = arith.constant 0 : i32
        %dma_wait3A_234 = tpu.memref_slice %arg3[%add3A_48, %dma_wait3A_233] : memref<12544x128xi32, #tpu.memory_space<hbm>> -> memref<4x128xi32, #tpu.memory_space<hbm>>
        tpu.wait_dma2 semaphore(%run_scoped3A : memref<!tpu.dma_semaphore, #tpu.memory_space<semaphore_mem>>) src(%dma_wait3A_234 : memref<4x128xi32, #tpu.memory_space<hbm>>) dst(%arg7 : memref<4x128xi32, #tpu.memory_space<vmem>>)
        tpu.yield
      }) : () -> ()
      "tpu.region"() ({
        %run_scoped3A = tpu.sem_alloc : memref<!tpu.dma_semaphore, #tpu.memory_space<semaphore_mem>>
        %dma_start3A_227 = tpu.memref_slice %arg4[%add3A_53] : memref<1605632xi32, #tpu.memory_space<hbm>> -> memref<512xi32, #tpu.memory_space<hbm>>
        %dma_start3A_228 = tpu.memref_slice %arg4[%add3A_53] : memref<1605632xi32, #tpu.memory_space<hbm>> -> memref<512xi32, #tpu.memory_space<hbm>>
        tpu.enqueue_dma source(%dma_start3A_228 : memref<512xi32, #tpu.memory_space<hbm>>) target(%arg8 : memref<512xi32, #tpu.memory_space<vmem>>) target_semaphore(%run_scoped3A : memref<!tpu.dma_semaphore, #tpu.memory_space<semaphore_mem>>)
        %dma_wait3A_229 = tpu.memref_slice %arg4[%add3A_53] : memref<1605632xi32, #tpu.memory_space<hbm>> -> memref<512xi32, #tpu.memory_space<hbm>>
        %dma_wait3A_230 = tpu.memref_slice %arg4[%add3A_53] : memref<1605632xi32, #tpu.memory_space<hbm>> -> memref<512xi32, #tpu.memory_space<hbm>>
        tpu.wait_dma2 semaphore(%run_scoped3A : memref<!tpu.dma_semaphore, #tpu.memory_space<semaphore_mem>>) src(%dma_wait3A_230 : memref<512xi32, #tpu.memory_space<hbm>>) dst(%arg8 : memref<512xi32, #tpu.memory_space<vmem>>)
        tpu.yield
      }) : () -> ()
      "tpu.region"() ({
        %run_scoped3A = tpu.sem_alloc : memref<!tpu.dma_semaphore, #tpu.memory_space<semaphore_mem>>
        %dma_start3A_227 = tpu.memref_slice %arg5[%add3A_53] : memref<1605632xf32, #tpu.memory_space<hbm>> -> memref<512xf32, #tpu.memory_space<hbm>>
        %dma_start3A_228 = tpu.memref_slice %arg5[%add3A_53] : memref<1605632xf32, #tpu.memory_space<hbm>> -> memref<512xf32, #tpu.memory_space<hbm>>
        tpu.enqueue_dma source(%dma_start3A_228 : memref<512xf32, #tpu.memory_space<hbm>>) target(%arg9 : memref<512xf32, #tpu.memory_space<vmem>>) target_semaphore(%run_scoped3A : memref<!tpu.dma_semaphore, #tpu.memory_space<semaphore_mem>>)
        %dma_wait3A_229 = tpu.memref_slice %arg5[%add3A_53] : memref<1605632xf32, #tpu.memory_space<hbm>> -> memref<512xf32, #tpu.memory_space<hbm>>
        %dma_wait3A_230 = tpu.memref_slice %arg5[%add3A_53] : memref<1605632xf32, #tpu.memory_space<hbm>> -> memref<512xf32, #tpu.memory_space<hbm>>
        tpu.wait_dma2 semaphore(%run_scoped3A : memref<!tpu.dma_semaphore, #tpu.memory_space<semaphore_mem>>) src(%dma_wait3A_230 : memref<512xf32, #tpu.memory_space<hbm>>) dst(%arg9 : memref<512xf32, #tpu.memory_space<vmem>>)
        tpu.yield
      }) : () -> ()
      %dma_start3A = arith.constant 0 : i32
      %dma_start3A_54 = arith.constant 0 : i32
      %dma_start3A_55 = arith.constant 0 : i32
      %dma_start3A_56 = tpu.memref_slice %arg11[%dma_start3A_54, %dma_start3A_55] : memref<512x32xf32, #tpu.memory_space<vmem>> -> memref<128x32xf32, #tpu.memory_space<vmem>>
      %dma_start3A_57 = arith.constant 0 : i32
      %dma_start3A_58 = tpu.memref_slice %arg7[%dma_start3A, %dma_start3A_57] : memref<4x128xi32, #tpu.memory_space<vmem>> -> memref<1x128xi32, #tpu.memory_space<vmem>>
      %dma_start3A_59 = tpu.memref_squeeze %dma_start3A_58 : memref<1x128xi32, #tpu.memory_space<vmem>> -> memref<128xi32, #tpu.memory_space<vmem>>
      %dma_start3A_60 = arith.constant 0 : i32
      %dma_start3A_61 = arith.constant 0 : i32
      %dma_start3A_62 = tpu.memref_slice %arg2[%dma_start3A_60, %dma_start3A_61] : memref<100000x32xf32, #tpu.memory_space<hbm>> -> memref<100000x32xf32, #tpu.memory_space<hbm>>
      tpu.enqueue_indirect_dma source(%dma_start3A_62 : memref<100000x32xf32, #tpu.memory_space<hbm>>) target(%dma_start3A_56 : memref<128x32xf32, #tpu.memory_space<vmem>>) offsets(%dma_start3A_59 : memref<128xi32, #tpu.memory_space<vmem>>) semaphore(%arg13 : memref<!tpu.dma_semaphore, #tpu.memory_space<semaphore_mem>>)
      %dma_start3A_63 = arith.constant 1 : i32
      %dma_start3A_64 = arith.constant 128 : i32
      %dma_start3A_65 = arith.constant 0 : i32
      %dma_start3A_66 = tpu.memref_slice %arg11[%dma_start3A_64, %dma_start3A_65] : memref<512x32xf32, #tpu.memory_space<vmem>> -> memref<128x32xf32, #tpu.memory_space<vmem>>
      %dma_start3A_67 = arith.constant 0 : i32
      %dma_start3A_68 = tpu.memref_slice %arg7[%dma_start3A_63, %dma_start3A_67] : memref<4x128xi32, #tpu.memory_space<vmem>> -> memref<1x128xi32, #tpu.memory_space<vmem>>
      %dma_start3A_69 = tpu.memref_squeeze %dma_start3A_68 : memref<1x128xi32, #tpu.memory_space<vmem>> -> memref<128xi32, #tpu.memory_space<vmem>>
      %dma_start3A_70 = arith.constant 0 : i32
      %dma_start3A_71 = arith.constant 0 : i32
      %dma_start3A_72 = tpu.memref_slice %arg2[%dma_start3A_70, %dma_start3A_71] : memref<100000x32xf32, #tpu.memory_space<hbm>> -> memref<100000x32xf32, #tpu.memory_space<hbm>>
      tpu.enqueue_indirect_dma source(%dma_start3A_72 : memref<100000x32xf32, #tpu.memory_space<hbm>>) target(%dma_start3A_66 : memref<128x32xf32, #tpu.memory_space<vmem>>) offsets(%dma_start3A_69 : memref<128xi32, #tpu.memory_space<vmem>>) semaphore(%arg13 : memref<!tpu.dma_semaphore, #tpu.memory_space<semaphore_mem>>)
      %dma_start3A_73 = arith.constant 2 : i32
      %dma_start3A_74 = arith.constant 256 : i32
      %dma_start3A_75 = arith.constant 0 : i32
      %dma_start3A_76 = tpu.memref_slice %arg11[%dma_start3A_74, %dma_start3A_75] : memref<512x32xf32, #tpu.memory_space<vmem>> -> memref<128x32xf32, #tpu.memory_space<vmem>>
      %dma_start3A_77 = arith.constant 0 : i32
      %dma_start3A_78 = tpu.memref_slice %arg7[%dma_start3A_73, %dma_start3A_77] : memref<4x128xi32, #tpu.memory_space<vmem>> -> memref<1x128xi32, #tpu.memory_space<vmem>>
      %dma_start3A_79 = tpu.memref_squeeze %dma_start3A_78 : memref<1x128xi32, #tpu.memory_space<vmem>> -> memref<128xi32, #tpu.memory_space<vmem>>
      %dma_start3A_80 = arith.constant 0 : i32
      %dma_start3A_81 = arith.constant 0 : i32
      %dma_start3A_82 = tpu.memref_slice %arg2[%dma_start3A_80, %dma_start3A_81] : memref<100000x32xf32, #tpu.memory_space<hbm>> -> memref<100000x32xf32, #tpu.memory_space<hbm>>
      tpu.enqueue_indirect_dma source(%dma_start3A_82 : memref<100000x32xf32, #tpu.memory_space<hbm>>) target(%dma_start3A_76 : memref<128x32xf32, #tpu.memory_space<vmem>>) offsets(%dma_start3A_79 : memref<128xi32, #tpu.memory_space<vmem>>) semaphore(%arg13 : memref<!tpu.dma_semaphore, #tpu.memory_space<semaphore_mem>>)
      %dma_start3A_83 = arith.constant 3 : i32
      %dma_start3A_84 = arith.constant 384 : i32
      %dma_start3A_85 = arith.constant 0 : i32
      %dma_start3A_86 = tpu.memref_slice %arg11[%dma_start3A_84, %dma_start3A_85] : memref<512x32xf32, #tpu.memory_space<vmem>> -> memref<128x32xf32, #tpu.memory_space<vmem>>
      %dma_start3A_87 = arith.constant 0 : i32
      %dma_start3A_88 = tpu.memref_slice %arg7[%dma_start3A_83, %dma_start3A_87] : memref<4x128xi32, #tpu.memory_space<vmem>> -> memref<1x128xi32, #tpu.memory_space<vmem>>
      %dma_start3A_89 = tpu.memref_squeeze %dma_start3A_88 : memref<1x128xi32, #tpu.memory_space<vmem>> -> memref<128xi32, #tpu.memory_space<vmem>>
      %dma_start3A_90 = arith.constant 0 : i32
      %dma_start3A_91 = arith.constant 0 : i32
      %dma_start3A_92 = tpu.memref_slice %arg2[%dma_start3A_90, %dma_start3A_91] : memref<100000x32xf32, #tpu.memory_space<hbm>> -> memref<100000x32xf32, #tpu.memory_space<hbm>>
      tpu.enqueue_indirect_dma source(%dma_start3A_92 : memref<100000x32xf32, #tpu.memory_space<hbm>>) target(%dma_start3A_86 : memref<128x32xf32, #tpu.memory_space<vmem>>) offsets(%dma_start3A_89 : memref<128xi32, #tpu.memory_space<vmem>>) semaphore(%arg13 : memref<!tpu.dma_semaphore, #tpu.memory_space<semaphore_mem>>)
      %dma_wait3A = arith.constant 0 : i32
      %dma_wait3A_93 = arith.constant 0 : i32
      %dma_wait3A_94 = arith.constant 0 : i32
      %dma_wait3A_95 = tpu.memref_slice %arg11[%dma_wait3A_93, %dma_wait3A_94] : memref<512x32xf32, #tpu.memory_space<vmem>> -> memref<128x32xf32, #tpu.memory_space<vmem>>
      %dma_wait3A_96 = arith.constant 0 : i32
      %dma_wait3A_97 = tpu.memref_slice %arg7[%dma_wait3A, %dma_wait3A_96] : memref<4x128xi32, #tpu.memory_space<vmem>> -> memref<1x128xi32, #tpu.memory_space<vmem>>
      %dma_wait3A_98 = tpu.memref_squeeze %dma_wait3A_97 : memref<1x128xi32, #tpu.memory_space<vmem>> -> memref<128xi32, #tpu.memory_space<vmem>>
      %dma_wait3A_99 = arith.constant 0 : i32
      %dma_wait3A_100 = arith.constant 0 : i32
      %dma_wait3A_101 = tpu.memref_slice %arg2[%dma_wait3A_99, %dma_wait3A_100] : memref<100000x32xf32, #tpu.memory_space<hbm>> -> memref<100000x32xf32, #tpu.memory_space<hbm>>
      tpu.wait_indirect_dma semaphore(%arg13 : memref<!tpu.dma_semaphore, #tpu.memory_space<semaphore_mem>>) src(%dma_wait3A_101 : memref<100000x32xf32, #tpu.memory_space<hbm>>) dst(%dma_wait3A_95 : memref<128x32xf32, #tpu.memory_space<vmem>>)
      %dma_wait3A_102 = arith.constant 1 : i32
      %dma_wait3A_103 = arith.constant 128 : i32
      %dma_wait3A_104 = arith.constant 0 : i32
      %dma_wait3A_105 = tpu.memref_slice %arg11[%dma_wait3A_103, %dma_wait3A_104] : memref<512x32xf32, #tpu.memory_space<vmem>> -> memref<128x32xf32, #tpu.memory_space<vmem>>
      %dma_wait3A_106 = arith.constant 0 : i32
      %dma_wait3A_107 = tpu.memref_slice %arg7[%dma_wait3A_102, %dma_wait3A_106] : memref<4x128xi32, #tpu.memory_space<vmem>> -> memref<1x128xi32, #tpu.memory_space<vmem>>
      %dma_wait3A_108 = tpu.memref_squeeze %dma_wait3A_107 : memref<1x128xi32, #tpu.memory_space<vmem>> -> memref<128xi32, #tpu.memory_space<vmem>>
      %dma_wait3A_109 = arith.constant 0 : i32
      %dma_wait3A_110 = arith.constant 0 : i32
      %dma_wait3A_111 = tpu.memref_slice %arg2[%dma_wait3A_109, %dma_wait3A_110] : memref<100000x32xf32, #tpu.memory_space<hbm>> -> memref<100000x32xf32, #tpu.memory_space<hbm>>
      tpu.wait_indirect_dma semaphore(%arg13 : memref<!tpu.dma_semaphore, #tpu.memory_space<semaphore_mem>>) src(%dma_wait3A_111 : memref<100000x32xf32, #tpu.memory_space<hbm>>) dst(%dma_wait3A_105 : memref<128x32xf32, #tpu.memory_space<vmem>>)
      %dma_wait3A_112 = arith.constant 2 : i32
      %dma_wait3A_113 = arith.constant 256 : i32
      %dma_wait3A_114 = arith.constant 0 : i32
      %dma_wait3A_115 = tpu.memref_slice %arg11[%dma_wait3A_113, %dma_wait3A_114] : memref<512x32xf32, #tpu.memory_space<vmem>> -> memref<128x32xf32, #tpu.memory_space<vmem>>
      %dma_wait3A_116 = arith.constant 0 : i32
      %dma_wait3A_117 = tpu.memref_slice %arg7[%dma_wait3A_112, %dma_wait3A_116] : memref<4x128xi32, #tpu.memory_space<vmem>> -> memref<1x128xi32, #tpu.memory_space<vmem>>
      %dma_wait3A_118 = tpu.memref_squeeze %dma_wait3A_117 : memref<1x128xi32, #tpu.memory_space<vmem>> -> memref<128xi32, #tpu.memory_space<vmem>>
      %dma_wait3A_119 = arith.constant 0 : i32
      %dma_wait3A_120 = arith.constant 0 : i32
      %dma_wait3A_121 = tpu.memref_slice %arg2[%dma_wait3A_119, %dma_wait3A_120] : memref<100000x32xf32, #tpu.memory_space<hbm>> -> memref<100000x32xf32, #tpu.memory_space<hbm>>
      tpu.wait_indirect_dma semaphore(%arg13 : memref<!tpu.dma_semaphore, #tpu.memory_space<semaphore_mem>>) src(%dma_wait3A_121 : memref<100000x32xf32, #tpu.memory_space<hbm>>) dst(%dma_wait3A_115 : memref<128x32xf32, #tpu.memory_space<vmem>>)
      %dma_wait3A_122 = arith.constant 3 : i32
      %dma_wait3A_123 = arith.constant 384 : i32
      %dma_wait3A_124 = arith.constant 0 : i32
      %dma_wait3A_125 = tpu.memref_slice %arg11[%dma_wait3A_123, %dma_wait3A_124] : memref<512x32xf32, #tpu.memory_space<vmem>> -> memref<128x32xf32, #tpu.memory_space<vmem>>
      %dma_wait3A_126 = arith.constant 0 : i32
      %dma_wait3A_127 = tpu.memref_slice %arg7[%dma_wait3A_122, %dma_wait3A_126] : memref<4x128xi32, #tpu.memory_space<vmem>> -> memref<1x128xi32, #tpu.memory_space<vmem>>
      %dma_wait3A_128 = tpu.memref_squeeze %dma_wait3A_127 : memref<1x128xi32, #tpu.memory_space<vmem>> -> memref<128xi32, #tpu.memory_space<vmem>>
      %dma_wait3A_129 = arith.constant 0 : i32
      %dma_wait3A_130 = arith.constant 0 : i32
      %dma_wait3A_131 = tpu.memref_slice %arg2[%dma_wait3A_129, %dma_wait3A_130] : memref<100000x32xf32, #tpu.memory_space<hbm>> -> memref<100000x32xf32, #tpu.memory_space<hbm>>
      tpu.wait_indirect_dma semaphore(%arg13 : memref<!tpu.dma_semaphore, #tpu.memory_space<semaphore_mem>>) src(%dma_wait3A_131 : memref<100000x32xf32, #tpu.memory_space<hbm>>) dst(%dma_wait3A_125 : memref<128x32xf32, #tpu.memory_space<vmem>>)
      %scan3A_132 = arith.constant 0 : i32
      %scan3A_133 = arith.constant 0 : i32
      %scan3A_134 = arith.constant 32 : i32
      %scan3A_135 = arith.addi %scan3A_133, %scan3A_134 : i32
      %scan3A_136 = arith.constant 1 : i32
      %scan3A_137 = scf.for %scan3A_227 = %scan3A_133 to %scan3A_135 step %scan3A_136 iter_args(%scan3A_228 = %scan3A_132) -> (i32)  : i32 {
        %mul3A_229 = arith.constant 16 : i32
        %mul3A_230 = arith.muli %scan3A_227, %mul3A_229 : i32
        %get3A = arith.index_cast %mul3A_230 : i32 to index
        %get3A_231 = tpu.vector_load %arg8[%get3A] {strides = array<i32>} : memref<512xi32, #tpu.memory_space<vmem>>, vector<16xi32>,
        %get3A_232 = vector.shape_cast %get3A_231 : vector<16xi32> to vector<16xi32>
        %ge3A = vector.broadcast %mul3A_0 : i32 to vector<16xi32>
        %ge3A_233 = arith.cmpi sge, %get3A_232, %ge3A : vector<16xi32>
        %add3A_234 = arith.constant 50000 : i32
        %add3A_235 = arith.addi %mul3A_0, %add3A_234 : i32
        %lt3A_236 = vector.broadcast %add3A_235 : i32 to vector<16xi32>
        %lt3A_237 = arith.cmpi slt, %get3A_232, %lt3A_236 : vector<16xi32>
        %and3A = arith.andi %ge3A_233, %lt3A_237 : vector<16xi1>
        %sub3A_238 = vector.broadcast %mul3A_0 : i32 to vector<16xi32>
        %sub3A_239 = arith.subi %get3A_232, %sub3A_238 : vector<16xi32>
        %jit3A = arith.constant 50000 : i32
        %broadcast_in_dim3A_240 = vector.broadcast %jit3A : i32 to vector<16xi32>
        %select_n3A = arith.select %and3A, %sub3A_239, %broadcast_in_dim3A_240 : vector<16xi1>, vector<16xi32>
        %shift_right_arithmetic3A = arith.constant 3 : i32
        %shift_right_arithmetic3A_241 = arith.shrsi %scan3A_227, %shift_right_arithmetic3A : i32
        %and3A_242 = arith.constant 7 : i32
        %and3A_243 = arith.andi %scan3A_227, %and3A_242 : i32
        %mul3A_244 = arith.constant 16 : i32
        %mul3A_245 = arith.muli %and3A_243, %mul3A_244 : i32
        %swap3A = arith.index_cast %shift_right_arithmetic3A_241 : i32 to index
        %swap3A_246 = arith.index_cast %mul3A_245 : i32 to index
        %swap3A_247 = tpu.vector_load %arg10[%swap3A, %swap3A_246] {strides = array<i32>} : memref<4x128xi32, #tpu.memory_space<vmem>>, vector<1x16xi32>,
        %swap3A_248 = vector.shape_cast %swap3A_247 : vector<1x16xi32> to vector<16xi32>
        %swap3A_249 = vector.shape_cast %select_n3A : vector<16xi32> to vector<1x16xi32>
        tpu.vector_store %arg10[%swap3A, %swap3A_246], %swap3A_249 {strides = array<i32>} : memref<4x128xi32, #tpu.memory_space<vmem>>, vector<1x16xi32>,
        %scan3A_250 = arith.constant 0 : i32
        scf.yield %scan3A_250 : i32
      }
      %scan3A_138 = arith.constant 32 : i32
      %scan3A_139 = arith.constant 0 : i32
      %scan3A_140 = arith.constant 0 : i32
      %scan3A_141 = arith.constant 32 : i32
      %scan3A_142 = arith.addi %scan3A_140, %scan3A_141 : i32
      %scan3A_143 = arith.constant 1 : i32
      %scan3A_144 = scf.for %scan3A_227 = %scan3A_140 to %scan3A_142 step %scan3A_143 iter_args(%scan3A_228 = %scan3A_139) -> (i32)  : i32 {
        %mul3A_229 = arith.constant 16 : i32
        %mul3A_230 = arith.muli %scan3A_227, %mul3A_229 : i32
        %get3A = arith.index_cast %mul3A_230 : i32 to index
        %get3A_231 = tpu.vector_load %arg9[%get3A] {strides = array<i32>} : memref<512xf32, #tpu.memory_space<vmem>>, vector<16xf32>,
        %get3A_232 = vector.shape_cast %get3A_231 : vector<16xf32> to vector<16xf32>
        %mul3A_233 = arith.constant 16 : i32
        %mul3A_234 = arith.muli %scan3A_227, %mul3A_233 : i32
        %broadcast_in_dim3A_235 = arith.constant 0 : i32
        %broadcast_in_dim3A_236 = vector.broadcast %broadcast_in_dim3A_235 : i32 to vector<16x1xi32>
        %gather3A = vector.shape_cast %broadcast_in_dim3A_236 : vector<16x1xi32> to vector<16xi32>
        %gather3A_237 = tpu.dynamic_gather %get3A_232[%gather3A] in [0] : vector<16xf32>, vector<16xi32> -> vector<16xf32>
        %add3A_238 = arith.constant 0 : i32
        %add3A_239 = arith.addi %mul3A_234, %add3A_238 : i32
        %get3A_240 = arith.index_cast %add3A_239 : i32 to index
        %get3A_241 = arith.constant 0 : index
        %get3A_242 = tpu.vector_load %arg11[%get3A_240, %get3A_241] {strides = array<i32>} : memref<512x32xf32, #tpu.memory_space<vmem>>, vector<1x16xf32>,
        %get3A_243 = vector.shape_cast %get3A_242 : vector<1x16xf32> to vector<16xf32>
        %mul3A_244 = arith.mulf %get3A_243, %gather3A_237 : vector<16xf32>
        %swap3A = arith.index_cast %add3A_239 : i32 to index
        %swap3A_245 = arith.constant 0 : index
        %swap3A_246 = tpu.vector_load %arg11[%swap3A, %swap3A_245] {strides = array<i32>} : memref<512x32xf32, #tpu.memory_space<vmem>>, vector<1x16xf32>,
        %swap3A_247 = vector.shape_cast %swap3A_246 : vector<1x16xf32> to vector<16xf32>
        %swap3A_248 = vector.shape_cast %mul3A_244 : vector<16xf32> to vector<1x16xf32>
        tpu.vector_store %arg11[%swap3A, %swap3A_245], %swap3A_248 {strides = array<i32>} : memref<512x32xf32, #tpu.memory_space<vmem>>, vector<1x16xf32>,
        %get3A_249 = arith.index_cast %add3A_239 : i32 to index
        %get3A_250 = arith.constant 16 : index
        %get3A_251 = tpu.vector_load %arg11[%get3A_249, %get3A_250] {strides = array<i32>} : memref<512x32xf32, #tpu.memory_space<vmem>>, vector<1x16xf32>,
        %get3A_252 = vector.shape_cast %get3A_251 : vector<1x16xf32> to vector<16xf32>
        %mul3A_253 = arith.mulf %get3A_252, %gather3A_237 : vector<16xf32>
        %swap3A_254 = arith.index_cast %add3A_239 : i32 to index
        %swap3A_255 = arith.constant 16 : index
        %swap3A_256 = tpu.vector_load %arg11[%swap3A_254, %swap3A_255] {strides = array<i32>} : memref<512x32xf32, #tpu.memory_space<vmem>>, vector<1x16xf32>,
        %swap3A_257 = vector.shape_cast %swap3A_256 : vector<1x16xf32> to vector<16xf32>
        %swap3A_258 = vector.shape_cast %mul3A_253 : vector<16xf32> to vector<1x16xf32>
        tpu.vector_store %arg11[%swap3A_254, %swap3A_255], %swap3A_258 {strides = array<i32>} : memref<512x32xf32, #tpu.memory_space<vmem>>, vector<1x16xf32>,
        %broadcast_in_dim3A_259 = arith.constant 1 : i32
        %broadcast_in_dim3A_260 = vector.broadcast %broadcast_in_dim3A_259 : i32 to vector<16x1xi32>
        %gather3A_261 = vector.shape_cast %broadcast_in_dim3A_260 : vector<16x1xi32> to vector<16xi32>
        %gather3A_262 = tpu.dynamic_gather %get3A_232[%gather3A_261] in [0] : vector<16xf32>, vector<16xi32> -> vector<16xf32>
        %add3A_263 = arith.constant 1 : i32
        %add3A_264 = arith.addi %mul3A_234, %add3A_263 : i32
        %get3A_265 = arith.index_cast %add3A_264 : i32 to index
        %get3A_266 = arith.constant 0 : index
        %get3A_267 = tpu.vector_load %arg11[%get3A_265, %get3A_266] {strides = array<i32>} : memref<512x32xf32, #tpu.memory_space<vmem>>, vector<1x16xf32>,
        %get3A_268 = vector.shape_cast %get3A_267 : vector<1x16xf32> to vector<16xf32>
        %mul3A_269 = arith.mulf %get3A_268, %gather3A_262 : vector<16xf32>
        %swap3A_270 = arith.index_cast %add3A_264 : i32 to index
        %swap3A_271 = arith.constant 0 : index
        %swap3A_272 = tpu.vector_load %arg11[%swap3A_270, %swap3A_271] {strides = array<i32>} : memref<512x32xf32, #tpu.memory_space<vmem>>, vector<1x16xf32>,
        %swap3A_273 = vector.shape_cast %swap3A_272 : vector<1x16xf32> to vector<16xf32>
        %swap3A_274 = vector.shape_cast %mul3A_269 : vector<16xf32> to vector<1x16xf32>
        tpu.vector_store %arg11[%swap3A_270, %swap3A_271], %swap3A_274 {strides = array<i32>} : memref<512x32xf32, #tpu.memory_space<vmem>>, vector<1x16xf32>,
        %get3A_275 = arith.index_cast %add3A_264 : i32 to index
        %get3A_276 = arith.constant 16 : index
        %get3A_277 = tpu.vector_load %arg11[%get3A_275, %get3A_276] {strides = array<i32>} : memref<512x32xf32, #tpu.memory_space<vmem>>, vector<1x16xf32>,
        %get3A_278 = vector.shape_cast %get3A_277 : vector<1x16xf32> to vector<16xf32>
        %mul3A_279 = arith.mulf %get3A_278, %gather3A_262 : vector<16xf32>
        %swap3A_280 = arith.index_cast %add3A_264 : i32 to index
        %swap3A_281 = arith.constant 16 : index
        %swap3A_282 = tpu.vector_load %arg11[%swap3A_280, %swap3A_281] {strides = array<i32>} : memref<512x32xf32, #tpu.memory_space<vmem>>, vector<1x16xf32>,
        %swap3A_283 = vector.shape_cast %swap3A_282 : vector<1x16xf32> to vector<16xf32>
        %swap3A_284 = vector.shape_cast %mul3A_279 : vector<16xf32> to vector<1x16xf32>
        tpu.vector_store %arg11[%swap3A_280, %swap3A_281], %swap3A_284 {strides = array<i32>} : memref<512x32xf32, #tpu.memory_space<vmem>>, vector<1x16xf32>,
        %broadcast_in_dim3A_285 = arith.constant 2 : i32
        %broadcast_in_dim3A_286 = vector.broadcast %broadcast_in_dim3A_285 : i32 to vector<16x1xi32>
        %gather3A_287 = vector.shape_cast %broadcast_in_dim3A_286 : vector<16x1xi32> to vector<16xi32>
        %gather3A_288 = tpu.dynamic_gather %get3A_232[%gather3A_287] in [0] : vector<16xf32>, vector<16xi32> -> vector<16xf32>
        %add3A_289 = arith.constant 2 : i32
        %add3A_290 = arith.addi %mul3A_234, %add3A_289 : i32
        %get3A_291 = arith.index_cast %add3A_290 : i32 to index
        %get3A_292 = arith.constant 0 : index
        %get3A_293 = tpu.vector_load %arg11[%get3A_291, %get3A_292] {strides = array<i32>} : memref<512x32xf32, #tpu.memory_space<vmem>>, vector<1x16xf32>,
        %get3A_294 = vector.shape_cast %get3A_293 : vector<1x16xf32> to vector<16xf32>
        %mul3A_295 = arith.mulf %get3A_294, %gather3A_288 : vector<16xf32>
        %swap3A_296 = arith.index_cast %add3A_290 : i32 to index
        %swap3A_297 = arith.constant 0 : index
        %swap3A_298 = tpu.vector_load %arg11[%swap3A_296, %swap3A_297] {strides = array<i32>} : memref<512x32xf32, #tpu.memory_space<vmem>>, vector<1x16xf32>,
        %swap3A_299 = vector.shape_cast %swap3A_298 : vector<1x16xf32> to vector<16xf32>
        %swap3A_300 = vector.shape_cast %mul3A_295 : vector<16xf32> to vector<1x16xf32>
        tpu.vector_store %arg11[%swap3A_296, %swap3A_297], %swap3A_300 {strides = array<i32>} : memref<512x32xf32, #tpu.memory_space<vmem>>, vector<1x16xf32>,
        %get3A_301 = arith.index_cast %add3A_290 : i32 to index
        %get3A_302 = arith.constant 16 : index
        %get3A_303 = tpu.vector_load %arg11[%get3A_301, %get3A_302] {strides = array<i32>} : memref<512x32xf32, #tpu.memory_space<vmem>>, vector<1x16xf32>,
        %get3A_304 = vector.shape_cast %get3A_303 : vector<1x16xf32> to vector<16xf32>
        %mul3A_305 = arith.mulf %get3A_304, %gather3A_288 : vector<16xf32>
        %swap3A_306 = arith.index_cast %add3A_290 : i32 to index
        %swap3A_307 = arith.constant 16 : index
        %swap3A_308 = tpu.vector_load %arg11[%swap3A_306, %swap3A_307] {strides = array<i32>} : memref<512x32xf32, #tpu.memory_space<vmem>>, vector<1x16xf32>,
        %swap3A_309 = vector.shape_cast %swap3A_308 : vector<1x16xf32> to vector<16xf32>
        %swap3A_310 = vector.shape_cast %mul3A_305 : vector<16xf32> to vector<1x16xf32>
        tpu.vector_store %arg11[%swap3A_306, %swap3A_307], %swap3A_310 {strides = array<i32>} : memref<512x32xf32, #tpu.memory_space<vmem>>, vector<1x16xf32>,
        %broadcast_in_dim3A_311 = arith.constant 3 : i32
        %broadcast_in_dim3A_312 = vector.broadcast %broadcast_in_dim3A_311 : i32 to vector<16x1xi32>
        %gather3A_313 = vector.shape_cast %broadcast_in_dim3A_312 : vector<16x1xi32> to vector<16xi32>
        %gather3A_314 = tpu.dynamic_gather %get3A_232[%gather3A_313] in [0] : vector<16xf32>, vector<16xi32> -> vector<16xf32>
        %add3A_315 = arith.constant 3 : i32
        %add3A_316 = arith.addi %mul3A_234, %add3A_315 : i32
        %get3A_317 = arith.index_cast %add3A_316 : i32 to index
        %get3A_318 = arith.constant 0 : index
        %get3A_319 = tpu.vector_load %arg11[%get3A_317, %get3A_318] {strides = array<i32>} : memref<512x32xf32, #tpu.memory_space<vmem>>, vector<1x16xf32>,
        %get3A_320 = vector.shape_cast %get3A_319 : vector<1x16xf32> to vector<16xf32>
        %mul3A_321 = arith.mulf %get3A_320, %gather3A_314 : vector<16xf32>
        %swap3A_322 = arith.index_cast %add3A_316 : i32 to index
        %swap3A_323 = arith.constant 0 : index
        %swap3A_324 = tpu.vector_load %arg11[%swap3A_322, %swap3A_323] {strides = array<i32>} : memref<512x32xf32, #tpu.memory_space<vmem>>, vector<1x16xf32>,
        %swap3A_325 = vector.shape_cast %swap3A_324 : vector<1x16xf32> to vector<16xf32>
        %swap3A_326 = vector.shape_cast %mul3A_321 : vector<16xf32> to vector<1x16xf32>
        tpu.vector_store %arg11[%swap3A_322, %swap3A_323], %swap3A_326 {strides = array<i32>} : memref<512x32xf32, #tpu.memory_space<vmem>>, vector<1x16xf32>,
        %get3A_327 = arith.index_cast %add3A_316 : i32 to index
        %get3A_328 = arith.constant 16 : index
        %get3A_329 = tpu.vector_load %arg11[%get3A_327, %get3A_328] {strides = array<i32>} : memref<512x32xf32, #tpu.memory_space<vmem>>, vector<1x16xf32>,
        %get3A_330 = vector.shape_cast %get3A_329 : vector<1x16xf32> to vector<16xf32>
        %mul3A_331 = arith.mulf %get3A_330, %gather3A_314 : vector<16xf32>
        %swap3A_332 = arith.index_cast %add3A_316 : i32 to index
        %swap3A_333 = arith.constant 16 : index
        %swap3A_334 = tpu.vector_load %arg11[%swap3A_332, %swap3A_333] {strides = array<i32>} : memref<512x32xf32, #tpu.memory_space<vmem>>, vector<1x16xf32>,
        %swap3A_335 = vector.shape_cast %swap3A_334 : vector<1x16xf32> to vector<16xf32>
        %swap3A_336 = vector.shape_cast %mul3A_331 : vector<16xf32> to vector<1x16xf32>
        tpu.vector_store %arg11[%swap3A_332, %swap3A_333], %swap3A_336 {strides = array<i32>} : memref<512x32xf32, #tpu.memory_space<vmem>>, vector<1x16xf32>,
        %broadcast_in_dim3A_337 = arith.constant 4 : i32
        %broadcast_in_dim3A_338 = vector.broadcast %broadcast_in_dim3A_337 : i32 to vector<16x1xi32>
        %gather3A_339 = vector.shape_cast %broadcast_in_dim3A_338 : vector<16x1xi32> to vector<16xi32>
        %gather3A_340 = tpu.dynamic_gather %get3A_232[%gather3A_339] in [0] : vector<16xf32>, vector<16xi32> -> vector<16xf32>
        %add3A_341 = arith.constant 4 : i32
        %add3A_342 = arith.addi %mul3A_234, %add3A_341 : i32
        %get3A_343 = arith.index_cast %add3A_342 : i32 to index
        %get3A_344 = arith.constant 0 : index
        %get3A_345 = tpu.vector_load %arg11[%get3A_343, %get3A_344] {strides = array<i32>} : memref<512x32xf32, #tpu.memory_space<vmem>>, vector<1x16xf32>,
        %get3A_346 = vector.shape_cast %get3A_345 : vector<1x16xf32> to vector<16xf32>
        %mul3A_347 = arith.mulf %get3A_346, %gather3A_340 : vector<16xf32>
        %swap3A_348 = arith.index_cast %add3A_342 : i32 to index
        %swap3A_349 = arith.constant 0 : index
        %swap3A_350 = tpu.vector_load %arg11[%swap3A_348, %swap3A_349] {strides = array<i32>} : memref<512x32xf32, #tpu.memory_space<vmem>>, vector<1x16xf32>,
        %swap3A_351 = vector.shape_cast %swap3A_350 : vector<1x16xf32> to vector<16xf32>
        %swap3A_352 = vector.shape_cast %mul3A_347 : vector<16xf32> to vector<1x16xf32>
        tpu.vector_store %arg11[%swap3A_348, %swap3A_349], %swap3A_352 {strides = array<i32>} : memref<512x32xf32, #tpu.memory_space<vmem>>, vector<1x16xf32>,
        %get3A_353 = arith.index_cast %add3A_342 : i32 to index
        %get3A_354 = arith.constant 16 : index
        %get3A_355 = tpu.vector_load %arg11[%get3A_353, %get3A_354] {strides = array<i32>} : memref<512x32xf32, #tpu.memory_space<vmem>>, vector<1x16xf32>,
        %get3A_356 = vector.shape_cast %get3A_355 : vector<1x16xf32> to vector<16xf32>
        %mul3A_357 = arith.mulf %get3A_356, %gather3A_340 : vector<16xf32>
        %swap3A_358 = arith.index_cast %add3A_342 : i32 to index
        %swap3A_359 = arith.constant 16 : index
        %swap3A_360 = tpu.vector_load %arg11[%swap3A_358, %swap3A_359] {strides = array<i32>} : memref<512x32xf32, #tpu.memory_space<vmem>>, vector<1x16xf32>,
        %swap3A_361 = vector.shape_cast %swap3A_360 : vector<1x16xf32> to vector<16xf32>
        %swap3A_362 = vector.shape_cast %mul3A_357 : vector<16xf32> to vector<1x16xf32>
        tpu.vector_store %arg11[%swap3A_358, %swap3A_359], %swap3A_362 {strides = array<i32>} : memref<512x32xf32, #tpu.memory_space<vmem>>, vector<1x16xf32>,
        %broadcast_in_dim3A_363 = arith.constant 5 : i32
        %broadcast_in_dim3A_364 = vector.broadcast %broadcast_in_dim3A_363 : i32 to vector<16x1xi32>
        %gather3A_365 = vector.shape_cast %broadcast_in_dim3A_364 : vector<16x1xi32> to vector<16xi32>
        %gather3A_366 = tpu.dynamic_gather %get3A_232[%gather3A_365] in [0] : vector<16xf32>, vector<16xi32> -> vector<16xf32>
        %add3A_367 = arith.constant 5 : i32
        %add3A_368 = arith.addi %mul3A_234, %add3A_367 : i32
        %get3A_369 = arith.index_cast %add3A_368 : i32 to index
        %get3A_370 = arith.constant 0 : index
        %get3A_371 = tpu.vector_load %arg11[%get3A_369, %get3A_370] {strides = array<i32>} : memref<512x32xf32, #tpu.memory_space<vmem>>, vector<1x16xf32>,
        %get3A_372 = vector.shape_cast %get3A_371 : vector<1x16xf32> to vector<16xf32>
        %mul3A_373 = arith.mulf %get3A_372, %gather3A_366 : vector<16xf32>
        %swap3A_374 = arith.index_cast %add3A_368 : i32 to index
        %swap3A_375 = arith.constant 0 : index
        %swap3A_376 = tpu.vector_load %arg11[%swap3A_374, %swap3A_375] {strides = array<i32>} : memref<512x32xf32, #tpu.memory_space<vmem>>, vector<1x16xf32>,
        %swap3A_377 = vector.shape_cast %swap3A_376 : vector<1x16xf32> to vector<16xf32>
        %swap3A_378 = vector.shape_cast %mul3A_373 : vector<16xf32> to vector<1x16xf32>
        tpu.vector_store %arg11[%swap3A_374, %swap3A_375], %swap3A_378 {strides = array<i32>} : memref<512x32xf32, #tpu.memory_space<vmem>>, vector<1x16xf32>,
        %get3A_379 = arith.index_cast %add3A_368 : i32 to index
        %get3A_380 = arith.constant 16 : index
        %get3A_381 = tpu.vector_load %arg11[%get3A_379, %get3A_380] {strides = array<i32>} : memref<512x32xf32, #tpu.memory_space<vmem>>, vector<1x16xf32>,
        %get3A_382 = vector.shape_cast %get3A_381 : vector<1x16xf32> to vector<16xf32>
        %mul3A_383 = arith.mulf %get3A_382, %gather3A_366 : vector<16xf32>
        %swap3A_384 = arith.index_cast %add3A_368 : i32 to index
        %swap3A_385 = arith.constant 16 : index
        %swap3A_386 = tpu.vector_load %arg11[%swap3A_384, %swap3A_385] {strides = array<i32>} : memref<512x32xf32, #tpu.memory_space<vmem>>, vector<1x16xf32>,
        %swap3A_387 = vector.shape_cast %swap3A_386 : vector<1x16xf32> to vector<16xf32>
        %swap3A_388 = vector.shape_cast %mul3A_383 : vector<16xf32> to vector<1x16xf32>
        tpu.vector_store %arg11[%swap3A_384, %swap3A_385], %swap3A_388 {strides = array<i32>} : memref<512x32xf32, #tpu.memory_space<vmem>>, vector<1x16xf32>,
        %broadcast_in_dim3A_389 = arith.constant 6 : i32
        %broadcast_in_dim3A_390 = vector.broadcast %broadcast_in_dim3A_389 : i32 to vector<16x1xi32>
        %gather3A_391 = vector.shape_cast %broadcast_in_dim3A_390 : vector<16x1xi32> to vector<16xi32>
        %gather3A_392 = tpu.dynamic_gather %get3A_232[%gather3A_391] in [0] : vector<16xf32>, vector<16xi32> -> vector<16xf32>
        %add3A_393 = arith.constant 6 : i32
        %add3A_394 = arith.addi %mul3A_234, %add3A_393 : i32
        %get3A_395 = arith.index_cast %add3A_394 : i32 to index
        %get3A_396 = arith.constant 0 : index
        %get3A_397 = tpu.vector_load %arg11[%get3A_395, %get3A_396] {strides = array<i32>} : memref<512x32xf32, #tpu.memory_space<vmem>>, vector<1x16xf32>,
        %get3A_398 = vector.shape_cast %get3A_397 : vector<1x16xf32> to vector<16xf32>
        %mul3A_399 = arith.mulf %get3A_398, %gather3A_392 : vector<16xf32>
        %swap3A_400 = arith.index_cast %add3A_394 : i32 to index
        %swap3A_401 = arith.constant 0 : index
        %swap3A_402 = tpu.vector_load %arg11[%swap3A_400, %swap3A_401] {strides = array<i32>} : memref<512x32xf32, #tpu.memory_space<vmem>>, vector<1x16xf32>,
        %swap3A_403 = vector.shape_cast %swap3A_402 : vector<1x16xf32> to vector<16xf32>
        %swap3A_404 = vector.shape_cast %mul3A_399 : vector<16xf32> to vector<1x16xf32>
        tpu.vector_store %arg11[%swap3A_400, %swap3A_401], %swap3A_404 {strides = array<i32>} : memref<512x32xf32, #tpu.memory_space<vmem>>, vector<1x16xf32>,
        %get3A_405 = arith.index_cast %add3A_394 : i32 to index
        %get3A_406 = arith.constant 16 : index
        %get3A_407 = tpu.vector_load %arg11[%get3A_405, %get3A_406] {strides = array<i32>} : memref<512x32xf32, #tpu.memory_space<vmem>>, vector<1x16xf32>,
        %get3A_408 = vector.shape_cast %get3A_407 : vector<1x16xf32> to vector<16xf32>
        %mul3A_409 = arith.mulf %get3A_408, %gather3A_392 : vector<16xf32>
        %swap3A_410 = arith.index_cast %add3A_394 : i32 to index
        %swap3A_411 = arith.constant 16 : index
        %swap3A_412 = tpu.vector_load %arg11[%swap3A_410, %swap3A_411] {strides = array<i32>} : memref<512x32xf32, #tpu.memory_space<vmem>>, vector<1x16xf32>,
        %swap3A_413 = vector.shape_cast %swap3A_412 : vector<1x16xf32> to vector<16xf32>
        %swap3A_414 = vector.shape_cast %mul3A_409 : vector<16xf32> to vector<1x16xf32>
        tpu.vector_store %arg11[%swap3A_410, %swap3A_411], %swap3A_414 {strides = array<i32>} : memref<512x32xf32, #tpu.memory_space<vmem>>, vector<1x16xf32>,
        %broadcast_in_dim3A_415 = arith.constant 7 : i32
        %broadcast_in_dim3A_416 = vector.broadcast %broadcast_in_dim3A_415 : i32 to vector<16x1xi32>
        %gather3A_417 = vector.shape_cast %broadcast_in_dim3A_416 : vector<16x1xi32> to vector<16xi32>
        %gather3A_418 = tpu.dynamic_gather %get3A_232[%gather3A_417] in [0] : vector<16xf32>, vector<16xi32> -> vector<16xf32>
        %add3A_419 = arith.constant 7 : i32
        %add3A_420 = arith.addi %mul3A_234, %add3A_419 : i32
        %get3A_421 = arith.index_cast %add3A_420 : i32 to index
        %get3A_422 = arith.constant 0 : index
        %get3A_423 = tpu.vector_load %arg11[%get3A_421, %get3A_422] {strides = array<i32>} : memref<512x32xf32, #tpu.memory_space<vmem>>, vector<1x16xf32>,
        %get3A_424 = vector.shape_cast %get3A_423 : vector<1x16xf32> to vector<16xf32>
        %mul3A_425 = arith.mulf %get3A_424, %gather3A_418 : vector<16xf32>
        %swap3A_426 = arith.index_cast %add3A_420 : i32 to index
        %swap3A_427 = arith.constant 0 : index
        %swap3A_428 = tpu.vector_load %arg11[%swap3A_426, %swap3A_427] {strides = array<i32>} : memref<512x32xf32, #tpu.memory_space<vmem>>, vector<1x16xf32>,
        %swap3A_429 = vector.shape_cast %swap3A_428 : vector<1x16xf32> to vector<16xf32>
        %swap3A_430 = vector.shape_cast %mul3A_425 : vector<16xf32> to vector<1x16xf32>
        tpu.vector_store %arg11[%swap3A_426, %swap3A_427], %swap3A_430 {strides = array<i32>} : memref<512x32xf32, #tpu.memory_space<vmem>>, vector<1x16xf32>,
        %get3A_431 = arith.index_cast %add3A_420 : i32 to index
        %get3A_432 = arith.constant 16 : index
        %get3A_433 = tpu.vector_load %arg11[%get3A_431, %get3A_432] {strides = array<i32>} : memref<512x32xf32, #tpu.memory_space<vmem>>, vector<1x16xf32>,
        %get3A_434 = vector.shape_cast %get3A_433 : vector<1x16xf32> to vector<16xf32>
        %mul3A_435 = arith.mulf %get3A_434, %gather3A_418 : vector<16xf32>
        %swap3A_436 = arith.index_cast %add3A_420 : i32 to index
        %swap3A_437 = arith.constant 16 : index
        %swap3A_438 = tpu.vector_load %arg11[%swap3A_436, %swap3A_437] {strides = array<i32>} : memref<512x32xf32, #tpu.memory_space<vmem>>, vector<1x16xf32>,
        %swap3A_439 = vector.shape_cast %swap3A_438 : vector<1x16xf32> to vector<16xf32>
        %swap3A_440 = vector.shape_cast %mul3A_435 : vector<16xf32> to vector<1x16xf32>
        tpu.vector_store %arg11[%swap3A_436, %swap3A_437], %swap3A_440 {strides = array<i32>} : memref<512x32xf32, #tpu.memory_space<vmem>>, vector<1x16xf32>,
        %broadcast_in_dim3A_441 = arith.constant 8 : i32
        %broadcast_in_dim3A_442 = vector.broadcast %broadcast_in_dim3A_441 : i32 to vector<16x1xi32>
        %gather3A_443 = vector.shape_cast %broadcast_in_dim3A_442 : vector<16x1xi32> to vector<16xi32>
        %gather3A_444 = tpu.dynamic_gather %get3A_232[%gather3A_443] in [0] : vector<16xf32>, vector<16xi32> -> vector<16xf32>
        %add3A_445 = arith.constant 8 : i32
        %add3A_446 = arith.addi %mul3A_234, %add3A_445 : i32
        %get3A_447 = arith.index_cast %add3A_446 : i32 to index
        %get3A_448 = arith.constant 0 : index
        %get3A_449 = tpu.vector_load %arg11[%get3A_447, %get3A_448] {strides = array<i32>} : memref<512x32xf32, #tpu.memory_space<vmem>>, vector<1x16xf32>,
        %get3A_450 = vector.shape_cast %get3A_449 : vector<1x16xf32> to vector<16xf32>
        %mul3A_451 = arith.mulf %get3A_450, %gather3A_444 : vector<16xf32>
        %swap3A_452 = arith.index_cast %add3A_446 : i32 to index
        %swap3A_453 = arith.constant 0 : index
        %swap3A_454 = tpu.vector_load %arg11[%swap3A_452, %swap3A_453] {strides = array<i32>} : memref<512x32xf32, #tpu.memory_space<vmem>>, vector<1x16xf32>,
        %swap3A_455 = vector.shape_cast %swap3A_454 : vector<1x16xf32> to vector<16xf32>
        %swap3A_456 = vector.shape_cast %mul3A_451 : vector<16xf32> to vector<1x16xf32>
        tpu.vector_store %arg11[%swap3A_452, %swap3A_453], %swap3A_456 {strides = array<i32>} : memref<512x32xf32, #tpu.memory_space<vmem>>, vector<1x16xf32>,
        %get3A_457 = arith.index_cast %add3A_446 : i32 to index
        %get3A_458 = arith.constant 16 : index
        %get3A_459 = tpu.vector_load %arg11[%get3A_457, %get3A_458] {strides = array<i32>} : memref<512x32xf32, #tpu.memory_space<vmem>>, vector<1x16xf32>,
        %get3A_460 = vector.shape_cast %get3A_459 : vector<1x16xf32> to vector<16xf32>
        %mul3A_461 = arith.mulf %get3A_460, %gather3A_444 : vector<16xf32>
        %swap3A_462 = arith.index_cast %add3A_446 : i32 to index
        %swap3A_463 = arith.constant 16 : index
        %swap3A_464 = tpu.vector_load %arg11[%swap3A_462, %swap3A_463] {strides = array<i32>} : memref<512x32xf32, #tpu.memory_space<vmem>>, vector<1x16xf32>,
        %swap3A_465 = vector.shape_cast %swap3A_464 : vector<1x16xf32> to vector<16xf32>
        %swap3A_466 = vector.shape_cast %mul3A_461 : vector<16xf32> to vector<1x16xf32>
        tpu.vector_store %arg11[%swap3A_462, %swap3A_463], %swap3A_466 {strides = array<i32>} : memref<512x32xf32, #tpu.memory_space<vmem>>, vector<1x16xf32>,
        %broadcast_in_dim3A_467 = arith.constant 9 : i32
        %broadcast_in_dim3A_468 = vector.broadcast %broadcast_in_dim3A_467 : i32 to vector<16x1xi32>
        %gather3A_469 = vector.shape_cast %broadcast_in_dim3A_468 : vector<16x1xi32> to vector<16xi32>
        %gather3A_470 = tpu.dynamic_gather %get3A_232[%gather3A_469] in [0] : vector<16xf32>, vector<16xi32> -> vector<16xf32>
        %add3A_471 = arith.constant 9 : i32
        %add3A_472 = arith.addi %mul3A_234, %add3A_471 : i32
        %get3A_473 = arith.index_cast %add3A_472 : i32 to index
        %get3A_474 = arith.constant 0 : index
        %get3A_475 = tpu.vector_load %arg11[%get3A_473, %get3A_474] {strides = array<i32>} : memref<512x32xf32, #tpu.memory_space<vmem>>, vector<1x16xf32>,
        %get3A_476 = vector.shape_cast %get3A_475 : vector<1x16xf32> to vector<16xf32>
        %mul3A_477 = arith.mulf %get3A_476, %gather3A_470 : vector<16xf32>
        %swap3A_478 = arith.index_cast %add3A_472 : i32 to index
        %swap3A_479 = arith.constant 0 : index
        %swap3A_480 = tpu.vector_load %arg11[%swap3A_478, %swap3A_479] {strides = array<i32>} : memref<512x32xf32, #tpu.memory_space<vmem>>, vector<1x16xf32>,
        %swap3A_481 = vector.shape_cast %swap3A_480 : vector<1x16xf32> to vector<16xf32>
        %swap3A_482 = vector.shape_cast %mul3A_477 : vector<16xf32> to vector<1x16xf32>
        tpu.vector_store %arg11[%swap3A_478, %swap3A_479], %swap3A_482 {strides = array<i32>} : memref<512x32xf32, #tpu.memory_space<vmem>>, vector<1x16xf32>,
        %get3A_483 = arith.index_cast %add3A_472 : i32 to index
        %get3A_484 = arith.constant 16 : index
        %get3A_485 = tpu.vector_load %arg11[%get3A_483, %get3A_484] {strides = array<i32>} : memref<512x32xf32, #tpu.memory_space<vmem>>, vector<1x16xf32>,
        %get3A_486 = vector.shape_cast %get3A_485 : vector<1x16xf32> to vector<16xf32>
        %mul3A_487 = arith.mulf %get3A_486, %gather3A_470 : vector<16xf32>
        %swap3A_488 = arith.index_cast %add3A_472 : i32 to index
        %swap3A_489 = arith.constant 16 : index
        %swap3A_490 = tpu.vector_load %arg11[%swap3A_488, %swap3A_489] {strides = array<i32>} : memref<512x32xf32, #tpu.memory_space<vmem>>, vector<1x16xf32>,
        %swap3A_491 = vector.shape_cast %swap3A_490 : vector<1x16xf32> to vector<16xf32>
        %swap3A_492 = vector.shape_cast %mul3A_487 : vector<16xf32> to vector<1x16xf32>
        tpu.vector_store %arg11[%swap3A_488, %swap3A_489], %swap3A_492 {strides = array<i32>} : memref<512x32xf32, #tpu.memory_space<vmem>>, vector<1x16xf32>,
        %broadcast_in_dim3A_493 = arith.constant 10 : i32
        %broadcast_in_dim3A_494 = vector.broadcast %broadcast_in_dim3A_493 : i32 to vector<16x1xi32>
        %gather3A_495 = vector.shape_cast %broadcast_in_dim3A_494 : vector<16x1xi32> to vector<16xi32>
        %gather3A_496 = tpu.dynamic_gather %get3A_232[%gather3A_495] in [0] : vector<16xf32>, vector<16xi32> -> vector<16xf32>
        %add3A_497 = arith.constant 10 : i32
        %add3A_498 = arith.addi %mul3A_234, %add3A_497 : i32
        %get3A_499 = arith.index_cast %add3A_498 : i32 to index
        %get3A_500 = arith.constant 0 : index
        %get3A_501 = tpu.vector_load %arg11[%get3A_499, %get3A_500] {strides = array<i32>} : memref<512x32xf32, #tpu.memory_space<vmem>>, vector<1x16xf32>,
        %get3A_502 = vector.shape_cast %get3A_501 : vector<1x16xf32> to vector<16xf32>
        %mul3A_503 = arith.mulf %get3A_502, %gather3A_496 : vector<16xf32>
        %swap3A_504 = arith.index_cast %add3A_498 : i32 to index
        %swap3A_505 = arith.constant 0 : index
        %swap3A_506 = tpu.vector_load %arg11[%swap3A_504, %swap3A_505] {strides = array<i32>} : memref<512x32xf32, #tpu.memory_space<vmem>>, vector<1x16xf32>,
        %swap3A_507 = vector.shape_cast %swap3A_506 : vector<1x16xf32> to vector<16xf32>
        %swap3A_508 = vector.shape_cast %mul3A_503 : vector<16xf32> to vector<1x16xf32>
        tpu.vector_store %arg11[%swap3A_504, %swap3A_505], %swap3A_508 {strides = array<i32>} : memref<512x32xf32, #tpu.memory_space<vmem>>, vector<1x16xf32>,
        %get3A_509 = arith.index_cast %add3A_498 : i32 to index
        %get3A_510 = arith.constant 16 : index
        %get3A_511 = tpu.vector_load %arg11[%get3A_509, %get3A_510] {strides = array<i32>} : memref<512x32xf32, #tpu.memory_space<vmem>>, vector<1x16xf32>,
        %get3A_512 = vector.shape_cast %get3A_511 : vector<1x16xf32> to vector<16xf32>
        %mul3A_513 = arith.mulf %get3A_512, %gather3A_496 : vector<16xf32>
        %swap3A_514 = arith.index_cast %add3A_498 : i32 to index
        %swap3A_515 = arith.constant 16 : index
        %swap3A_516 = tpu.vector_load %arg11[%swap3A_514, %swap3A_515] {strides = array<i32>} : memref<512x32xf32, #tpu.memory_space<vmem>>, vector<1x16xf32>,
        %swap3A_517 = vector.shape_cast %swap3A_516 : vector<1x16xf32> to vector<16xf32>
        %swap3A_518 = vector.shape_cast %mul3A_513 : vector<16xf32> to vector<1x16xf32>
        tpu.vector_store %arg11[%swap3A_514, %swap3A_515], %swap3A_518 {strides = array<i32>} : memref<512x32xf32, #tpu.memory_space<vmem>>, vector<1x16xf32>,
        %broadcast_in_dim3A_519 = arith.constant 11 : i32
        %broadcast_in_dim3A_520 = vector.broadcast %broadcast_in_dim3A_519 : i32 to vector<16x1xi32>
        %gather3A_521 = vector.shape_cast %broadcast_in_dim3A_520 : vector<16x1xi32> to vector<16xi32>
        %gather3A_522 = tpu.dynamic_gather %get3A_232[%gather3A_521] in [0] : vector<16xf32>, vector<16xi32> -> vector<16xf32>
        %add3A_523 = arith.constant 11 : i32
        %add3A_524 = arith.addi %mul3A_234, %add3A_523 : i32
        %get3A_525 = arith.index_cast %add3A_524 : i32 to index
        %get3A_526 = arith.constant 0 : index
        %get3A_527 = tpu.vector_load %arg11[%get3A_525, %get3A_526] {strides = array<i32>} : memref<512x32xf32, #tpu.memory_space<vmem>>, vector<1x16xf32>,
        %get3A_528 = vector.shape_cast %get3A_527 : vector<1x16xf32> to vector<16xf32>
        %mul3A_529 = arith.mulf %get3A_528, %gather3A_522 : vector<16xf32>
        %swap3A_530 = arith.index_cast %add3A_524 : i32 to index
        %swap3A_531 = arith.constant 0 : index
        %swap3A_532 = tpu.vector_load %arg11[%swap3A_530, %swap3A_531] {strides = array<i32>} : memref<512x32xf32, #tpu.memory_space<vmem>>, vector<1x16xf32>,
        %swap3A_533 = vector.shape_cast %swap3A_532 : vector<1x16xf32> to vector<16xf32>
        %swap3A_534 = vector.shape_cast %mul3A_529 : vector<16xf32> to vector<1x16xf32>
        tpu.vector_store %arg11[%swap3A_530, %swap3A_531], %swap3A_534 {strides = array<i32>} : memref<512x32xf32, #tpu.memory_space<vmem>>, vector<1x16xf32>,
        %get3A_535 = arith.index_cast %add3A_524 : i32 to index
        %get3A_536 = arith.constant 16 : index
        %get3A_537 = tpu.vector_load %arg11[%get3A_535, %get3A_536] {strides = array<i32>} : memref<512x32xf32, #tpu.memory_space<vmem>>, vector<1x16xf32>,
        %get3A_538 = vector.shape_cast %get3A_537 : vector<1x16xf32> to vector<16xf32>
        %mul3A_539 = arith.mulf %get3A_538, %gather3A_522 : vector<16xf32>
        %swap3A_540 = arith.index_cast %add3A_524 : i32 to index
        %swap3A_541 = arith.constant 16 : index
        %swap3A_542 = tpu.vector_load %arg11[%swap3A_540, %swap3A_541] {strides = array<i32>} : memref<512x32xf32, #tpu.memory_space<vmem>>, vector<1x16xf32>,
        %swap3A_543 = vector.shape_cast %swap3A_542 : vector<1x16xf32> to vector<16xf32>
        %swap3A_544 = vector.shape_cast %mul3A_539 : vector<16xf32> to vector<1x16xf32>
        tpu.vector_store %arg11[%swap3A_540, %swap3A_541], %swap3A_544 {strides = array<i32>} : memref<512x32xf32, #tpu.memory_space<vmem>>, vector<1x16xf32>,
        %broadcast_in_dim3A_545 = arith.constant 12 : i32
        %broadcast_in_dim3A_546 = vector.broadcast %broadcast_in_dim3A_545 : i32 to vector<16x1xi32>
        %gather3A_547 = vector.shape_cast %broadcast_in_dim3A_546 : vector<16x1xi32> to vector<16xi32>
        %gather3A_548 = tpu.dynamic_gather %get3A_232[%gather3A_547] in [0] : vector<16xf32>, vector<16xi32> -> vector<16xf32>
        %add3A_549 = arith.constant 12 : i32
        %add3A_550 = arith.addi %mul3A_234, %add3A_549 : i32
        %get3A_551 = arith.index_cast %add3A_550 : i32 to index
        %get3A_552 = arith.constant 0 : index
        %get3A_553 = tpu.vector_load %arg11[%get3A_551, %get3A_552] {strides = array<i32>} : memref<512x32xf32, #tpu.memory_space<vmem>>, vector<1x16xf32>,
        %get3A_554 = vector.shape_cast %get3A_553 : vector<1x16xf32> to vector<16xf32>
        %mul3A_555 = arith.mulf %get3A_554, %gather3A_548 : vector<16xf32>
        %swap3A_556 = arith.index_cast %add3A_550 : i32 to index
        %swap3A_557 = arith.constant 0 : index
        %swap3A_558 = tpu.vector_load %arg11[%swap3A_556, %swap3A_557] {strides = array<i32>} : memref<512x32xf32, #tpu.memory_space<vmem>>, vector<1x16xf32>,
        %swap3A_559 = vector.shape_cast %swap3A_558 : vector<1x16xf32> to vector<16xf32>
        %swap3A_560 = vector.shape_cast %mul3A_555 : vector<16xf32> to vector<1x16xf32>
        tpu.vector_store %arg11[%swap3A_556, %swap3A_557], %swap3A_560 {strides = array<i32>} : memref<512x32xf32, #tpu.memory_space<vmem>>, vector<1x16xf32>,
        %get3A_561 = arith.index_cast %add3A_550 : i32 to index
        %get3A_562 = arith.constant 16 : index
        %get3A_563 = tpu.vector_load %arg11[%get3A_561, %get3A_562] {strides = array<i32>} : memref<512x32xf32, #tpu.memory_space<vmem>>, vector<1x16xf32>,
        %get3A_564 = vector.shape_cast %get3A_563 : vector<1x16xf32> to vector<16xf32>
        %mul3A_565 = arith.mulf %get3A_564, %gather3A_548 : vector<16xf32>
        %swap3A_566 = arith.index_cast %add3A_550 : i32 to index
        %swap3A_567 = arith.constant 16 : index
        %swap3A_568 = tpu.vector_load %arg11[%swap3A_566, %swap3A_567] {strides = array<i32>} : memref<512x32xf32, #tpu.memory_space<vmem>>, vector<1x16xf32>,
        %swap3A_569 = vector.shape_cast %swap3A_568 : vector<1x16xf32> to vector<16xf32>
        %swap3A_570 = vector.shape_cast %mul3A_565 : vector<16xf32> to vector<1x16xf32>
        tpu.vector_store %arg11[%swap3A_566, %swap3A_567], %swap3A_570 {strides = array<i32>} : memref<512x32xf32, #tpu.memory_space<vmem>>, vector<1x16xf32>,
        %broadcast_in_dim3A_571 = arith.constant 13 : i32
        %broadcast_in_dim3A_572 = vector.broadcast %broadcast_in_dim3A_571 : i32 to vector<16x1xi32>
        %gather3A_573 = vector.shape_cast %broadcast_in_dim3A_572 : vector<16x1xi32> to vector<16xi32>
        %gather3A_574 = tpu.dynamic_gather %get3A_232[%gather3A_573] in [0] : vector<16xf32>, vector<16xi32> -> vector<16xf32>
        %add3A_575 = arith.constant 13 : i32
        %add3A_576 = arith.addi %mul3A_234, %add3A_575 : i32
        %get3A_577 = arith.index_cast %add3A_576 : i32 to index
        %get3A_578 = arith.constant 0 : index
        %get3A_579 = tpu.vector_load %arg11[%get3A_577, %get3A_578] {strides = array<i32>} : memref<512x32xf32, #tpu.memory_space<vmem>>, vector<1x16xf32>,
        %get3A_580 = vector.shape_cast %get3A_579 : vector<1x16xf32> to vector<16xf32>
        %mul3A_581 = arith.mulf %get3A_580, %gather3A_574 : vector<16xf32>
        %swap3A_582 = arith.index_cast %add3A_576 : i32 to index
        %swap3A_583 = arith.constant 0 : index
        %swap3A_584 = tpu.vector_load %arg11[%swap3A_582, %swap3A_583] {strides = array<i32>} : memref<512x32xf32, #tpu.memory_space<vmem>>, vector<1x16xf32>,
        %swap3A_585 = vector.shape_cast %swap3A_584 : vector<1x16xf32> to vector<16xf32>
        %swap3A_586 = vector.shape_cast %mul3A_581 : vector<16xf32> to vector<1x16xf32>
        tpu.vector_store %arg11[%swap3A_582, %swap3A_583], %swap3A_586 {strides = array<i32>} : memref<512x32xf32, #tpu.memory_space<vmem>>, vector<1x16xf32>,
        %get3A_587 = arith.index_cast %add3A_576 : i32 to index
        %get3A_588 = arith.constant 16 : index
        %get3A_589 = tpu.vector_load %arg11[%get3A_587, %get3A_588] {strides = array<i32>} : memref<512x32xf32, #tpu.memory_space<vmem>>, vector<1x16xf32>,
        %get3A_590 = vector.shape_cast %get3A_589 : vector<1x16xf32> to vector<16xf32>
        %mul3A_591 = arith.mulf %get3A_590, %gather3A_574 : vector<16xf32>
        %swap3A_592 = arith.index_cast %add3A_576 : i32 to index
        %swap3A_593 = arith.constant 16 : index
        %swap3A_594 = tpu.vector_load %arg11[%swap3A_592, %swap3A_593] {strides = array<i32>} : memref<512x32xf32, #tpu.memory_space<vmem>>, vector<1x16xf32>,
        %swap3A_595 = vector.shape_cast %swap3A_594 : vector<1x16xf32> to vector<16xf32>
        %swap3A_596 = vector.shape_cast %mul3A_591 : vector<16xf32> to vector<1x16xf32>
        tpu.vector_store %arg11[%swap3A_592, %swap3A_593], %swap3A_596 {strides = array<i32>} : memref<512x32xf32, #tpu.memory_space<vmem>>, vector<1x16xf32>,
        %broadcast_in_dim3A_597 = arith.constant 14 : i32
        %broadcast_in_dim3A_598 = vector.broadcast %broadcast_in_dim3A_597 : i32 to vector<16x1xi32>
        %gather3A_599 = vector.shape_cast %broadcast_in_dim3A_598 : vector<16x1xi32> to vector<16xi32>
        %gather3A_600 = tpu.dynamic_gather %get3A_232[%gather3A_599] in [0] : vector<16xf32>, vector<16xi32> -> vector<16xf32>
        %add3A_601 = arith.constant 14 : i32
        %add3A_602 = arith.addi %mul3A_234, %add3A_601 : i32
        %get3A_603 = arith.index_cast %add3A_602 : i32 to index
        %get3A_604 = arith.constant 0 : index
        %get3A_605 = tpu.vector_load %arg11[%get3A_603, %get3A_604] {strides = array<i32>} : memref<512x32xf32, #tpu.memory_space<vmem>>, vector<1x16xf32>,
        %get3A_606 = vector.shape_cast %get3A_605 : vector<1x16xf32> to vector<16xf32>
        %mul3A_607 = arith.mulf %get3A_606, %gather3A_600 : vector<16xf32>
        %swap3A_608 = arith.index_cast %add3A_602 : i32 to index
        %swap3A_609 = arith.constant 0 : index
        %swap3A_610 = tpu.vector_load %arg11[%swap3A_608, %swap3A_609] {strides = array<i32>} : memref<512x32xf32, #tpu.memory_space<vmem>>, vector<1x16xf32>,
        %swap3A_611 = vector.shape_cast %swap3A_610 : vector<1x16xf32> to vector<16xf32>
        %swap3A_612 = vector.shape_cast %mul3A_607 : vector<16xf32> to vector<1x16xf32>
        tpu.vector_store %arg11[%swap3A_608, %swap3A_609], %swap3A_612 {strides = array<i32>} : memref<512x32xf32, #tpu.memory_space<vmem>>, vector<1x16xf32>,
        %get3A_613 = arith.index_cast %add3A_602 : i32 to index
        %get3A_614 = arith.constant 16 : index
        %get3A_615 = tpu.vector_load %arg11[%get3A_613, %get3A_614] {strides = array<i32>} : memref<512x32xf32, #tpu.memory_space<vmem>>, vector<1x16xf32>,
        %get3A_616 = vector.shape_cast %get3A_615 : vector<1x16xf32> to vector<16xf32>
        %mul3A_617 = arith.mulf %get3A_616, %gather3A_600 : vector<16xf32>
        %swap3A_618 = arith.index_cast %add3A_602 : i32 to index
        %swap3A_619 = arith.constant 16 : index
        %swap3A_620 = tpu.vector_load %arg11[%swap3A_618, %swap3A_619] {strides = array<i32>} : memref<512x32xf32, #tpu.memory_space<vmem>>, vector<1x16xf32>,
        %swap3A_621 = vector.shape_cast %swap3A_620 : vector<1x16xf32> to vector<16xf32>
        %swap3A_622 = vector.shape_cast %mul3A_617 : vector<16xf32> to vector<1x16xf32>
        tpu.vector_store %arg11[%swap3A_618, %swap3A_619], %swap3A_622 {strides = array<i32>} : memref<512x32xf32, #tpu.memory_space<vmem>>, vector<1x16xf32>,
        %broadcast_in_dim3A_623 = arith.constant 15 : i32
        %broadcast_in_dim3A_624 = vector.broadcast %broadcast_in_dim3A_623 : i32 to vector<16x1xi32>
        %gather3A_625 = vector.shape_cast %broadcast_in_dim3A_624 : vector<16x1xi32> to vector<16xi32>
        %gather3A_626 = tpu.dynamic_gather %get3A_232[%gather3A_625] in [0] : vector<16xf32>, vector<16xi32> -> vector<16xf32>
        %add3A_627 = arith.constant 15 : i32
        %add3A_628 = arith.addi %mul3A_234, %add3A_627 : i32
        %get3A_629 = arith.index_cast %add3A_628 : i32 to index
        %get3A_630 = arith.constant 0 : index
        %get3A_631 = tpu.vector_load %arg11[%get3A_629, %get3A_630] {strides = array<i32>} : memref<512x32xf32, #tpu.memory_space<vmem>>, vector<1x16xf32>,
        %get3A_632 = vector.shape_cast %get3A_631 : vector<1x16xf32> to vector<16xf32>
        %mul3A_633 = arith.mulf %get3A_632, %gather3A_626 : vector<16xf32>
        %swap3A_634 = arith.index_cast %add3A_628 : i32 to index
        %swap3A_635 = arith.constant 0 : index
        %swap3A_636 = tpu.vector_load %arg11[%swap3A_634, %swap3A_635] {strides = array<i32>} : memref<512x32xf32, #tpu.memory_space<vmem>>, vector<1x16xf32>,
        %swap3A_637 = vector.shape_cast %swap3A_636 : vector<1x16xf32> to vector<16xf32>
        %swap3A_638 = vector.shape_cast %mul3A_633 : vector<16xf32> to vector<1x16xf32>
        tpu.vector_store %arg11[%swap3A_634, %swap3A_635], %swap3A_638 {strides = array<i32>} : memref<512x32xf32, #tpu.memory_space<vmem>>, vector<1x16xf32>,
        %get3A_639 = arith.index_cast %add3A_628 : i32 to index
        %get3A_640 = arith.constant 16 : index
        %get3A_641 = tpu.vector_load %arg11[%get3A_639, %get3A_640] {strides = array<i32>} : memref<512x32xf32, #tpu.memory_space<vmem>>, vector<1x16xf32>,
        %get3A_642 = vector.shape_cast %get3A_641 : vector<1x16xf32> to vector<16xf32>
        %mul3A_643 = arith.mulf %get3A_642, %gather3A_626 : vector<16xf32>
        %swap3A_644 = arith.index_cast %add3A_628 : i32 to index
        %swap3A_645 = arith.constant 16 : index
        %swap3A_646 = tpu.vector_load %arg11[%swap3A_644, %swap3A_645] {strides = array<i32>} : memref<512x32xf32, #tpu.memory_space<vmem>>, vector<1x16xf32>,
        %swap3A_647 = vector.shape_cast %swap3A_646 : vector<1x16xf32> to vector<16xf32>
        %swap3A_648 = vector.shape_cast %mul3A_643 : vector<16xf32> to vector<1x16xf32>
        tpu.vector_store %arg11[%swap3A_644, %swap3A_645], %swap3A_648 {strides = array<i32>} : memref<512x32xf32, #tpu.memory_space<vmem>>, vector<1x16xf32>,
        %scan3A_649 = arith.constant 0 : i32
        scf.yield %scan3A_649 : i32
      }
      %scan3A_145 = arith.constant 32 : i32
      %dma_start3A_146 = arith.constant 0 : i32
      %dma_start3A_147 = arith.constant 0 : i32
      %dma_start3A_148 = arith.constant 0 : i32
      %dma_start3A_149 = tpu.memref_slice %arg11[%dma_start3A_147, %dma_start3A_148] : memref<512x32xf32, #tpu.memory_space<vmem>> -> memref<128x32xf32, #tpu.memory_space<vmem>>
      %dma_start3A_150 = arith.constant 0 : i32
      %dma_start3A_151 = tpu.memref_slice %arg10[%dma_start3A_146, %dma_start3A_150] : memref<4x128xi32, #tpu.memory_space<vmem>> -> memref<1x128xi32, #tpu.memory_space<vmem>>
      %dma_start3A_152 = tpu.memref_squeeze %dma_start3A_151 : memref<1x128xi32, #tpu.memory_space<vmem>> -> memref<128xi32, #tpu.memory_space<vmem>>
      %dma_start3A_153 = arith.constant 0 : i32
      %dma_start3A_154 = arith.constant 0 : i32
      %dma_start3A_155 = tpu.memref_slice %arg12[%dma_start3A_153, %dma_start3A_154] : memref<50048x32xf32, #tpu.memory_space<vmem_shared>> -> memref<50048x32xf32, #tpu.memory_space<vmem_shared>>
      tpu.enqueue_indirect_dma source(%dma_start3A_149 : memref<128x32xf32, #tpu.memory_space<vmem>>) target(%dma_start3A_155 : memref<50048x32xf32, #tpu.memory_space<vmem_shared>>) offsets(%dma_start3A_152 : memref<128xi32, #tpu.memory_space<vmem>>) semaphore(%arg14 : memref<!tpu.dma_semaphore, #tpu.memory_space<semaphore_mem>>) {add = true}
      %dma_start3A_156 = arith.constant 1 : i32
      %dma_start3A_157 = arith.constant 128 : i32
      %dma_start3A_158 = arith.constant 0 : i32
      %dma_start3A_159 = tpu.memref_slice %arg11[%dma_start3A_157, %dma_start3A_158] : memref<512x32xf32, #tpu.memory_space<vmem>> -> memref<128x32xf32, #tpu.memory_space<vmem>>
      %dma_start3A_160 = arith.constant 0 : i32
      %dma_start3A_161 = tpu.memref_slice %arg10[%dma_start3A_156, %dma_start3A_160] : memref<4x128xi32, #tpu.memory_space<vmem>> -> memref<1x128xi32, #tpu.memory_space<vmem>>
      %dma_start3A_162 = tpu.memref_squeeze %dma_start3A_161 : memref<1x128xi32, #tpu.memory_space<vmem>> -> memref<128xi32, #tpu.memory_space<vmem>>
      %dma_start3A_163 = arith.constant 0 : i32
      %dma_start3A_164 = arith.constant 0 : i32
      %dma_start3A_165 = tpu.memref_slice %arg12[%dma_start3A_163, %dma_start3A_164] : memref<50048x32xf32, #tpu.memory_space<vmem_shared>> -> memref<50048x32xf32, #tpu.memory_space<vmem_shared>>
      tpu.enqueue_indirect_dma source(%dma_start3A_159 : memref<128x32xf32, #tpu.memory_space<vmem>>) target(%dma_start3A_165 : memref<50048x32xf32, #tpu.memory_space<vmem_shared>>) offsets(%dma_start3A_162 : memref<128xi32, #tpu.memory_space<vmem>>) semaphore(%arg14 : memref<!tpu.dma_semaphore, #tpu.memory_space<semaphore_mem>>) {add = true}
      %dma_start3A_166 = arith.constant 2 : i32
      %dma_start3A_167 = arith.constant 256 : i32
      %dma_start3A_168 = arith.constant 0 : i32
      %dma_start3A_169 = tpu.memref_slice %arg11[%dma_start3A_167, %dma_start3A_168] : memref<512x32xf32, #tpu.memory_space<vmem>> -> memref<128x32xf32, #tpu.memory_space<vmem>>
      %dma_start3A_170 = arith.constant 0 : i32
      %dma_start3A_171 = tpu.memref_slice %arg10[%dma_start3A_166, %dma_start3A_170] : memref<4x128xi32, #tpu.memory_space<vmem>> -> memref<1x128xi32, #tpu.memory_space<vmem>>
      %dma_start3A_172 = tpu.memref_squeeze %dma_start3A_171 : memref<1x128xi32, #tpu.memory_space<vmem>> -> memref<128xi32, #tpu.memory_space<vmem>>
      %dma_start3A_173 = arith.constant 0 : i32
      %dma_start3A_174 = arith.constant 0 : i32
      %dma_start3A_175 = tpu.memref_slice %arg12[%dma_start3A_173, %dma_start3A_174] : memref<50048x32xf32, #tpu.memory_space<vmem_shared>> -> memref<50048x32xf32, #tpu.memory_space<vmem_shared>>
      tpu.enqueue_indirect_dma source(%dma_start3A_169 : memref<128x32xf32, #tpu.memory_space<vmem>>) target(%dma_start3A_175 : memref<50048x32xf32, #tpu.memory_space<vmem_shared>>) offsets(%dma_start3A_172 : memref<128xi32, #tpu.memory_space<vmem>>) semaphore(%arg14 : memref<!tpu.dma_semaphore, #tpu.memory_space<semaphore_mem>>) {add = true}
      %dma_start3A_176 = arith.constant 3 : i32
      %dma_start3A_177 = arith.constant 384 : i32
      %dma_start3A_178 = arith.constant 0 : i32
      %dma_start3A_179 = tpu.memref_slice %arg11[%dma_start3A_177, %dma_start3A_178] : memref<512x32xf32, #tpu.memory_space<vmem>> -> memref<128x32xf32, #tpu.memory_space<vmem>>
      %dma_start3A_180 = arith.constant 0 : i32
      %dma_start3A_181 = tpu.memref_slice %arg10[%dma_start3A_176, %dma_start3A_180] : memref<4x128xi32, #tpu.memory_space<vmem>> -> memref<1x128xi32, #tpu.memory_space<vmem>>
      %dma_start3A_182 = tpu.memref_squeeze %dma_start3A_181 : memref<1x128xi32, #tpu.memory_space<vmem>> -> memref<128xi32, #tpu.memory_space<vmem>>
      %dma_start3A_183 = arith.constant 0 : i32
      %dma_start3A_184 = arith.constant 0 : i32
      %dma_start3A_185 = tpu.memref_slice %arg12[%dma_start3A_183, %dma_start3A_184] : memref<50048x32xf32, #tpu.memory_space<vmem_shared>> -> memref<50048x32xf32, #tpu.memory_space<vmem_shared>>
      tpu.enqueue_indirect_dma source(%dma_start3A_179 : memref<128x32xf32, #tpu.memory_space<vmem>>) target(%dma_start3A_185 : memref<50048x32xf32, #tpu.memory_space<vmem_shared>>) offsets(%dma_start3A_182 : memref<128xi32, #tpu.memory_space<vmem>>) semaphore(%arg14 : memref<!tpu.dma_semaphore, #tpu.memory_space<semaphore_mem>>) {add = true}
      %dma_wait3A_186 = arith.constant 0 : i32
      %dma_wait3A_187 = arith.constant 0 : i32
      %dma_wait3A_188 = arith.constant 0 : i32
      %dma_wait3A_189 = tpu.memref_slice %arg11[%dma_wait3A_187, %dma_wait3A_188] : memref<512x32xf32, #tpu.memory_space<vmem>> -> memref<128x32xf32, #tpu.memory_space<vmem>>
      %dma_wait3A_190 = arith.constant 0 : i32
      %dma_wait3A_191 = tpu.memref_slice %arg10[%dma_wait3A_186, %dma_wait3A_190] : memref<4x128xi32, #tpu.memory_space<vmem>> -> memref<1x128xi32, #tpu.memory_space<vmem>>
      %dma_wait3A_192 = tpu.memref_squeeze %dma_wait3A_191 : memref<1x128xi32, #tpu.memory_space<vmem>> -> memref<128xi32, #tpu.memory_space<vmem>>
      %dma_wait3A_193 = arith.constant 0 : i32
      %dma_wait3A_194 = arith.constant 0 : i32
      %dma_wait3A_195 = tpu.memref_slice %arg12[%dma_wait3A_193, %dma_wait3A_194] : memref<50048x32xf32, #tpu.memory_space<vmem_shared>> -> memref<50048x32xf32, #tpu.memory_space<vmem_shared>>
      tpu.wait_indirect_dma semaphore(%arg14 : memref<!tpu.dma_semaphore, #tpu.memory_space<semaphore_mem>>) src(%dma_wait3A_189 : memref<128x32xf32, #tpu.memory_space<vmem>>) dst(%dma_wait3A_195 : memref<50048x32xf32, #tpu.memory_space<vmem_shared>>)
      %dma_wait3A_196 = arith.constant 1 : i32
      %dma_wait3A_197 = arith.constant 128 : i32
      %dma_wait3A_198 = arith.constant 0 : i32
      %dma_wait3A_199 = tpu.memref_slice %arg11[%dma_wait3A_197, %dma_wait3A_198] : memref<512x32xf32, #tpu.memory_space<vmem>> -> memref<128x32xf32, #tpu.memory_space<vmem>>
      %dma_wait3A_200 = arith.constant 0 : i32
      %dma_wait3A_201 = tpu.memref_slice %arg10[%dma_wait3A_196, %dma_wait3A_200] : memref<4x128xi32, #tpu.memory_space<vmem>> -> memref<1x128xi32, #tpu.memory_space<vmem>>
      %dma_wait3A_202 = tpu.memref_squeeze %dma_wait3A_201 : memref<1x128xi32, #tpu.memory_space<vmem>> -> memref<128xi32, #tpu.memory_space<vmem>>
      %dma_wait3A_203 = arith.constant 0 : i32
      %dma_wait3A_204 = arith.constant 0 : i32
      %dma_wait3A_205 = tpu.memref_slice %arg12[%dma_wait3A_203, %dma_wait3A_204] : memref<50048x32xf32, #tpu.memory_space<vmem_shared>> -> memref<50048x32xf32, #tpu.memory_space<vmem_shared>>
      tpu.wait_indirect_dma semaphore(%arg14 : memref<!tpu.dma_semaphore, #tpu.memory_space<semaphore_mem>>) src(%dma_wait3A_199 : memref<128x32xf32, #tpu.memory_space<vmem>>) dst(%dma_wait3A_205 : memref<50048x32xf32, #tpu.memory_space<vmem_shared>>)
      %dma_wait3A_206 = arith.constant 2 : i32
      %dma_wait3A_207 = arith.constant 256 : i32
      %dma_wait3A_208 = arith.constant 0 : i32
      %dma_wait3A_209 = tpu.memref_slice %arg11[%dma_wait3A_207, %dma_wait3A_208] : memref<512x32xf32, #tpu.memory_space<vmem>> -> memref<128x32xf32, #tpu.memory_space<vmem>>
      %dma_wait3A_210 = arith.constant 0 : i32
      %dma_wait3A_211 = tpu.memref_slice %arg10[%dma_wait3A_206, %dma_wait3A_210] : memref<4x128xi32, #tpu.memory_space<vmem>> -> memref<1x128xi32, #tpu.memory_space<vmem>>
      %dma_wait3A_212 = tpu.memref_squeeze %dma_wait3A_211 : memref<1x128xi32, #tpu.memory_space<vmem>> -> memref<128xi32, #tpu.memory_space<vmem>>
      %dma_wait3A_213 = arith.constant 0 : i32
      %dma_wait3A_214 = arith.constant 0 : i32
      %dma_wait3A_215 = tpu.memref_slice %arg12[%dma_wait3A_213, %dma_wait3A_214] : memref<50048x32xf32, #tpu.memory_space<vmem_shared>> -> memref<50048x32xf32, #tpu.memory_space<vmem_shared>>
      tpu.wait_indirect_dma semaphore(%arg14 : memref<!tpu.dma_semaphore, #tpu.memory_space<semaphore_mem>>) src(%dma_wait3A_209 : memref<128x32xf32, #tpu.memory_space<vmem>>) dst(%dma_wait3A_215 : memref<50048x32xf32, #tpu.memory_space<vmem_shared>>)
      %dma_wait3A_216 = arith.constant 3 : i32
      %dma_wait3A_217 = arith.constant 384 : i32
      %dma_wait3A_218 = arith.constant 0 : i32
      %dma_wait3A_219 = tpu.memref_slice %arg11[%dma_wait3A_217, %dma_wait3A_218] : memref<512x32xf32, #tpu.memory_space<vmem>> -> memref<128x32xf32, #tpu.memory_space<vmem>>
      %dma_wait3A_220 = arith.constant 0 : i32
      %dma_wait3A_221 = tpu.memref_slice %arg10[%dma_wait3A_216, %dma_wait3A_220] : memref<4x128xi32, #tpu.memory_space<vmem>> -> memref<1x128xi32, #tpu.memory_space<vmem>>
      %dma_wait3A_222 = tpu.memref_squeeze %dma_wait3A_221 : memref<1x128xi32, #tpu.memory_space<vmem>> -> memref<128xi32, #tpu.memory_space<vmem>>
      %dma_wait3A_223 = arith.constant 0 : i32
      %dma_wait3A_224 = arith.constant 0 : i32
      %dma_wait3A_225 = tpu.memref_slice %arg12[%dma_wait3A_223, %dma_wait3A_224] : memref<50048x32xf32, #tpu.memory_space<vmem_shared>> -> memref<50048x32xf32, #tpu.memory_space<vmem_shared>>
      tpu.wait_indirect_dma semaphore(%arg14 : memref<!tpu.dma_semaphore, #tpu.memory_space<semaphore_mem>>) src(%dma_wait3A_219 : memref<128x32xf32, #tpu.memory_space<vmem>>) dst(%dma_wait3A_225 : memref<50048x32xf32, #tpu.memory_space<vmem_shared>>)
      %scan3A_226 = arith.constant 0 : i32
      scf.yield %scan3A_226 : i32
    }
    %scan3A_25 = arith.constant 196 : i32
    %barrier3A_26 = arith.constant 0 : index
    tpu.barrier barrier_id(%barrier3A_26)
    %mul3A_27 = arith.constant 3128 : i32
    %mul3A_28 = arith.muli %arg1, %mul3A_27 : i32
    %scan3A_29 = arith.constant 0 : i32
    %scan3A_30 = arith.constant 0 : i32
    %scan3A_31 = arith.constant 6 : i32
    %scan3A_32 = arith.addi %scan3A_30, %scan3A_31 : i32
    %scan3A_33 = arith.constant 1 : i32
    %scan3A_34 = scf.for %scan3A_42 = %scan3A_30 to %scan3A_32 step %scan3A_33 iter_args(%scan3A_43 = %scan3A_29) -> (i32)  : i32 {
      %mul3A_44 = arith.constant 512 : i32
      %mul3A_45 = arith.muli %scan3A_42, %mul3A_44 : i32
      %add3A_46 = arith.addi %mul3A_28, %mul3A_45 : i32
      "tpu.region"() ({
        %run_scoped3A = tpu.sem_alloc : memref<!tpu.dma_semaphore, #tpu.memory_space<semaphore_mem>>
        %dma_start3A = arith.constant 0 : i32
        %dma_start3A_52 = tpu.memref_slice %arg12[%add3A_46, %dma_start3A] : memref<50048x32xf32, #tpu.memory_space<vmem_shared>> -> memref<512x32xf32, #tpu.memory_space<vmem_shared>>
        %dma_start3A_53 = arith.constant 0 : i32
        %dma_start3A_54 = tpu.memref_slice %arg12[%add3A_46, %dma_start3A_53] : memref<50048x32xf32, #tpu.memory_space<vmem_shared>> -> memref<512x32xf32, #tpu.memory_space<vmem_shared>>
        tpu.enqueue_dma source(%dma_start3A_54 : memref<512x32xf32, #tpu.memory_space<vmem_shared>>) target(%arg11 : memref<512x32xf32, #tpu.memory_space<vmem>>) target_semaphore(%run_scoped3A : memref<!tpu.dma_semaphore, #tpu.memory_space<semaphore_mem>>)
        %dma_wait3A = arith.constant 0 : i32
        %dma_wait3A_55 = tpu.memref_slice %arg12[%add3A_46, %dma_wait3A] : memref<50048x32xf32, #tpu.memory_space<vmem_shared>> -> memref<512x32xf32, #tpu.memory_space<vmem_shared>>
        %dma_wait3A_56 = arith.constant 0 : i32
        %dma_wait3A_57 = tpu.memref_slice %arg12[%add3A_46, %dma_wait3A_56] : memref<50048x32xf32, #tpu.memory_space<vmem_shared>> -> memref<512x32xf32, #tpu.memory_space<vmem_shared>>
        tpu.wait_dma2 semaphore(%run_scoped3A : memref<!tpu.dma_semaphore, #tpu.memory_space<semaphore_mem>>) src(%dma_wait3A_57 : memref<512x32xf32, #tpu.memory_space<vmem_shared>>) dst(%arg11 : memref<512x32xf32, #tpu.memory_space<vmem>>)
        tpu.yield
      }) : () -> ()
      %add3A_47 = arith.addi %mul3A_0, %mul3A_28 : i32
      %mul3A_48 = arith.constant 512 : i32
      %mul3A_49 = arith.muli %scan3A_42, %mul3A_48 : i32
      %add3A_50 = arith.addi %add3A_47, %mul3A_49 : i32
      "tpu.region"() ({
        %run_scoped3A = tpu.sem_alloc : memref<!tpu.dma_semaphore, #tpu.memory_space<semaphore_mem>>
        %dma_start3A = arith.constant 0 : i32
        %dma_start3A_52 = tpu.memref_slice %arg6[%add3A_50, %dma_start3A] : memref<100000x32xf32, #tpu.memory_space<hbm>> -> memref<512x32xf32, #tpu.memory_space<hbm>>
        %dma_start3A_53 = arith.constant 0 : i32
        %dma_start3A_54 = tpu.memref_slice %arg6[%add3A_50, %dma_start3A_53] : memref<100000x32xf32, #tpu.memory_space<hbm>> -> memref<512x32xf32, #tpu.memory_space<hbm>>
        tpu.enqueue_dma source(%arg11 : memref<512x32xf32, #tpu.memory_space<vmem>>) target(%dma_start3A_54 : memref<512x32xf32, #tpu.memory_space<hbm>>) target_semaphore(%run_scoped3A : memref<!tpu.dma_semaphore, #tpu.memory_space<semaphore_mem>>)
        %dma_wait3A = arith.constant 0 : i32
        %dma_wait3A_55 = tpu.memref_slice %arg6[%add3A_50, %dma_wait3A] : memref<100000x32xf32, #tpu.memory_space<hbm>> -> memref<512x32xf32, #tpu.memory_space<hbm>>
        %dma_wait3A_56 = arith.constant 0 : i32
        %dma_wait3A_57 = tpu.memref_slice %arg6[%add3A_50, %dma_wait3A_56] : memref<100000x32xf32, #tpu.memory_space<hbm>> -> memref<512x32xf32, #tpu.memory_space<hbm>>
        tpu.wait_dma2 semaphore(%run_scoped3A : memref<!tpu.dma_semaphore, #tpu.memory_space<semaphore_mem>>) src(%arg11 : memref<512x32xf32, #tpu.memory_space<vmem>>) dst(%dma_wait3A_57 : memref<512x32xf32, #tpu.memory_space<hbm>>)
        tpu.yield
      }) : () -> ()
      %scan3A_51 = arith.constant 0 : i32
      scf.yield %scan3A_51 : i32
    }
    %scan3A_35 = arith.constant 6 : i32
    %lt3A = arith.constant 15 : i32
    %lt3A_36 = arith.cmpi slt, %arg1, %lt3A : i32
    %convert_element_type3A = arith.extui %lt3A_36 : i1 to i32
    %cond3A = arith.constant 0 : i32
    %cond3A_37 = arith.cmpi ne, %convert_element_type3A, %cond3A : i32
    scf.if %cond3A_37 {
      %add3A_42 = arith.constant 3072 : i32
      %add3A_43 = arith.addi %mul3A_28, %add3A_42 : i32
      "tpu.region"() ({
        %run_scoped3A = tpu.sem_alloc : memref<!tpu.dma_semaphore, #tpu.memory_space<semaphore_mem>>
        %dma_start3A = arith.constant 0 : i32
        %dma_start3A_47 = arith.constant 0 : i32
        %dma_start3A_48 = tpu.memref_slice %arg11[%dma_start3A, %dma_start3A_47] : memref<512x32xf32, #tpu.memory_space<vmem>> -> memref<56x32xf32, #tpu.memory_space<vmem>>
        %dma_start3A_49 = arith.constant 0 : i32
        %dma_start3A_50 = tpu.memref_slice %arg12[%add3A_43, %dma_start3A_49] : memref<50048x32xf32, #tpu.memory_space<vmem_shared>> -> memref<56x32xf32, #tpu.memory_space<vmem_shared>>
        %dma_start3A_51 = arith.constant 0 : i32
        %dma_start3A_52 = arith.constant 0 : i32
        %dma_start3A_53 = tpu.memref_slice %arg11[%dma_start3A_51, %dma_start3A_52] : memref<512x32xf32, #tpu.memory_space<vmem>> -> memref<56x32xf32, #tpu.memory_space<vmem>>
        %dma_start3A_54 = arith.constant 0 : i32
        %dma_start3A_55 = tpu.memref_slice %arg12[%add3A_43, %dma_start3A_54] : memref<50048x32xf32, #tpu.memory_space<vmem_shared>> -> memref<56x32xf32, #tpu.memory_space<vmem_shared>>
        tpu.enqueue_dma source(%dma_start3A_55 : memref<56x32xf32, #tpu.memory_space<vmem_shared>>) target(%dma_start3A_53 : memref<56x32xf32, #tpu.memory_space<vmem>>) target_semaphore(%run_scoped3A : memref<!tpu.dma_semaphore, #tpu.memory_space<semaphore_mem>>)
        %dma_wait3A = arith.constant 0 : i32
        %dma_wait3A_56 = arith.constant 0 : i32
        %dma_wait3A_57 = tpu.memref_slice %arg11[%dma_wait3A, %dma_wait3A_56] : memref<512x32xf32, #tpu.memory_space<vmem>> -> memref<56x32xf32, #tpu.memory_space<vmem>>
        %dma_wait3A_58 = arith.constant 0 : i32
        %dma_wait3A_59 = tpu.memref_slice %arg12[%add3A_43, %dma_wait3A_58] : memref<50048x32xf32, #tpu.memory_space<vmem_shared>> -> memref<56x32xf32, #tpu.memory_space<vmem_shared>>
        %dma_wait3A_60 = arith.constant 0 : i32
        %dma_wait3A_61 = arith.constant 0 : i32
        %dma_wait3A_62 = tpu.memref_slice %arg11[%dma_wait3A_60, %dma_wait3A_61] : memref<512x32xf32, #tpu.memory_space<vmem>> -> memref<56x32xf32, #tpu.memory_space<vmem>>
        %dma_wait3A_63 = arith.constant 0 : i32
        %dma_wait3A_64 = tpu.memref_slice %arg12[%add3A_43, %dma_wait3A_63] : memref<50048x32xf32, #tpu.memory_space<vmem_shared>> -> memref<56x32xf32, #tpu.memory_space<vmem_shared>>
        tpu.wait_dma2 semaphore(%run_scoped3A : memref<!tpu.dma_semaphore, #tpu.memory_space<semaphore_mem>>) src(%dma_wait3A_64 : memref<56x32xf32, #tpu.memory_space<vmem_shared>>) dst(%dma_wait3A_62 : memref<56x32xf32, #tpu.memory_space<vmem>>)
        tpu.yield
      }) : () -> ()
      %add3A_44 = arith.addi %mul3A_0, %mul3A_28 : i32
      %add3A_45 = arith.constant 3072 : i32
      %add3A_46 = arith.addi %add3A_44, %add3A_45 : i32
      "tpu.region"() ({
        %run_scoped3A = tpu.sem_alloc : memref<!tpu.dma_semaphore, #tpu.memory_space<semaphore_mem>>
        %dma_start3A = arith.constant 0 : i32
        %dma_start3A_47 = arith.constant 0 : i32
        %dma_start3A_48 = tpu.memref_slice %arg11[%dma_start3A, %dma_start3A_47] : memref<512x32xf32, #tpu.memory_space<vmem>> -> memref<56x32xf32, #tpu.memory_space<vmem>>
        %dma_start3A_49 = arith.constant 0 : i32
        %dma_start3A_50 = tpu.memref_slice %arg6[%add3A_46, %dma_start3A_49] : memref<100000x32xf32, #tpu.memory_space<hbm>> -> memref<56x32xf32, #tpu.memory_space<hbm>>
        %dma_start3A_51 = arith.constant 0 : i32
        %dma_start3A_52 = tpu.memref_slice %arg6[%add3A_46, %dma_start3A_51] : memref<100000x32xf32, #tpu.memory_space<hbm>> -> memref<56x32xf32, #tpu.memory_space<hbm>>
        %dma_start3A_53 = arith.constant 0 : i32
        %dma_start3A_54 = arith.constant 0 : i32
        %dma_start3A_55 = tpu.memref_slice %arg11[%dma_start3A_53, %dma_start3A_54] : memref<512x32xf32, #tpu.memory_space<vmem>> -> memref<56x32xf32, #tpu.memory_space<vmem>>
        tpu.enqueue_dma source(%dma_start3A_55 : memref<56x32xf32, #tpu.memory_space<vmem>>) target(%dma_start3A_52 : memref<56x32xf32, #tpu.memory_space<hbm>>) target_semaphore(%run_scoped3A : memref<!tpu.dma_semaphore, #tpu.memory_space<semaphore_mem>>)
        %dma_wait3A = arith.constant 0 : i32
        %dma_wait3A_56 = arith.constant 0 : i32
        %dma_wait3A_57 = tpu.memref_slice %arg11[%dma_wait3A, %dma_wait3A_56] : memref<512x32xf32, #tpu.memory_space<vmem>> -> memref<56x32xf32, #tpu.memory_space<vmem>>
        %dma_wait3A_58 = arith.constant 0 : i32
        %dma_wait3A_59 = tpu.memref_slice %arg6[%add3A_46, %dma_wait3A_58] : memref<100000x32xf32, #tpu.memory_space<hbm>> -> memref<56x32xf32, #tpu.memory_space<hbm>>
        %dma_wait3A_60 = arith.constant 0 : i32
        %dma_wait3A_61 = tpu.memref_slice %arg6[%add3A_46, %dma_wait3A_60] : memref<100000x32xf32, #tpu.memory_space<hbm>> -> memref<56x32xf32, #tpu.memory_space<hbm>>
        %dma_wait3A_62 = arith.constant 0 : i32
        %dma_wait3A_63 = arith.constant 0 : i32
        %dma_wait3A_64 = tpu.memref_slice %arg11[%dma_wait3A_62, %dma_wait3A_63] : memref<512x32xf32, #tpu.memory_space<vmem>> -> memref<56x32xf32, #tpu.memory_space<vmem>>
        tpu.wait_dma2 semaphore(%run_scoped3A : memref<!tpu.dma_semaphore, #tpu.memory_space<semaphore_mem>>) src(%dma_wait3A_64 : memref<56x32xf32, #tpu.memory_space<vmem>>) dst(%dma_wait3A_61 : memref<56x32xf32, #tpu.memory_space<hbm>>)
        tpu.yield
      }) : () -> ()
    } else {
    }
    %eq3A = arith.constant 15 : i32
    %eq3A_38 = arith.cmpi eq, %arg1, %eq3A : i32
    %convert_element_type3A_39 = arith.extui %eq3A_38 : i1 to i32
    %cond3A_40 = arith.constant 0 : i32
    %cond3A_41 = arith.cmpi ne, %convert_element_type3A_39, %cond3A_40 : i32
    scf.if %cond3A_41 {
      %add3A_42 = arith.constant 3072 : i32
      %add3A_43 = arith.addi %mul3A_28, %add3A_42 : i32
      "tpu.region"() ({
        %run_scoped3A = tpu.sem_alloc : memref<!tpu.dma_semaphore, #tpu.memory_space<semaphore_mem>>
        %dma_start3A = arith.constant 0 : i32
        %dma_start3A_47 = arith.constant 0 : i32
        %dma_start3A_48 = tpu.memref_slice %arg11[%dma_start3A, %dma_start3A_47] : memref<512x32xf32, #tpu.memory_space<vmem>> -> memref<8x32xf32, #tpu.memory_space<vmem>>
        %dma_start3A_49 = arith.constant 0 : i32
        %dma_start3A_50 = tpu.memref_slice %arg12[%add3A_43, %dma_start3A_49] : memref<50048x32xf32, #tpu.memory_space<vmem_shared>> -> memref<8x32xf32, #tpu.memory_space<vmem_shared>>
        %dma_start3A_51 = arith.constant 0 : i32
        %dma_start3A_52 = arith.constant 0 : i32
        %dma_start3A_53 = tpu.memref_slice %arg11[%dma_start3A_51, %dma_start3A_52] : memref<512x32xf32, #tpu.memory_space<vmem>> -> memref<8x32xf32, #tpu.memory_space<vmem>>
        %dma_start3A_54 = arith.constant 0 : i32
        %dma_start3A_55 = tpu.memref_slice %arg12[%add3A_43, %dma_start3A_54] : memref<50048x32xf32, #tpu.memory_space<vmem_shared>> -> memref<8x32xf32, #tpu.memory_space<vmem_shared>>
        tpu.enqueue_dma source(%dma_start3A_55 : memref<8x32xf32, #tpu.memory_space<vmem_shared>>) target(%dma_start3A_53 : memref<8x32xf32, #tpu.memory_space<vmem>>) target_semaphore(%run_scoped3A : memref<!tpu.dma_semaphore, #tpu.memory_space<semaphore_mem>>)
        %dma_wait3A = arith.constant 0 : i32
        %dma_wait3A_56 = arith.constant 0 : i32
        %dma_wait3A_57 = tpu.memref_slice %arg11[%dma_wait3A, %dma_wait3A_56] : memref<512x32xf32, #tpu.memory_space<vmem>> -> memref<8x32xf32, #tpu.memory_space<vmem>>
        %dma_wait3A_58 = arith.constant 0 : i32
        %dma_wait3A_59 = tpu.memref_slice %arg12[%add3A_43, %dma_wait3A_58] : memref<50048x32xf32, #tpu.memory_space<vmem_shared>> -> memref<8x32xf32, #tpu.memory_space<vmem_shared>>
        %dma_wait3A_60 = arith.constant 0 : i32
        %dma_wait3A_61 = arith.constant 0 : i32
        %dma_wait3A_62 = tpu.memref_slice %arg11[%dma_wait3A_60, %dma_wait3A_61] : memref<512x32xf32, #tpu.memory_space<vmem>> -> memref<8x32xf32, #tpu.memory_space<vmem>>
        %dma_wait3A_63 = arith.constant 0 : i32
        %dma_wait3A_64 = tpu.memref_slice %arg12[%add3A_43, %dma_wait3A_63] : memref<50048x32xf32, #tpu.memory_space<vmem_shared>> -> memref<8x32xf32, #tpu.memory_space<vmem_shared>>
        tpu.wait_dma2 semaphore(%run_scoped3A : memref<!tpu.dma_semaphore, #tpu.memory_space<semaphore_mem>>) src(%dma_wait3A_64 : memref<8x32xf32, #tpu.memory_space<vmem_shared>>) dst(%dma_wait3A_62 : memref<8x32xf32, #tpu.memory_space<vmem>>)
        tpu.yield
      }) : () -> ()
      %add3A_44 = arith.addi %mul3A_0, %mul3A_28 : i32
      %add3A_45 = arith.constant 3072 : i32
      %add3A_46 = arith.addi %add3A_44, %add3A_45 : i32
      "tpu.region"() ({
        %run_scoped3A = tpu.sem_alloc : memref<!tpu.dma_semaphore, #tpu.memory_space<semaphore_mem>>
        %dma_start3A = arith.constant 0 : i32
        %dma_start3A_47 = arith.constant 0 : i32
        %dma_start3A_48 = tpu.memref_slice %arg11[%dma_start3A, %dma_start3A_47] : memref<512x32xf32, #tpu.memory_space<vmem>> -> memref<8x32xf32, #tpu.memory_space<vmem>>
        %dma_start3A_49 = arith.constant 0 : i32
        %dma_start3A_50 = tpu.memref_slice %arg6[%add3A_46, %dma_start3A_49] : memref<100000x32xf32, #tpu.memory_space<hbm>> -> memref<8x32xf32, #tpu.memory_space<hbm>>
        %dma_start3A_51 = arith.constant 0 : i32
        %dma_start3A_52 = tpu.memref_slice %arg6[%add3A_46, %dma_start3A_51] : memref<100000x32xf32, #tpu.memory_space<hbm>> -> memref<8x32xf32, #tpu.memory_space<hbm>>
        %dma_start3A_53 = arith.constant 0 : i32
        %dma_start3A_54 = arith.constant 0 : i32
        %dma_start3A_55 = tpu.memref_slice %arg11[%dma_start3A_53, %dma_start3A_54] : memref<512x32xf32, #tpu.memory_space<vmem>> -> memref<8x32xf32, #tpu.memory_space<vmem>>
        tpu.enqueue_dma source(%dma_start3A_55 : memref<8x32xf32, #tpu.memory_space<vmem>>) target(%dma_start3A_52 : memref<8x32xf32, #tpu.memory_space<hbm>>) target_semaphore(%run_scoped3A : memref<!tpu.dma_semaphore, #tpu.memory_space<semaphore_mem>>)
        %dma_wait3A = arith.constant 0 : i32
        %dma_wait3A_56 = arith.constant 0 : i32
        %dma_wait3A_57 = tpu.memref_slice %arg11[%dma_wait3A, %dma_wait3A_56] : memref<512x32xf32, #tpu.memory_space<vmem>> -> memref<8x32xf32, #tpu.memory_space<vmem>>
        %dma_wait3A_58 = arith.constant 0 : i32
        %dma_wait3A_59 = tpu.memref_slice %arg6[%add3A_46, %dma_wait3A_58] : memref<100000x32xf32, #tpu.memory_space<hbm>> -> memref<8x32xf32, #tpu.memory_space<hbm>>
        %dma_wait3A_60 = arith.constant 0 : i32
        %dma_wait3A_61 = tpu.memref_slice %arg6[%add3A_46, %dma_wait3A_60] : memref<100000x32xf32, #tpu.memory_space<hbm>> -> memref<8x32xf32, #tpu.memory_space<hbm>>
        %dma_wait3A_62 = arith.constant 0 : i32
        %dma_wait3A_63 = arith.constant 0 : i32
        %dma_wait3A_64 = tpu.memref_slice %arg11[%dma_wait3A_62, %dma_wait3A_63] : memref<512x32xf32, #tpu.memory_space<vmem>> -> memref<8x32xf32, #tpu.memory_space<vmem>>
        tpu.wait_dma2 semaphore(%run_scoped3A : memref<!tpu.dma_semaphore, #tpu.memory_space<semaphore_mem>>) src(%dma_wait3A_64 : memref<8x32xf32, #tpu.memory_space<vmem>>) dst(%dma_wait3A_61 : memref<8x32xf32, #tpu.memory_space<hbm>>)
        tpu.yield
      }) : () -> ()
    } else {
    }
    return
  }
}

#map = affine_map<(d0, d1) -> (0, 0)>
#map1 = affine_map<(d0, d1) -> (0)>
module attributes {stable_mosaic.version = 14 : i64} {
  func.func @_layer_body(%arg0: i32, %arg1: i32, %arg2: memref<100000x32xf32, #tpu.memory_space<hbm>>, %arg3: memref<12544x128xi32, #tpu.memory_space<hbm>>, %arg4: memref<1605632xi32, #tpu.memory_space<hbm>>, %arg5: memref<1605632xf32, #tpu.memory_space<hbm>>, %arg6: memref<100000x32xf32, #tpu.memory_space<hbm>>, %arg7: memref<4x128xi32, #tpu.memory_space<vmem>>, %arg8: memref<512xi32, #tpu.memory_space<vmem>>, %arg9: memref<512xf32, #tpu.memory_space<vmem>>, %arg10: memref<4x128xi32, #tpu.memory_space<vmem>>, %arg11: memref<512x32xf32, #tpu.memory_space<vmem>>, %arg12: memref<50048x32xf32, #tpu.memory_space<vmem_shared>>, %arg13: memref<!tpu.dma_semaphore, #tpu.memory_space<semaphore_mem>>, %arg14: memref<!tpu.dma_semaphore, #tpu.memory_space<semaphore_mem>>) attributes {dimension_semantics = [#tpu.dimension_semantics<core_parallel>, #tpu.dimension_semantics<subcore_parallel>], iteration_bounds = array<i64: 2, 16>, scalar_prefetch = 0 : i64, scratch_operands = 8 : i64, tpu.core_type = #tpu.core_type<sc_vector_subcore>, window_params = [{transform_indices = #map}, {transform_indices = #map}, {transform_indices = #map1}, {transform_indices = #map1}, {transform_indices = #map}]} {
    %mul3A = arith.constant 50000 : i32
    %mul3A_0 = arith.muli %arg0, %mul3A : i32
    %broadcast_in_dim3A = arith.constant 0.000000e+00 : f32
    %broadcast_in_dim3A_1 = vector.broadcast %broadcast_in_dim3A : f32 to vector<16xf32>
    %scan3A = arith.constant 0 : i32
    %scan3A_2 = arith.constant 0 : i32
    %scan3A_3 = arith.constant 512 : i32
    %scan3A_4 = arith.addi %scan3A_2, %scan3A_3 : i32
    %scan3A_5 = arith.constant 1 : i32
    %scan3A_6 = scf.for %scan3A_42 = %scan3A_2 to %scan3A_4 step %scan3A_5 iter_args(%scan3A_43 = %scan3A) -> (i32)  : i32 {
      %swap3A = arith.index_cast %scan3A_42 : i32 to index
      %swap3A_44 = arith.constant 0 : index
      %swap3A_45 = tpu.vector_load %arg11[%swap3A, %swap3A_44] {strides = array<i32>} : memref<512x32xf32, #tpu.memory_space<vmem>>, vector<1x16xf32>,
      %swap3A_46 = vector.shape_cast %swap3A_45 : vector<1x16xf32> to vector<16xf32>
      %swap3A_47 = vector.shape_cast %broadcast_in_dim3A_1 : vector<16xf32> to vector<1x16xf32>
      tpu.vector_store %arg11[%swap3A, %swap3A_44], %swap3A_47 {strides = array<i32>} : memref<512x32xf32, #tpu.memory_space<vmem>>, vector<1x16xf32>,
      %swap3A_48 = arith.index_cast %scan3A_42 : i32 to index
      %swap3A_49 = arith.constant 16 : index
      %swap3A_50 = tpu.vector_load %arg11[%swap3A_48, %swap3A_49] {strides = array<i32>} : memref<512x32xf32, #tpu.memory_space<vmem>>, vector<1x16xf32>,
      %swap3A_51 = vector.shape_cast %swap3A_50 : vector<1x16xf32> to vector<16xf32>
      %swap3A_52 = vector.shape_cast %broadcast_in_dim3A_1 : vector<16xf32> to vector<1x16xf32>
      tpu.vector_store %arg11[%swap3A_48, %swap3A_49], %swap3A_52 {strides = array<i32>} : memref<512x32xf32, #tpu.memory_space<vmem>>, vector<1x16xf32>,
      %scan3A_53 = arith.constant 0 : i32
      scf.yield %scan3A_53 : i32
    }
    %scan3A_7 = arith.constant 512 : i32
    %mul3A_8 = arith.constant 3128 : i32
    %mul3A_9 = arith.muli %arg1, %mul3A_8 : i32
    %scan3A_10 = arith.constant 0 : i32
    %scan3A_11 = arith.constant 0 : i32
    %scan3A_12 = arith.constant 6 : i32
    %scan3A_13 = arith.addi %scan3A_11, %scan3A_12 : i32
    %scan3A_14 = arith.constant 1 : i32
    %scan3A_15 = scf.for %scan3A_42 = %scan3A_11 to %scan3A_13 step %scan3A_14 iter_args(%scan3A_43 = %scan3A_10) -> (i32)  : i32 {
      %mul3A_44 = arith.constant 512 : i32
      %mul3A_45 = arith.muli %scan3A_42, %mul3A_44 : i32
      %add3A_46 = arith.addi %mul3A_9, %mul3A_45 : i32
      "tpu.region"() ({
        %run_scoped3A = tpu.sem_alloc : memref<!tpu.dma_semaphore, #tpu.memory_space<semaphore_mem>>
        %dma_start3A = arith.constant 0 : i32
        %dma_start3A_48 = tpu.memref_slice %arg12[%add3A_46, %dma_start3A] : memref<50048x32xf32, #tpu.memory_space<vmem_shared>> -> memref<512x32xf32, #tpu.memory_space<vmem_shared>>
        %dma_start3A_49 = arith.constant 0 : i32
        %dma_start3A_50 = tpu.memref_slice %arg12[%add3A_46, %dma_start3A_49] : memref<50048x32xf32, #tpu.memory_space<vmem_shared>> -> memref<512x32xf32, #tpu.memory_space<vmem_shared>>
        tpu.enqueue_dma source(%arg11 : memref<512x32xf32, #tpu.memory_space<vmem>>) target(%dma_start3A_50 : memref<512x32xf32, #tpu.memory_space<vmem_shared>>) target_semaphore(%run_scoped3A : memref<!tpu.dma_semaphore, #tpu.memory_space<semaphore_mem>>)
        %dma_wait3A = arith.constant 0 : i32
        %dma_wait3A_51 = tpu.memref_slice %arg12[%add3A_46, %dma_wait3A] : memref<50048x32xf32, #tpu.memory_space<vmem_shared>> -> memref<512x32xf32, #tpu.memory_space<vmem_shared>>
        %dma_wait3A_52 = arith.constant 0 : i32
        %dma_wait3A_53 = tpu.memref_slice %arg12[%add3A_46, %dma_wait3A_52] : memref<50048x32xf32, #tpu.memory_space<vmem_shared>> -> memref<512x32xf32, #tpu.memory_space<vmem_shared>>
        tpu.wait_dma2 semaphore(%run_scoped3A : memref<!tpu.dma_semaphore, #tpu.memory_space<semaphore_mem>>) src(%arg11 : memref<512x32xf32, #tpu.memory_space<vmem>>) dst(%dma_wait3A_53 : memref<512x32xf32, #tpu.memory_space<vmem_shared>>)
        tpu.yield
      }) : () -> ()
      %scan3A_47 = arith.constant 0 : i32
      scf.yield %scan3A_47 : i32
    }
    %scan3A_16 = arith.constant 6 : i32
    %add3A = arith.constant 3128 : i32
    %add3A_17 = arith.addi %mul3A_9, %add3A : i32
    %sub3A = arith.constant 56 : i32
    %sub3A_18 = arith.subi %add3A_17, %sub3A : i32
    "tpu.region"() ({
      %run_scoped3A = tpu.sem_alloc : memref<!tpu.dma_semaphore, #tpu.memory_space<semaphore_mem>>
      %dma_start3A = arith.constant 0 : i32
      %dma_start3A_42 = arith.constant 0 : i32
      %dma_start3A_43 = tpu.memref_slice %arg11[%dma_start3A, %dma_start3A_42] : memref<512x32xf32, #tpu.memory_space<vmem>> -> memref<56x32xf32, #tpu.memory_space<vmem>>
      %dma_start3A_44 = arith.constant 0 : i32
      %dma_start3A_45 = tpu.memref_slice %arg12[%sub3A_18, %dma_start3A_44] : memref<50048x32xf32, #tpu.memory_space<vmem_shared>> -> memref<56x32xf32, #tpu.memory_space<vmem_shared>>
      %dma_start3A_46 = arith.constant 0 : i32
      %dma_start3A_47 = tpu.memref_slice %arg12[%sub3A_18, %dma_start3A_46] : memref<50048x32xf32, #tpu.memory_space<vmem_shared>> -> memref<56x32xf32, #tpu.memory_space<vmem_shared>>
      %dma_start3A_48 = arith.constant 0 : i32
      %dma_start3A_49 = arith.constant 0 : i32
      %dma_start3A_50 = tpu.memref_slice %arg11[%dma_start3A_48, %dma_start3A_49] : memref<512x32xf32, #tpu.memory_space<vmem>> -> memref<56x32xf32, #tpu.memory_space<vmem>>
      tpu.enqueue_dma source(%dma_start3A_50 : memref<56x32xf32, #tpu.memory_space<vmem>>) target(%dma_start3A_47 : memref<56x32xf32, #tpu.memory_space<vmem_shared>>) target_semaphore(%run_scoped3A : memref<!tpu.dma_semaphore, #tpu.memory_space<semaphore_mem>>)
      %dma_wait3A = arith.constant 0 : i32
      %dma_wait3A_51 = arith.constant 0 : i32
      %dma_wait3A_52 = tpu.memref_slice %arg11[%dma_wait3A, %dma_wait3A_51] : memref<512x32xf32, #tpu.memory_space<vmem>> -> memref<56x32xf32, #tpu.memory_space<vmem>>
      %dma_wait3A_53 = arith.constant 0 : i32
      %dma_wait3A_54 = tpu.memref_slice %arg12[%sub3A_18, %dma_wait3A_53] : memref<50048x32xf32, #tpu.memory_space<vmem_shared>> -> memref<56x32xf32, #tpu.memory_space<vmem_shared>>
      %dma_wait3A_55 = arith.constant 0 : i32
      %dma_wait3A_56 = tpu.memref_slice %arg12[%sub3A_18, %dma_wait3A_55] : memref<50048x32xf32, #tpu.memory_space<vmem_shared>> -> memref<56x32xf32, #tpu.memory_space<vmem_shared>>
      %dma_wait3A_57 = arith.constant 0 : i32
      %dma_wait3A_58 = arith.constant 0 : i32
      %dma_wait3A_59 = tpu.memref_slice %arg11[%dma_wait3A_57, %dma_wait3A_58] : memref<512x32xf32, #tpu.memory_space<vmem>> -> memref<56x32xf32, #tpu.memory_space<vmem>>
      tpu.wait_dma2 semaphore(%run_scoped3A : memref<!tpu.dma_semaphore, #tpu.memory_space<semaphore_mem>>) src(%dma_wait3A_59 : memref<56x32xf32, #tpu.memory_space<vmem>>) dst(%dma_wait3A_56 : memref<56x32xf32, #tpu.memory_space<vmem_shared>>)
      tpu.yield
    }) : () -> ()
    %barrier3A = arith.constant 0 : index
    tpu.barrier barrier_id(%barrier3A)
    %scan3A_19 = arith.constant 0 : i32
    %scan3A_20 = arith.constant 0 : i32
    %scan3A_21 = arith.constant 196 : i32
    %scan3A_22 = arith.addi %scan3A_20, %scan3A_21 : i32
    %scan3A_23 = arith.constant 1 : i32
    %scan3A_24 = scf.for %scan3A_42 = %scan3A_20 to %scan3A_22 step %scan3A_23 iter_args(%scan3A_43 = %scan3A_19) -> (i32)  : i32 {
      %mul3A_44 = arith.constant 784 : i32
      %mul3A_45 = arith.muli %arg1, %mul3A_44 : i32
      %mul3A_46 = arith.constant 4 : i32
      %mul3A_47 = arith.muli %scan3A_42, %mul3A_46 : i32
      %add3A_48 = arith.addi %mul3A_45, %mul3A_47 : i32
      %mul3A_49 = arith.constant 100352 : i32
      %mul3A_50 = arith.muli %arg1, %mul3A_49 : i32
      %mul3A_51 = arith.constant 512 : i32
      %mul3A_52 = arith.muli %scan3A_42, %mul3A_51 : i32
      %add3A_53 = arith.addi %mul3A_50, %mul3A_52 : i32
      "tpu.region"() ({
        %run_scoped3A = tpu.sem_alloc : memref<!tpu.dma_semaphore, #tpu.memory_space<semaphore_mem>>
        %dma_start3A_227 = arith.constant 0 : i32
        %dma_start3A_228 = tpu.memref_slice %arg3[%add3A_48, %dma_start3A_227] : memref<12544x128xi32, #tpu.memory_space<hbm>> -> memref<4x128xi32, #tpu.memory_space<hbm>>
        %dma_start3A_229 = arith.constant 0 : i32
        %dma_start3A_230 = tpu.memref_slice %arg3[%add3A_48, %dma_start3A_229] : memref<12544x128xi32, #tpu.memory_space<hbm>> -> memref<4x128xi32, #tpu.memory_space<hbm>>
        tpu.enqueue_dma source(%dma_start3A_230 : memref<4x128xi32, #tpu.memory_space<hbm>>) target(%arg7 : memref<4x128xi32, #tpu.memory_space<vmem>>) target_semaphore(%run_scoped3A : memref<!tpu.dma_semaphore, #tpu.memory_space<semaphore_mem>>)
        %dma_wait3A_231 = arith.constant 0 : i32
        %dma_wait3A_232 = tpu.memref_slice %arg3[%add3A_48, %dma_wait3A_231] : memref<12544x128xi32, #tpu.memory_space<hbm>> -> memref<4x128xi32, #tpu.memory_space<hbm>>
        %dma_wait3A_233 = arith.constant 0 : i32
        %dma_wait3A_234 = tpu.memref_slice %arg3[%add3A_48, %dma_wait3A_233] : memref<12544x128xi32, #tpu.memory_space<hbm>> -> memref<4x128xi32, #tpu.memory_space<hbm>>
        tpu.wait_dma2 semaphore(%run_scoped3A : memref<!tpu.dma_semaphore, #tpu.memory_space<semaphore_mem>>) src(%dma_wait3A_234 : memref<4x128xi32, #tpu.memory_space<hbm>>) dst(%arg7 : memref<4x128xi32, #tpu.memory_space<vmem>>)
        tpu.yield
      }) : () -> ()
      "tpu.region"() ({
        %run_scoped3A = tpu.sem_alloc : memref<!tpu.dma_semaphore, #tpu.memory_space<semaphore_mem>>
        %dma_start3A_227 = tpu.memref_slice %arg4[%add3A_53] : memref<1605632xi32, #tpu.memory_space<hbm>> -> memref<512xi32, #tpu.memory_space<hbm>>
        %dma_start3A_228 = tpu.memref_slice %arg4[%add3A_53] : memref<1605632xi32, #tpu.memory_space<hbm>> -> memref<512xi32, #tpu.memory_space<hbm>>
        tpu.enqueue_dma source(%dma_start3A_228 : memref<512xi32, #tpu.memory_space<hbm>>) target(%arg8 : memref<512xi32, #tpu.memory_space<vmem>>) target_semaphore(%run_scoped3A : memref<!tpu.dma_semaphore, #tpu.memory_space<semaphore_mem>>)
        %dma_wait3A_229 = tpu.memref_slice %arg4[%add3A_53] : memref<1605632xi32, #tpu.memory_space<hbm>> -> memref<512xi32, #tpu.memory_space<hbm>>
        %dma_wait3A_230 = tpu.memref_slice %arg4[%add3A_53] : memref<1605632xi32, #tpu.memory_space<hbm>> -> memref<512xi32, #tpu.memory_space<hbm>>
        tpu.wait_dma2 semaphore(%run_scoped3A : memref<!tpu.dma_semaphore, #tpu.memory_space<semaphore_mem>>) src(%dma_wait3A_230 : memref<512xi32, #tpu.memory_space<hbm>>) dst(%arg8 : memref<512xi32, #tpu.memory_space<vmem>>)
        tpu.yield
      }) : () -> ()
      "tpu.region"() ({
        %run_scoped3A = tpu.sem_alloc : memref<!tpu.dma_semaphore, #tpu.memory_space<semaphore_mem>>
        %dma_start3A_227 = tpu.memref_slice %arg5[%add3A_53] : memref<1605632xf32, #tpu.memory_space<hbm>> -> memref<512xf32, #tpu.memory_space<hbm>>
        %dma_start3A_228 = tpu.memref_slice %arg5[%add3A_53] : memref<1605632xf32, #tpu.memory_space<hbm>> -> memref<512xf32, #tpu.memory_space<hbm>>
        tpu.enqueue_dma source(%dma_start3A_228 : memref<512xf32, #tpu.memory_space<hbm>>) target(%arg9 : memref<512xf32, #tpu.memory_space<vmem>>) target_semaphore(%run_scoped3A : memref<!tpu.dma_semaphore, #tpu.memory_space<semaphore_mem>>)
        %dma_wait3A_229 = tpu.memref_slice %arg5[%add3A_53] : memref<1605632xf32, #tpu.memory_space<hbm>> -> memref<512xf32, #tpu.memory_space<hbm>>
        %dma_wait3A_230 = tpu.memref_slice %arg5[%add3A_53] : memref<1605632xf32, #tpu.memory_space<hbm>> -> memref<512xf32, #tpu.memory_space<hbm>>
        tpu.wait_dma2 semaphore(%run_scoped3A : memref<!tpu.dma_semaphore, #tpu.memory_space<semaphore_mem>>) src(%dma_wait3A_230 : memref<512xf32, #tpu.memory_space<hbm>>) dst(%arg9 : memref<512xf32, #tpu.memory_space<vmem>>)
        tpu.yield
      }) : () -> ()
      %dma_start3A = arith.constant 0 : i32
      %dma_start3A_54 = arith.constant 0 : i32
      %dma_start3A_55 = arith.constant 0 : i32
      %dma_start3A_56 = tpu.memref_slice %arg11[%dma_start3A_54, %dma_start3A_55] : memref<512x32xf32, #tpu.memory_space<vmem>> -> memref<128x32xf32, #tpu.memory_space<vmem>>
      %dma_start3A_57 = arith.constant 0 : i32
      %dma_start3A_58 = tpu.memref_slice %arg7[%dma_start3A, %dma_start3A_57] : memref<4x128xi32, #tpu.memory_space<vmem>> -> memref<1x128xi32, #tpu.memory_space<vmem>>
      %dma_start3A_59 = tpu.memref_squeeze %dma_start3A_58 : memref<1x128xi32, #tpu.memory_space<vmem>> -> memref<128xi32, #tpu.memory_space<vmem>>
      %dma_start3A_60 = arith.constant 0 : i32
      %dma_start3A_61 = arith.constant 0 : i32
      %dma_start3A_62 = tpu.memref_slice %arg2[%dma_start3A_60, %dma_start3A_61] : memref<100000x32xf32, #tpu.memory_space<hbm>> -> memref<100000x32xf32, #tpu.memory_space<hbm>>
      tpu.enqueue_indirect_dma source(%dma_start3A_62 : memref<100000x32xf32, #tpu.memory_space<hbm>>) target(%dma_start3A_56 : memref<128x32xf32, #tpu.memory_space<vmem>>) offsets(%dma_start3A_59 : memref<128xi32, #tpu.memory_space<vmem>>) semaphore(%arg13 : memref<!tpu.dma_semaphore, #tpu.memory_space<semaphore_mem>>)
      %dma_start3A_63 = arith.constant 1 : i32
      %dma_start3A_64 = arith.constant 128 : i32
      %dma_start3A_65 = arith.constant 0 : i32
      %dma_start3A_66 = tpu.memref_slice %arg11[%dma_start3A_64, %dma_start3A_65] : memref<512x32xf32, #tpu.memory_space<vmem>> -> memref<128x32xf32, #tpu.memory_space<vmem>>
      %dma_start3A_67 = arith.constant 0 : i32
      %dma_start3A_68 = tpu.memref_slice %arg7[%dma_start3A_63, %dma_start3A_67] : memref<4x128xi32, #tpu.memory_space<vmem>> -> memref<1x128xi32, #tpu.memory_space<vmem>>
      %dma_start3A_69 = tpu.memref_squeeze %dma_start3A_68 : memref<1x128xi32, #tpu.memory_space<vmem>> -> memref<128xi32, #tpu.memory_space<vmem>>
      %dma_start3A_70 = arith.constant 0 : i32
      %dma_start3A_71 = arith.constant 0 : i32
      %dma_start3A_72 = tpu.memref_slice %arg2[%dma_start3A_70, %dma_start3A_71] : memref<100000x32xf32, #tpu.memory_space<hbm>> -> memref<100000x32xf32, #tpu.memory_space<hbm>>
      tpu.enqueue_indirect_dma source(%dma_start3A_72 : memref<100000x32xf32, #tpu.memory_space<hbm>>) target(%dma_start3A_66 : memref<128x32xf32, #tpu.memory_space<vmem>>) offsets(%dma_start3A_69 : memref<128xi32, #tpu.memory_space<vmem>>) semaphore(%arg13 : memref<!tpu.dma_semaphore, #tpu.memory_space<semaphore_mem>>)
      %dma_start3A_73 = arith.constant 2 : i32
      %dma_start3A_74 = arith.constant 256 : i32
      %dma_start3A_75 = arith.constant 0 : i32
      %dma_start3A_76 = tpu.memref_slice %arg11[%dma_start3A_74, %dma_start3A_75] : memref<512x32xf32, #tpu.memory_space<vmem>> -> memref<128x32xf32, #tpu.memory_space<vmem>>
      %dma_start3A_77 = arith.constant 0 : i32
      %dma_start3A_78 = tpu.memref_slice %arg7[%dma_start3A_73, %dma_start3A_77] : memref<4x128xi32, #tpu.memory_space<vmem>> -> memref<1x128xi32, #tpu.memory_space<vmem>>
      %dma_start3A_79 = tpu.memref_squeeze %dma_start3A_78 : memref<1x128xi32, #tpu.memory_space<vmem>> -> memref<128xi32, #tpu.memory_space<vmem>>
      %dma_start3A_80 = arith.constant 0 : i32
      %dma_start3A_81 = arith.constant 0 : i32
      %dma_start3A_82 = tpu.memref_slice %arg2[%dma_start3A_80, %dma_start3A_81] : memref<100000x32xf32, #tpu.memory_space<hbm>> -> memref<100000x32xf32, #tpu.memory_space<hbm>>
      tpu.enqueue_indirect_dma source(%dma_start3A_82 : memref<100000x32xf32, #tpu.memory_space<hbm>>) target(%dma_start3A_76 : memref<128x32xf32, #tpu.memory_space<vmem>>) offsets(%dma_start3A_79 : memref<128xi32, #tpu.memory_space<vmem>>) semaphore(%arg13 : memref<!tpu.dma_semaphore, #tpu.memory_space<semaphore_mem>>)
      %dma_start3A_83 = arith.constant 3 : i32
      %dma_start3A_84 = arith.constant 384 : i32
      %dma_start3A_85 = arith.constant 0 : i32
      %dma_start3A_86 = tpu.memref_slice %arg11[%dma_start3A_84, %dma_start3A_85] : memref<512x32xf32, #tpu.memory_space<vmem>> -> memref<128x32xf32, #tpu.memory_space<vmem>>
      %dma_start3A_87 = arith.constant 0 : i32
      %dma_start3A_88 = tpu.memref_slice %arg7[%dma_start3A_83, %dma_start3A_87] : memref<4x128xi32, #tpu.memory_space<vmem>> -> memref<1x128xi32, #tpu.memory_space<vmem>>
      %dma_start3A_89 = tpu.memref_squeeze %dma_start3A_88 : memref<1x128xi32, #tpu.memory_space<vmem>> -> memref<128xi32, #tpu.memory_space<vmem>>
      %dma_start3A_90 = arith.constant 0 : i32
      %dma_start3A_91 = arith.constant 0 : i32
      %dma_start3A_92 = tpu.memref_slice %arg2[%dma_start3A_90, %dma_start3A_91] : memref<100000x32xf32, #tpu.memory_space<hbm>> -> memref<100000x32xf32, #tpu.memory_space<hbm>>
      tpu.enqueue_indirect_dma source(%dma_start3A_92 : memref<100000x32xf32, #tpu.memory_space<hbm>>) target(%dma_start3A_86 : memref<128x32xf32, #tpu.memory_space<vmem>>) offsets(%dma_start3A_89 : memref<128xi32, #tpu.memory_space<vmem>>) semaphore(%arg13 : memref<!tpu.dma_semaphore, #tpu.memory_space<semaphore_mem>>)
      %dma_wait3A = arith.constant 0 : i32
      %dma_wait3A_93 = arith.constant 0 : i32
      %dma_wait3A_94 = arith.constant 0 : i32
      %dma_wait3A_95 = tpu.memref_slice %arg11[%dma_wait3A_93, %dma_wait3A_94] : memref<512x32xf32, #tpu.memory_space<vmem>> -> memref<128x32xf32, #tpu.memory_space<vmem>>
      %dma_wait3A_96 = arith.constant 0 : i32
      %dma_wait3A_97 = tpu.memref_slice %arg7[%dma_wait3A, %dma_wait3A_96] : memref<4x128xi32, #tpu.memory_space<vmem>> -> memref<1x128xi32, #tpu.memory_space<vmem>>
      %dma_wait3A_98 = tpu.memref_squeeze %dma_wait3A_97 : memref<1x128xi32, #tpu.memory_space<vmem>> -> memref<128xi32, #tpu.memory_space<vmem>>
      %dma_wait3A_99 = arith.constant 0 : i32
      %dma_wait3A_100 = arith.constant 0 : i32
      %dma_wait3A_101 = tpu.memref_slice %arg2[%dma_wait3A_99, %dma_wait3A_100] : memref<100000x32xf32, #tpu.memory_space<hbm>> -> memref<100000x32xf32, #tpu.memory_space<hbm>>
      tpu.wait_indirect_dma semaphore(%arg13 : memref<!tpu.dma_semaphore, #tpu.memory_space<semaphore_mem>>) src(%dma_wait3A_101 : memref<100000x32xf32, #tpu.memory_space<hbm>>) dst(%dma_wait3A_95 : memref<128x32xf32, #tpu.memory_space<vmem>>)
      %dma_wait3A_102 = arith.constant 1 : i32
      %dma_wait3A_103 = arith.constant 128 : i32
      %dma_wait3A_104 = arith.constant 0 : i32
      %dma_wait3A_105 = tpu.memref_slice %arg11[%dma_wait3A_103, %dma_wait3A_104] : memref<512x32xf32, #tpu.memory_space<vmem>> -> memref<128x32xf32, #tpu.memory_space<vmem>>
      %dma_wait3A_106 = arith.constant 0 : i32
      %dma_wait3A_107 = tpu.memref_slice %arg7[%dma_wait3A_102, %dma_wait3A_106] : memref<4x128xi32, #tpu.memory_space<vmem>> -> memref<1x128xi32, #tpu.memory_space<vmem>>
      %dma_wait3A_108 = tpu.memref_squeeze %dma_wait3A_107 : memref<1x128xi32, #tpu.memory_space<vmem>> -> memref<128xi32, #tpu.memory_space<vmem>>
      %dma_wait3A_109 = arith.constant 0 : i32
      %dma_wait3A_110 = arith.constant 0 : i32
      %dma_wait3A_111 = tpu.memref_slice %arg2[%dma_wait3A_109, %dma_wait3A_110] : memref<100000x32xf32, #tpu.memory_space<hbm>> -> memref<100000x32xf32, #tpu.memory_space<hbm>>
      tpu.wait_indirect_dma semaphore(%arg13 : memref<!tpu.dma_semaphore, #tpu.memory_space<semaphore_mem>>) src(%dma_wait3A_111 : memref<100000x32xf32, #tpu.memory_space<hbm>>) dst(%dma_wait3A_105 : memref<128x32xf32, #tpu.memory_space<vmem>>)
      %dma_wait3A_112 = arith.constant 2 : i32
      %dma_wait3A_113 = arith.constant 256 : i32
      %dma_wait3A_114 = arith.constant 0 : i32
      %dma_wait3A_115 = tpu.memref_slice %arg11[%dma_wait3A_113, %dma_wait3A_114] : memref<512x32xf32, #tpu.memory_space<vmem>> -> memref<128x32xf32, #tpu.memory_space<vmem>>
      %dma_wait3A_116 = arith.constant 0 : i32
      %dma_wait3A_117 = tpu.memref_slice %arg7[%dma_wait3A_112, %dma_wait3A_116] : memref<4x128xi32, #tpu.memory_space<vmem>> -> memref<1x128xi32, #tpu.memory_space<vmem>>
      %dma_wait3A_118 = tpu.memref_squeeze %dma_wait3A_117 : memref<1x128xi32, #tpu.memory_space<vmem>> -> memref<128xi32, #tpu.memory_space<vmem>>
      %dma_wait3A_119 = arith.constant 0 : i32
      %dma_wait3A_120 = arith.constant 0 : i32
      %dma_wait3A_121 = tpu.memref_slice %arg2[%dma_wait3A_119, %dma_wait3A_120] : memref<100000x32xf32, #tpu.memory_space<hbm>> -> memref<100000x32xf32, #tpu.memory_space<hbm>>
      tpu.wait_indirect_dma semaphore(%arg13 : memref<!tpu.dma_semaphore, #tpu.memory_space<semaphore_mem>>) src(%dma_wait3A_121 : memref<100000x32xf32, #tpu.memory_space<hbm>>) dst(%dma_wait3A_115 : memref<128x32xf32, #tpu.memory_space<vmem>>)
      %dma_wait3A_122 = arith.constant 3 : i32
      %dma_wait3A_123 = arith.constant 384 : i32
      %dma_wait3A_124 = arith.constant 0 : i32
      %dma_wait3A_125 = tpu.memref_slice %arg11[%dma_wait3A_123, %dma_wait3A_124] : memref<512x32xf32, #tpu.memory_space<vmem>> -> memref<128x32xf32, #tpu.memory_space<vmem>>
      %dma_wait3A_126 = arith.constant 0 : i32
      %dma_wait3A_127 = tpu.memref_slice %arg7[%dma_wait3A_122, %dma_wait3A_126] : memref<4x128xi32, #tpu.memory_space<vmem>> -> memref<1x128xi32, #tpu.memory_space<vmem>>
      %dma_wait3A_128 = tpu.memref_squeeze %dma_wait3A_127 : memref<1x128xi32, #tpu.memory_space<vmem>> -> memref<128xi32, #tpu.memory_space<vmem>>
      %dma_wait3A_129 = arith.constant 0 : i32
      %dma_wait3A_130 = arith.constant 0 : i32
      %dma_wait3A_131 = tpu.memref_slice %arg2[%dma_wait3A_129, %dma_wait3A_130] : memref<100000x32xf32, #tpu.memory_space<hbm>> -> memref<100000x32xf32, #tpu.memory_space<hbm>>
      tpu.wait_indirect_dma semaphore(%arg13 : memref<!tpu.dma_semaphore, #tpu.memory_space<semaphore_mem>>) src(%dma_wait3A_131 : memref<100000x32xf32, #tpu.memory_space<hbm>>) dst(%dma_wait3A_125 : memref<128x32xf32, #tpu.memory_space<vmem>>)
      %scan3A_132 = arith.constant 0 : i32
      %scan3A_133 = arith.constant 0 : i32
      %scan3A_134 = arith.constant 32 : i32
      %scan3A_135 = arith.addi %scan3A_133, %scan3A_134 : i32
      %scan3A_136 = arith.constant 1 : i32
      %scan3A_137 = scf.for %scan3A_227 = %scan3A_133 to %scan3A_135 step %scan3A_136 iter_args(%scan3A_228 = %scan3A_132) -> (i32)  : i32 {
        %mul3A_229 = arith.constant 16 : i32
        %mul3A_230 = arith.muli %scan3A_227, %mul3A_229 : i32
        %get3A = arith.index_cast %mul3A_230 : i32 to index
        %get3A_231 = tpu.vector_load %arg8[%get3A] {strides = array<i32>} : memref<512xi32, #tpu.memory_space<vmem>>, vector<16xi32>,
        %get3A_232 = vector.shape_cast %get3A_231 : vector<16xi32> to vector<16xi32>
        %ge3A = vector.broadcast %mul3A_0 : i32 to vector<16xi32>
        %ge3A_233 = arith.cmpi sge, %get3A_232, %ge3A : vector<16xi32>
        %add3A_234 = arith.constant 50000 : i32
        %add3A_235 = arith.addi %mul3A_0, %add3A_234 : i32
        %lt3A_236 = vector.broadcast %add3A_235 : i32 to vector<16xi32>
        %lt3A_237 = arith.cmpi slt, %get3A_232, %lt3A_236 : vector<16xi32>
        %and3A = arith.andi %ge3A_233, %lt3A_237 : vector<16xi1>
        %sub3A_238 = vector.broadcast %mul3A_0 : i32 to vector<16xi32>
        %sub3A_239 = arith.subi %get3A_232, %sub3A_238 : vector<16xi32>
        %jit3A = arith.constant 50000 : i32
        %broadcast_in_dim3A_240 = vector.broadcast %jit3A : i32 to vector<16xi32>
        %select_n3A = arith.select %and3A, %sub3A_239, %broadcast_in_dim3A_240 : vector<16xi1>, vector<16xi32>
        %shift_right_arithmetic3A = arith.constant 3 : i32
        %shift_right_arithmetic3A_241 = arith.shrsi %scan3A_227, %shift_right_arithmetic3A : i32
        %and3A_242 = arith.constant 7 : i32
        %and3A_243 = arith.andi %scan3A_227, %and3A_242 : i32
        %mul3A_244 = arith.constant 16 : i32
        %mul3A_245 = arith.muli %and3A_243, %mul3A_244 : i32
        %swap3A = arith.index_cast %shift_right_arithmetic3A_241 : i32 to index
        %swap3A_246 = arith.index_cast %mul3A_245 : i32 to index
        %swap3A_247 = tpu.vector_load %arg10[%swap3A, %swap3A_246] {strides = array<i32>} : memref<4x128xi32, #tpu.memory_space<vmem>>, vector<1x16xi32>,
        %swap3A_248 = vector.shape_cast %swap3A_247 : vector<1x16xi32> to vector<16xi32>
        %swap3A_249 = vector.shape_cast %select_n3A : vector<16xi32> to vector<1x16xi32>
        tpu.vector_store %arg10[%swap3A, %swap3A_246], %swap3A_249 {strides = array<i32>} : memref<4x128xi32, #tpu.memory_space<vmem>>, vector<1x16xi32>,
        %scan3A_250 = arith.constant 0 : i32
        scf.yield %scan3A_250 : i32
      }
      %scan3A_138 = arith.constant 32 : i32
      %scan3A_139 = arith.constant 0 : i32
      %scan3A_140 = arith.constant 0 : i32
      %scan3A_141 = arith.constant 32 : i32
      %scan3A_142 = arith.addi %scan3A_140, %scan3A_141 : i32
      %scan3A_143 = arith.constant 1 : i32
      %scan3A_144 = scf.for %scan3A_227 = %scan3A_140 to %scan3A_142 step %scan3A_143 iter_args(%scan3A_228 = %scan3A_139) -> (i32)  : i32 {
        %mul3A_229 = arith.constant 16 : i32
        %mul3A_230 = arith.muli %scan3A_227, %mul3A_229 : i32
        %get3A = arith.index_cast %mul3A_230 : i32 to index
        %get3A_231 = tpu.vector_load %arg9[%get3A] {strides = array<i32>} : memref<512xf32, #tpu.memory_space<vmem>>, vector<16xf32>,
        %get3A_232 = vector.shape_cast %get3A_231 : vector<16xf32> to vector<16xf32>
        %mul3A_233 = arith.constant 16 : i32
        %mul3A_234 = arith.muli %scan3A_227, %mul3A_233 : i32
        %broadcast_in_dim3A_235 = arith.constant 0 : i32
        %broadcast_in_dim3A_236 = vector.broadcast %broadcast_in_dim3A_235 : i32 to vector<16x1xi32>
        %gather3A = vector.shape_cast %broadcast_in_dim3A_236 : vector<16x1xi32> to vector<16xi32>
        %gather3A_237 = tpu.dynamic_gather %get3A_232[%gather3A] in [0] : vector<16xf32>, vector<16xi32> -> vector<16xf32>
        %add3A_238 = arith.constant 0 : i32
        %add3A_239 = arith.addi %mul3A_234, %add3A_238 : i32
        %get3A_240 = arith.index_cast %add3A_239 : i32 to index
        %get3A_241 = arith.constant 0 : index
        %get3A_242 = tpu.vector_load %arg11[%get3A_240, %get3A_241] {strides = array<i32>} : memref<512x32xf32, #tpu.memory_space<vmem>>, vector<1x16xf32>,
        %get3A_243 = vector.shape_cast %get3A_242 : vector<1x16xf32> to vector<16xf32>
        %mul3A_244 = arith.mulf %get3A_243, %gather3A_237 : vector<16xf32>
        %swap3A = arith.index_cast %add3A_239 : i32 to index
        %swap3A_245 = arith.constant 0 : index
        %swap3A_246 = tpu.vector_load %arg11[%swap3A, %swap3A_245] {strides = array<i32>} : memref<512x32xf32, #tpu.memory_space<vmem>>, vector<1x16xf32>,
        %swap3A_247 = vector.shape_cast %swap3A_246 : vector<1x16xf32> to vector<16xf32>
        %swap3A_248 = vector.shape_cast %mul3A_244 : vector<16xf32> to vector<1x16xf32>
        tpu.vector_store %arg11[%swap3A, %swap3A_245], %swap3A_248 {strides = array<i32>} : memref<512x32xf32, #tpu.memory_space<vmem>>, vector<1x16xf32>,
        %get3A_249 = arith.index_cast %add3A_239 : i32 to index
        %get3A_250 = arith.constant 16 : index
        %get3A_251 = tpu.vector_load %arg11[%get3A_249, %get3A_250] {strides = array<i32>} : memref<512x32xf32, #tpu.memory_space<vmem>>, vector<1x16xf32>,
        %get3A_252 = vector.shape_cast %get3A_251 : vector<1x16xf32> to vector<16xf32>
        %mul3A_253 = arith.mulf %get3A_252, %gather3A_237 : vector<16xf32>
        %swap3A_254 = arith.index_cast %add3A_239 : i32 to index
        %swap3A_255 = arith.constant 16 : index
        %swap3A_256 = tpu.vector_load %arg11[%swap3A_254, %swap3A_255] {strides = array<i32>} : memref<512x32xf32, #tpu.memory_space<vmem>>, vector<1x16xf32>,
        %swap3A_257 = vector.shape_cast %swap3A_256 : vector<1x16xf32> to vector<16xf32>
        %swap3A_258 = vector.shape_cast %mul3A_253 : vector<16xf32> to vector<1x16xf32>
        tpu.vector_store %arg11[%swap3A_254, %swap3A_255], %swap3A_258 {strides = array<i32>} : memref<512x32xf32, #tpu.memory_space<vmem>>, vector<1x16xf32>,
        %broadcast_in_dim3A_259 = arith.constant 1 : i32
        %broadcast_in_dim3A_260 = vector.broadcast %broadcast_in_dim3A_259 : i32 to vector<16x1xi32>
        %gather3A_261 = vector.shape_cast %broadcast_in_dim3A_260 : vector<16x1xi32> to vector<16xi32>
        %gather3A_262 = tpu.dynamic_gather %get3A_232[%gather3A_261] in [0] : vector<16xf32>, vector<16xi32> -> vector<16xf32>
        %add3A_263 = arith.constant 1 : i32
        %add3A_264 = arith.addi %mul3A_234, %add3A_263 : i32
        %get3A_265 = arith.index_cast %add3A_264 : i32 to index
        %get3A_266 = arith.constant 0 : index
        %get3A_267 = tpu.vector_load %arg11[%get3A_265, %get3A_266] {strides = array<i32>} : memref<512x32xf32, #tpu.memory_space<vmem>>, vector<1x16xf32>,
        %get3A_268 = vector.shape_cast %get3A_267 : vector<1x16xf32> to vector<16xf32>
        %mul3A_269 = arith.mulf %get3A_268, %gather3A_262 : vector<16xf32>
        %swap3A_270 = arith.index_cast %add3A_264 : i32 to index
        %swap3A_271 = arith.constant 0 : index
        %swap3A_272 = tpu.vector_load %arg11[%swap3A_270, %swap3A_271] {strides = array<i32>} : memref<512x32xf32, #tpu.memory_space<vmem>>, vector<1x16xf32>,
        %swap3A_273 = vector.shape_cast %swap3A_272 : vector<1x16xf32> to vector<16xf32>
        %swap3A_274 = vector.shape_cast %mul3A_269 : vector<16xf32> to vector<1x16xf32>
        tpu.vector_store %arg11[%swap3A_270, %swap3A_271], %swap3A_274 {strides = array<i32>} : memref<512x32xf32, #tpu.memory_space<vmem>>, vector<1x16xf32>,
        %get3A_275 = arith.index_cast %add3A_264 : i32 to index
        %get3A_276 = arith.constant 16 : index
        %get3A_277 = tpu.vector_load %arg11[%get3A_275, %get3A_276] {strides = array<i32>} : memref<512x32xf32, #tpu.memory_space<vmem>>, vector<1x16xf32>,
        %get3A_278 = vector.shape_cast %get3A_277 : vector<1x16xf32> to vector<16xf32>
        %mul3A_279 = arith.mulf %get3A_278, %gather3A_262 : vector<16xf32>
        %swap3A_280 = arith.index_cast %add3A_264 : i32 to index
        %swap3A_281 = arith.constant 16 : index
        %swap3A_282 = tpu.vector_load %arg11[%swap3A_280, %swap3A_281] {strides = array<i32>} : memref<512x32xf32, #tpu.memory_space<vmem>>, vector<1x16xf32>,
        %swap3A_283 = vector.shape_cast %swap3A_282 : vector<1x16xf32> to vector<16xf32>
        %swap3A_284 = vector.shape_cast %mul3A_279 : vector<16xf32> to vector<1x16xf32>
        tpu.vector_store %arg11[%swap3A_280, %swap3A_281], %swap3A_284 {strides = array<i32>} : memref<512x32xf32, #tpu.memory_space<vmem>>, vector<1x16xf32>,
        %broadcast_in_dim3A_285 = arith.constant 2 : i32
        %broadcast_in_dim3A_286 = vector.broadcast %broadcast_in_dim3A_285 : i32 to vector<16x1xi32>
        %gather3A_287 = vector.shape_cast %broadcast_in_dim3A_286 : vector<16x1xi32> to vector<16xi32>
        %gather3A_288 = tpu.dynamic_gather %get3A_232[%gather3A_287] in [0] : vector<16xf32>, vector<16xi32> -> vector<16xf32>
        %add3A_289 = arith.constant 2 : i32
        %add3A_290 = arith.addi %mul3A_234, %add3A_289 : i32
        %get3A_291 = arith.index_cast %add3A_290 : i32 to index
        %get3A_292 = arith.constant 0 : index
        %get3A_293 = tpu.vector_load %arg11[%get3A_291, %get3A_292] {strides = array<i32>} : memref<512x32xf32, #tpu.memory_space<vmem>>, vector<1x16xf32>,
        %get3A_294 = vector.shape_cast %get3A_293 : vector<1x16xf32> to vector<16xf32>
        %mul3A_295 = arith.mulf %get3A_294, %gather3A_288 : vector<16xf32>
        %swap3A_296 = arith.index_cast %add3A_290 : i32 to index
        %swap3A_297 = arith.constant 0 : index
        %swap3A_298 = tpu.vector_load %arg11[%swap3A_296, %swap3A_297] {strides = array<i32>} : memref<512x32xf32, #tpu.memory_space<vmem>>, vector<1x16xf32>,
        %swap3A_299 = vector.shape_cast %swap3A_298 : vector<1x16xf32> to vector<16xf32>
        %swap3A_300 = vector.shape_cast %mul3A_295 : vector<16xf32> to vector<1x16xf32>
        tpu.vector_store %arg11[%swap3A_296, %swap3A_297], %swap3A_300 {strides = array<i32>} : memref<512x32xf32, #tpu.memory_space<vmem>>, vector<1x16xf32>,
        %get3A_301 = arith.index_cast %add3A_290 : i32 to index
        %get3A_302 = arith.constant 16 : index
        %get3A_303 = tpu.vector_load %arg11[%get3A_301, %get3A_302] {strides = array<i32>} : memref<512x32xf32, #tpu.memory_space<vmem>>, vector<1x16xf32>,
        %get3A_304 = vector.shape_cast %get3A_303 : vector<1x16xf32> to vector<16xf32>
        %mul3A_305 = arith.mulf %get3A_304, %gather3A_288 : vector<16xf32>
        %swap3A_306 = arith.index_cast %add3A_290 : i32 to index
        %swap3A_307 = arith.constant 16 : index
        %swap3A_308 = tpu.vector_load %arg11[%swap3A_306, %swap3A_307] {strides = array<i32>} : memref<512x32xf32, #tpu.memory_space<vmem>>, vector<1x16xf32>,
        %swap3A_309 = vector.shape_cast %swap3A_308 : vector<1x16xf32> to vector<16xf32>
        %swap3A_310 = vector.shape_cast %mul3A_305 : vector<16xf32> to vector<1x16xf32>
        tpu.vector_store %arg11[%swap3A_306, %swap3A_307], %swap3A_310 {strides = array<i32>} : memref<512x32xf32, #tpu.memory_space<vmem>>, vector<1x16xf32>,
        %broadcast_in_dim3A_311 = arith.constant 3 : i32
        %broadcast_in_dim3A_312 = vector.broadcast %broadcast_in_dim3A_311 : i32 to vector<16x1xi32>
        %gather3A_313 = vector.shape_cast %broadcast_in_dim3A_312 : vector<16x1xi32> to vector<16xi32>
        %gather3A_314 = tpu.dynamic_gather %get3A_232[%gather3A_313] in [0] : vector<16xf32>, vector<16xi32> -> vector<16xf32>
        %add3A_315 = arith.constant 3 : i32
        %add3A_316 = arith.addi %mul3A_234, %add3A_315 : i32
        %get3A_317 = arith.index_cast %add3A_316 : i32 to index
        %get3A_318 = arith.constant 0 : index
        %get3A_319 = tpu.vector_load %arg11[%get3A_317, %get3A_318] {strides = array<i32>} : memref<512x32xf32, #tpu.memory_space<vmem>>, vector<1x16xf32>,
        %get3A_320 = vector.shape_cast %get3A_319 : vector<1x16xf32> to vector<16xf32>
        %mul3A_321 = arith.mulf %get3A_320, %gather3A_314 : vector<16xf32>
        %swap3A_322 = arith.index_cast %add3A_316 : i32 to index
        %swap3A_323 = arith.constant 0 : index
        %swap3A_324 = tpu.vector_load %arg11[%swap3A_322, %swap3A_323] {strides = array<i32>} : memref<512x32xf32, #tpu.memory_space<vmem>>, vector<1x16xf32>,
        %swap3A_325 = vector.shape_cast %swap3A_324 : vector<1x16xf32> to vector<16xf32>
        %swap3A_326 = vector.shape_cast %mul3A_321 : vector<16xf32> to vector<1x16xf32>
        tpu.vector_store %arg11[%swap3A_322, %swap3A_323], %swap3A_326 {strides = array<i32>} : memref<512x32xf32, #tpu.memory_space<vmem>>, vector<1x16xf32>,
        %get3A_327 = arith.index_cast %add3A_316 : i32 to index
        %get3A_328 = arith.constant 16 : index
        %get3A_329 = tpu.vector_load %arg11[%get3A_327, %get3A_328] {strides = array<i32>} : memref<512x32xf32, #tpu.memory_space<vmem>>, vector<1x16xf32>,
        %get3A_330 = vector.shape_cast %get3A_329 : vector<1x16xf32> to vector<16xf32>
        %mul3A_331 = arith.mulf %get3A_330, %gather3A_314 : vector<16xf32>
        %swap3A_332 = arith.index_cast %add3A_316 : i32 to index
        %swap3A_333 = arith.constant 16 : index
        %swap3A_334 = tpu.vector_load %arg11[%swap3A_332, %swap3A_333] {strides = array<i32>} : memref<512x32xf32, #tpu.memory_space<vmem>>, vector<1x16xf32>,
        %swap3A_335 = vector.shape_cast %swap3A_334 : vector<1x16xf32> to vector<16xf32>
        %swap3A_336 = vector.shape_cast %mul3A_331 : vector<16xf32> to vector<1x16xf32>
        tpu.vector_store %arg11[%swap3A_332, %swap3A_333], %swap3A_336 {strides = array<i32>} : memref<512x32xf32, #tpu.memory_space<vmem>>, vector<1x16xf32>,
        %broadcast_in_dim3A_337 = arith.constant 4 : i32
        %broadcast_in_dim3A_338 = vector.broadcast %broadcast_in_dim3A_337 : i32 to vector<16x1xi32>
        %gather3A_339 = vector.shape_cast %broadcast_in_dim3A_338 : vector<16x1xi32> to vector<16xi32>
        %gather3A_340 = tpu.dynamic_gather %get3A_232[%gather3A_339] in [0] : vector<16xf32>, vector<16xi32> -> vector<16xf32>
        %add3A_341 = arith.constant 4 : i32
        %add3A_342 = arith.addi %mul3A_234, %add3A_341 : i32
        %get3A_343 = arith.index_cast %add3A_342 : i32 to index
        %get3A_344 = arith.constant 0 : index
        %get3A_345 = tpu.vector_load %arg11[%get3A_343, %get3A_344] {strides = array<i32>} : memref<512x32xf32, #tpu.memory_space<vmem>>, vector<1x16xf32>,
        %get3A_346 = vector.shape_cast %get3A_345 : vector<1x16xf32> to vector<16xf32>
        %mul3A_347 = arith.mulf %get3A_346, %gather3A_340 : vector<16xf32>
        %swap3A_348 = arith.index_cast %add3A_342 : i32 to index
        %swap3A_349 = arith.constant 0 : index
        %swap3A_350 = tpu.vector_load %arg11[%swap3A_348, %swap3A_349] {strides = array<i32>} : memref<512x32xf32, #tpu.memory_space<vmem>>, vector<1x16xf32>,
        %swap3A_351 = vector.shape_cast %swap3A_350 : vector<1x16xf32> to vector<16xf32>
        %swap3A_352 = vector.shape_cast %mul3A_347 : vector<16xf32> to vector<1x16xf32>
        tpu.vector_store %arg11[%swap3A_348, %swap3A_349], %swap3A_352 {strides = array<i32>} : memref<512x32xf32, #tpu.memory_space<vmem>>, vector<1x16xf32>,
        %get3A_353 = arith.index_cast %add3A_342 : i32 to index
        %get3A_354 = arith.constant 16 : index
        %get3A_355 = tpu.vector_load %arg11[%get3A_353, %get3A_354] {strides = array<i32>} : memref<512x32xf32, #tpu.memory_space<vmem>>, vector<1x16xf32>,
        %get3A_356 = vector.shape_cast %get3A_355 : vector<1x16xf32> to vector<16xf32>
        %mul3A_357 = arith.mulf %get3A_356, %gather3A_340 : vector<16xf32>
        %swap3A_358 = arith.index_cast %add3A_342 : i32 to index
        %swap3A_359 = arith.constant 16 : index
        %swap3A_360 = tpu.vector_load %arg11[%swap3A_358, %swap3A_359] {strides = array<i32>} : memref<512x32xf32, #tpu.memory_space<vmem>>, vector<1x16xf32>,
        %swap3A_361 = vector.shape_cast %swap3A_360 : vector<1x16xf32> to vector<16xf32>
        %swap3A_362 = vector.shape_cast %mul3A_357 : vector<16xf32> to vector<1x16xf32>
        tpu.vector_store %arg11[%swap3A_358, %swap3A_359], %swap3A_362 {strides = array<i32>} : memref<512x32xf32, #tpu.memory_space<vmem>>, vector<1x16xf32>,
        %broadcast_in_dim3A_363 = arith.constant 5 : i32
        %broadcast_in_dim3A_364 = vector.broadcast %broadcast_in_dim3A_363 : i32 to vector<16x1xi32>
        %gather3A_365 = vector.shape_cast %broadcast_in_dim3A_364 : vector<16x1xi32> to vector<16xi32>
        %gather3A_366 = tpu.dynamic_gather %get3A_232[%gather3A_365] in [0] : vector<16xf32>, vector<16xi32> -> vector<16xf32>
        %add3A_367 = arith.constant 5 : i32
        %add3A_368 = arith.addi %mul3A_234, %add3A_367 : i32
        %get3A_369 = arith.index_cast %add3A_368 : i32 to index
        %get3A_370 = arith.constant 0 : index
        %get3A_371 = tpu.vector_load %arg11[%get3A_369, %get3A_370] {strides = array<i32>} : memref<512x32xf32, #tpu.memory_space<vmem>>, vector<1x16xf32>,
        %get3A_372 = vector.shape_cast %get3A_371 : vector<1x16xf32> to vector<16xf32>
        %mul3A_373 = arith.mulf %get3A_372, %gather3A_366 : vector<16xf32>
        %swap3A_374 = arith.index_cast %add3A_368 : i32 to index
        %swap3A_375 = arith.constant 0 : index
        %swap3A_376 = tpu.vector_load %arg11[%swap3A_374, %swap3A_375] {strides = array<i32>} : memref<512x32xf32, #tpu.memory_space<vmem>>, vector<1x16xf32>,
        %swap3A_377 = vector.shape_cast %swap3A_376 : vector<1x16xf32> to vector<16xf32>
        %swap3A_378 = vector.shape_cast %mul3A_373 : vector<16xf32> to vector<1x16xf32>
        tpu.vector_store %arg11[%swap3A_374, %swap3A_375], %swap3A_378 {strides = array<i32>} : memref<512x32xf32, #tpu.memory_space<vmem>>, vector<1x16xf32>,
        %get3A_379 = arith.index_cast %add3A_368 : i32 to index
        %get3A_380 = arith.constant 16 : index
        %get3A_381 = tpu.vector_load %arg11[%get3A_379, %get3A_380] {strides = array<i32>} : memref<512x32xf32, #tpu.memory_space<vmem>>, vector<1x16xf32>,
        %get3A_382 = vector.shape_cast %get3A_381 : vector<1x16xf32> to vector<16xf32>
        %mul3A_383 = arith.mulf %get3A_382, %gather3A_366 : vector<16xf32>
        %swap3A_384 = arith.index_cast %add3A_368 : i32 to index
        %swap3A_385 = arith.constant 16 : index
        %swap3A_386 = tpu.vector_load %arg11[%swap3A_384, %swap3A_385] {strides = array<i32>} : memref<512x32xf32, #tpu.memory_space<vmem>>, vector<1x16xf32>,
        %swap3A_387 = vector.shape_cast %swap3A_386 : vector<1x16xf32> to vector<16xf32>
        %swap3A_388 = vector.shape_cast %mul3A_383 : vector<16xf32> to vector<1x16xf32>
        tpu.vector_store %arg11[%swap3A_384, %swap3A_385], %swap3A_388 {strides = array<i32>} : memref<512x32xf32, #tpu.memory_space<vmem>>, vector<1x16xf32>,
        %broadcast_in_dim3A_389 = arith.constant 6 : i32
        %broadcast_in_dim3A_390 = vector.broadcast %broadcast_in_dim3A_389 : i32 to vector<16x1xi32>
        %gather3A_391 = vector.shape_cast %broadcast_in_dim3A_390 : vector<16x1xi32> to vector<16xi32>
        %gather3A_392 = tpu.dynamic_gather %get3A_232[%gather3A_391] in [0] : vector<16xf32>, vector<16xi32> -> vector<16xf32>
        %add3A_393 = arith.constant 6 : i32
        %add3A_394 = arith.addi %mul3A_234, %add3A_393 : i32
        %get3A_395 = arith.index_cast %add3A_394 : i32 to index
        %get3A_396 = arith.constant 0 : index
        %get3A_397 = tpu.vector_load %arg11[%get3A_395, %get3A_396] {strides = array<i32>} : memref<512x32xf32, #tpu.memory_space<vmem>>, vector<1x16xf32>,
        %get3A_398 = vector.shape_cast %get3A_397 : vector<1x16xf32> to vector<16xf32>
        %mul3A_399 = arith.mulf %get3A_398, %gather3A_392 : vector<16xf32>
        %swap3A_400 = arith.index_cast %add3A_394 : i32 to index
        %swap3A_401 = arith.constant 0 : index
        %swap3A_402 = tpu.vector_load %arg11[%swap3A_400, %swap3A_401] {strides = array<i32>} : memref<512x32xf32, #tpu.memory_space<vmem>>, vector<1x16xf32>,
        %swap3A_403 = vector.shape_cast %swap3A_402 : vector<1x16xf32> to vector<16xf32>
        %swap3A_404 = vector.shape_cast %mul3A_399 : vector<16xf32> to vector<1x16xf32>
        tpu.vector_store %arg11[%swap3A_400, %swap3A_401], %swap3A_404 {strides = array<i32>} : memref<512x32xf32, #tpu.memory_space<vmem>>, vector<1x16xf32>,
        %get3A_405 = arith.index_cast %add3A_394 : i32 to index
        %get3A_406 = arith.constant 16 : index
        %get3A_407 = tpu.vector_load %arg11[%get3A_405, %get3A_406] {strides = array<i32>} : memref<512x32xf32, #tpu.memory_space<vmem>>, vector<1x16xf32>,
        %get3A_408 = vector.shape_cast %get3A_407 : vector<1x16xf32> to vector<16xf32>
        %mul3A_409 = arith.mulf %get3A_408, %gather3A_392 : vector<16xf32>
        %swap3A_410 = arith.index_cast %add3A_394 : i32 to index
        %swap3A_411 = arith.constant 16 : index
        %swap3A_412 = tpu.vector_load %arg11[%swap3A_410, %swap3A_411] {strides = array<i32>} : memref<512x32xf32, #tpu.memory_space<vmem>>, vector<1x16xf32>,
        %swap3A_413 = vector.shape_cast %swap3A_412 : vector<1x16xf32> to vector<16xf32>
        %swap3A_414 = vector.shape_cast %mul3A_409 : vector<16xf32> to vector<1x16xf32>
        tpu.vector_store %arg11[%swap3A_410, %swap3A_411], %swap3A_414 {strides = array<i32>} : memref<512x32xf32, #tpu.memory_space<vmem>>, vector<1x16xf32>,
        %broadcast_in_dim3A_415 = arith.constant 7 : i32
        %broadcast_in_dim3A_416 = vector.broadcast %broadcast_in_dim3A_415 : i32 to vector<16x1xi32>
        %gather3A_417 = vector.shape_cast %broadcast_in_dim3A_416 : vector<16x1xi32> to vector<16xi32>
        %gather3A_418 = tpu.dynamic_gather %get3A_232[%gather3A_417] in [0] : vector<16xf32>, vector<16xi32> -> vector<16xf32>
        %add3A_419 = arith.constant 7 : i32
        %add3A_420 = arith.addi %mul3A_234, %add3A_419 : i32
        %get3A_421 = arith.index_cast %add3A_420 : i32 to index
        %get3A_422 = arith.constant 0 : index
        %get3A_423 = tpu.vector_load %arg11[%get3A_421, %get3A_422] {strides = array<i32>} : memref<512x32xf32, #tpu.memory_space<vmem>>, vector<1x16xf32>,
        %get3A_424 = vector.shape_cast %get3A_423 : vector<1x16xf32> to vector<16xf32>
        %mul3A_425 = arith.mulf %get3A_424, %gather3A_418 : vector<16xf32>
        %swap3A_426 = arith.index_cast %add3A_420 : i32 to index
        %swap3A_427 = arith.constant 0 : index
        %swap3A_428 = tpu.vector_load %arg11[%swap3A_426, %swap3A_427] {strides = array<i32>} : memref<512x32xf32, #tpu.memory_space<vmem>>, vector<1x16xf32>,
        %swap3A_429 = vector.shape_cast %swap3A_428 : vector<1x16xf32> to vector<16xf32>
        %swap3A_430 = vector.shape_cast %mul3A_425 : vector<16xf32> to vector<1x16xf32>
        tpu.vector_store %arg11[%swap3A_426, %swap3A_427], %swap3A_430 {strides = array<i32>} : memref<512x32xf32, #tpu.memory_space<vmem>>, vector<1x16xf32>,
        %get3A_431 = arith.index_cast %add3A_420 : i32 to index
        %get3A_432 = arith.constant 16 : index
        %get3A_433 = tpu.vector_load %arg11[%get3A_431, %get3A_432] {strides = array<i32>} : memref<512x32xf32, #tpu.memory_space<vmem>>, vector<1x16xf32>,
        %get3A_434 = vector.shape_cast %get3A_433 : vector<1x16xf32> to vector<16xf32>
        %mul3A_435 = arith.mulf %get3A_434, %gather3A_418 : vector<16xf32>
        %swap3A_436 = arith.index_cast %add3A_420 : i32 to index
        %swap3A_437 = arith.constant 16 : index
        %swap3A_438 = tpu.vector_load %arg11[%swap3A_436, %swap3A_437] {strides = array<i32>} : memref<512x32xf32, #tpu.memory_space<vmem>>, vector<1x16xf32>,
        %swap3A_439 = vector.shape_cast %swap3A_438 : vector<1x16xf32> to vector<16xf32>
        %swap3A_440 = vector.shape_cast %mul3A_435 : vector<16xf32> to vector<1x16xf32>
        tpu.vector_store %arg11[%swap3A_436, %swap3A_437], %swap3A_440 {strides = array<i32>} : memref<512x32xf32, #tpu.memory_space<vmem>>, vector<1x16xf32>,
        %broadcast_in_dim3A_441 = arith.constant 8 : i32
        %broadcast_in_dim3A_442 = vector.broadcast %broadcast_in_dim3A_441 : i32 to vector<16x1xi32>
        %gather3A_443 = vector.shape_cast %broadcast_in_dim3A_442 : vector<16x1xi32> to vector<16xi32>
        %gather3A_444 = tpu.dynamic_gather %get3A_232[%gather3A_443] in [0] : vector<16xf32>, vector<16xi32> -> vector<16xf32>
        %add3A_445 = arith.constant 8 : i32
        %add3A_446 = arith.addi %mul3A_234, %add3A_445 : i32
        %get3A_447 = arith.index_cast %add3A_446 : i32 to index
        %get3A_448 = arith.constant 0 : index
        %get3A_449 = tpu.vector_load %arg11[%get3A_447, %get3A_448] {strides = array<i32>} : memref<512x32xf32, #tpu.memory_space<vmem>>, vector<1x16xf32>,
        %get3A_450 = vector.shape_cast %get3A_449 : vector<1x16xf32> to vector<16xf32>
        %mul3A_451 = arith.mulf %get3A_450, %gather3A_444 : vector<16xf32>
        %swap3A_452 = arith.index_cast %add3A_446 : i32 to index
        %swap3A_453 = arith.constant 0 : index
        %swap3A_454 = tpu.vector_load %arg11[%swap3A_452, %swap3A_453] {strides = array<i32>} : memref<512x32xf32, #tpu.memory_space<vmem>>, vector<1x16xf32>,
        %swap3A_455 = vector.shape_cast %swap3A_454 : vector<1x16xf32> to vector<16xf32>
        %swap3A_456 = vector.shape_cast %mul3A_451 : vector<16xf32> to vector<1x16xf32>
        tpu.vector_store %arg11[%swap3A_452, %swap3A_453], %swap3A_456 {strides = array<i32>} : memref<512x32xf32, #tpu.memory_space<vmem>>, vector<1x16xf32>,
        %get3A_457 = arith.index_cast %add3A_446 : i32 to index
        %get3A_458 = arith.constant 16 : index
        %get3A_459 = tpu.vector_load %arg11[%get3A_457, %get3A_458] {strides = array<i32>} : memref<512x32xf32, #tpu.memory_space<vmem>>, vector<1x16xf32>,
        %get3A_460 = vector.shape_cast %get3A_459 : vector<1x16xf32> to vector<16xf32>
        %mul3A_461 = arith.mulf %get3A_460, %gather3A_444 : vector<16xf32>
        %swap3A_462 = arith.index_cast %add3A_446 : i32 to index
        %swap3A_463 = arith.constant 16 : index
        %swap3A_464 = tpu.vector_load %arg11[%swap3A_462, %swap3A_463] {strides = array<i32>} : memref<512x32xf32, #tpu.memory_space<vmem>>, vector<1x16xf32>,
        %swap3A_465 = vector.shape_cast %swap3A_464 : vector<1x16xf32> to vector<16xf32>
        %swap3A_466 = vector.shape_cast %mul3A_461 : vector<16xf32> to vector<1x16xf32>
        tpu.vector_store %arg11[%swap3A_462, %swap3A_463], %swap3A_466 {strides = array<i32>} : memref<512x32xf32, #tpu.memory_space<vmem>>, vector<1x16xf32>,
        %broadcast_in_dim3A_467 = arith.constant 9 : i32
        %broadcast_in_dim3A_468 = vector.broadcast %broadcast_in_dim3A_467 : i32 to vector<16x1xi32>
        %gather3A_469 = vector.shape_cast %broadcast_in_dim3A_468 : vector<16x1xi32> to vector<16xi32>
        %gather3A_470 = tpu.dynamic_gather %get3A_232[%gather3A_469] in [0] : vector<16xf32>, vector<16xi32> -> vector<16xf32>
        %add3A_471 = arith.constant 9 : i32
        %add3A_472 = arith.addi %mul3A_234, %add3A_471 : i32
        %get3A_473 = arith.index_cast %add3A_472 : i32 to index
        %get3A_474 = arith.constant 0 : index
        %get3A_475 = tpu.vector_load %arg11[%get3A_473, %get3A_474] {strides = array<i32>} : memref<512x32xf32, #tpu.memory_space<vmem>>, vector<1x16xf32>,
        %get3A_476 = vector.shape_cast %get3A_475 : vector<1x16xf32> to vector<16xf32>
        %mul3A_477 = arith.mulf %get3A_476, %gather3A_470 : vector<16xf32>
        %swap3A_478 = arith.index_cast %add3A_472 : i32 to index
        %swap3A_479 = arith.constant 0 : index
        %swap3A_480 = tpu.vector_load %arg11[%swap3A_478, %swap3A_479] {strides = array<i32>} : memref<512x32xf32, #tpu.memory_space<vmem>>, vector<1x16xf32>,
        %swap3A_481 = vector.shape_cast %swap3A_480 : vector<1x16xf32> to vector<16xf32>
        %swap3A_482 = vector.shape_cast %mul3A_477 : vector<16xf32> to vector<1x16xf32>
        tpu.vector_store %arg11[%swap3A_478, %swap3A_479], %swap3A_482 {strides = array<i32>} : memref<512x32xf32, #tpu.memory_space<vmem>>, vector<1x16xf32>,
        %get3A_483 = arith.index_cast %add3A_472 : i32 to index
        %get3A_484 = arith.constant 16 : index
        %get3A_485 = tpu.vector_load %arg11[%get3A_483, %get3A_484] {strides = array<i32>} : memref<512x32xf32, #tpu.memory_space<vmem>>, vector<1x16xf32>,
        %get3A_486 = vector.shape_cast %get3A_485 : vector<1x16xf32> to vector<16xf32>
        %mul3A_487 = arith.mulf %get3A_486, %gather3A_470 : vector<16xf32>
        %swap3A_488 = arith.index_cast %add3A_472 : i32 to index
        %swap3A_489 = arith.constant 16 : index
        %swap3A_490 = tpu.vector_load %arg11[%swap3A_488, %swap3A_489] {strides = array<i32>} : memref<512x32xf32, #tpu.memory_space<vmem>>, vector<1x16xf32>,
        %swap3A_491 = vector.shape_cast %swap3A_490 : vector<1x16xf32> to vector<16xf32>
        %swap3A_492 = vector.shape_cast %mul3A_487 : vector<16xf32> to vector<1x16xf32>
        tpu.vector_store %arg11[%swap3A_488, %swap3A_489], %swap3A_492 {strides = array<i32>} : memref<512x32xf32, #tpu.memory_space<vmem>>, vector<1x16xf32>,
        %broadcast_in_dim3A_493 = arith.constant 10 : i32
        %broadcast_in_dim3A_494 = vector.broadcast %broadcast_in_dim3A_493 : i32 to vector<16x1xi32>
        %gather3A_495 = vector.shape_cast %broadcast_in_dim3A_494 : vector<16x1xi32> to vector<16xi32>
        %gather3A_496 = tpu.dynamic_gather %get3A_232[%gather3A_495] in [0] : vector<16xf32>, vector<16xi32> -> vector<16xf32>
        %add3A_497 = arith.constant 10 : i32
        %add3A_498 = arith.addi %mul3A_234, %add3A_497 : i32
        %get3A_499 = arith.index_cast %add3A_498 : i32 to index
        %get3A_500 = arith.constant 0 : index
        %get3A_501 = tpu.vector_load %arg11[%get3A_499, %get3A_500] {strides = array<i32>} : memref<512x32xf32, #tpu.memory_space<vmem>>, vector<1x16xf32>,
        %get3A_502 = vector.shape_cast %get3A_501 : vector<1x16xf32> to vector<16xf32>
        %mul3A_503 = arith.mulf %get3A_502, %gather3A_496 : vector<16xf32>
        %swap3A_504 = arith.index_cast %add3A_498 : i32 to index
        %swap3A_505 = arith.constant 0 : index
        %swap3A_506 = tpu.vector_load %arg11[%swap3A_504, %swap3A_505] {strides = array<i32>} : memref<512x32xf32, #tpu.memory_space<vmem>>, vector<1x16xf32>,
        %swap3A_507 = vector.shape_cast %swap3A_506 : vector<1x16xf32> to vector<16xf32>
        %swap3A_508 = vector.shape_cast %mul3A_503 : vector<16xf32> to vector<1x16xf32>
        tpu.vector_store %arg11[%swap3A_504, %swap3A_505], %swap3A_508 {strides = array<i32>} : memref<512x32xf32, #tpu.memory_space<vmem>>, vector<1x16xf32>,
        %get3A_509 = arith.index_cast %add3A_498 : i32 to index
        %get3A_510 = arith.constant 16 : index
        %get3A_511 = tpu.vector_load %arg11[%get3A_509, %get3A_510] {strides = array<i32>} : memref<512x32xf32, #tpu.memory_space<vmem>>, vector<1x16xf32>,
        %get3A_512 = vector.shape_cast %get3A_511 : vector<1x16xf32> to vector<16xf32>
        %mul3A_513 = arith.mulf %get3A_512, %gather3A_496 : vector<16xf32>
        %swap3A_514 = arith.index_cast %add3A_498 : i32 to index
        %swap3A_515 = arith.constant 16 : index
        %swap3A_516 = tpu.vector_load %arg11[%swap3A_514, %swap3A_515] {strides = array<i32>} : memref<512x32xf32, #tpu.memory_space<vmem>>, vector<1x16xf32>,
        %swap3A_517 = vector.shape_cast %swap3A_516 : vector<1x16xf32> to vector<16xf32>
        %swap3A_518 = vector.shape_cast %mul3A_513 : vector<16xf32> to vector<1x16xf32>
        tpu.vector_store %arg11[%swap3A_514, %swap3A_515], %swap3A_518 {strides = array<i32>} : memref<512x32xf32, #tpu.memory_space<vmem>>, vector<1x16xf32>,
        %broadcast_in_dim3A_519 = arith.constant 11 : i32
        %broadcast_in_dim3A_520 = vector.broadcast %broadcast_in_dim3A_519 : i32 to vector<16x1xi32>
        %gather3A_521 = vector.shape_cast %broadcast_in_dim3A_520 : vector<16x1xi32> to vector<16xi32>
        %gather3A_522 = tpu.dynamic_gather %get3A_232[%gather3A_521] in [0] : vector<16xf32>, vector<16xi32> -> vector<16xf32>
        %add3A_523 = arith.constant 11 : i32
        %add3A_524 = arith.addi %mul3A_234, %add3A_523 : i32
        %get3A_525 = arith.index_cast %add3A_524 : i32 to index
        %get3A_526 = arith.constant 0 : index
        %get3A_527 = tpu.vector_load %arg11[%get3A_525, %get3A_526] {strides = array<i32>} : memref<512x32xf32, #tpu.memory_space<vmem>>, vector<1x16xf32>,
        %get3A_528 = vector.shape_cast %get3A_527 : vector<1x16xf32> to vector<16xf32>
        %mul3A_529 = arith.mulf %get3A_528, %gather3A_522 : vector<16xf32>
        %swap3A_530 = arith.index_cast %add3A_524 : i32 to index
        %swap3A_531 = arith.constant 0 : index
        %swap3A_532 = tpu.vector_load %arg11[%swap3A_530, %swap3A_531] {strides = array<i32>} : memref<512x32xf32, #tpu.memory_space<vmem>>, vector<1x16xf32>,
        %swap3A_533 = vector.shape_cast %swap3A_532 : vector<1x16xf32> to vector<16xf32>
        %swap3A_534 = vector.shape_cast %mul3A_529 : vector<16xf32> to vector<1x16xf32>
        tpu.vector_store %arg11[%swap3A_530, %swap3A_531], %swap3A_534 {strides = array<i32>} : memref<512x32xf32, #tpu.memory_space<vmem>>, vector<1x16xf32>,
        %get3A_535 = arith.index_cast %add3A_524 : i32 to index
        %get3A_536 = arith.constant 16 : index
        %get3A_537 = tpu.vector_load %arg11[%get3A_535, %get3A_536] {strides = array<i32>} : memref<512x32xf32, #tpu.memory_space<vmem>>, vector<1x16xf32>,
        %get3A_538 = vector.shape_cast %get3A_537 : vector<1x16xf32> to vector<16xf32>
        %mul3A_539 = arith.mulf %get3A_538, %gather3A_522 : vector<16xf32>
        %swap3A_540 = arith.index_cast %add3A_524 : i32 to index
        %swap3A_541 = arith.constant 16 : index
        %swap3A_542 = tpu.vector_load %arg11[%swap3A_540, %swap3A_541] {strides = array<i32>} : memref<512x32xf32, #tpu.memory_space<vmem>>, vector<1x16xf32>,
        %swap3A_543 = vector.shape_cast %swap3A_542 : vector<1x16xf32> to vector<16xf32>
        %swap3A_544 = vector.shape_cast %mul3A_539 : vector<16xf32> to vector<1x16xf32>
        tpu.vector_store %arg11[%swap3A_540, %swap3A_541], %swap3A_544 {strides = array<i32>} : memref<512x32xf32, #tpu.memory_space<vmem>>, vector<1x16xf32>,
        %broadcast_in_dim3A_545 = arith.constant 12 : i32
        %broadcast_in_dim3A_546 = vector.broadcast %broadcast_in_dim3A_545 : i32 to vector<16x1xi32>
        %gather3A_547 = vector.shape_cast %broadcast_in_dim3A_546 : vector<16x1xi32> to vector<16xi32>
        %gather3A_548 = tpu.dynamic_gather %get3A_232[%gather3A_547] in [0] : vector<16xf32>, vector<16xi32> -> vector<16xf32>
        %add3A_549 = arith.constant 12 : i32
        %add3A_550 = arith.addi %mul3A_234, %add3A_549 : i32
        %get3A_551 = arith.index_cast %add3A_550 : i32 to index
        %get3A_552 = arith.constant 0 : index
        %get3A_553 = tpu.vector_load %arg11[%get3A_551, %get3A_552] {strides = array<i32>} : memref<512x32xf32, #tpu.memory_space<vmem>>, vector<1x16xf32>,
        %get3A_554 = vector.shape_cast %get3A_553 : vector<1x16xf32> to vector<16xf32>
        %mul3A_555 = arith.mulf %get3A_554, %gather3A_548 : vector<16xf32>
        %swap3A_556 = arith.index_cast %add3A_550 : i32 to index
        %swap3A_557 = arith.constant 0 : index
        %swap3A_558 = tpu.vector_load %arg11[%swap3A_556, %swap3A_557] {strides = array<i32>} : memref<512x32xf32, #tpu.memory_space<vmem>>, vector<1x16xf32>,
        %swap3A_559 = vector.shape_cast %swap3A_558 : vector<1x16xf32> to vector<16xf32>
        %swap3A_560 = vector.shape_cast %mul3A_555 : vector<16xf32> to vector<1x16xf32>
        tpu.vector_store %arg11[%swap3A_556, %swap3A_557], %swap3A_560 {strides = array<i32>} : memref<512x32xf32, #tpu.memory_space<vmem>>, vector<1x16xf32>,
        %get3A_561 = arith.index_cast %add3A_550 : i32 to index
        %get3A_562 = arith.constant 16 : index
        %get3A_563 = tpu.vector_load %arg11[%get3A_561, %get3A_562] {strides = array<i32>} : memref<512x32xf32, #tpu.memory_space<vmem>>, vector<1x16xf32>,
        %get3A_564 = vector.shape_cast %get3A_563 : vector<1x16xf32> to vector<16xf32>
        %mul3A_565 = arith.mulf %get3A_564, %gather3A_548 : vector<16xf32>
        %swap3A_566 = arith.index_cast %add3A_550 : i32 to index
        %swap3A_567 = arith.constant 16 : index
        %swap3A_568 = tpu.vector_load %arg11[%swap3A_566, %swap3A_567] {strides = array<i32>} : memref<512x32xf32, #tpu.memory_space<vmem>>, vector<1x16xf32>,
        %swap3A_569 = vector.shape_cast %swap3A_568 : vector<1x16xf32> to vector<16xf32>
        %swap3A_570 = vector.shape_cast %mul3A_565 : vector<16xf32> to vector<1x16xf32>
        tpu.vector_store %arg11[%swap3A_566, %swap3A_567], %swap3A_570 {strides = array<i32>} : memref<512x32xf32, #tpu.memory_space<vmem>>, vector<1x16xf32>,
        %broadcast_in_dim3A_571 = arith.constant 13 : i32
        %broadcast_in_dim3A_572 = vector.broadcast %broadcast_in_dim3A_571 : i32 to vector<16x1xi32>
        %gather3A_573 = vector.shape_cast %broadcast_in_dim3A_572 : vector<16x1xi32> to vector<16xi32>
        %gather3A_574 = tpu.dynamic_gather %get3A_232[%gather3A_573] in [0] : vector<16xf32>, vector<16xi32> -> vector<16xf32>
        %add3A_575 = arith.constant 13 : i32
        %add3A_576 = arith.addi %mul3A_234, %add3A_575 : i32
        %get3A_577 = arith.index_cast %add3A_576 : i32 to index
        %get3A_578 = arith.constant 0 : index
        %get3A_579 = tpu.vector_load %arg11[%get3A_577, %get3A_578] {strides = array<i32>} : memref<512x32xf32, #tpu.memory_space<vmem>>, vector<1x16xf32>,
        %get3A_580 = vector.shape_cast %get3A_579 : vector<1x16xf32> to vector<16xf32>
        %mul3A_581 = arith.mulf %get3A_580, %gather3A_574 : vector<16xf32>
        %swap3A_582 = arith.index_cast %add3A_576 : i32 to index
        %swap3A_583 = arith.constant 0 : index
        %swap3A_584 = tpu.vector_load %arg11[%swap3A_582, %swap3A_583] {strides = array<i32>} : memref<512x32xf32, #tpu.memory_space<vmem>>, vector<1x16xf32>,
        %swap3A_585 = vector.shape_cast %swap3A_584 : vector<1x16xf32> to vector<16xf32>
        %swap3A_586 = vector.shape_cast %mul3A_581 : vector<16xf32> to vector<1x16xf32>
        tpu.vector_store %arg11[%swap3A_582, %swap3A_583], %swap3A_586 {strides = array<i32>} : memref<512x32xf32, #tpu.memory_space<vmem>>, vector<1x16xf32>,
        %get3A_587 = arith.index_cast %add3A_576 : i32 to index
        %get3A_588 = arith.constant 16 : index
        %get3A_589 = tpu.vector_load %arg11[%get3A_587, %get3A_588] {strides = array<i32>} : memref<512x32xf32, #tpu.memory_space<vmem>>, vector<1x16xf32>,
        %get3A_590 = vector.shape_cast %get3A_589 : vector<1x16xf32> to vector<16xf32>
        %mul3A_591 = arith.mulf %get3A_590, %gather3A_574 : vector<16xf32>
        %swap3A_592 = arith.index_cast %add3A_576 : i32 to index
        %swap3A_593 = arith.constant 16 : index
        %swap3A_594 = tpu.vector_load %arg11[%swap3A_592, %swap3A_593] {strides = array<i32>} : memref<512x32xf32, #tpu.memory_space<vmem>>, vector<1x16xf32>,
        %swap3A_595 = vector.shape_cast %swap3A_594 : vector<1x16xf32> to vector<16xf32>
        %swap3A_596 = vector.shape_cast %mul3A_591 : vector<16xf32> to vector<1x16xf32>
        tpu.vector_store %arg11[%swap3A_592, %swap3A_593], %swap3A_596 {strides = array<i32>} : memref<512x32xf32, #tpu.memory_space<vmem>>, vector<1x16xf32>,
        %broadcast_in_dim3A_597 = arith.constant 14 : i32
        %broadcast_in_dim3A_598 = vector.broadcast %broadcast_in_dim3A_597 : i32 to vector<16x1xi32>
        %gather3A_599 = vector.shape_cast %broadcast_in_dim3A_598 : vector<16x1xi32> to vector<16xi32>
        %gather3A_600 = tpu.dynamic_gather %get3A_232[%gather3A_599] in [0] : vector<16xf32>, vector<16xi32> -> vector<16xf32>
        %add3A_601 = arith.constant 14 : i32
        %add3A_602 = arith.addi %mul3A_234, %add3A_601 : i32
        %get3A_603 = arith.index_cast %add3A_602 : i32 to index
        %get3A_604 = arith.constant 0 : index
        %get3A_605 = tpu.vector_load %arg11[%get3A_603, %get3A_604] {strides = array<i32>} : memref<512x32xf32, #tpu.memory_space<vmem>>, vector<1x16xf32>,
        %get3A_606 = vector.shape_cast %get3A_605 : vector<1x16xf32> to vector<16xf32>
        %mul3A_607 = arith.mulf %get3A_606, %gather3A_600 : vector<16xf32>
        %swap3A_608 = arith.index_cast %add3A_602 : i32 to index
        %swap3A_609 = arith.constant 0 : index
        %swap3A_610 = tpu.vector_load %arg11[%swap3A_608, %swap3A_609] {strides = array<i32>} : memref<512x32xf32, #tpu.memory_space<vmem>>, vector<1x16xf32>,
        %swap3A_611 = vector.shape_cast %swap3A_610 : vector<1x16xf32> to vector<16xf32>
        %swap3A_612 = vector.shape_cast %mul3A_607 : vector<16xf32> to vector<1x16xf32>
        tpu.vector_store %arg11[%swap3A_608, %swap3A_609], %swap3A_612 {strides = array<i32>} : memref<512x32xf32, #tpu.memory_space<vmem>>, vector<1x16xf32>,
        %get3A_613 = arith.index_cast %add3A_602 : i32 to index
        %get3A_614 = arith.constant 16 : index
        %get3A_615 = tpu.vector_load %arg11[%get3A_613, %get3A_614] {strides = array<i32>} : memref<512x32xf32, #tpu.memory_space<vmem>>, vector<1x16xf32>,
        %get3A_616 = vector.shape_cast %get3A_615 : vector<1x16xf32> to vector<16xf32>
        %mul3A_617 = arith.mulf %get3A_616, %gather3A_600 : vector<16xf32>
        %swap3A_618 = arith.index_cast %add3A_602 : i32 to index
        %swap3A_619 = arith.constant 16 : index
        %swap3A_620 = tpu.vector_load %arg11[%swap3A_618, %swap3A_619] {strides = array<i32>} : memref<512x32xf32, #tpu.memory_space<vmem>>, vector<1x16xf32>,
        %swap3A_621 = vector.shape_cast %swap3A_620 : vector<1x16xf32> to vector<16xf32>
        %swap3A_622 = vector.shape_cast %mul3A_617 : vector<16xf32> to vector<1x16xf32>
        tpu.vector_store %arg11[%swap3A_618, %swap3A_619], %swap3A_622 {strides = array<i32>} : memref<512x32xf32, #tpu.memory_space<vmem>>, vector<1x16xf32>,
        %broadcast_in_dim3A_623 = arith.constant 15 : i32
        %broadcast_in_dim3A_624 = vector.broadcast %broadcast_in_dim3A_623 : i32 to vector<16x1xi32>
        %gather3A_625 = vector.shape_cast %broadcast_in_dim3A_624 : vector<16x1xi32> to vector<16xi32>
        %gather3A_626 = tpu.dynamic_gather %get3A_232[%gather3A_625] in [0] : vector<16xf32>, vector<16xi32> -> vector<16xf32>
        %add3A_627 = arith.constant 15 : i32
        %add3A_628 = arith.addi %mul3A_234, %add3A_627 : i32
        %get3A_629 = arith.index_cast %add3A_628 : i32 to index
        %get3A_630 = arith.constant 0 : index
        %get3A_631 = tpu.vector_load %arg11[%get3A_629, %get3A_630] {strides = array<i32>} : memref<512x32xf32, #tpu.memory_space<vmem>>, vector<1x16xf32>,
        %get3A_632 = vector.shape_cast %get3A_631 : vector<1x16xf32> to vector<16xf32>
        %mul3A_633 = arith.mulf %get3A_632, %gather3A_626 : vector<16xf32>
        %swap3A_634 = arith.index_cast %add3A_628 : i32 to index
        %swap3A_635 = arith.constant 0 : index
        %swap3A_636 = tpu.vector_load %arg11[%swap3A_634, %swap3A_635] {strides = array<i32>} : memref<512x32xf32, #tpu.memory_space<vmem>>, vector<1x16xf32>,
        %swap3A_637 = vector.shape_cast %swap3A_636 : vector<1x16xf32> to vector<16xf32>
        %swap3A_638 = vector.shape_cast %mul3A_633 : vector<16xf32> to vector<1x16xf32>
        tpu.vector_store %arg11[%swap3A_634, %swap3A_635], %swap3A_638 {strides = array<i32>} : memref<512x32xf32, #tpu.memory_space<vmem>>, vector<1x16xf32>,
        %get3A_639 = arith.index_cast %add3A_628 : i32 to index
        %get3A_640 = arith.constant 16 : index
        %get3A_641 = tpu.vector_load %arg11[%get3A_639, %get3A_640] {strides = array<i32>} : memref<512x32xf32, #tpu.memory_space<vmem>>, vector<1x16xf32>,
        %get3A_642 = vector.shape_cast %get3A_641 : vector<1x16xf32> to vector<16xf32>
        %mul3A_643 = arith.mulf %get3A_642, %gather3A_626 : vector<16xf32>
        %swap3A_644 = arith.index_cast %add3A_628 : i32 to index
        %swap3A_645 = arith.constant 16 : index
        %swap3A_646 = tpu.vector_load %arg11[%swap3A_644, %swap3A_645] {strides = array<i32>} : memref<512x32xf32, #tpu.memory_space<vmem>>, vector<1x16xf32>,
        %swap3A_647 = vector.shape_cast %swap3A_646 : vector<1x16xf32> to vector<16xf32>
        %swap3A_648 = vector.shape_cast %mul3A_643 : vector<16xf32> to vector<1x16xf32>
        tpu.vector_store %arg11[%swap3A_644, %swap3A_645], %swap3A_648 {strides = array<i32>} : memref<512x32xf32, #tpu.memory_space<vmem>>, vector<1x16xf32>,
        %scan3A_649 = arith.constant 0 : i32
        scf.yield %scan3A_649 : i32
      }
      %scan3A_145 = arith.constant 32 : i32
      %dma_start3A_146 = arith.constant 0 : i32
      %dma_start3A_147 = arith.constant 0 : i32
      %dma_start3A_148 = arith.constant 0 : i32
      %dma_start3A_149 = tpu.memref_slice %arg11[%dma_start3A_147, %dma_start3A_148] : memref<512x32xf32, #tpu.memory_space<vmem>> -> memref<128x32xf32, #tpu.memory_space<vmem>>
      %dma_start3A_150 = arith.constant 0 : i32
      %dma_start3A_151 = tpu.memref_slice %arg10[%dma_start3A_146, %dma_start3A_150] : memref<4x128xi32, #tpu.memory_space<vmem>> -> memref<1x128xi32, #tpu.memory_space<vmem>>
      %dma_start3A_152 = tpu.memref_squeeze %dma_start3A_151 : memref<1x128xi32, #tpu.memory_space<vmem>> -> memref<128xi32, #tpu.memory_space<vmem>>
      %dma_start3A_153 = arith.constant 0 : i32
      %dma_start3A_154 = arith.constant 0 : i32
      %dma_start3A_155 = tpu.memref_slice %arg12[%dma_start3A_153, %dma_start3A_154] : memref<50048x32xf32, #tpu.memory_space<vmem_shared>> -> memref<50048x32xf32, #tpu.memory_space<vmem_shared>>
      tpu.enqueue_indirect_dma source(%dma_start3A_149 : memref<128x32xf32, #tpu.memory_space<vmem>>) target(%dma_start3A_155 : memref<50048x32xf32, #tpu.memory_space<vmem_shared>>) offsets(%dma_start3A_152 : memref<128xi32, #tpu.memory_space<vmem>>) semaphore(%arg14 : memref<!tpu.dma_semaphore, #tpu.memory_space<semaphore_mem>>) {add = true}
      %dma_start3A_156 = arith.constant 1 : i32
      %dma_start3A_157 = arith.constant 128 : i32
      %dma_start3A_158 = arith.constant 0 : i32
      %dma_start3A_159 = tpu.memref_slice %arg11[%dma_start3A_157, %dma_start3A_158] : memref<512x32xf32, #tpu.memory_space<vmem>> -> memref<128x32xf32, #tpu.memory_space<vmem>>
      %dma_start3A_160 = arith.constant 0 : i32
      %dma_start3A_161 = tpu.memref_slice %arg10[%dma_start3A_156, %dma_start3A_160] : memref<4x128xi32, #tpu.memory_space<vmem>> -> memref<1x128xi32, #tpu.memory_space<vmem>>
      %dma_start3A_162 = tpu.memref_squeeze %dma_start3A_161 : memref<1x128xi32, #tpu.memory_space<vmem>> -> memref<128xi32, #tpu.memory_space<vmem>>
      %dma_start3A_163 = arith.constant 0 : i32
      %dma_start3A_164 = arith.constant 0 : i32
      %dma_start3A_165 = tpu.memref_slice %arg12[%dma_start3A_163, %dma_start3A_164] : memref<50048x32xf32, #tpu.memory_space<vmem_shared>> -> memref<50048x32xf32, #tpu.memory_space<vmem_shared>>
      tpu.enqueue_indirect_dma source(%dma_start3A_159 : memref<128x32xf32, #tpu.memory_space<vmem>>) target(%dma_start3A_165 : memref<50048x32xf32, #tpu.memory_space<vmem_shared>>) offsets(%dma_start3A_162 : memref<128xi32, #tpu.memory_space<vmem>>) semaphore(%arg14 : memref<!tpu.dma_semaphore, #tpu.memory_space<semaphore_mem>>) {add = true}
      %dma_start3A_166 = arith.constant 2 : i32
      %dma_start3A_167 = arith.constant 256 : i32
      %dma_start3A_168 = arith.constant 0 : i32
      %dma_start3A_169 = tpu.memref_slice %arg11[%dma_start3A_167, %dma_start3A_168] : memref<512x32xf32, #tpu.memory_space<vmem>> -> memref<128x32xf32, #tpu.memory_space<vmem>>
      %dma_start3A_170 = arith.constant 0 : i32
      %dma_start3A_171 = tpu.memref_slice %arg10[%dma_start3A_166, %dma_start3A_170] : memref<4x128xi32, #tpu.memory_space<vmem>> -> memref<1x128xi32, #tpu.memory_space<vmem>>
      %dma_start3A_172 = tpu.memref_squeeze %dma_start3A_171 : memref<1x128xi32, #tpu.memory_space<vmem>> -> memref<128xi32, #tpu.memory_space<vmem>>
      %dma_start3A_173 = arith.constant 0 : i32
      %dma_start3A_174 = arith.constant 0 : i32
      %dma_start3A_175 = tpu.memref_slice %arg12[%dma_start3A_173, %dma_start3A_174] : memref<50048x32xf32, #tpu.memory_space<vmem_shared>> -> memref<50048x32xf32, #tpu.memory_space<vmem_shared>>
      tpu.enqueue_indirect_dma source(%dma_start3A_169 : memref<128x32xf32, #tpu.memory_space<vmem>>) target(%dma_start3A_175 : memref<50048x32xf32, #tpu.memory_space<vmem_shared>>) offsets(%dma_start3A_172 : memref<128xi32, #tpu.memory_space<vmem>>) semaphore(%arg14 : memref<!tpu.dma_semaphore, #tpu.memory_space<semaphore_mem>>) {add = true}
      %dma_start3A_176 = arith.constant 3 : i32
      %dma_start3A_177 = arith.constant 384 : i32
      %dma_start3A_178 = arith.constant 0 : i32
      %dma_start3A_179 = tpu.memref_slice %arg11[%dma_start3A_177, %dma_start3A_178] : memref<512x32xf32, #tpu.memory_space<vmem>> -> memref<128x32xf32, #tpu.memory_space<vmem>>
      %dma_start3A_180 = arith.constant 0 : i32
      %dma_start3A_181 = tpu.memref_slice %arg10[%dma_start3A_176, %dma_start3A_180] : memref<4x128xi32, #tpu.memory_space<vmem>> -> memref<1x128xi32, #tpu.memory_space<vmem>>
      %dma_start3A_182 = tpu.memref_squeeze %dma_start3A_181 : memref<1x128xi32, #tpu.memory_space<vmem>> -> memref<128xi32, #tpu.memory_space<vmem>>
      %dma_start3A_183 = arith.constant 0 : i32
      %dma_start3A_184 = arith.constant 0 : i32
      %dma_start3A_185 = tpu.memref_slice %arg12[%dma_start3A_183, %dma_start3A_184] : memref<50048x32xf32, #tpu.memory_space<vmem_shared>> -> memref<50048x32xf32, #tpu.memory_space<vmem_shared>>
      tpu.enqueue_indirect_dma source(%dma_start3A_179 : memref<128x32xf32, #tpu.memory_space<vmem>>) target(%dma_start3A_185 : memref<50048x32xf32, #tpu.memory_space<vmem_shared>>) offsets(%dma_start3A_182 : memref<128xi32, #tpu.memory_space<vmem>>) semaphore(%arg14 : memref<!tpu.dma_semaphore, #tpu.memory_space<semaphore_mem>>) {add = true}
      %dma_wait3A_186 = arith.constant 0 : i32
      %dma_wait3A_187 = arith.constant 0 : i32
      %dma_wait3A_188 = arith.constant 0 : i32
      %dma_wait3A_189 = tpu.memref_slice %arg11[%dma_wait3A_187, %dma_wait3A_188] : memref<512x32xf32, #tpu.memory_space<vmem>> -> memref<128x32xf32, #tpu.memory_space<vmem>>
      %dma_wait3A_190 = arith.constant 0 : i32
      %dma_wait3A_191 = tpu.memref_slice %arg10[%dma_wait3A_186, %dma_wait3A_190] : memref<4x128xi32, #tpu.memory_space<vmem>> -> memref<1x128xi32, #tpu.memory_space<vmem>>
      %dma_wait3A_192 = tpu.memref_squeeze %dma_wait3A_191 : memref<1x128xi32, #tpu.memory_space<vmem>> -> memref<128xi32, #tpu.memory_space<vmem>>
      %dma_wait3A_193 = arith.constant 0 : i32
      %dma_wait3A_194 = arith.constant 0 : i32
      %dma_wait3A_195 = tpu.memref_slice %arg12[%dma_wait3A_193, %dma_wait3A_194] : memref<50048x32xf32, #tpu.memory_space<vmem_shared>> -> memref<50048x32xf32, #tpu.memory_space<vmem_shared>>
      tpu.wait_indirect_dma semaphore(%arg14 : memref<!tpu.dma_semaphore, #tpu.memory_space<semaphore_mem>>) src(%dma_wait3A_189 : memref<128x32xf32, #tpu.memory_space<vmem>>) dst(%dma_wait3A_195 : memref<50048x32xf32, #tpu.memory_space<vmem_shared>>)
      %dma_wait3A_196 = arith.constant 1 : i32
      %dma_wait3A_197 = arith.constant 128 : i32
      %dma_wait3A_198 = arith.constant 0 : i32
      %dma_wait3A_199 = tpu.memref_slice %arg11[%dma_wait3A_197, %dma_wait3A_198] : memref<512x32xf32, #tpu.memory_space<vmem>> -> memref<128x32xf32, #tpu.memory_space<vmem>>
      %dma_wait3A_200 = arith.constant 0 : i32
      %dma_wait3A_201 = tpu.memref_slice %arg10[%dma_wait3A_196, %dma_wait3A_200] : memref<4x128xi32, #tpu.memory_space<vmem>> -> memref<1x128xi32, #tpu.memory_space<vmem>>
      %dma_wait3A_202 = tpu.memref_squeeze %dma_wait3A_201 : memref<1x128xi32, #tpu.memory_space<vmem>> -> memref<128xi32, #tpu.memory_space<vmem>>
      %dma_wait3A_203 = arith.constant 0 : i32
      %dma_wait3A_204 = arith.constant 0 : i32
      %dma_wait3A_205 = tpu.memref_slice %arg12[%dma_wait3A_203, %dma_wait3A_204] : memref<50048x32xf32, #tpu.memory_space<vmem_shared>> -> memref<50048x32xf32, #tpu.memory_space<vmem_shared>>
      tpu.wait_indirect_dma semaphore(%arg14 : memref<!tpu.dma_semaphore, #tpu.memory_space<semaphore_mem>>) src(%dma_wait3A_199 : memref<128x32xf32, #tpu.memory_space<vmem>>) dst(%dma_wait3A_205 : memref<50048x32xf32, #tpu.memory_space<vmem_shared>>)
      %dma_wait3A_206 = arith.constant 2 : i32
      %dma_wait3A_207 = arith.constant 256 : i32
      %dma_wait3A_208 = arith.constant 0 : i32
      %dma_wait3A_209 = tpu.memref_slice %arg11[%dma_wait3A_207, %dma_wait3A_208] : memref<512x32xf32, #tpu.memory_space<vmem>> -> memref<128x32xf32, #tpu.memory_space<vmem>>
      %dma_wait3A_210 = arith.constant 0 : i32
      %dma_wait3A_211 = tpu.memref_slice %arg10[%dma_wait3A_206, %dma_wait3A_210] : memref<4x128xi32, #tpu.memory_space<vmem>> -> memref<1x128xi32, #tpu.memory_space<vmem>>
      %dma_wait3A_212 = tpu.memref_squeeze %dma_wait3A_211 : memref<1x128xi32, #tpu.memory_space<vmem>> -> memref<128xi32, #tpu.memory_space<vmem>>
      %dma_wait3A_213 = arith.constant 0 : i32
      %dma_wait3A_214 = arith.constant 0 : i32
      %dma_wait3A_215 = tpu.memref_slice %arg12[%dma_wait3A_213, %dma_wait3A_214] : memref<50048x32xf32, #tpu.memory_space<vmem_shared>> -> memref<50048x32xf32, #tpu.memory_space<vmem_shared>>
      tpu.wait_indirect_dma semaphore(%arg14 : memref<!tpu.dma_semaphore, #tpu.memory_space<semaphore_mem>>) src(%dma_wait3A_209 : memref<128x32xf32, #tpu.memory_space<vmem>>) dst(%dma_wait3A_215 : memref<50048x32xf32, #tpu.memory_space<vmem_shared>>)
      %dma_wait3A_216 = arith.constant 3 : i32
      %dma_wait3A_217 = arith.constant 384 : i32
      %dma_wait3A_218 = arith.constant 0 : i32
      %dma_wait3A_219 = tpu.memref_slice %arg11[%dma_wait3A_217, %dma_wait3A_218] : memref<512x32xf32, #tpu.memory_space<vmem>> -> memref<128x32xf32, #tpu.memory_space<vmem>>
      %dma_wait3A_220 = arith.constant 0 : i32
      %dma_wait3A_221 = tpu.memref_slice %arg10[%dma_wait3A_216, %dma_wait3A_220] : memref<4x128xi32, #tpu.memory_space<vmem>> -> memref<1x128xi32, #tpu.memory_space<vmem>>
      %dma_wait3A_222 = tpu.memref_squeeze %dma_wait3A_221 : memref<1x128xi32, #tpu.memory_space<vmem>> -> memref<128xi32, #tpu.memory_space<vmem>>
      %dma_wait3A_223 = arith.constant 0 : i32
      %dma_wait3A_224 = arith.constant 0 : i32
      %dma_wait3A_225 = tpu.memref_slice %arg12[%dma_wait3A_223, %dma_wait3A_224] : memref<50048x32xf32, #tpu.memory_space<vmem_shared>> -> memref<50048x32xf32, #tpu.memory_space<vmem_shared>>
      tpu.wait_indirect_dma semaphore(%arg14 : memref<!tpu.dma_semaphore, #tpu.memory_space<semaphore_mem>>) src(%dma_wait3A_219 : memref<128x32xf32, #tpu.memory_space<vmem>>) dst(%dma_wait3A_225 : memref<50048x32xf32, #tpu.memory_space<vmem_shared>>)
      %scan3A_226 = arith.constant 0 : i32
      scf.yield %scan3A_226 : i32
    }
    %scan3A_25 = arith.constant 196 : i32
    %barrier3A_26 = arith.constant 0 : index
    tpu.barrier barrier_id(%barrier3A_26)
    %mul3A_27 = arith.constant 3128 : i32
    %mul3A_28 = arith.muli %arg1, %mul3A_27 : i32
    %scan3A_29 = arith.constant 0 : i32
    %scan3A_30 = arith.constant 0 : i32
    %scan3A_31 = arith.constant 6 : i32
    %scan3A_32 = arith.addi %scan3A_30, %scan3A_31 : i32
    %scan3A_33 = arith.constant 1 : i32
    %scan3A_34 = scf.for %scan3A_42 = %scan3A_30 to %scan3A_32 step %scan3A_33 iter_args(%scan3A_43 = %scan3A_29) -> (i32)  : i32 {
      %mul3A_44 = arith.constant 512 : i32
      %mul3A_45 = arith.muli %scan3A_42, %mul3A_44 : i32
      %add3A_46 = arith.addi %mul3A_28, %mul3A_45 : i32
      "tpu.region"() ({
        %run_scoped3A = tpu.sem_alloc : memref<!tpu.dma_semaphore, #tpu.memory_space<semaphore_mem>>
        %dma_start3A = arith.constant 0 : i32
        %dma_start3A_52 = tpu.memref_slice %arg12[%add3A_46, %dma_start3A] : memref<50048x32xf32, #tpu.memory_space<vmem_shared>> -> memref<512x32xf32, #tpu.memory_space<vmem_shared>>
        %dma_start3A_53 = arith.constant 0 : i32
        %dma_start3A_54 = tpu.memref_slice %arg12[%add3A_46, %dma_start3A_53] : memref<50048x32xf32, #tpu.memory_space<vmem_shared>> -> memref<512x32xf32, #tpu.memory_space<vmem_shared>>
        tpu.enqueue_dma source(%dma_start3A_54 : memref<512x32xf32, #tpu.memory_space<vmem_shared>>) target(%arg11 : memref<512x32xf32, #tpu.memory_space<vmem>>) target_semaphore(%run_scoped3A : memref<!tpu.dma_semaphore, #tpu.memory_space<semaphore_mem>>)
        %dma_wait3A = arith.constant 0 : i32
        %dma_wait3A_55 = tpu.memref_slice %arg12[%add3A_46, %dma_wait3A] : memref<50048x32xf32, #tpu.memory_space<vmem_shared>> -> memref<512x32xf32, #tpu.memory_space<vmem_shared>>
        %dma_wait3A_56 = arith.constant 0 : i32
        %dma_wait3A_57 = tpu.memref_slice %arg12[%add3A_46, %dma_wait3A_56] : memref<50048x32xf32, #tpu.memory_space<vmem_shared>> -> memref<512x32xf32, #tpu.memory_space<vmem_shared>>
        tpu.wait_dma2 semaphore(%run_scoped3A : memref<!tpu.dma_semaphore, #tpu.memory_space<semaphore_mem>>) src(%dma_wait3A_57 : memref<512x32xf32, #tpu.memory_space<vmem_shared>>) dst(%arg11 : memref<512x32xf32, #tpu.memory_space<vmem>>)
        tpu.yield
      }) : () -> ()
      %add3A_47 = arith.addi %mul3A_0, %mul3A_28 : i32
      %mul3A_48 = arith.constant 512 : i32
      %mul3A_49 = arith.muli %scan3A_42, %mul3A_48 : i32
      %add3A_50 = arith.addi %add3A_47, %mul3A_49 : i32
      "tpu.region"() ({
        %run_scoped3A = tpu.sem_alloc : memref<!tpu.dma_semaphore, #tpu.memory_space<semaphore_mem>>
        %dma_start3A = arith.constant 0 : i32
        %dma_start3A_52 = tpu.memref_slice %arg6[%add3A_50, %dma_start3A] : memref<100000x32xf32, #tpu.memory_space<hbm>> -> memref<512x32xf32, #tpu.memory_space<hbm>>
        %dma_start3A_53 = arith.constant 0 : i32
        %dma_start3A_54 = tpu.memref_slice %arg6[%add3A_50, %dma_start3A_53] : memref<100000x32xf32, #tpu.memory_space<hbm>> -> memref<512x32xf32, #tpu.memory_space<hbm>>
        tpu.enqueue_dma source(%arg11 : memref<512x32xf32, #tpu.memory_space<vmem>>) target(%dma_start3A_54 : memref<512x32xf32, #tpu.memory_space<hbm>>) target_semaphore(%run_scoped3A : memref<!tpu.dma_semaphore, #tpu.memory_space<semaphore_mem>>)
        %dma_wait3A = arith.constant 0 : i32
        %dma_wait3A_55 = tpu.memref_slice %arg6[%add3A_50, %dma_wait3A] : memref<100000x32xf32, #tpu.memory_space<hbm>> -> memref<512x32xf32, #tpu.memory_space<hbm>>
        %dma_wait3A_56 = arith.constant 0 : i32
        %dma_wait3A_57 = tpu.memref_slice %arg6[%add3A_50, %dma_wait3A_56] : memref<100000x32xf32, #tpu.memory_space<hbm>> -> memref<512x32xf32, #tpu.memory_space<hbm>>
        tpu.wait_dma2 semaphore(%run_scoped3A : memref<!tpu.dma_semaphore, #tpu.memory_space<semaphore_mem>>) src(%arg11 : memref<512x32xf32, #tpu.memory_space<vmem>>) dst(%dma_wait3A_57 : memref<512x32xf32, #tpu.memory_space<hbm>>)
        tpu.yield
      }) : () -> ()
      %scan3A_51 = arith.constant 0 : i32
      scf.yield %scan3A_51 : i32
    }
    %scan3A_35 = arith.constant 6 : i32
    %lt3A = arith.constant 15 : i32
    %lt3A_36 = arith.cmpi slt, %arg1, %lt3A : i32
    %convert_element_type3A = arith.extui %lt3A_36 : i1 to i32
    %cond3A = arith.constant 0 : i32
    %cond3A_37 = arith.cmpi ne, %convert_element_type3A, %cond3A : i32
    scf.if %cond3A_37 {
      %add3A_42 = arith.constant 3072 : i32
      %add3A_43 = arith.addi %mul3A_28, %add3A_42 : i32
      "tpu.region"() ({
        %run_scoped3A = tpu.sem_alloc : memref<!tpu.dma_semaphore, #tpu.memory_space<semaphore_mem>>
        %dma_start3A = arith.constant 0 : i32
        %dma_start3A_47 = arith.constant 0 : i32
        %dma_start3A_48 = tpu.memref_slice %arg11[%dma_start3A, %dma_start3A_47] : memref<512x32xf32, #tpu.memory_space<vmem>> -> memref<56x32xf32, #tpu.memory_space<vmem>>
        %dma_start3A_49 = arith.constant 0 : i32
        %dma_start3A_50 = tpu.memref_slice %arg12[%add3A_43, %dma_start3A_49] : memref<50048x32xf32, #tpu.memory_space<vmem_shared>> -> memref<56x32xf32, #tpu.memory_space<vmem_shared>>
        %dma_start3A_51 = arith.constant 0 : i32
        %dma_start3A_52 = arith.constant 0 : i32
        %dma_start3A_53 = tpu.memref_slice %arg11[%dma_start3A_51, %dma_start3A_52] : memref<512x32xf32, #tpu.memory_space<vmem>> -> memref<56x32xf32, #tpu.memory_space<vmem>>
        %dma_start3A_54 = arith.constant 0 : i32
        %dma_start3A_55 = tpu.memref_slice %arg12[%add3A_43, %dma_start3A_54] : memref<50048x32xf32, #tpu.memory_space<vmem_shared>> -> memref<56x32xf32, #tpu.memory_space<vmem_shared>>
        tpu.enqueue_dma source(%dma_start3A_55 : memref<56x32xf32, #tpu.memory_space<vmem_shared>>) target(%dma_start3A_53 : memref<56x32xf32, #tpu.memory_space<vmem>>) target_semaphore(%run_scoped3A : memref<!tpu.dma_semaphore, #tpu.memory_space<semaphore_mem>>)
        %dma_wait3A = arith.constant 0 : i32
        %dma_wait3A_56 = arith.constant 0 : i32
        %dma_wait3A_57 = tpu.memref_slice %arg11[%dma_wait3A, %dma_wait3A_56] : memref<512x32xf32, #tpu.memory_space<vmem>> -> memref<56x32xf32, #tpu.memory_space<vmem>>
        %dma_wait3A_58 = arith.constant 0 : i32
        %dma_wait3A_59 = tpu.memref_slice %arg12[%add3A_43, %dma_wait3A_58] : memref<50048x32xf32, #tpu.memory_space<vmem_shared>> -> memref<56x32xf32, #tpu.memory_space<vmem_shared>>
        %dma_wait3A_60 = arith.constant 0 : i32
        %dma_wait3A_61 = arith.constant 0 : i32
        %dma_wait3A_62 = tpu.memref_slice %arg11[%dma_wait3A_60, %dma_wait3A_61] : memref<512x32xf32, #tpu.memory_space<vmem>> -> memref<56x32xf32, #tpu.memory_space<vmem>>
        %dma_wait3A_63 = arith.constant 0 : i32
        %dma_wait3A_64 = tpu.memref_slice %arg12[%add3A_43, %dma_wait3A_63] : memref<50048x32xf32, #tpu.memory_space<vmem_shared>> -> memref<56x32xf32, #tpu.memory_space<vmem_shared>>
        tpu.wait_dma2 semaphore(%run_scoped3A : memref<!tpu.dma_semaphore, #tpu.memory_space<semaphore_mem>>) src(%dma_wait3A_64 : memref<56x32xf32, #tpu.memory_space<vmem_shared>>) dst(%dma_wait3A_62 : memref<56x32xf32, #tpu.memory_space<vmem>>)
        tpu.yield
      }) : () -> ()
      %add3A_44 = arith.addi %mul3A_0, %mul3A_28 : i32
      %add3A_45 = arith.constant 3072 : i32
      %add3A_46 = arith.addi %add3A_44, %add3A_45 : i32
      "tpu.region"() ({
        %run_scoped3A = tpu.sem_alloc : memref<!tpu.dma_semaphore, #tpu.memory_space<semaphore_mem>>
        %dma_start3A = arith.constant 0 : i32
        %dma_start3A_47 = arith.constant 0 : i32
        %dma_start3A_48 = tpu.memref_slice %arg11[%dma_start3A, %dma_start3A_47] : memref<512x32xf32, #tpu.memory_space<vmem>> -> memref<56x32xf32, #tpu.memory_space<vmem>>
        %dma_start3A_49 = arith.constant 0 : i32
        %dma_start3A_50 = tpu.memref_slice %arg6[%add3A_46, %dma_start3A_49] : memref<100000x32xf32, #tpu.memory_space<hbm>> -> memref<56x32xf32, #tpu.memory_space<hbm>>
        %dma_start3A_51 = arith.constant 0 : i32
        %dma_start3A_52 = tpu.memref_slice %arg6[%add3A_46, %dma_start3A_51] : memref<100000x32xf32, #tpu.memory_space<hbm>> -> memref<56x32xf32, #tpu.memory_space<hbm>>
        %dma_start3A_53 = arith.constant 0 : i32
        %dma_start3A_54 = arith.constant 0 : i32
        %dma_start3A_55 = tpu.memref_slice %arg11[%dma_start3A_53, %dma_start3A_54] : memref<512x32xf32, #tpu.memory_space<vmem>> -> memref<56x32xf32, #tpu.memory_space<vmem>>
        tpu.enqueue_dma source(%dma_start3A_55 : memref<56x32xf32, #tpu.memory_space<vmem>>) target(%dma_start3A_52 : memref<56x32xf32, #tpu.memory_space<hbm>>) target_semaphore(%run_scoped3A : memref<!tpu.dma_semaphore, #tpu.memory_space<semaphore_mem>>)
        %dma_wait3A = arith.constant 0 : i32
        %dma_wait3A_56 = arith.constant 0 : i32
        %dma_wait3A_57 = tpu.memref_slice %arg11[%dma_wait3A, %dma_wait3A_56] : memref<512x32xf32, #tpu.memory_space<vmem>> -> memref<56x32xf32, #tpu.memory_space<vmem>>
        %dma_wait3A_58 = arith.constant 0 : i32
        %dma_wait3A_59 = tpu.memref_slice %arg6[%add3A_46, %dma_wait3A_58] : memref<100000x32xf32, #tpu.memory_space<hbm>> -> memref<56x32xf32, #tpu.memory_space<hbm>>
        %dma_wait3A_60 = arith.constant 0 : i32
        %dma_wait3A_61 = tpu.memref_slice %arg6[%add3A_46, %dma_wait3A_60] : memref<100000x32xf32, #tpu.memory_space<hbm>> -> memref<56x32xf32, #tpu.memory_space<hbm>>
        %dma_wait3A_62 = arith.constant 0 : i32
        %dma_wait3A_63 = arith.constant 0 : i32
        %dma_wait3A_64 = tpu.memref_slice %arg11[%dma_wait3A_62, %dma_wait3A_63] : memref<512x32xf32, #tpu.memory_space<vmem>> -> memref<56x32xf32, #tpu.memory_space<vmem>>
        tpu.wait_dma2 semaphore(%run_scoped3A : memref<!tpu.dma_semaphore, #tpu.memory_space<semaphore_mem>>) src(%dma_wait3A_64 : memref<56x32xf32, #tpu.memory_space<vmem>>) dst(%dma_wait3A_61 : memref<56x32xf32, #tpu.memory_space<hbm>>)
        tpu.yield
      }) : () -> ()
    } else {
    }
    %eq3A = arith.constant 15 : i32
    %eq3A_38 = arith.cmpi eq, %arg1, %eq3A : i32
    %convert_element_type3A_39 = arith.extui %eq3A_38 : i1 to i32
    %cond3A_40 = arith.constant 0 : i32
    %cond3A_41 = arith.cmpi ne, %convert_element_type3A_39, %cond3A_40 : i32
    scf.if %cond3A_41 {
      %add3A_42 = arith.constant 3072 : i32
      %add3A_43 = arith.addi %mul3A_28, %add3A_42 : i32
      "tpu.region"() ({
        %run_scoped3A = tpu.sem_alloc : memref<!tpu.dma_semaphore, #tpu.memory_space<semaphore_mem>>
        %dma_start3A = arith.constant 0 : i32
        %dma_start3A_47 = arith.constant 0 : i32
        %dma_start3A_48 = tpu.memref_slice %arg11[%dma_start3A, %dma_start3A_47] : memref<512x32xf32, #tpu.memory_space<vmem>> -> memref<8x32xf32, #tpu.memory_space<vmem>>
        %dma_start3A_49 = arith.constant 0 : i32
        %dma_start3A_50 = tpu.memref_slice %arg12[%add3A_43, %dma_start3A_49] : memref<50048x32xf32, #tpu.memory_space<vmem_shared>> -> memref<8x32xf32, #tpu.memory_space<vmem_shared>>
        %dma_start3A_51 = arith.constant 0 : i32
        %dma_start3A_52 = arith.constant 0 : i32
        %dma_start3A_53 = tpu.memref_slice %arg11[%dma_start3A_51, %dma_start3A_52] : memref<512x32xf32, #tpu.memory_space<vmem>> -> memref<8x32xf32, #tpu.memory_space<vmem>>
        %dma_start3A_54 = arith.constant 0 : i32
        %dma_start3A_55 = tpu.memref_slice %arg12[%add3A_43, %dma_start3A_54] : memref<50048x32xf32, #tpu.memory_space<vmem_shared>> -> memref<8x32xf32, #tpu.memory_space<vmem_shared>>
        tpu.enqueue_dma source(%dma_start3A_55 : memref<8x32xf32, #tpu.memory_space<vmem_shared>>) target(%dma_start3A_53 : memref<8x32xf32, #tpu.memory_space<vmem>>) target_semaphore(%run_scoped3A : memref<!tpu.dma_semaphore, #tpu.memory_space<semaphore_mem>>)
        %dma_wait3A = arith.constant 0 : i32
        %dma_wait3A_56 = arith.constant 0 : i32
        %dma_wait3A_57 = tpu.memref_slice %arg11[%dma_wait3A, %dma_wait3A_56] : memref<512x32xf32, #tpu.memory_space<vmem>> -> memref<8x32xf32, #tpu.memory_space<vmem>>
        %dma_wait3A_58 = arith.constant 0 : i32
        %dma_wait3A_59 = tpu.memref_slice %arg12[%add3A_43, %dma_wait3A_58] : memref<50048x32xf32, #tpu.memory_space<vmem_shared>> -> memref<8x32xf32, #tpu.memory_space<vmem_shared>>
        %dma_wait3A_60 = arith.constant 0 : i32
        %dma_wait3A_61 = arith.constant 0 : i32
        %dma_wait3A_62 = tpu.memref_slice %arg11[%dma_wait3A_60, %dma_wait3A_61] : memref<512x32xf32, #tpu.memory_space<vmem>> -> memref<8x32xf32, #tpu.memory_space<vmem>>
        %dma_wait3A_63 = arith.constant 0 : i32
        %dma_wait3A_64 = tpu.memref_slice %arg12[%add3A_43, %dma_wait3A_63] : memref<50048x32xf32, #tpu.memory_space<vmem_shared>> -> memref<8x32xf32, #tpu.memory_space<vmem_shared>>
        tpu.wait_dma2 semaphore(%run_scoped3A : memref<!tpu.dma_semaphore, #tpu.memory_space<semaphore_mem>>) src(%dma_wait3A_64 : memref<8x32xf32, #tpu.memory_space<vmem_shared>>) dst(%dma_wait3A_62 : memref<8x32xf32, #tpu.memory_space<vmem>>)
        tpu.yield
      }) : () -> ()
      %add3A_44 = arith.addi %mul3A_0, %mul3A_28 : i32
      %add3A_45 = arith.constant 3072 : i32
      %add3A_46 = arith.addi %add3A_44, %add3A_45 : i32
      "tpu.region"() ({
        %run_scoped3A = tpu.sem_alloc : memref<!tpu.dma_semaphore, #tpu.memory_space<semaphore_mem>>
        %dma_start3A = arith.constant 0 : i32
        %dma_start3A_47 = arith.constant 0 : i32
        %dma_start3A_48 = tpu.memref_slice %arg11[%dma_start3A, %dma_start3A_47] : memref<512x32xf32, #tpu.memory_space<vmem>> -> memref<8x32xf32, #tpu.memory_space<vmem>>
        %dma_start3A_49 = arith.constant 0 : i32
        %dma_start3A_50 = tpu.memref_slice %arg6[%add3A_46, %dma_start3A_49] : memref<100000x32xf32, #tpu.memory_space<hbm>> -> memref<8x32xf32, #tpu.memory_space<hbm>>
        %dma_start3A_51 = arith.constant 0 : i32
        %dma_start3A_52 = tpu.memref_slice %arg6[%add3A_46, %dma_start3A_51] : memref<100000x32xf32, #tpu.memory_space<hbm>> -> memref<8x32xf32, #tpu.memory_space<hbm>>
        %dma_start3A_53 = arith.constant 0 : i32
        %dma_start3A_54 = arith.constant 0 : i32
        %dma_start3A_55 = tpu.memref_slice %arg11[%dma_start3A_53, %dma_start3A_54] : memref<512x32xf32, #tpu.memory_space<vmem>> -> memref<8x32xf32, #tpu.memory_space<vmem>>
        tpu.enqueue_dma source(%dma_start3A_55 : memref<8x32xf32, #tpu.memory_space<vmem>>) target(%dma_start3A_52 : memref<8x32xf32, #tpu.memory_space<hbm>>) target_semaphore(%run_scoped3A : memref<!tpu.dma_semaphore, #tpu.memory_space<semaphore_mem>>)
        %dma_wait3A = arith.constant 0 : i32
        %dma_wait3A_56 = arith.constant 0 : i32
        %dma_wait3A_57 = tpu.memref_slice %arg11[%dma_wait3A, %dma_wait3A_56] : memref<512x32xf32, #tpu.memory_space<vmem>> -> memref<8x32xf32, #tpu.memory_space<vmem>>
        %dma_wait3A_58 = arith.constant 0 : i32
        %dma_wait3A_59 = tpu.memref_slice %arg6[%add3A_46, %dma_wait3A_58] : memref<100000x32xf32, #tpu.memory_space<hbm>> -> memref<8x32xf32, #tpu.memory_space<hbm>>
        %dma_wait3A_60 = arith.constant 0 : i32
        %dma_wait3A_61 = tpu.memref_slice %arg6[%add3A_46, %dma_wait3A_60] : memref<100000x32xf32, #tpu.memory_space<hbm>> -> memref<8x32xf32, #tpu.memory_space<hbm>>
        %dma_wait3A_62 = arith.constant 0 : i32
        %dma_wait3A_63 = arith.constant 0 : i32
        %dma_wait3A_64 = tpu.memref_slice %arg11[%dma_wait3A_62, %dma_wait3A_63] : memref<512x32xf32, #tpu.memory_space<vmem>> -> memref<8x32xf32, #tpu.memory_space<vmem>>
        tpu.wait_dma2 semaphore(%run_scoped3A : memref<!tpu.dma_semaphore, #tpu.memory_space<semaphore_mem>>) src(%dma_wait3A_64 : memref<8x32xf32, #tpu.memory_space<vmem>>) dst(%dma_wait3A_61 : memref<8x32xf32, #tpu.memory_space<hbm>>)
        tpu.yield
      }) : () -> ()
    } else {
    }
    return
  }
}

#map = affine_map<(d0, d1) -> (0, 0)>
#map1 = affine_map<(d0, d1) -> (0)>
module attributes {stable_mosaic.version = 14 : i64} {
  func.func @_layer_body(%arg0: i32, %arg1: i32, %arg2: memref<100000x32xf32, #tpu.memory_space<hbm>>, %arg3: memref<12544x128xi32, #tpu.memory_space<hbm>>, %arg4: memref<1605632xi32, #tpu.memory_space<hbm>>, %arg5: memref<1605632xf32, #tpu.memory_space<hbm>>, %arg6: memref<100000x32xf32, #tpu.memory_space<hbm>>, %arg7: memref<4x128xi32, #tpu.memory_space<vmem>>, %arg8: memref<512xi32, #tpu.memory_space<vmem>>, %arg9: memref<512xf32, #tpu.memory_space<vmem>>, %arg10: memref<4x128xi32, #tpu.memory_space<vmem>>, %arg11: memref<512x32xf32, #tpu.memory_space<vmem>>, %arg12: memref<50048x32xf32, #tpu.memory_space<vmem_shared>>, %arg13: memref<!tpu.dma_semaphore, #tpu.memory_space<semaphore_mem>>, %arg14: memref<!tpu.dma_semaphore, #tpu.memory_space<semaphore_mem>>) attributes {dimension_semantics = [#tpu.dimension_semantics<core_parallel>, #tpu.dimension_semantics<subcore_parallel>], iteration_bounds = array<i64: 2, 16>, scalar_prefetch = 0 : i64, scratch_operands = 8 : i64, tpu.core_type = #tpu.core_type<sc_vector_subcore>, window_params = [{transform_indices = #map}, {transform_indices = #map}, {transform_indices = #map1}, {transform_indices = #map1}, {transform_indices = #map}]} {
    %mul3A = arith.constant 50000 : i32
    %mul3A_0 = arith.muli %arg0, %mul3A : i32
    %broadcast_in_dim3A = arith.constant 0.000000e+00 : f32
    %broadcast_in_dim3A_1 = vector.broadcast %broadcast_in_dim3A : f32 to vector<16xf32>
    %scan3A = arith.constant 0 : i32
    %scan3A_2 = arith.constant 0 : i32
    %scan3A_3 = arith.constant 512 : i32
    %scan3A_4 = arith.addi %scan3A_2, %scan3A_3 : i32
    %scan3A_5 = arith.constant 1 : i32
    %scan3A_6 = scf.for %scan3A_42 = %scan3A_2 to %scan3A_4 step %scan3A_5 iter_args(%scan3A_43 = %scan3A) -> (i32)  : i32 {
      %swap3A = arith.index_cast %scan3A_42 : i32 to index
      %swap3A_44 = arith.constant 0 : index
      %swap3A_45 = tpu.vector_load %arg11[%swap3A, %swap3A_44] {strides = array<i32>} : memref<512x32xf32, #tpu.memory_space<vmem>>, vector<1x16xf32>,
      %swap3A_46 = vector.shape_cast %swap3A_45 : vector<1x16xf32> to vector<16xf32>
      %swap3A_47 = vector.shape_cast %broadcast_in_dim3A_1 : vector<16xf32> to vector<1x16xf32>
      tpu.vector_store %arg11[%swap3A, %swap3A_44], %swap3A_47 {strides = array<i32>} : memref<512x32xf32, #tpu.memory_space<vmem>>, vector<1x16xf32>,
      %swap3A_48 = arith.index_cast %scan3A_42 : i32 to index
      %swap3A_49 = arith.constant 16 : index
      %swap3A_50 = tpu.vector_load %arg11[%swap3A_48, %swap3A_49] {strides = array<i32>} : memref<512x32xf32, #tpu.memory_space<vmem>>, vector<1x16xf32>,
      %swap3A_51 = vector.shape_cast %swap3A_50 : vector<1x16xf32> to vector<16xf32>
      %swap3A_52 = vector.shape_cast %broadcast_in_dim3A_1 : vector<16xf32> to vector<1x16xf32>
      tpu.vector_store %arg11[%swap3A_48, %swap3A_49], %swap3A_52 {strides = array<i32>} : memref<512x32xf32, #tpu.memory_space<vmem>>, vector<1x16xf32>,
      %scan3A_53 = arith.constant 0 : i32
      scf.yield %scan3A_53 : i32
    }
    %scan3A_7 = arith.constant 512 : i32
    %mul3A_8 = arith.constant 3128 : i32
    %mul3A_9 = arith.muli %arg1, %mul3A_8 : i32
    %scan3A_10 = arith.constant 0 : i32
    %scan3A_11 = arith.constant 0 : i32
    %scan3A_12 = arith.constant 6 : i32
    %scan3A_13 = arith.addi %scan3A_11, %scan3A_12 : i32
    %scan3A_14 = arith.constant 1 : i32
    %scan3A_15 = scf.for %scan3A_42 = %scan3A_11 to %scan3A_13 step %scan3A_14 iter_args(%scan3A_43 = %scan3A_10) -> (i32)  : i32 {
      %mul3A_44 = arith.constant 512 : i32
      %mul3A_45 = arith.muli %scan3A_42, %mul3A_44 : i32
      %add3A_46 = arith.addi %mul3A_9, %mul3A_45 : i32
      "tpu.region"() ({
        %run_scoped3A = tpu.sem_alloc : memref<!tpu.dma_semaphore, #tpu.memory_space<semaphore_mem>>
        %dma_start3A = arith.constant 0 : i32
        %dma_start3A_48 = tpu.memref_slice %arg12[%add3A_46, %dma_start3A] : memref<50048x32xf32, #tpu.memory_space<vmem_shared>> -> memref<512x32xf32, #tpu.memory_space<vmem_shared>>
        %dma_start3A_49 = arith.constant 0 : i32
        %dma_start3A_50 = tpu.memref_slice %arg12[%add3A_46, %dma_start3A_49] : memref<50048x32xf32, #tpu.memory_space<vmem_shared>> -> memref<512x32xf32, #tpu.memory_space<vmem_shared>>
        tpu.enqueue_dma source(%arg11 : memref<512x32xf32, #tpu.memory_space<vmem>>) target(%dma_start3A_50 : memref<512x32xf32, #tpu.memory_space<vmem_shared>>) target_semaphore(%run_scoped3A : memref<!tpu.dma_semaphore, #tpu.memory_space<semaphore_mem>>)
        %dma_wait3A = arith.constant 0 : i32
        %dma_wait3A_51 = tpu.memref_slice %arg12[%add3A_46, %dma_wait3A] : memref<50048x32xf32, #tpu.memory_space<vmem_shared>> -> memref<512x32xf32, #tpu.memory_space<vmem_shared>>
        %dma_wait3A_52 = arith.constant 0 : i32
        %dma_wait3A_53 = tpu.memref_slice %arg12[%add3A_46, %dma_wait3A_52] : memref<50048x32xf32, #tpu.memory_space<vmem_shared>> -> memref<512x32xf32, #tpu.memory_space<vmem_shared>>
        tpu.wait_dma2 semaphore(%run_scoped3A : memref<!tpu.dma_semaphore, #tpu.memory_space<semaphore_mem>>) src(%arg11 : memref<512x32xf32, #tpu.memory_space<vmem>>) dst(%dma_wait3A_53 : memref<512x32xf32, #tpu.memory_space<vmem_shared>>)
        tpu.yield
      }) : () -> ()
      %scan3A_47 = arith.constant 0 : i32
      scf.yield %scan3A_47 : i32
    }
    %scan3A_16 = arith.constant 6 : i32
    %add3A = arith.constant 3128 : i32
    %add3A_17 = arith.addi %mul3A_9, %add3A : i32
    %sub3A = arith.constant 56 : i32
    %sub3A_18 = arith.subi %add3A_17, %sub3A : i32
    "tpu.region"() ({
      %run_scoped3A = tpu.sem_alloc : memref<!tpu.dma_semaphore, #tpu.memory_space<semaphore_mem>>
      %dma_start3A = arith.constant 0 : i32
      %dma_start3A_42 = arith.constant 0 : i32
      %dma_start3A_43 = tpu.memref_slice %arg11[%dma_start3A, %dma_start3A_42] : memref<512x32xf32, #tpu.memory_space<vmem>> -> memref<56x32xf32, #tpu.memory_space<vmem>>
      %dma_start3A_44 = arith.constant 0 : i32
      %dma_start3A_45 = tpu.memref_slice %arg12[%sub3A_18, %dma_start3A_44] : memref<50048x32xf32, #tpu.memory_space<vmem_shared>> -> memref<56x32xf32, #tpu.memory_space<vmem_shared>>
      %dma_start3A_46 = arith.constant 0 : i32
      %dma_start3A_47 = tpu.memref_slice %arg12[%sub3A_18, %dma_start3A_46] : memref<50048x32xf32, #tpu.memory_space<vmem_shared>> -> memref<56x32xf32, #tpu.memory_space<vmem_shared>>
      %dma_start3A_48 = arith.constant 0 : i32
      %dma_start3A_49 = arith.constant 0 : i32
      %dma_start3A_50 = tpu.memref_slice %arg11[%dma_start3A_48, %dma_start3A_49] : memref<512x32xf32, #tpu.memory_space<vmem>> -> memref<56x32xf32, #tpu.memory_space<vmem>>
      tpu.enqueue_dma source(%dma_start3A_50 : memref<56x32xf32, #tpu.memory_space<vmem>>) target(%dma_start3A_47 : memref<56x32xf32, #tpu.memory_space<vmem_shared>>) target_semaphore(%run_scoped3A : memref<!tpu.dma_semaphore, #tpu.memory_space<semaphore_mem>>)
      %dma_wait3A = arith.constant 0 : i32
      %dma_wait3A_51 = arith.constant 0 : i32
      %dma_wait3A_52 = tpu.memref_slice %arg11[%dma_wait3A, %dma_wait3A_51] : memref<512x32xf32, #tpu.memory_space<vmem>> -> memref<56x32xf32, #tpu.memory_space<vmem>>
      %dma_wait3A_53 = arith.constant 0 : i32
      %dma_wait3A_54 = tpu.memref_slice %arg12[%sub3A_18, %dma_wait3A_53] : memref<50048x32xf32, #tpu.memory_space<vmem_shared>> -> memref<56x32xf32, #tpu.memory_space<vmem_shared>>
      %dma_wait3A_55 = arith.constant 0 : i32
      %dma_wait3A_56 = tpu.memref_slice %arg12[%sub3A_18, %dma_wait3A_55] : memref<50048x32xf32, #tpu.memory_space<vmem_shared>> -> memref<56x32xf32, #tpu.memory_space<vmem_shared>>
      %dma_wait3A_57 = arith.constant 0 : i32
      %dma_wait3A_58 = arith.constant 0 : i32
      %dma_wait3A_59 = tpu.memref_slice %arg11[%dma_wait3A_57, %dma_wait3A_58] : memref<512x32xf32, #tpu.memory_space<vmem>> -> memref<56x32xf32, #tpu.memory_space<vmem>>
      tpu.wait_dma2 semaphore(%run_scoped3A : memref<!tpu.dma_semaphore, #tpu.memory_space<semaphore_mem>>) src(%dma_wait3A_59 : memref<56x32xf32, #tpu.memory_space<vmem>>) dst(%dma_wait3A_56 : memref<56x32xf32, #tpu.memory_space<vmem_shared>>)
      tpu.yield
    }) : () -> ()
    %barrier3A = arith.constant 0 : index
    tpu.barrier barrier_id(%barrier3A)
    %scan3A_19 = arith.constant 0 : i32
    %scan3A_20 = arith.constant 0 : i32
    %scan3A_21 = arith.constant 196 : i32
    %scan3A_22 = arith.addi %scan3A_20, %scan3A_21 : i32
    %scan3A_23 = arith.constant 1 : i32
    %scan3A_24 = scf.for %scan3A_42 = %scan3A_20 to %scan3A_22 step %scan3A_23 iter_args(%scan3A_43 = %scan3A_19) -> (i32)  : i32 {
      %mul3A_44 = arith.constant 784 : i32
      %mul3A_45 = arith.muli %arg1, %mul3A_44 : i32
      %mul3A_46 = arith.constant 4 : i32
      %mul3A_47 = arith.muli %scan3A_42, %mul3A_46 : i32
      %add3A_48 = arith.addi %mul3A_45, %mul3A_47 : i32
      %mul3A_49 = arith.constant 100352 : i32
      %mul3A_50 = arith.muli %arg1, %mul3A_49 : i32
      %mul3A_51 = arith.constant 512 : i32
      %mul3A_52 = arith.muli %scan3A_42, %mul3A_51 : i32
      %add3A_53 = arith.addi %mul3A_50, %mul3A_52 : i32
      "tpu.region"() ({
        %run_scoped3A = tpu.sem_alloc : memref<!tpu.dma_semaphore, #tpu.memory_space<semaphore_mem>>
        %dma_start3A_227 = arith.constant 0 : i32
        %dma_start3A_228 = tpu.memref_slice %arg3[%add3A_48, %dma_start3A_227] : memref<12544x128xi32, #tpu.memory_space<hbm>> -> memref<4x128xi32, #tpu.memory_space<hbm>>
        %dma_start3A_229 = arith.constant 0 : i32
        %dma_start3A_230 = tpu.memref_slice %arg3[%add3A_48, %dma_start3A_229] : memref<12544x128xi32, #tpu.memory_space<hbm>> -> memref<4x128xi32, #tpu.memory_space<hbm>>
        tpu.enqueue_dma source(%dma_start3A_230 : memref<4x128xi32, #tpu.memory_space<hbm>>) target(%arg7 : memref<4x128xi32, #tpu.memory_space<vmem>>) target_semaphore(%run_scoped3A : memref<!tpu.dma_semaphore, #tpu.memory_space<semaphore_mem>>)
        %dma_wait3A_231 = arith.constant 0 : i32
        %dma_wait3A_232 = tpu.memref_slice %arg3[%add3A_48, %dma_wait3A_231] : memref<12544x128xi32, #tpu.memory_space<hbm>> -> memref<4x128xi32, #tpu.memory_space<hbm>>
        %dma_wait3A_233 = arith.constant 0 : i32
        %dma_wait3A_234 = tpu.memref_slice %arg3[%add3A_48, %dma_wait3A_233] : memref<12544x128xi32, #tpu.memory_space<hbm>> -> memref<4x128xi32, #tpu.memory_space<hbm>>
        tpu.wait_dma2 semaphore(%run_scoped3A : memref<!tpu.dma_semaphore, #tpu.memory_space<semaphore_mem>>) src(%dma_wait3A_234 : memref<4x128xi32, #tpu.memory_space<hbm>>) dst(%arg7 : memref<4x128xi32, #tpu.memory_space<vmem>>)
        tpu.yield
      }) : () -> ()
      "tpu.region"() ({
        %run_scoped3A = tpu.sem_alloc : memref<!tpu.dma_semaphore, #tpu.memory_space<semaphore_mem>>
        %dma_start3A_227 = tpu.memref_slice %arg4[%add3A_53] : memref<1605632xi32, #tpu.memory_space<hbm>> -> memref<512xi32, #tpu.memory_space<hbm>>
        %dma_start3A_228 = tpu.memref_slice %arg4[%add3A_53] : memref<1605632xi32, #tpu.memory_space<hbm>> -> memref<512xi32, #tpu.memory_space<hbm>>
        tpu.enqueue_dma source(%dma_start3A_228 : memref<512xi32, #tpu.memory_space<hbm>>) target(%arg8 : memref<512xi32, #tpu.memory_space<vmem>>) target_semaphore(%run_scoped3A : memref<!tpu.dma_semaphore, #tpu.memory_space<semaphore_mem>>)
        %dma_wait3A_229 = tpu.memref_slice %arg4[%add3A_53] : memref<1605632xi32, #tpu.memory_space<hbm>> -> memref<512xi32, #tpu.memory_space<hbm>>
        %dma_wait3A_230 = tpu.memref_slice %arg4[%add3A_53] : memref<1605632xi32, #tpu.memory_space<hbm>> -> memref<512xi32, #tpu.memory_space<hbm>>
        tpu.wait_dma2 semaphore(%run_scoped3A : memref<!tpu.dma_semaphore, #tpu.memory_space<semaphore_mem>>) src(%dma_wait3A_230 : memref<512xi32, #tpu.memory_space<hbm>>) dst(%arg8 : memref<512xi32, #tpu.memory_space<vmem>>)
        tpu.yield
      }) : () -> ()
      "tpu.region"() ({
        %run_scoped3A = tpu.sem_alloc : memref<!tpu.dma_semaphore, #tpu.memory_space<semaphore_mem>>
        %dma_start3A_227 = tpu.memref_slice %arg5[%add3A_53] : memref<1605632xf32, #tpu.memory_space<hbm>> -> memref<512xf32, #tpu.memory_space<hbm>>
        %dma_start3A_228 = tpu.memref_slice %arg5[%add3A_53] : memref<1605632xf32, #tpu.memory_space<hbm>> -> memref<512xf32, #tpu.memory_space<hbm>>
        tpu.enqueue_dma source(%dma_start3A_228 : memref<512xf32, #tpu.memory_space<hbm>>) target(%arg9 : memref<512xf32, #tpu.memory_space<vmem>>) target_semaphore(%run_scoped3A : memref<!tpu.dma_semaphore, #tpu.memory_space<semaphore_mem>>)
        %dma_wait3A_229 = tpu.memref_slice %arg5[%add3A_53] : memref<1605632xf32, #tpu.memory_space<hbm>> -> memref<512xf32, #tpu.memory_space<hbm>>
        %dma_wait3A_230 = tpu.memref_slice %arg5[%add3A_53] : memref<1605632xf32, #tpu.memory_space<hbm>> -> memref<512xf32, #tpu.memory_space<hbm>>
        tpu.wait_dma2 semaphore(%run_scoped3A : memref<!tpu.dma_semaphore, #tpu.memory_space<semaphore_mem>>) src(%dma_wait3A_230 : memref<512xf32, #tpu.memory_space<hbm>>) dst(%arg9 : memref<512xf32, #tpu.memory_space<vmem>>)
        tpu.yield
      }) : () -> ()
      %dma_start3A = arith.constant 0 : i32
      %dma_start3A_54 = arith.constant 0 : i32
      %dma_start3A_55 = arith.constant 0 : i32
      %dma_start3A_56 = tpu.memref_slice %arg11[%dma_start3A_54, %dma_start3A_55] : memref<512x32xf32, #tpu.memory_space<vmem>> -> memref<128x32xf32, #tpu.memory_space<vmem>>
      %dma_start3A_57 = arith.constant 0 : i32
      %dma_start3A_58 = tpu.memref_slice %arg7[%dma_start3A, %dma_start3A_57] : memref<4x128xi32, #tpu.memory_space<vmem>> -> memref<1x128xi32, #tpu.memory_space<vmem>>
      %dma_start3A_59 = tpu.memref_squeeze %dma_start3A_58 : memref<1x128xi32, #tpu.memory_space<vmem>> -> memref<128xi32, #tpu.memory_space<vmem>>
      %dma_start3A_60 = arith.constant 0 : i32
      %dma_start3A_61 = arith.constant 0 : i32
      %dma_start3A_62 = tpu.memref_slice %arg2[%dma_start3A_60, %dma_start3A_61] : memref<100000x32xf32, #tpu.memory_space<hbm>> -> memref<100000x32xf32, #tpu.memory_space<hbm>>
      tpu.enqueue_indirect_dma source(%dma_start3A_62 : memref<100000x32xf32, #tpu.memory_space<hbm>>) target(%dma_start3A_56 : memref<128x32xf32, #tpu.memory_space<vmem>>) offsets(%dma_start3A_59 : memref<128xi32, #tpu.memory_space<vmem>>) semaphore(%arg13 : memref<!tpu.dma_semaphore, #tpu.memory_space<semaphore_mem>>)
      %dma_start3A_63 = arith.constant 1 : i32
      %dma_start3A_64 = arith.constant 128 : i32
      %dma_start3A_65 = arith.constant 0 : i32
      %dma_start3A_66 = tpu.memref_slice %arg11[%dma_start3A_64, %dma_start3A_65] : memref<512x32xf32, #tpu.memory_space<vmem>> -> memref<128x32xf32, #tpu.memory_space<vmem>>
      %dma_start3A_67 = arith.constant 0 : i32
      %dma_start3A_68 = tpu.memref_slice %arg7[%dma_start3A_63, %dma_start3A_67] : memref<4x128xi32, #tpu.memory_space<vmem>> -> memref<1x128xi32, #tpu.memory_space<vmem>>
      %dma_start3A_69 = tpu.memref_squeeze %dma_start3A_68 : memref<1x128xi32, #tpu.memory_space<vmem>> -> memref<128xi32, #tpu.memory_space<vmem>>
      %dma_start3A_70 = arith.constant 0 : i32
      %dma_start3A_71 = arith.constant 0 : i32
      %dma_start3A_72 = tpu.memref_slice %arg2[%dma_start3A_70, %dma_start3A_71] : memref<100000x32xf32, #tpu.memory_space<hbm>> -> memref<100000x32xf32, #tpu.memory_space<hbm>>
      tpu.enqueue_indirect_dma source(%dma_start3A_72 : memref<100000x32xf32, #tpu.memory_space<hbm>>) target(%dma_start3A_66 : memref<128x32xf32, #tpu.memory_space<vmem>>) offsets(%dma_start3A_69 : memref<128xi32, #tpu.memory_space<vmem>>) semaphore(%arg13 : memref<!tpu.dma_semaphore, #tpu.memory_space<semaphore_mem>>)
      %dma_start3A_73 = arith.constant 2 : i32
      %dma_start3A_74 = arith.constant 256 : i32
      %dma_start3A_75 = arith.constant 0 : i32
      %dma_start3A_76 = tpu.memref_slice %arg11[%dma_start3A_74, %dma_start3A_75] : memref<512x32xf32, #tpu.memory_space<vmem>> -> memref<128x32xf32, #tpu.memory_space<vmem>>
      %dma_start3A_77 = arith.constant 0 : i32
      %dma_start3A_78 = tpu.memref_slice %arg7[%dma_start3A_73, %dma_start3A_77] : memref<4x128xi32, #tpu.memory_space<vmem>> -> memref<1x128xi32, #tpu.memory_space<vmem>>
      %dma_start3A_79 = tpu.memref_squeeze %dma_start3A_78 : memref<1x128xi32, #tpu.memory_space<vmem>> -> memref<128xi32, #tpu.memory_space<vmem>>
      %dma_start3A_80 = arith.constant 0 : i32
      %dma_start3A_81 = arith.constant 0 : i32
      %dma_start3A_82 = tpu.memref_slice %arg2[%dma_start3A_80, %dma_start3A_81] : memref<100000x32xf32, #tpu.memory_space<hbm>> -> memref<100000x32xf32, #tpu.memory_space<hbm>>
      tpu.enqueue_indirect_dma source(%dma_start3A_82 : memref<100000x32xf32, #tpu.memory_space<hbm>>) target(%dma_start3A_76 : memref<128x32xf32, #tpu.memory_space<vmem>>) offsets(%dma_start3A_79 : memref<128xi32, #tpu.memory_space<vmem>>) semaphore(%arg13 : memref<!tpu.dma_semaphore, #tpu.memory_space<semaphore_mem>>)
      %dma_start3A_83 = arith.constant 3 : i32
      %dma_start3A_84 = arith.constant 384 : i32
      %dma_start3A_85 = arith.constant 0 : i32
      %dma_start3A_86 = tpu.memref_slice %arg11[%dma_start3A_84, %dma_start3A_85] : memref<512x32xf32, #tpu.memory_space<vmem>> -> memref<128x32xf32, #tpu.memory_space<vmem>>
      %dma_start3A_87 = arith.constant 0 : i32
      %dma_start3A_88 = tpu.memref_slice %arg7[%dma_start3A_83, %dma_start3A_87] : memref<4x128xi32, #tpu.memory_space<vmem>> -> memref<1x128xi32, #tpu.memory_space<vmem>>
      %dma_start3A_89 = tpu.memref_squeeze %dma_start3A_88 : memref<1x128xi32, #tpu.memory_space<vmem>> -> memref<128xi32, #tpu.memory_space<vmem>>
      %dma_start3A_90 = arith.constant 0 : i32
      %dma_start3A_91 = arith.constant 0 : i32
      %dma_start3A_92 = tpu.memref_slice %arg2[%dma_start3A_90, %dma_start3A_91] : memref<100000x32xf32, #tpu.memory_space<hbm>> -> memref<100000x32xf32, #tpu.memory_space<hbm>>
      tpu.enqueue_indirect_dma source(%dma_start3A_92 : memref<100000x32xf32, #tpu.memory_space<hbm>>) target(%dma_start3A_86 : memref<128x32xf32, #tpu.memory_space<vmem>>) offsets(%dma_start3A_89 : memref<128xi32, #tpu.memory_space<vmem>>) semaphore(%arg13 : memref<!tpu.dma_semaphore, #tpu.memory_space<semaphore_mem>>)
      %dma_wait3A = arith.constant 0 : i32
      %dma_wait3A_93 = arith.constant 0 : i32
      %dma_wait3A_94 = arith.constant 0 : i32
      %dma_wait3A_95 = tpu.memref_slice %arg11[%dma_wait3A_93, %dma_wait3A_94] : memref<512x32xf32, #tpu.memory_space<vmem>> -> memref<128x32xf32, #tpu.memory_space<vmem>>
      %dma_wait3A_96 = arith.constant 0 : i32
      %dma_wait3A_97 = tpu.memref_slice %arg7[%dma_wait3A, %dma_wait3A_96] : memref<4x128xi32, #tpu.memory_space<vmem>> -> memref<1x128xi32, #tpu.memory_space<vmem>>
      %dma_wait3A_98 = tpu.memref_squeeze %dma_wait3A_97 : memref<1x128xi32, #tpu.memory_space<vmem>> -> memref<128xi32, #tpu.memory_space<vmem>>
      %dma_wait3A_99 = arith.constant 0 : i32
      %dma_wait3A_100 = arith.constant 0 : i32
      %dma_wait3A_101 = tpu.memref_slice %arg2[%dma_wait3A_99, %dma_wait3A_100] : memref<100000x32xf32, #tpu.memory_space<hbm>> -> memref<100000x32xf32, #tpu.memory_space<hbm>>
      tpu.wait_indirect_dma semaphore(%arg13 : memref<!tpu.dma_semaphore, #tpu.memory_space<semaphore_mem>>) src(%dma_wait3A_101 : memref<100000x32xf32, #tpu.memory_space<hbm>>) dst(%dma_wait3A_95 : memref<128x32xf32, #tpu.memory_space<vmem>>)
      %dma_wait3A_102 = arith.constant 1 : i32
      %dma_wait3A_103 = arith.constant 128 : i32
      %dma_wait3A_104 = arith.constant 0 : i32
      %dma_wait3A_105 = tpu.memref_slice %arg11[%dma_wait3A_103, %dma_wait3A_104] : memref<512x32xf32, #tpu.memory_space<vmem>> -> memref<128x32xf32, #tpu.memory_space<vmem>>
      %dma_wait3A_106 = arith.constant 0 : i32
      %dma_wait3A_107 = tpu.memref_slice %arg7[%dma_wait3A_102, %dma_wait3A_106] : memref<4x128xi32, #tpu.memory_space<vmem>> -> memref<1x128xi32, #tpu.memory_space<vmem>>
      %dma_wait3A_108 = tpu.memref_squeeze %dma_wait3A_107 : memref<1x128xi32, #tpu.memory_space<vmem>> -> memref<128xi32, #tpu.memory_space<vmem>>
      %dma_wait3A_109 = arith.constant 0 : i32
      %dma_wait3A_110 = arith.constant 0 : i32
      %dma_wait3A_111 = tpu.memref_slice %arg2[%dma_wait3A_109, %dma_wait3A_110] : memref<100000x32xf32, #tpu.memory_space<hbm>> -> memref<100000x32xf32, #tpu.memory_space<hbm>>
      tpu.wait_indirect_dma semaphore(%arg13 : memref<!tpu.dma_semaphore, #tpu.memory_space<semaphore_mem>>) src(%dma_wait3A_111 : memref<100000x32xf32, #tpu.memory_space<hbm>>) dst(%dma_wait3A_105 : memref<128x32xf32, #tpu.memory_space<vmem>>)
      %dma_wait3A_112 = arith.constant 2 : i32
      %dma_wait3A_113 = arith.constant 256 : i32
      %dma_wait3A_114 = arith.constant 0 : i32
      %dma_wait3A_115 = tpu.memref_slice %arg11[%dma_wait3A_113, %dma_wait3A_114] : memref<512x32xf32, #tpu.memory_space<vmem>> -> memref<128x32xf32, #tpu.memory_space<vmem>>
      %dma_wait3A_116 = arith.constant 0 : i32
      %dma_wait3A_117 = tpu.memref_slice %arg7[%dma_wait3A_112, %dma_wait3A_116] : memref<4x128xi32, #tpu.memory_space<vmem>> -> memref<1x128xi32, #tpu.memory_space<vmem>>
      %dma_wait3A_118 = tpu.memref_squeeze %dma_wait3A_117 : memref<1x128xi32, #tpu.memory_space<vmem>> -> memref<128xi32, #tpu.memory_space<vmem>>
      %dma_wait3A_119 = arith.constant 0 : i32
      %dma_wait3A_120 = arith.constant 0 : i32
      %dma_wait3A_121 = tpu.memref_slice %arg2[%dma_wait3A_119, %dma_wait3A_120] : memref<100000x32xf32, #tpu.memory_space<hbm>> -> memref<100000x32xf32, #tpu.memory_space<hbm>>
      tpu.wait_indirect_dma semaphore(%arg13 : memref<!tpu.dma_semaphore, #tpu.memory_space<semaphore_mem>>) src(%dma_wait3A_121 : memref<100000x32xf32, #tpu.memory_space<hbm>>) dst(%dma_wait3A_115 : memref<128x32xf32, #tpu.memory_space<vmem>>)
      %dma_wait3A_122 = arith.constant 3 : i32
      %dma_wait3A_123 = arith.constant 384 : i32
      %dma_wait3A_124 = arith.constant 0 : i32
      %dma_wait3A_125 = tpu.memref_slice %arg11[%dma_wait3A_123, %dma_wait3A_124] : memref<512x32xf32, #tpu.memory_space<vmem>> -> memref<128x32xf32, #tpu.memory_space<vmem>>
      %dma_wait3A_126 = arith.constant 0 : i32
      %dma_wait3A_127 = tpu.memref_slice %arg7[%dma_wait3A_122, %dma_wait3A_126] : memref<4x128xi32, #tpu.memory_space<vmem>> -> memref<1x128xi32, #tpu.memory_space<vmem>>
      %dma_wait3A_128 = tpu.memref_squeeze %dma_wait3A_127 : memref<1x128xi32, #tpu.memory_space<vmem>> -> memref<128xi32, #tpu.memory_space<vmem>>
      %dma_wait3A_129 = arith.constant 0 : i32
      %dma_wait3A_130 = arith.constant 0 : i32
      %dma_wait3A_131 = tpu.memref_slice %arg2[%dma_wait3A_129, %dma_wait3A_130] : memref<100000x32xf32, #tpu.memory_space<hbm>> -> memref<100000x32xf32, #tpu.memory_space<hbm>>
      tpu.wait_indirect_dma semaphore(%arg13 : memref<!tpu.dma_semaphore, #tpu.memory_space<semaphore_mem>>) src(%dma_wait3A_131 : memref<100000x32xf32, #tpu.memory_space<hbm>>) dst(%dma_wait3A_125 : memref<128x32xf32, #tpu.memory_space<vmem>>)
      %scan3A_132 = arith.constant 0 : i32
      %scan3A_133 = arith.constant 0 : i32
      %scan3A_134 = arith.constant 32 : i32
      %scan3A_135 = arith.addi %scan3A_133, %scan3A_134 : i32
      %scan3A_136 = arith.constant 1 : i32
      %scan3A_137 = scf.for %scan3A_227 = %scan3A_133 to %scan3A_135 step %scan3A_136 iter_args(%scan3A_228 = %scan3A_132) -> (i32)  : i32 {
        %mul3A_229 = arith.constant 16 : i32
        %mul3A_230 = arith.muli %scan3A_227, %mul3A_229 : i32
        %get3A = arith.index_cast %mul3A_230 : i32 to index
        %get3A_231 = tpu.vector_load %arg8[%get3A] {strides = array<i32>} : memref<512xi32, #tpu.memory_space<vmem>>, vector<16xi32>,
        %get3A_232 = vector.shape_cast %get3A_231 : vector<16xi32> to vector<16xi32>
        %ge3A = vector.broadcast %mul3A_0 : i32 to vector<16xi32>
        %ge3A_233 = arith.cmpi sge, %get3A_232, %ge3A : vector<16xi32>
        %add3A_234 = arith.constant 50000 : i32
        %add3A_235 = arith.addi %mul3A_0, %add3A_234 : i32
        %lt3A_236 = vector.broadcast %add3A_235 : i32 to vector<16xi32>
        %lt3A_237 = arith.cmpi slt, %get3A_232, %lt3A_236 : vector<16xi32>
        %and3A = arith.andi %ge3A_233, %lt3A_237 : vector<16xi1>
        %sub3A_238 = vector.broadcast %mul3A_0 : i32 to vector<16xi32>
        %sub3A_239 = arith.subi %get3A_232, %sub3A_238 : vector<16xi32>
        %jit3A = arith.constant 50000 : i32
        %broadcast_in_dim3A_240 = vector.broadcast %jit3A : i32 to vector<16xi32>
        %select_n3A = arith.select %and3A, %sub3A_239, %broadcast_in_dim3A_240 : vector<16xi1>, vector<16xi32>
        %shift_right_arithmetic3A = arith.constant 3 : i32
        %shift_right_arithmetic3A_241 = arith.shrsi %scan3A_227, %shift_right_arithmetic3A : i32
        %and3A_242 = arith.constant 7 : i32
        %and3A_243 = arith.andi %scan3A_227, %and3A_242 : i32
        %mul3A_244 = arith.constant 16 : i32
        %mul3A_245 = arith.muli %and3A_243, %mul3A_244 : i32
        %swap3A = arith.index_cast %shift_right_arithmetic3A_241 : i32 to index
        %swap3A_246 = arith.index_cast %mul3A_245 : i32 to index
        %swap3A_247 = tpu.vector_load %arg10[%swap3A, %swap3A_246] {strides = array<i32>} : memref<4x128xi32, #tpu.memory_space<vmem>>, vector<1x16xi32>,
        %swap3A_248 = vector.shape_cast %swap3A_247 : vector<1x16xi32> to vector<16xi32>
        %swap3A_249 = vector.shape_cast %select_n3A : vector<16xi32> to vector<1x16xi32>
        tpu.vector_store %arg10[%swap3A, %swap3A_246], %swap3A_249 {strides = array<i32>} : memref<4x128xi32, #tpu.memory_space<vmem>>, vector<1x16xi32>,
        %scan3A_250 = arith.constant 0 : i32
        scf.yield %scan3A_250 : i32
      }
      %scan3A_138 = arith.constant 32 : i32
      %scan3A_139 = arith.constant 0 : i32
      %scan3A_140 = arith.constant 0 : i32
      %scan3A_141 = arith.constant 32 : i32
      %scan3A_142 = arith.addi %scan3A_140, %scan3A_141 : i32
      %scan3A_143 = arith.constant 1 : i32
      %scan3A_144 = scf.for %scan3A_227 = %scan3A_140 to %scan3A_142 step %scan3A_143 iter_args(%scan3A_228 = %scan3A_139) -> (i32)  : i32 {
        %mul3A_229 = arith.constant 16 : i32
        %mul3A_230 = arith.muli %scan3A_227, %mul3A_229 : i32
        %get3A = arith.index_cast %mul3A_230 : i32 to index
        %get3A_231 = tpu.vector_load %arg9[%get3A] {strides = array<i32>} : memref<512xf32, #tpu.memory_space<vmem>>, vector<16xf32>,
        %get3A_232 = vector.shape_cast %get3A_231 : vector<16xf32> to vector<16xf32>
        %mul3A_233 = arith.constant 16 : i32
        %mul3A_234 = arith.muli %scan3A_227, %mul3A_233 : i32
        %broadcast_in_dim3A_235 = arith.constant 0 : i32
        %broadcast_in_dim3A_236 = vector.broadcast %broadcast_in_dim3A_235 : i32 to vector<16x1xi32>
        %gather3A = vector.shape_cast %broadcast_in_dim3A_236 : vector<16x1xi32> to vector<16xi32>
        %gather3A_237 = tpu.dynamic_gather %get3A_232[%gather3A] in [0] : vector<16xf32>, vector<16xi32> -> vector<16xf32>
        %add3A_238 = arith.constant 0 : i32
        %add3A_239 = arith.addi %mul3A_234, %add3A_238 : i32
        %get3A_240 = arith.index_cast %add3A_239 : i32 to index
        %get3A_241 = arith.constant 0 : index
        %get3A_242 = tpu.vector_load %arg11[%get3A_240, %get3A_241] {strides = array<i32>} : memref<512x32xf32, #tpu.memory_space<vmem>>, vector<1x16xf32>,
        %get3A_243 = vector.shape_cast %get3A_242 : vector<1x16xf32> to vector<16xf32>
        %mul3A_244 = arith.mulf %get3A_243, %gather3A_237 : vector<16xf32>
        %swap3A = arith.index_cast %add3A_239 : i32 to index
        %swap3A_245 = arith.constant 0 : index
        %swap3A_246 = tpu.vector_load %arg11[%swap3A, %swap3A_245] {strides = array<i32>} : memref<512x32xf32, #tpu.memory_space<vmem>>, vector<1x16xf32>,
        %swap3A_247 = vector.shape_cast %swap3A_246 : vector<1x16xf32> to vector<16xf32>
        %swap3A_248 = vector.shape_cast %mul3A_244 : vector<16xf32> to vector<1x16xf32>
        tpu.vector_store %arg11[%swap3A, %swap3A_245], %swap3A_248 {strides = array<i32>} : memref<512x32xf32, #tpu.memory_space<vmem>>, vector<1x16xf32>,
        %get3A_249 = arith.index_cast %add3A_239 : i32 to index
        %get3A_250 = arith.constant 16 : index
        %get3A_251 = tpu.vector_load %arg11[%get3A_249, %get3A_250] {strides = array<i32>} : memref<512x32xf32, #tpu.memory_space<vmem>>, vector<1x16xf32>,
        %get3A_252 = vector.shape_cast %get3A_251 : vector<1x16xf32> to vector<16xf32>
        %mul3A_253 = arith.mulf %get3A_252, %gather3A_237 : vector<16xf32>
        %swap3A_254 = arith.index_cast %add3A_239 : i32 to index
        %swap3A_255 = arith.constant 16 : index
        %swap3A_256 = tpu.vector_load %arg11[%swap3A_254, %swap3A_255] {strides = array<i32>} : memref<512x32xf32, #tpu.memory_space<vmem>>, vector<1x16xf32>,
        %swap3A_257 = vector.shape_cast %swap3A_256 : vector<1x16xf32> to vector<16xf32>
        %swap3A_258 = vector.shape_cast %mul3A_253 : vector<16xf32> to vector<1x16xf32>
        tpu.vector_store %arg11[%swap3A_254, %swap3A_255], %swap3A_258 {strides = array<i32>} : memref<512x32xf32, #tpu.memory_space<vmem>>, vector<1x16xf32>,
        %broadcast_in_dim3A_259 = arith.constant 1 : i32
        %broadcast_in_dim3A_260 = vector.broadcast %broadcast_in_dim3A_259 : i32 to vector<16x1xi32>
        %gather3A_261 = vector.shape_cast %broadcast_in_dim3A_260 : vector<16x1xi32> to vector<16xi32>
        %gather3A_262 = tpu.dynamic_gather %get3A_232[%gather3A_261] in [0] : vector<16xf32>, vector<16xi32> -> vector<16xf32>
        %add3A_263 = arith.constant 1 : i32
        %add3A_264 = arith.addi %mul3A_234, %add3A_263 : i32
        %get3A_265 = arith.index_cast %add3A_264 : i32 to index
        %get3A_266 = arith.constant 0 : index
        %get3A_267 = tpu.vector_load %arg11[%get3A_265, %get3A_266] {strides = array<i32>} : memref<512x32xf32, #tpu.memory_space<vmem>>, vector<1x16xf32>,
        %get3A_268 = vector.shape_cast %get3A_267 : vector<1x16xf32> to vector<16xf32>
        %mul3A_269 = arith.mulf %get3A_268, %gather3A_262 : vector<16xf32>
        %swap3A_270 = arith.index_cast %add3A_264 : i32 to index
        %swap3A_271 = arith.constant 0 : index
        %swap3A_272 = tpu.vector_load %arg11[%swap3A_270, %swap3A_271] {strides = array<i32>} : memref<512x32xf32, #tpu.memory_space<vmem>>, vector<1x16xf32>,
        %swap3A_273 = vector.shape_cast %swap3A_272 : vector<1x16xf32> to vector<16xf32>
        %swap3A_274 = vector.shape_cast %mul3A_269 : vector<16xf32> to vector<1x16xf32>
        tpu.vector_store %arg11[%swap3A_270, %swap3A_271], %swap3A_274 {strides = array<i32>} : memref<512x32xf32, #tpu.memory_space<vmem>>, vector<1x16xf32>,
        %get3A_275 = arith.index_cast %add3A_264 : i32 to index
        %get3A_276 = arith.constant 16 : index
        %get3A_277 = tpu.vector_load %arg11[%get3A_275, %get3A_276] {strides = array<i32>} : memref<512x32xf32, #tpu.memory_space<vmem>>, vector<1x16xf32>,
        %get3A_278 = vector.shape_cast %get3A_277 : vector<1x16xf32> to vector<16xf32>
        %mul3A_279 = arith.mulf %get3A_278, %gather3A_262 : vector<16xf32>
        %swap3A_280 = arith.index_cast %add3A_264 : i32 to index
        %swap3A_281 = arith.constant 16 : index
        %swap3A_282 = tpu.vector_load %arg11[%swap3A_280, %swap3A_281] {strides = array<i32>} : memref<512x32xf32, #tpu.memory_space<vmem>>, vector<1x16xf32>,
        %swap3A_283 = vector.shape_cast %swap3A_282 : vector<1x16xf32> to vector<16xf32>
        %swap3A_284 = vector.shape_cast %mul3A_279 : vector<16xf32> to vector<1x16xf32>
        tpu.vector_store %arg11[%swap3A_280, %swap3A_281], %swap3A_284 {strides = array<i32>} : memref<512x32xf32, #tpu.memory_space<vmem>>, vector<1x16xf32>,
        %broadcast_in_dim3A_285 = arith.constant 2 : i32
        %broadcast_in_dim3A_286 = vector.broadcast %broadcast_in_dim3A_285 : i32 to vector<16x1xi32>
        %gather3A_287 = vector.shape_cast %broadcast_in_dim3A_286 : vector<16x1xi32> to vector<16xi32>
        %gather3A_288 = tpu.dynamic_gather %get3A_232[%gather3A_287] in [0] : vector<16xf32>, vector<16xi32> -> vector<16xf32>
        %add3A_289 = arith.constant 2 : i32
        %add3A_290 = arith.addi %mul3A_234, %add3A_289 : i32
        %get3A_291 = arith.index_cast %add3A_290 : i32 to index
        %get3A_292 = arith.constant 0 : index
        %get3A_293 = tpu.vector_load %arg11[%get3A_291, %get3A_292] {strides = array<i32>} : memref<512x32xf32, #tpu.memory_space<vmem>>, vector<1x16xf32>,
        %get3A_294 = vector.shape_cast %get3A_293 : vector<1x16xf32> to vector<16xf32>
        %mul3A_295 = arith.mulf %get3A_294, %gather3A_288 : vector<16xf32>
        %swap3A_296 = arith.index_cast %add3A_290 : i32 to index
        %swap3A_297 = arith.constant 0 : index
        %swap3A_298 = tpu.vector_load %arg11[%swap3A_296, %swap3A_297] {strides = array<i32>} : memref<512x32xf32, #tpu.memory_space<vmem>>, vector<1x16xf32>,
        %swap3A_299 = vector.shape_cast %swap3A_298 : vector<1x16xf32> to vector<16xf32>
        %swap3A_300 = vector.shape_cast %mul3A_295 : vector<16xf32> to vector<1x16xf32>
        tpu.vector_store %arg11[%swap3A_296, %swap3A_297], %swap3A_300 {strides = array<i32>} : memref<512x32xf32, #tpu.memory_space<vmem>>, vector<1x16xf32>,
        %get3A_301 = arith.index_cast %add3A_290 : i32 to index
        %get3A_302 = arith.constant 16 : index
        %get3A_303 = tpu.vector_load %arg11[%get3A_301, %get3A_302] {strides = array<i32>} : memref<512x32xf32, #tpu.memory_space<vmem>>, vector<1x16xf32>,
        %get3A_304 = vector.shape_cast %get3A_303 : vector<1x16xf32> to vector<16xf32>
        %mul3A_305 = arith.mulf %get3A_304, %gather3A_288 : vector<16xf32>
        %swap3A_306 = arith.index_cast %add3A_290 : i32 to index
        %swap3A_307 = arith.constant 16 : index
        %swap3A_308 = tpu.vector_load %arg11[%swap3A_306, %swap3A_307] {strides = array<i32>} : memref<512x32xf32, #tpu.memory_space<vmem>>, vector<1x16xf32>,
        %swap3A_309 = vector.shape_cast %swap3A_308 : vector<1x16xf32> to vector<16xf32>
        %swap3A_310 = vector.shape_cast %mul3A_305 : vector<16xf32> to vector<1x16xf32>
        tpu.vector_store %arg11[%swap3A_306, %swap3A_307], %swap3A_310 {strides = array<i32>} : memref<512x32xf32, #tpu.memory_space<vmem>>, vector<1x16xf32>,
        %broadcast_in_dim3A_311 = arith.constant 3 : i32
        %broadcast_in_dim3A_312 = vector.broadcast %broadcast_in_dim3A_311 : i32 to vector<16x1xi32>
        %gather3A_313 = vector.shape_cast %broadcast_in_dim3A_312 : vector<16x1xi32> to vector<16xi32>
        %gather3A_314 = tpu.dynamic_gather %get3A_232[%gather3A_313] in [0] : vector<16xf32>, vector<16xi32> -> vector<16xf32>
        %add3A_315 = arith.constant 3 : i32
        %add3A_316 = arith.addi %mul3A_234, %add3A_315 : i32
        %get3A_317 = arith.index_cast %add3A_316 : i32 to index
        %get3A_318 = arith.constant 0 : index
        %get3A_319 = tpu.vector_load %arg11[%get3A_317, %get3A_318] {strides = array<i32>} : memref<512x32xf32, #tpu.memory_space<vmem>>, vector<1x16xf32>,
        %get3A_320 = vector.shape_cast %get3A_319 : vector<1x16xf32> to vector<16xf32>
        %mul3A_321 = arith.mulf %get3A_320, %gather3A_314 : vector<16xf32>
        %swap3A_322 = arith.index_cast %add3A_316 : i32 to index
        %swap3A_323 = arith.constant 0 : index
        %swap3A_324 = tpu.vector_load %arg11[%swap3A_322, %swap3A_323] {strides = array<i32>} : memref<512x32xf32, #tpu.memory_space<vmem>>, vector<1x16xf32>,
        %swap3A_325 = vector.shape_cast %swap3A_324 : vector<1x16xf32> to vector<16xf32>
        %swap3A_326 = vector.shape_cast %mul3A_321 : vector<16xf32> to vector<1x16xf32>
        tpu.vector_store %arg11[%swap3A_322, %swap3A_323], %swap3A_326 {strides = array<i32>} : memref<512x32xf32, #tpu.memory_space<vmem>>, vector<1x16xf32>,
        %get3A_327 = arith.index_cast %add3A_316 : i32 to index
        %get3A_328 = arith.constant 16 : index
        %get3A_329 = tpu.vector_load %arg11[%get3A_327, %get3A_328] {strides = array<i32>} : memref<512x32xf32, #tpu.memory_space<vmem>>, vector<1x16xf32>,
        %get3A_330 = vector.shape_cast %get3A_329 : vector<1x16xf32> to vector<16xf32>
        %mul3A_331 = arith.mulf %get3A_330, %gather3A_314 : vector<16xf32>
        %swap3A_332 = arith.index_cast %add3A_316 : i32 to index
        %swap3A_333 = arith.constant 16 : index
        %swap3A_334 = tpu.vector_load %arg11[%swap3A_332, %swap3A_333] {strides = array<i32>} : memref<512x32xf32, #tpu.memory_space<vmem>>, vector<1x16xf32>,
        %swap3A_335 = vector.shape_cast %swap3A_334 : vector<1x16xf32> to vector<16xf32>
        %swap3A_336 = vector.shape_cast %mul3A_331 : vector<16xf32> to vector<1x16xf32>
        tpu.vector_store %arg11[%swap3A_332, %swap3A_333], %swap3A_336 {strides = array<i32>} : memref<512x32xf32, #tpu.memory_space<vmem>>, vector<1x16xf32>,
        %broadcast_in_dim3A_337 = arith.constant 4 : i32
        %broadcast_in_dim3A_338 = vector.broadcast %broadcast_in_dim3A_337 : i32 to vector<16x1xi32>
        %gather3A_339 = vector.shape_cast %broadcast_in_dim3A_338 : vector<16x1xi32> to vector<16xi32>
        %gather3A_340 = tpu.dynamic_gather %get3A_232[%gather3A_339] in [0] : vector<16xf32>, vector<16xi32> -> vector<16xf32>
        %add3A_341 = arith.constant 4 : i32
        %add3A_342 = arith.addi %mul3A_234, %add3A_341 : i32
        %get3A_343 = arith.index_cast %add3A_342 : i32 to index
        %get3A_344 = arith.constant 0 : index
        %get3A_345 = tpu.vector_load %arg11[%get3A_343, %get3A_344] {strides = array<i32>} : memref<512x32xf32, #tpu.memory_space<vmem>>, vector<1x16xf32>,
        %get3A_346 = vector.shape_cast %get3A_345 : vector<1x16xf32> to vector<16xf32>
        %mul3A_347 = arith.mulf %get3A_346, %gather3A_340 : vector<16xf32>
        %swap3A_348 = arith.index_cast %add3A_342 : i32 to index
        %swap3A_349 = arith.constant 0 : index
        %swap3A_350 = tpu.vector_load %arg11[%swap3A_348, %swap3A_349] {strides = array<i32>} : memref<512x32xf32, #tpu.memory_space<vmem>>, vector<1x16xf32>,
        %swap3A_351 = vector.shape_cast %swap3A_350 : vector<1x16xf32> to vector<16xf32>
        %swap3A_352 = vector.shape_cast %mul3A_347 : vector<16xf32> to vector<1x16xf32>
        tpu.vector_store %arg11[%swap3A_348, %swap3A_349], %swap3A_352 {strides = array<i32>} : memref<512x32xf32, #tpu.memory_space<vmem>>, vector<1x16xf32>,
        %get3A_353 = arith.index_cast %add3A_342 : i32 to index
        %get3A_354 = arith.constant 16 : index
        %get3A_355 = tpu.vector_load %arg11[%get3A_353, %get3A_354] {strides = array<i32>} : memref<512x32xf32, #tpu.memory_space<vmem>>, vector<1x16xf32>,
        %get3A_356 = vector.shape_cast %get3A_355 : vector<1x16xf32> to vector<16xf32>
        %mul3A_357 = arith.mulf %get3A_356, %gather3A_340 : vector<16xf32>
        %swap3A_358 = arith.index_cast %add3A_342 : i32 to index
        %swap3A_359 = arith.constant 16 : index
        %swap3A_360 = tpu.vector_load %arg11[%swap3A_358, %swap3A_359] {strides = array<i32>} : memref<512x32xf32, #tpu.memory_space<vmem>>, vector<1x16xf32>,
        %swap3A_361 = vector.shape_cast %swap3A_360 : vector<1x16xf32> to vector<16xf32>
        %swap3A_362 = vector.shape_cast %mul3A_357 : vector<16xf32> to vector<1x16xf32>
        tpu.vector_store %arg11[%swap3A_358, %swap3A_359], %swap3A_362 {strides = array<i32>} : memref<512x32xf32, #tpu.memory_space<vmem>>, vector<1x16xf32>,
        %broadcast_in_dim3A_363 = arith.constant 5 : i32
        %broadcast_in_dim3A_364 = vector.broadcast %broadcast_in_dim3A_363 : i32 to vector<16x1xi32>
        %gather3A_365 = vector.shape_cast %broadcast_in_dim3A_364 : vector<16x1xi32> to vector<16xi32>
        %gather3A_366 = tpu.dynamic_gather %get3A_232[%gather3A_365] in [0] : vector<16xf32>, vector<16xi32> -> vector<16xf32>
        %add3A_367 = arith.constant 5 : i32
        %add3A_368 = arith.addi %mul3A_234, %add3A_367 : i32
        %get3A_369 = arith.index_cast %add3A_368 : i32 to index
        %get3A_370 = arith.constant 0 : index
        %get3A_371 = tpu.vector_load %arg11[%get3A_369, %get3A_370] {strides = array<i32>} : memref<512x32xf32, #tpu.memory_space<vmem>>, vector<1x16xf32>,
        %get3A_372 = vector.shape_cast %get3A_371 : vector<1x16xf32> to vector<16xf32>
        %mul3A_373 = arith.mulf %get3A_372, %gather3A_366 : vector<16xf32>
        %swap3A_374 = arith.index_cast %add3A_368 : i32 to index
        %swap3A_375 = arith.constant 0 : index
        %swap3A_376 = tpu.vector_load %arg11[%swap3A_374, %swap3A_375] {strides = array<i32>} : memref<512x32xf32, #tpu.memory_space<vmem>>, vector<1x16xf32>,
        %swap3A_377 = vector.shape_cast %swap3A_376 : vector<1x16xf32> to vector<16xf32>
        %swap3A_378 = vector.shape_cast %mul3A_373 : vector<16xf32> to vector<1x16xf32>
        tpu.vector_store %arg11[%swap3A_374, %swap3A_375], %swap3A_378 {strides = array<i32>} : memref<512x32xf32, #tpu.memory_space<vmem>>, vector<1x16xf32>,
        %get3A_379 = arith.index_cast %add3A_368 : i32 to index
        %get3A_380 = arith.constant 16 : index
        %get3A_381 = tpu.vector_load %arg11[%get3A_379, %get3A_380] {strides = array<i32>} : memref<512x32xf32, #tpu.memory_space<vmem>>, vector<1x16xf32>,
        %get3A_382 = vector.shape_cast %get3A_381 : vector<1x16xf32> to vector<16xf32>
        %mul3A_383 = arith.mulf %get3A_382, %gather3A_366 : vector<16xf32>
        %swap3A_384 = arith.index_cast %add3A_368 : i32 to index
        %swap3A_385 = arith.constant 16 : index
        %swap3A_386 = tpu.vector_load %arg11[%swap3A_384, %swap3A_385] {strides = array<i32>} : memref<512x32xf32, #tpu.memory_space<vmem>>, vector<1x16xf32>,
        %swap3A_387 = vector.shape_cast %swap3A_386 : vector<1x16xf32> to vector<16xf32>
        %swap3A_388 = vector.shape_cast %mul3A_383 : vector<16xf32> to vector<1x16xf32>
        tpu.vector_store %arg11[%swap3A_384, %swap3A_385], %swap3A_388 {strides = array<i32>} : memref<512x32xf32, #tpu.memory_space<vmem>>, vector<1x16xf32>,
        %broadcast_in_dim3A_389 = arith.constant 6 : i32
        %broadcast_in_dim3A_390 = vector.broadcast %broadcast_in_dim3A_389 : i32 to vector<16x1xi32>
        %gather3A_391 = vector.shape_cast %broadcast_in_dim3A_390 : vector<16x1xi32> to vector<16xi32>
        %gather3A_392 = tpu.dynamic_gather %get3A_232[%gather3A_391] in [0] : vector<16xf32>, vector<16xi32> -> vector<16xf32>
        %add3A_393 = arith.constant 6 : i32
        %add3A_394 = arith.addi %mul3A_234, %add3A_393 : i32
        %get3A_395 = arith.index_cast %add3A_394 : i32 to index
        %get3A_396 = arith.constant 0 : index
        %get3A_397 = tpu.vector_load %arg11[%get3A_395, %get3A_396] {strides = array<i32>} : memref<512x32xf32, #tpu.memory_space<vmem>>, vector<1x16xf32>,
        %get3A_398 = vector.shape_cast %get3A_397 : vector<1x16xf32> to vector<16xf32>
        %mul3A_399 = arith.mulf %get3A_398, %gather3A_392 : vector<16xf32>
        %swap3A_400 = arith.index_cast %add3A_394 : i32 to index
        %swap3A_401 = arith.constant 0 : index
        %swap3A_402 = tpu.vector_load %arg11[%swap3A_400, %swap3A_401] {strides = array<i32>} : memref<512x32xf32, #tpu.memory_space<vmem>>, vector<1x16xf32>,
        %swap3A_403 = vector.shape_cast %swap3A_402 : vector<1x16xf32> to vector<16xf32>
        %swap3A_404 = vector.shape_cast %mul3A_399 : vector<16xf32> to vector<1x16xf32>
        tpu.vector_store %arg11[%swap3A_400, %swap3A_401], %swap3A_404 {strides = array<i32>} : memref<512x32xf32, #tpu.memory_space<vmem>>, vector<1x16xf32>,
        %get3A_405 = arith.index_cast %add3A_394 : i32 to index
        %get3A_406 = arith.constant 16 : index
        %get3A_407 = tpu.vector_load %arg11[%get3A_405, %get3A_406] {strides = array<i32>} : memref<512x32xf32, #tpu.memory_space<vmem>>, vector<1x16xf32>,
        %get3A_408 = vector.shape_cast %get3A_407 : vector<1x16xf32> to vector<16xf32>
        %mul3A_409 = arith.mulf %get3A_408, %gather3A_392 : vector<16xf32>
        %swap3A_410 = arith.index_cast %add3A_394 : i32 to index
        %swap3A_411 = arith.constant 16 : index
        %swap3A_412 = tpu.vector_load %arg11[%swap3A_410, %swap3A_411] {strides = array<i32>} : memref<512x32xf32, #tpu.memory_space<vmem>>, vector<1x16xf32>,
        %swap3A_413 = vector.shape_cast %swap3A_412 : vector<1x16xf32> to vector<16xf32>
        %swap3A_414 = vector.shape_cast %mul3A_409 : vector<16xf32> to vector<1x16xf32>
        tpu.vector_store %arg11[%swap3A_410, %swap3A_411], %swap3A_414 {strides = array<i32>} : memref<512x32xf32, #tpu.memory_space<vmem>>, vector<1x16xf32>,
        %broadcast_in_dim3A_415 = arith.constant 7 : i32
        %broadcast_in_dim3A_416 = vector.broadcast %broadcast_in_dim3A_415 : i32 to vector<16x1xi32>
        %gather3A_417 = vector.shape_cast %broadcast_in_dim3A_416 : vector<16x1xi32> to vector<16xi32>
        %gather3A_418 = tpu.dynamic_gather %get3A_232[%gather3A_417] in [0] : vector<16xf32>, vector<16xi32> -> vector<16xf32>
        %add3A_419 = arith.constant 7 : i32
        %add3A_420 = arith.addi %mul3A_234, %add3A_419 : i32
        %get3A_421 = arith.index_cast %add3A_420 : i32 to index
        %get3A_422 = arith.constant 0 : index
        %get3A_423 = tpu.vector_load %arg11[%get3A_421, %get3A_422] {strides = array<i32>} : memref<512x32xf32, #tpu.memory_space<vmem>>, vector<1x16xf32>,
        %get3A_424 = vector.shape_cast %get3A_423 : vector<1x16xf32> to vector<16xf32>
        %mul3A_425 = arith.mulf %get3A_424, %gather3A_418 : vector<16xf32>
        %swap3A_426 = arith.index_cast %add3A_420 : i32 to index
        %swap3A_427 = arith.constant 0 : index
        %swap3A_428 = tpu.vector_load %arg11[%swap3A_426, %swap3A_427] {strides = array<i32>} : memref<512x32xf32, #tpu.memory_space<vmem>>, vector<1x16xf32>,
        %swap3A_429 = vector.shape_cast %swap3A_428 : vector<1x16xf32> to vector<16xf32>
        %swap3A_430 = vector.shape_cast %mul3A_425 : vector<16xf32> to vector<1x16xf32>
        tpu.vector_store %arg11[%swap3A_426, %swap3A_427], %swap3A_430 {strides = array<i32>} : memref<512x32xf32, #tpu.memory_space<vmem>>, vector<1x16xf32>,
        %get3A_431 = arith.index_cast %add3A_420 : i32 to index
        %get3A_432 = arith.constant 16 : index
        %get3A_433 = tpu.vector_load %arg11[%get3A_431, %get3A_432] {strides = array<i32>} : memref<512x32xf32, #tpu.memory_space<vmem>>, vector<1x16xf32>,
        %get3A_434 = vector.shape_cast %get3A_433 : vector<1x16xf32> to vector<16xf32>
        %mul3A_435 = arith.mulf %get3A_434, %gather3A_418 : vector<16xf32>
        %swap3A_436 = arith.index_cast %add3A_420 : i32 to index
        %swap3A_437 = arith.constant 16 : index
        %swap3A_438 = tpu.vector_load %arg11[%swap3A_436, %swap3A_437] {strides = array<i32>} : memref<512x32xf32, #tpu.memory_space<vmem>>, vector<1x16xf32>,
        %swap3A_439 = vector.shape_cast %swap3A_438 : vector<1x16xf32> to vector<16xf32>
        %swap3A_440 = vector.shape_cast %mul3A_435 : vector<16xf32> to vector<1x16xf32>
        tpu.vector_store %arg11[%swap3A_436, %swap3A_437], %swap3A_440 {strides = array<i32>} : memref<512x32xf32, #tpu.memory_space<vmem>>, vector<1x16xf32>,
        %broadcast_in_dim3A_441 = arith.constant 8 : i32
        %broadcast_in_dim3A_442 = vector.broadcast %broadcast_in_dim3A_441 : i32 to vector<16x1xi32>
        %gather3A_443 = vector.shape_cast %broadcast_in_dim3A_442 : vector<16x1xi32> to vector<16xi32>
        %gather3A_444 = tpu.dynamic_gather %get3A_232[%gather3A_443] in [0] : vector<16xf32>, vector<16xi32> -> vector<16xf32>
        %add3A_445 = arith.constant 8 : i32
        %add3A_446 = arith.addi %mul3A_234, %add3A_445 : i32
        %get3A_447 = arith.index_cast %add3A_446 : i32 to index
        %get3A_448 = arith.constant 0 : index
        %get3A_449 = tpu.vector_load %arg11[%get3A_447, %get3A_448] {strides = array<i32>} : memref<512x32xf32, #tpu.memory_space<vmem>>, vector<1x16xf32>,
        %get3A_450 = vector.shape_cast %get3A_449 : vector<1x16xf32> to vector<16xf32>
        %mul3A_451 = arith.mulf %get3A_450, %gather3A_444 : vector<16xf32>
        %swap3A_452 = arith.index_cast %add3A_446 : i32 to index
        %swap3A_453 = arith.constant 0 : index
        %swap3A_454 = tpu.vector_load %arg11[%swap3A_452, %swap3A_453] {strides = array<i32>} : memref<512x32xf32, #tpu.memory_space<vmem>>, vector<1x16xf32>,
        %swap3A_455 = vector.shape_cast %swap3A_454 : vector<1x16xf32> to vector<16xf32>
        %swap3A_456 = vector.shape_cast %mul3A_451 : vector<16xf32> to vector<1x16xf32>
        tpu.vector_store %arg11[%swap3A_452, %swap3A_453], %swap3A_456 {strides = array<i32>} : memref<512x32xf32, #tpu.memory_space<vmem>>, vector<1x16xf32>,
        %get3A_457 = arith.index_cast %add3A_446 : i32 to index
        %get3A_458 = arith.constant 16 : index
        %get3A_459 = tpu.vector_load %arg11[%get3A_457, %get3A_458] {strides = array<i32>} : memref<512x32xf32, #tpu.memory_space<vmem>>, vector<1x16xf32>,
        %get3A_460 = vector.shape_cast %get3A_459 : vector<1x16xf32> to vector<16xf32>
        %mul3A_461 = arith.mulf %get3A_460, %gather3A_444 : vector<16xf32>
        %swap3A_462 = arith.index_cast %add3A_446 : i32 to index
        %swap3A_463 = arith.constant 16 : index
        %swap3A_464 = tpu.vector_load %arg11[%swap3A_462, %swap3A_463] {strides = array<i32>} : memref<512x32xf32, #tpu.memory_space<vmem>>, vector<1x16xf32>,
        %swap3A_465 = vector.shape_cast %swap3A_464 : vector<1x16xf32> to vector<16xf32>
        %swap3A_466 = vector.shape_cast %mul3A_461 : vector<16xf32> to vector<1x16xf32>
        tpu.vector_store %arg11[%swap3A_462, %swap3A_463], %swap3A_466 {strides = array<i32>} : memref<512x32xf32, #tpu.memory_space<vmem>>, vector<1x16xf32>,
        %broadcast_in_dim3A_467 = arith.constant 9 : i32
        %broadcast_in_dim3A_468 = vector.broadcast %broadcast_in_dim3A_467 : i32 to vector<16x1xi32>
        %gather3A_469 = vector.shape_cast %broadcast_in_dim3A_468 : vector<16x1xi32> to vector<16xi32>
        %gather3A_470 = tpu.dynamic_gather %get3A_232[%gather3A_469] in [0] : vector<16xf32>, vector<16xi32> -> vector<16xf32>
        %add3A_471 = arith.constant 9 : i32
        %add3A_472 = arith.addi %mul3A_234, %add3A_471 : i32
        %get3A_473 = arith.index_cast %add3A_472 : i32 to index
        %get3A_474 = arith.constant 0 : index
        %get3A_475 = tpu.vector_load %arg11[%get3A_473, %get3A_474] {strides = array<i32>} : memref<512x32xf32, #tpu.memory_space<vmem>>, vector<1x16xf32>,
        %get3A_476 = vector.shape_cast %get3A_475 : vector<1x16xf32> to vector<16xf32>
        %mul3A_477 = arith.mulf %get3A_476, %gather3A_470 : vector<16xf32>
        %swap3A_478 = arith.index_cast %add3A_472 : i32 to index
        %swap3A_479 = arith.constant 0 : index
        %swap3A_480 = tpu.vector_load %arg11[%swap3A_478, %swap3A_479] {strides = array<i32>} : memref<512x32xf32, #tpu.memory_space<vmem>>, vector<1x16xf32>,
        %swap3A_481 = vector.shape_cast %swap3A_480 : vector<1x16xf32> to vector<16xf32>
        %swap3A_482 = vector.shape_cast %mul3A_477 : vector<16xf32> to vector<1x16xf32>
        tpu.vector_store %arg11[%swap3A_478, %swap3A_479], %swap3A_482 {strides = array<i32>} : memref<512x32xf32, #tpu.memory_space<vmem>>, vector<1x16xf32>,
        %get3A_483 = arith.index_cast %add3A_472 : i32 to index
        %get3A_484 = arith.constant 16 : index
        %get3A_485 = tpu.vector_load %arg11[%get3A_483, %get3A_484] {strides = array<i32>} : memref<512x32xf32, #tpu.memory_space<vmem>>, vector<1x16xf32>,
        %get3A_486 = vector.shape_cast %get3A_485 : vector<1x16xf32> to vector<16xf32>
        %mul3A_487 = arith.mulf %get3A_486, %gather3A_470 : vector<16xf32>
        %swap3A_488 = arith.index_cast %add3A_472 : i32 to index
        %swap3A_489 = arith.constant 16 : index
        %swap3A_490 = tpu.vector_load %arg11[%swap3A_488, %swap3A_489] {strides = array<i32>} : memref<512x32xf32, #tpu.memory_space<vmem>>, vector<1x16xf32>,
        %swap3A_491 = vector.shape_cast %swap3A_490 : vector<1x16xf32> to vector<16xf32>
        %swap3A_492 = vector.shape_cast %mul3A_487 : vector<16xf32> to vector<1x16xf32>
        tpu.vector_store %arg11[%swap3A_488, %swap3A_489], %swap3A_492 {strides = array<i32>} : memref<512x32xf32, #tpu.memory_space<vmem>>, vector<1x16xf32>,
        %broadcast_in_dim3A_493 = arith.constant 10 : i32
        %broadcast_in_dim3A_494 = vector.broadcast %broadcast_in_dim3A_493 : i32 to vector<16x1xi32>
        %gather3A_495 = vector.shape_cast %broadcast_in_dim3A_494 : vector<16x1xi32> to vector<16xi32>
        %gather3A_496 = tpu.dynamic_gather %get3A_232[%gather3A_495] in [0] : vector<16xf32>, vector<16xi32> -> vector<16xf32>
        %add3A_497 = arith.constant 10 : i32
        %add3A_498 = arith.addi %mul3A_234, %add3A_497 : i32
        %get3A_499 = arith.index_cast %add3A_498 : i32 to index
        %get3A_500 = arith.constant 0 : index
        %get3A_501 = tpu.vector_load %arg11[%get3A_499, %get3A_500] {strides = array<i32>} : memref<512x32xf32, #tpu.memory_space<vmem>>, vector<1x16xf32>,
        %get3A_502 = vector.shape_cast %get3A_501 : vector<1x16xf32> to vector<16xf32>
        %mul3A_503 = arith.mulf %get3A_502, %gather3A_496 : vector<16xf32>
        %swap3A_504 = arith.index_cast %add3A_498 : i32 to index
        %swap3A_505 = arith.constant 0 : index
        %swap3A_506 = tpu.vector_load %arg11[%swap3A_504, %swap3A_505] {strides = array<i32>} : memref<512x32xf32, #tpu.memory_space<vmem>>, vector<1x16xf32>,
        %swap3A_507 = vector.shape_cast %swap3A_506 : vector<1x16xf32> to vector<16xf32>
        %swap3A_508 = vector.shape_cast %mul3A_503 : vector<16xf32> to vector<1x16xf32>
        tpu.vector_store %arg11[%swap3A_504, %swap3A_505], %swap3A_508 {strides = array<i32>} : memref<512x32xf32, #tpu.memory_space<vmem>>, vector<1x16xf32>,
        %get3A_509 = arith.index_cast %add3A_498 : i32 to index
        %get3A_510 = arith.constant 16 : index
        %get3A_511 = tpu.vector_load %arg11[%get3A_509, %get3A_510] {strides = array<i32>} : memref<512x32xf32, #tpu.memory_space<vmem>>, vector<1x16xf32>,
        %get3A_512 = vector.shape_cast %get3A_511 : vector<1x16xf32> to vector<16xf32>
        %mul3A_513 = arith.mulf %get3A_512, %gather3A_496 : vector<16xf32>
        %swap3A_514 = arith.index_cast %add3A_498 : i32 to index
        %swap3A_515 = arith.constant 16 : index
        %swap3A_516 = tpu.vector_load %arg11[%swap3A_514, %swap3A_515] {strides = array<i32>} : memref<512x32xf32, #tpu.memory_space<vmem>>, vector<1x16xf32>,
        %swap3A_517 = vector.shape_cast %swap3A_516 : vector<1x16xf32> to vector<16xf32>
        %swap3A_518 = vector.shape_cast %mul3A_513 : vector<16xf32> to vector<1x16xf32>
        tpu.vector_store %arg11[%swap3A_514, %swap3A_515], %swap3A_518 {strides = array<i32>} : memref<512x32xf32, #tpu.memory_space<vmem>>, vector<1x16xf32>,
        %broadcast_in_dim3A_519 = arith.constant 11 : i32
        %broadcast_in_dim3A_520 = vector.broadcast %broadcast_in_dim3A_519 : i32 to vector<16x1xi32>
        %gather3A_521 = vector.shape_cast %broadcast_in_dim3A_520 : vector<16x1xi32> to vector<16xi32>
        %gather3A_522 = tpu.dynamic_gather %get3A_232[%gather3A_521] in [0] : vector<16xf32>, vector<16xi32> -> vector<16xf32>
        %add3A_523 = arith.constant 11 : i32
        %add3A_524 = arith.addi %mul3A_234, %add3A_523 : i32
        %get3A_525 = arith.index_cast %add3A_524 : i32 to index
        %get3A_526 = arith.constant 0 : index
        %get3A_527 = tpu.vector_load %arg11[%get3A_525, %get3A_526] {strides = array<i32>} : memref<512x32xf32, #tpu.memory_space<vmem>>, vector<1x16xf32>,
        %get3A_528 = vector.shape_cast %get3A_527 : vector<1x16xf32> to vector<16xf32>
        %mul3A_529 = arith.mulf %get3A_528, %gather3A_522 : vector<16xf32>
        %swap3A_530 = arith.index_cast %add3A_524 : i32 to index
        %swap3A_531 = arith.constant 0 : index
        %swap3A_532 = tpu.vector_load %arg11[%swap3A_530, %swap3A_531] {strides = array<i32>} : memref<512x32xf32, #tpu.memory_space<vmem>>, vector<1x16xf32>,
        %swap3A_533 = vector.shape_cast %swap3A_532 : vector<1x16xf32> to vector<16xf32>
        %swap3A_534 = vector.shape_cast %mul3A_529 : vector<16xf32> to vector<1x16xf32>
        tpu.vector_store %arg11[%swap3A_530, %swap3A_531], %swap3A_534 {strides = array<i32>} : memref<512x32xf32, #tpu.memory_space<vmem>>, vector<1x16xf32>,
        %get3A_535 = arith.index_cast %add3A_524 : i32 to index
        %get3A_536 = arith.constant 16 : index
        %get3A_537 = tpu.vector_load %arg11[%get3A_535, %get3A_536] {strides = array<i32>} : memref<512x32xf32, #tpu.memory_space<vmem>>, vector<1x16xf32>,
        %get3A_538 = vector.shape_cast %get3A_537 : vector<1x16xf32> to vector<16xf32>
        %mul3A_539 = arith.mulf %get3A_538, %gather3A_522 : vector<16xf32>
        %swap3A_540 = arith.index_cast %add3A_524 : i32 to index
        %swap3A_541 = arith.constant 16 : index
        %swap3A_542 = tpu.vector_load %arg11[%swap3A_540, %swap3A_541] {strides = array<i32>} : memref<512x32xf32, #tpu.memory_space<vmem>>, vector<1x16xf32>,
        %swap3A_543 = vector.shape_cast %swap3A_542 : vector<1x16xf32> to vector<16xf32>
        %swap3A_544 = vector.shape_cast %mul3A_539 : vector<16xf32> to vector<1x16xf32>
        tpu.vector_store %arg11[%swap3A_540, %swap3A_541], %swap3A_544 {strides = array<i32>} : memref<512x32xf32, #tpu.memory_space<vmem>>, vector<1x16xf32>,
        %broadcast_in_dim3A_545 = arith.constant 12 : i32
        %broadcast_in_dim3A_546 = vector.broadcast %broadcast_in_dim3A_545 : i32 to vector<16x1xi32>
        %gather3A_547 = vector.shape_cast %broadcast_in_dim3A_546 : vector<16x1xi32> to vector<16xi32>
        %gather3A_548 = tpu.dynamic_gather %get3A_232[%gather3A_547] in [0] : vector<16xf32>, vector<16xi32> -> vector<16xf32>
        %add3A_549 = arith.constant 12 : i32
        %add3A_550 = arith.addi %mul3A_234, %add3A_549 : i32
        %get3A_551 = arith.index_cast %add3A_550 : i32 to index
        %get3A_552 = arith.constant 0 : index
        %get3A_553 = tpu.vector_load %arg11[%get3A_551, %get3A_552] {strides = array<i32>} : memref<512x32xf32, #tpu.memory_space<vmem>>, vector<1x16xf32>,
        %get3A_554 = vector.shape_cast %get3A_553 : vector<1x16xf32> to vector<16xf32>
        %mul3A_555 = arith.mulf %get3A_554, %gather3A_548 : vector<16xf32>
        %swap3A_556 = arith.index_cast %add3A_550 : i32 to index
        %swap3A_557 = arith.constant 0 : index
        %swap3A_558 = tpu.vector_load %arg11[%swap3A_556, %swap3A_557] {strides = array<i32>} : memref<512x32xf32, #tpu.memory_space<vmem>>, vector<1x16xf32>,
        %swap3A_559 = vector.shape_cast %swap3A_558 : vector<1x16xf32> to vector<16xf32>
        %swap3A_560 = vector.shape_cast %mul3A_555 : vector<16xf32> to vector<1x16xf32>
        tpu.vector_store %arg11[%swap3A_556, %swap3A_557], %swap3A_560 {strides = array<i32>} : memref<512x32xf32, #tpu.memory_space<vmem>>, vector<1x16xf32>,
        %get3A_561 = arith.index_cast %add3A_550 : i32 to index
        %get3A_562 = arith.constant 16 : index
        %get3A_563 = tpu.vector_load %arg11[%get3A_561, %get3A_562] {strides = array<i32>} : memref<512x32xf32, #tpu.memory_space<vmem>>, vector<1x16xf32>,
        %get3A_564 = vector.shape_cast %get3A_563 : vector<1x16xf32> to vector<16xf32>
        %mul3A_565 = arith.mulf %get3A_564, %gather3A_548 : vector<16xf32>
        %swap3A_566 = arith.index_cast %add3A_550 : i32 to index
        %swap3A_567 = arith.constant 16 : index
        %swap3A_568 = tpu.vector_load %arg11[%swap3A_566, %swap3A_567] {strides = array<i32>} : memref<512x32xf32, #tpu.memory_space<vmem>>, vector<1x16xf32>,
        %swap3A_569 = vector.shape_cast %swap3A_568 : vector<1x16xf32> to vector<16xf32>
        %swap3A_570 = vector.shape_cast %mul3A_565 : vector<16xf32> to vector<1x16xf32>
        tpu.vector_store %arg11[%swap3A_566, %swap3A_567], %swap3A_570 {strides = array<i32>} : memref<512x32xf32, #tpu.memory_space<vmem>>, vector<1x16xf32>,
        %broadcast_in_dim3A_571 = arith.constant 13 : i32
        %broadcast_in_dim3A_572 = vector.broadcast %broadcast_in_dim3A_571 : i32 to vector<16x1xi32>
        %gather3A_573 = vector.shape_cast %broadcast_in_dim3A_572 : vector<16x1xi32> to vector<16xi32>
        %gather3A_574 = tpu.dynamic_gather %get3A_232[%gather3A_573] in [0] : vector<16xf32>, vector<16xi32> -> vector<16xf32>
        %add3A_575 = arith.constant 13 : i32
        %add3A_576 = arith.addi %mul3A_234, %add3A_575 : i32
        %get3A_577 = arith.index_cast %add3A_576 : i32 to index
        %get3A_578 = arith.constant 0 : index
        %get3A_579 = tpu.vector_load %arg11[%get3A_577, %get3A_578] {strides = array<i32>} : memref<512x32xf32, #tpu.memory_space<vmem>>, vector<1x16xf32>,
        %get3A_580 = vector.shape_cast %get3A_579 : vector<1x16xf32> to vector<16xf32>
        %mul3A_581 = arith.mulf %get3A_580, %gather3A_574 : vector<16xf32>
        %swap3A_582 = arith.index_cast %add3A_576 : i32 to index
        %swap3A_583 = arith.constant 0 : index
        %swap3A_584 = tpu.vector_load %arg11[%swap3A_582, %swap3A_583] {strides = array<i32>} : memref<512x32xf32, #tpu.memory_space<vmem>>, vector<1x16xf32>,
        %swap3A_585 = vector.shape_cast %swap3A_584 : vector<1x16xf32> to vector<16xf32>
        %swap3A_586 = vector.shape_cast %mul3A_581 : vector<16xf32> to vector<1x16xf32>
        tpu.vector_store %arg11[%swap3A_582, %swap3A_583], %swap3A_586 {strides = array<i32>} : memref<512x32xf32, #tpu.memory_space<vmem>>, vector<1x16xf32>,
        %get3A_587 = arith.index_cast %add3A_576 : i32 to index
        %get3A_588 = arith.constant 16 : index
        %get3A_589 = tpu.vector_load %arg11[%get3A_587, %get3A_588] {strides = array<i32>} : memref<512x32xf32, #tpu.memory_space<vmem>>, vector<1x16xf32>,
        %get3A_590 = vector.shape_cast %get3A_589 : vector<1x16xf32> to vector<16xf32>
        %mul3A_591 = arith.mulf %get3A_590, %gather3A_574 : vector<16xf32>
        %swap3A_592 = arith.index_cast %add3A_576 : i32 to index
        %swap3A_593 = arith.constant 16 : index
        %swap3A_594 = tpu.vector_load %arg11[%swap3A_592, %swap3A_593] {strides = array<i32>} : memref<512x32xf32, #tpu.memory_space<vmem>>, vector<1x16xf32>,
        %swap3A_595 = vector.shape_cast %swap3A_594 : vector<1x16xf32> to vector<16xf32>
        %swap3A_596 = vector.shape_cast %mul3A_591 : vector<16xf32> to vector<1x16xf32>
        tpu.vector_store %arg11[%swap3A_592, %swap3A_593], %swap3A_596 {strides = array<i32>} : memref<512x32xf32, #tpu.memory_space<vmem>>, vector<1x16xf32>,
        %broadcast_in_dim3A_597 = arith.constant 14 : i32
        %broadcast_in_dim3A_598 = vector.broadcast %broadcast_in_dim3A_597 : i32 to vector<16x1xi32>
        %gather3A_599 = vector.shape_cast %broadcast_in_dim3A_598 : vector<16x1xi32> to vector<16xi32>
        %gather3A_600 = tpu.dynamic_gather %get3A_232[%gather3A_599] in [0] : vector<16xf32>, vector<16xi32> -> vector<16xf32>
        %add3A_601 = arith.constant 14 : i32
        %add3A_602 = arith.addi %mul3A_234, %add3A_601 : i32
        %get3A_603 = arith.index_cast %add3A_602 : i32 to index
        %get3A_604 = arith.constant 0 : index
        %get3A_605 = tpu.vector_load %arg11[%get3A_603, %get3A_604] {strides = array<i32>} : memref<512x32xf32, #tpu.memory_space<vmem>>, vector<1x16xf32>,
        %get3A_606 = vector.shape_cast %get3A_605 : vector<1x16xf32> to vector<16xf32>
        %mul3A_607 = arith.mulf %get3A_606, %gather3A_600 : vector<16xf32>
        %swap3A_608 = arith.index_cast %add3A_602 : i32 to index
        %swap3A_609 = arith.constant 0 : index
        %swap3A_610 = tpu.vector_load %arg11[%swap3A_608, %swap3A_609] {strides = array<i32>} : memref<512x32xf32, #tpu.memory_space<vmem>>, vector<1x16xf32>,
        %swap3A_611 = vector.shape_cast %swap3A_610 : vector<1x16xf32> to vector<16xf32>
        %swap3A_612 = vector.shape_cast %mul3A_607 : vector<16xf32> to vector<1x16xf32>
        tpu.vector_store %arg11[%swap3A_608, %swap3A_609], %swap3A_612 {strides = array<i32>} : memref<512x32xf32, #tpu.memory_space<vmem>>, vector<1x16xf32>,
        %get3A_613 = arith.index_cast %add3A_602 : i32 to index
        %get3A_614 = arith.constant 16 : index
        %get3A_615 = tpu.vector_load %arg11[%get3A_613, %get3A_614] {strides = array<i32>} : memref<512x32xf32, #tpu.memory_space<vmem>>, vector<1x16xf32>,
        %get3A_616 = vector.shape_cast %get3A_615 : vector<1x16xf32> to vector<16xf32>
        %mul3A_617 = arith.mulf %get3A_616, %gather3A_600 : vector<16xf32>
        %swap3A_618 = arith.index_cast %add3A_602 : i32 to index
        %swap3A_619 = arith.constant 16 : index
        %swap3A_620 = tpu.vector_load %arg11[%swap3A_618, %swap3A_619] {strides = array<i32>} : memref<512x32xf32, #tpu.memory_space<vmem>>, vector<1x16xf32>,
        %swap3A_621 = vector.shape_cast %swap3A_620 : vector<1x16xf32> to vector<16xf32>
        %swap3A_622 = vector.shape_cast %mul3A_617 : vector<16xf32> to vector<1x16xf32>
        tpu.vector_store %arg11[%swap3A_618, %swap3A_619], %swap3A_622 {strides = array<i32>} : memref<512x32xf32, #tpu.memory_space<vmem>>, vector<1x16xf32>,
        %broadcast_in_dim3A_623 = arith.constant 15 : i32
        %broadcast_in_dim3A_624 = vector.broadcast %broadcast_in_dim3A_623 : i32 to vector<16x1xi32>
        %gather3A_625 = vector.shape_cast %broadcast_in_dim3A_624 : vector<16x1xi32> to vector<16xi32>
        %gather3A_626 = tpu.dynamic_gather %get3A_232[%gather3A_625] in [0] : vector<16xf32>, vector<16xi32> -> vector<16xf32>
        %add3A_627 = arith.constant 15 : i32
        %add3A_628 = arith.addi %mul3A_234, %add3A_627 : i32
        %get3A_629 = arith.index_cast %add3A_628 : i32 to index
        %get3A_630 = arith.constant 0 : index
        %get3A_631 = tpu.vector_load %arg11[%get3A_629, %get3A_630] {strides = array<i32>} : memref<512x32xf32, #tpu.memory_space<vmem>>, vector<1x16xf32>,
        %get3A_632 = vector.shape_cast %get3A_631 : vector<1x16xf32> to vector<16xf32>
        %mul3A_633 = arith.mulf %get3A_632, %gather3A_626 : vector<16xf32>
        %swap3A_634 = arith.index_cast %add3A_628 : i32 to index
        %swap3A_635 = arith.constant 0 : index
        %swap3A_636 = tpu.vector_load %arg11[%swap3A_634, %swap3A_635] {strides = array<i32>} : memref<512x32xf32, #tpu.memory_space<vmem>>, vector<1x16xf32>,
        %swap3A_637 = vector.shape_cast %swap3A_636 : vector<1x16xf32> to vector<16xf32>
        %swap3A_638 = vector.shape_cast %mul3A_633 : vector<16xf32> to vector<1x16xf32>
        tpu.vector_store %arg11[%swap3A_634, %swap3A_635], %swap3A_638 {strides = array<i32>} : memref<512x32xf32, #tpu.memory_space<vmem>>, vector<1x16xf32>,
        %get3A_639 = arith.index_cast %add3A_628 : i32 to index
        %get3A_640 = arith.constant 16 : index
        %get3A_641 = tpu.vector_load %arg11[%get3A_639, %get3A_640] {strides = array<i32>} : memref<512x32xf32, #tpu.memory_space<vmem>>, vector<1x16xf32>,
        %get3A_642 = vector.shape_cast %get3A_641 : vector<1x16xf32> to vector<16xf32>
        %mul3A_643 = arith.mulf %get3A_642, %gather3A_626 : vector<16xf32>
        %swap3A_644 = arith.index_cast %add3A_628 : i32 to index
        %swap3A_645 = arith.constant 16 : index
        %swap3A_646 = tpu.vector_load %arg11[%swap3A_644, %swap3A_645] {strides = array<i32>} : memref<512x32xf32, #tpu.memory_space<vmem>>, vector<1x16xf32>,
        %swap3A_647 = vector.shape_cast %swap3A_646 : vector<1x16xf32> to vector<16xf32>
        %swap3A_648 = vector.shape_cast %mul3A_643 : vector<16xf32> to vector<1x16xf32>
        tpu.vector_store %arg11[%swap3A_644, %swap3A_645], %swap3A_648 {strides = array<i32>} : memref<512x32xf32, #tpu.memory_space<vmem>>, vector<1x16xf32>,
        %scan3A_649 = arith.constant 0 : i32
        scf.yield %scan3A_649 : i32
      }
      %scan3A_145 = arith.constant 32 : i32
      %dma_start3A_146 = arith.constant 0 : i32
      %dma_start3A_147 = arith.constant 0 : i32
      %dma_start3A_148 = arith.constant 0 : i32
      %dma_start3A_149 = tpu.memref_slice %arg11[%dma_start3A_147, %dma_start3A_148] : memref<512x32xf32, #tpu.memory_space<vmem>> -> memref<128x32xf32, #tpu.memory_space<vmem>>
      %dma_start3A_150 = arith.constant 0 : i32
      %dma_start3A_151 = tpu.memref_slice %arg10[%dma_start3A_146, %dma_start3A_150] : memref<4x128xi32, #tpu.memory_space<vmem>> -> memref<1x128xi32, #tpu.memory_space<vmem>>
      %dma_start3A_152 = tpu.memref_squeeze %dma_start3A_151 : memref<1x128xi32, #tpu.memory_space<vmem>> -> memref<128xi32, #tpu.memory_space<vmem>>
      %dma_start3A_153 = arith.constant 0 : i32
      %dma_start3A_154 = arith.constant 0 : i32
      %dma_start3A_155 = tpu.memref_slice %arg12[%dma_start3A_153, %dma_start3A_154] : memref<50048x32xf32, #tpu.memory_space<vmem_shared>> -> memref<50048x32xf32, #tpu.memory_space<vmem_shared>>
      tpu.enqueue_indirect_dma source(%dma_start3A_149 : memref<128x32xf32, #tpu.memory_space<vmem>>) target(%dma_start3A_155 : memref<50048x32xf32, #tpu.memory_space<vmem_shared>>) offsets(%dma_start3A_152 : memref<128xi32, #tpu.memory_space<vmem>>) semaphore(%arg14 : memref<!tpu.dma_semaphore, #tpu.memory_space<semaphore_mem>>) {add = true}
      %dma_start3A_156 = arith.constant 1 : i32
      %dma_start3A_157 = arith.constant 128 : i32
      %dma_start3A_158 = arith.constant 0 : i32
      %dma_start3A_159 = tpu.memref_slice %arg11[%dma_start3A_157, %dma_start3A_158] : memref<512x32xf32, #tpu.memory_space<vmem>> -> memref<128x32xf32, #tpu.memory_space<vmem>>
      %dma_start3A_160 = arith.constant 0 : i32
      %dma_start3A_161 = tpu.memref_slice %arg10[%dma_start3A_156, %dma_start3A_160] : memref<4x128xi32, #tpu.memory_space<vmem>> -> memref<1x128xi32, #tpu.memory_space<vmem>>
      %dma_start3A_162 = tpu.memref_squeeze %dma_start3A_161 : memref<1x128xi32, #tpu.memory_space<vmem>> -> memref<128xi32, #tpu.memory_space<vmem>>
      %dma_start3A_163 = arith.constant 0 : i32
      %dma_start3A_164 = arith.constant 0 : i32
      %dma_start3A_165 = tpu.memref_slice %arg12[%dma_start3A_163, %dma_start3A_164] : memref<50048x32xf32, #tpu.memory_space<vmem_shared>> -> memref<50048x32xf32, #tpu.memory_space<vmem_shared>>
      tpu.enqueue_indirect_dma source(%dma_start3A_159 : memref<128x32xf32, #tpu.memory_space<vmem>>) target(%dma_start3A_165 : memref<50048x32xf32, #tpu.memory_space<vmem_shared>>) offsets(%dma_start3A_162 : memref<128xi32, #tpu.memory_space<vmem>>) semaphore(%arg14 : memref<!tpu.dma_semaphore, #tpu.memory_space<semaphore_mem>>) {add = true}
      %dma_start3A_166 = arith.constant 2 : i32
      %dma_start3A_167 = arith.constant 256 : i32
      %dma_start3A_168 = arith.constant 0 : i32
      %dma_start3A_169 = tpu.memref_slice %arg11[%dma_start3A_167, %dma_start3A_168] : memref<512x32xf32, #tpu.memory_space<vmem>> -> memref<128x32xf32, #tpu.memory_space<vmem>>
      %dma_start3A_170 = arith.constant 0 : i32
      %dma_start3A_171 = tpu.memref_slice %arg10[%dma_start3A_166, %dma_start3A_170] : memref<4x128xi32, #tpu.memory_space<vmem>> -> memref<1x128xi32, #tpu.memory_space<vmem>>
      %dma_start3A_172 = tpu.memref_squeeze %dma_start3A_171 : memref<1x128xi32, #tpu.memory_space<vmem>> -> memref<128xi32, #tpu.memory_space<vmem>>
      %dma_start3A_173 = arith.constant 0 : i32
      %dma_start3A_174 = arith.constant 0 : i32
      %dma_start3A_175 = tpu.memref_slice %arg12[%dma_start3A_173, %dma_start3A_174] : memref<50048x32xf32, #tpu.memory_space<vmem_shared>> -> memref<50048x32xf32, #tpu.memory_space<vmem_shared>>
      tpu.enqueue_indirect_dma source(%dma_start3A_169 : memref<128x32xf32, #tpu.memory_space<vmem>>) target(%dma_start3A_175 : memref<50048x32xf32, #tpu.memory_space<vmem_shared>>) offsets(%dma_start3A_172 : memref<128xi32, #tpu.memory_space<vmem>>) semaphore(%arg14 : memref<!tpu.dma_semaphore, #tpu.memory_space<semaphore_mem>>) {add = true}
      %dma_start3A_176 = arith.constant 3 : i32
      %dma_start3A_177 = arith.constant 384 : i32
      %dma_start3A_178 = arith.constant 0 : i32
      %dma_start3A_179 = tpu.memref_slice %arg11[%dma_start3A_177, %dma_start3A_178] : memref<512x32xf32, #tpu.memory_space<vmem>> -> memref<128x32xf32, #tpu.memory_space<vmem>>
      %dma_start3A_180 = arith.constant 0 : i32
      %dma_start3A_181 = tpu.memref_slice %arg10[%dma_start3A_176, %dma_start3A_180] : memref<4x128xi32, #tpu.memory_space<vmem>> -> memref<1x128xi32, #tpu.memory_space<vmem>>
      %dma_start3A_182 = tpu.memref_squeeze %dma_start3A_181 : memref<1x128xi32, #tpu.memory_space<vmem>> -> memref<128xi32, #tpu.memory_space<vmem>>
      %dma_start3A_183 = arith.constant 0 : i32
      %dma_start3A_184 = arith.constant 0 : i32
      %dma_start3A_185 = tpu.memref_slice %arg12[%dma_start3A_183, %dma_start3A_184] : memref<50048x32xf32, #tpu.memory_space<vmem_shared>> -> memref<50048x32xf32, #tpu.memory_space<vmem_shared>>
      tpu.enqueue_indirect_dma source(%dma_start3A_179 : memref<128x32xf32, #tpu.memory_space<vmem>>) target(%dma_start3A_185 : memref<50048x32xf32, #tpu.memory_space<vmem_shared>>) offsets(%dma_start3A_182 : memref<128xi32, #tpu.memory_space<vmem>>) semaphore(%arg14 : memref<!tpu.dma_semaphore, #tpu.memory_space<semaphore_mem>>) {add = true}
      %dma_wait3A_186 = arith.constant 0 : i32
      %dma_wait3A_187 = arith.constant 0 : i32
      %dma_wait3A_188 = arith.constant 0 : i32
      %dma_wait3A_189 = tpu.memref_slice %arg11[%dma_wait3A_187, %dma_wait3A_188] : memref<512x32xf32, #tpu.memory_space<vmem>> -> memref<128x32xf32, #tpu.memory_space<vmem>>
      %dma_wait3A_190 = arith.constant 0 : i32
      %dma_wait3A_191 = tpu.memref_slice %arg10[%dma_wait3A_186, %dma_wait3A_190] : memref<4x128xi32, #tpu.memory_space<vmem>> -> memref<1x128xi32, #tpu.memory_space<vmem>>
      %dma_wait3A_192 = tpu.memref_squeeze %dma_wait3A_191 : memref<1x128xi32, #tpu.memory_space<vmem>> -> memref<128xi32, #tpu.memory_space<vmem>>
      %dma_wait3A_193 = arith.constant 0 : i32
      %dma_wait3A_194 = arith.constant 0 : i32
      %dma_wait3A_195 = tpu.memref_slice %arg12[%dma_wait3A_193, %dma_wait3A_194] : memref<50048x32xf32, #tpu.memory_space<vmem_shared>> -> memref<50048x32xf32, #tpu.memory_space<vmem_shared>>
      tpu.wait_indirect_dma semaphore(%arg14 : memref<!tpu.dma_semaphore, #tpu.memory_space<semaphore_mem>>) src(%dma_wait3A_189 : memref<128x32xf32, #tpu.memory_space<vmem>>) dst(%dma_wait3A_195 : memref<50048x32xf32, #tpu.memory_space<vmem_shared>>)
      %dma_wait3A_196 = arith.constant 1 : i32
      %dma_wait3A_197 = arith.constant 128 : i32
      %dma_wait3A_198 = arith.constant 0 : i32
      %dma_wait3A_199 = tpu.memref_slice %arg11[%dma_wait3A_197, %dma_wait3A_198] : memref<512x32xf32, #tpu.memory_space<vmem>> -> memref<128x32xf32, #tpu.memory_space<vmem>>
      %dma_wait3A_200 = arith.constant 0 : i32
      %dma_wait3A_201 = tpu.memref_slice %arg10[%dma_wait3A_196, %dma_wait3A_200] : memref<4x128xi32, #tpu.memory_space<vmem>> -> memref<1x128xi32, #tpu.memory_space<vmem>>
      %dma_wait3A_202 = tpu.memref_squeeze %dma_wait3A_201 : memref<1x128xi32, #tpu.memory_space<vmem>> -> memref<128xi32, #tpu.memory_space<vmem>>
      %dma_wait3A_203 = arith.constant 0 : i32
      %dma_wait3A_204 = arith.constant 0 : i32
      %dma_wait3A_205 = tpu.memref_slice %arg12[%dma_wait3A_203, %dma_wait3A_204] : memref<50048x32xf32, #tpu.memory_space<vmem_shared>> -> memref<50048x32xf32, #tpu.memory_space<vmem_shared>>
      tpu.wait_indirect_dma semaphore(%arg14 : memref<!tpu.dma_semaphore, #tpu.memory_space<semaphore_mem>>) src(%dma_wait3A_199 : memref<128x32xf32, #tpu.memory_space<vmem>>) dst(%dma_wait3A_205 : memref<50048x32xf32, #tpu.memory_space<vmem_shared>>)
      %dma_wait3A_206 = arith.constant 2 : i32
      %dma_wait3A_207 = arith.constant 256 : i32
      %dma_wait3A_208 = arith.constant 0 : i32
      %dma_wait3A_209 = tpu.memref_slice %arg11[%dma_wait3A_207, %dma_wait3A_208] : memref<512x32xf32, #tpu.memory_space<vmem>> -> memref<128x32xf32, #tpu.memory_space<vmem>>
      %dma_wait3A_210 = arith.constant 0 : i32
      %dma_wait3A_211 = tpu.memref_slice %arg10[%dma_wait3A_206, %dma_wait3A_210] : memref<4x128xi32, #tpu.memory_space<vmem>> -> memref<1x128xi32, #tpu.memory_space<vmem>>
      %dma_wait3A_212 = tpu.memref_squeeze %dma_wait3A_211 : memref<1x128xi32, #tpu.memory_space<vmem>> -> memref<128xi32, #tpu.memory_space<vmem>>
      %dma_wait3A_213 = arith.constant 0 : i32
      %dma_wait3A_214 = arith.constant 0 : i32
      %dma_wait3A_215 = tpu.memref_slice %arg12[%dma_wait3A_213, %dma_wait3A_214] : memref<50048x32xf32, #tpu.memory_space<vmem_shared>> -> memref<50048x32xf32, #tpu.memory_space<vmem_shared>>
      tpu.wait_indirect_dma semaphore(%arg14 : memref<!tpu.dma_semaphore, #tpu.memory_space<semaphore_mem>>) src(%dma_wait3A_209 : memref<128x32xf32, #tpu.memory_space<vmem>>) dst(%dma_wait3A_215 : memref<50048x32xf32, #tpu.memory_space<vmem_shared>>)
      %dma_wait3A_216 = arith.constant 3 : i32
      %dma_wait3A_217 = arith.constant 384 : i32
      %dma_wait3A_218 = arith.constant 0 : i32
      %dma_wait3A_219 = tpu.memref_slice %arg11[%dma_wait3A_217, %dma_wait3A_218] : memref<512x32xf32, #tpu.memory_space<vmem>> -> memref<128x32xf32, #tpu.memory_space<vmem>>
      %dma_wait3A_220 = arith.constant 0 : i32
      %dma_wait3A_221 = tpu.memref_slice %arg10[%dma_wait3A_216, %dma_wait3A_220] : memref<4x128xi32, #tpu.memory_space<vmem>> -> memref<1x128xi32, #tpu.memory_space<vmem>>
      %dma_wait3A_222 = tpu.memref_squeeze %dma_wait3A_221 : memref<1x128xi32, #tpu.memory_space<vmem>> -> memref<128xi32, #tpu.memory_space<vmem>>
      %dma_wait3A_223 = arith.constant 0 : i32
      %dma_wait3A_224 = arith.constant 0 : i32
      %dma_wait3A_225 = tpu.memref_slice %arg12[%dma_wait3A_223, %dma_wait3A_224] : memref<50048x32xf32, #tpu.memory_space<vmem_shared>> -> memref<50048x32xf32, #tpu.memory_space<vmem_shared>>
      tpu.wait_indirect_dma semaphore(%arg14 : memref<!tpu.dma_semaphore, #tpu.memory_space<semaphore_mem>>) src(%dma_wait3A_219 : memref<128x32xf32, #tpu.memory_space<vmem>>) dst(%dma_wait3A_225 : memref<50048x32xf32, #tpu.memory_space<vmem_shared>>)
      %scan3A_226 = arith.constant 0 : i32
      scf.yield %scan3A_226 : i32
    }
    %scan3A_25 = arith.constant 196 : i32
    %barrier3A_26 = arith.constant 0 : index
    tpu.barrier barrier_id(%barrier3A_26)
    %mul3A_27 = arith.constant 3128 : i32
    %mul3A_28 = arith.muli %arg1, %mul3A_27 : i32
    %scan3A_29 = arith.constant 0 : i32
    %scan3A_30 = arith.constant 0 : i32
    %scan3A_31 = arith.constant 6 : i32
    %scan3A_32 = arith.addi %scan3A_30, %scan3A_31 : i32
    %scan3A_33 = arith.constant 1 : i32
    %scan3A_34 = scf.for %scan3A_42 = %scan3A_30 to %scan3A_32 step %scan3A_33 iter_args(%scan3A_43 = %scan3A_29) -> (i32)  : i32 {
      %mul3A_44 = arith.constant 512 : i32
      %mul3A_45 = arith.muli %scan3A_42, %mul3A_44 : i32
      %add3A_46 = arith.addi %mul3A_28, %mul3A_45 : i32
      "tpu.region"() ({
        %run_scoped3A = tpu.sem_alloc : memref<!tpu.dma_semaphore, #tpu.memory_space<semaphore_mem>>
        %dma_start3A = arith.constant 0 : i32
        %dma_start3A_52 = tpu.memref_slice %arg12[%add3A_46, %dma_start3A] : memref<50048x32xf32, #tpu.memory_space<vmem_shared>> -> memref<512x32xf32, #tpu.memory_space<vmem_shared>>
        %dma_start3A_53 = arith.constant 0 : i32
        %dma_start3A_54 = tpu.memref_slice %arg12[%add3A_46, %dma_start3A_53] : memref<50048x32xf32, #tpu.memory_space<vmem_shared>> -> memref<512x32xf32, #tpu.memory_space<vmem_shared>>
        tpu.enqueue_dma source(%dma_start3A_54 : memref<512x32xf32, #tpu.memory_space<vmem_shared>>) target(%arg11 : memref<512x32xf32, #tpu.memory_space<vmem>>) target_semaphore(%run_scoped3A : memref<!tpu.dma_semaphore, #tpu.memory_space<semaphore_mem>>)
        %dma_wait3A = arith.constant 0 : i32
        %dma_wait3A_55 = tpu.memref_slice %arg12[%add3A_46, %dma_wait3A] : memref<50048x32xf32, #tpu.memory_space<vmem_shared>> -> memref<512x32xf32, #tpu.memory_space<vmem_shared>>
        %dma_wait3A_56 = arith.constant 0 : i32
        %dma_wait3A_57 = tpu.memref_slice %arg12[%add3A_46, %dma_wait3A_56] : memref<50048x32xf32, #tpu.memory_space<vmem_shared>> -> memref<512x32xf32, #tpu.memory_space<vmem_shared>>
        tpu.wait_dma2 semaphore(%run_scoped3A : memref<!tpu.dma_semaphore, #tpu.memory_space<semaphore_mem>>) src(%dma_wait3A_57 : memref<512x32xf32, #tpu.memory_space<vmem_shared>>) dst(%arg11 : memref<512x32xf32, #tpu.memory_space<vmem>>)
        tpu.yield
      }) : () -> ()
      %add3A_47 = arith.addi %mul3A_0, %mul3A_28 : i32
      %mul3A_48 = arith.constant 512 : i32
      %mul3A_49 = arith.muli %scan3A_42, %mul3A_48 : i32
      %add3A_50 = arith.addi %add3A_47, %mul3A_49 : i32
      "tpu.region"() ({
        %run_scoped3A = tpu.sem_alloc : memref<!tpu.dma_semaphore, #tpu.memory_space<semaphore_mem>>
        %dma_start3A = arith.constant 0 : i32
        %dma_start3A_52 = tpu.memref_slice %arg6[%add3A_50, %dma_start3A] : memref<100000x32xf32, #tpu.memory_space<hbm>> -> memref<512x32xf32, #tpu.memory_space<hbm>>
        %dma_start3A_53 = arith.constant 0 : i32
        %dma_start3A_54 = tpu.memref_slice %arg6[%add3A_50, %dma_start3A_53] : memref<100000x32xf32, #tpu.memory_space<hbm>> -> memref<512x32xf32, #tpu.memory_space<hbm>>
        tpu.enqueue_dma source(%arg11 : memref<512x32xf32, #tpu.memory_space<vmem>>) target(%dma_start3A_54 : memref<512x32xf32, #tpu.memory_space<hbm>>) target_semaphore(%run_scoped3A : memref<!tpu.dma_semaphore, #tpu.memory_space<semaphore_mem>>)
        %dma_wait3A = arith.constant 0 : i32
        %dma_wait3A_55 = tpu.memref_slice %arg6[%add3A_50, %dma_wait3A] : memref<100000x32xf32, #tpu.memory_space<hbm>> -> memref<512x32xf32, #tpu.memory_space<hbm>>
        %dma_wait3A_56 = arith.constant 0 : i32
        %dma_wait3A_57 = tpu.memref_slice %arg6[%add3A_50, %dma_wait3A_56] : memref<100000x32xf32, #tpu.memory_space<hbm>> -> memref<512x32xf32, #tpu.memory_space<hbm>>
        tpu.wait_dma2 semaphore(%run_scoped3A : memref<!tpu.dma_semaphore, #tpu.memory_space<semaphore_mem>>) src(%arg11 : memref<512x32xf32, #tpu.memory_space<vmem>>) dst(%dma_wait3A_57 : memref<512x32xf32, #tpu.memory_space<hbm>>)
        tpu.yield
      }) : () -> ()
      %scan3A_51 = arith.constant 0 : i32
      scf.yield %scan3A_51 : i32
    }
    %scan3A_35 = arith.constant 6 : i32
    %lt3A = arith.constant 15 : i32
    %lt3A_36 = arith.cmpi slt, %arg1, %lt3A : i32
    %convert_element_type3A = arith.extui %lt3A_36 : i1 to i32
    %cond3A = arith.constant 0 : i32
    %cond3A_37 = arith.cmpi ne, %convert_element_type3A, %cond3A : i32
    scf.if %cond3A_37 {
      %add3A_42 = arith.constant 3072 : i32
      %add3A_43 = arith.addi %mul3A_28, %add3A_42 : i32
      "tpu.region"() ({
        %run_scoped3A = tpu.sem_alloc : memref<!tpu.dma_semaphore, #tpu.memory_space<semaphore_mem>>
        %dma_start3A = arith.constant 0 : i32
        %dma_start3A_47 = arith.constant 0 : i32
        %dma_start3A_48 = tpu.memref_slice %arg11[%dma_start3A, %dma_start3A_47] : memref<512x32xf32, #tpu.memory_space<vmem>> -> memref<56x32xf32, #tpu.memory_space<vmem>>
        %dma_start3A_49 = arith.constant 0 : i32
        %dma_start3A_50 = tpu.memref_slice %arg12[%add3A_43, %dma_start3A_49] : memref<50048x32xf32, #tpu.memory_space<vmem_shared>> -> memref<56x32xf32, #tpu.memory_space<vmem_shared>>
        %dma_start3A_51 = arith.constant 0 : i32
        %dma_start3A_52 = arith.constant 0 : i32
        %dma_start3A_53 = tpu.memref_slice %arg11[%dma_start3A_51, %dma_start3A_52] : memref<512x32xf32, #tpu.memory_space<vmem>> -> memref<56x32xf32, #tpu.memory_space<vmem>>
        %dma_start3A_54 = arith.constant 0 : i32
        %dma_start3A_55 = tpu.memref_slice %arg12[%add3A_43, %dma_start3A_54] : memref<50048x32xf32, #tpu.memory_space<vmem_shared>> -> memref<56x32xf32, #tpu.memory_space<vmem_shared>>
        tpu.enqueue_dma source(%dma_start3A_55 : memref<56x32xf32, #tpu.memory_space<vmem_shared>>) target(%dma_start3A_53 : memref<56x32xf32, #tpu.memory_space<vmem>>) target_semaphore(%run_scoped3A : memref<!tpu.dma_semaphore, #tpu.memory_space<semaphore_mem>>)
        %dma_wait3A = arith.constant 0 : i32
        %dma_wait3A_56 = arith.constant 0 : i32
        %dma_wait3A_57 = tpu.memref_slice %arg11[%dma_wait3A, %dma_wait3A_56] : memref<512x32xf32, #tpu.memory_space<vmem>> -> memref<56x32xf32, #tpu.memory_space<vmem>>
        %dma_wait3A_58 = arith.constant 0 : i32
        %dma_wait3A_59 = tpu.memref_slice %arg12[%add3A_43, %dma_wait3A_58] : memref<50048x32xf32, #tpu.memory_space<vmem_shared>> -> memref<56x32xf32, #tpu.memory_space<vmem_shared>>
        %dma_wait3A_60 = arith.constant 0 : i32
        %dma_wait3A_61 = arith.constant 0 : i32
        %dma_wait3A_62 = tpu.memref_slice %arg11[%dma_wait3A_60, %dma_wait3A_61] : memref<512x32xf32, #tpu.memory_space<vmem>> -> memref<56x32xf32, #tpu.memory_space<vmem>>
        %dma_wait3A_63 = arith.constant 0 : i32
        %dma_wait3A_64 = tpu.memref_slice %arg12[%add3A_43, %dma_wait3A_63] : memref<50048x32xf32, #tpu.memory_space<vmem_shared>> -> memref<56x32xf32, #tpu.memory_space<vmem_shared>>
        tpu.wait_dma2 semaphore(%run_scoped3A : memref<!tpu.dma_semaphore, #tpu.memory_space<semaphore_mem>>) src(%dma_wait3A_64 : memref<56x32xf32, #tpu.memory_space<vmem_shared>>) dst(%dma_wait3A_62 : memref<56x32xf32, #tpu.memory_space<vmem>>)
        tpu.yield
      }) : () -> ()
      %add3A_44 = arith.addi %mul3A_0, %mul3A_28 : i32
      %add3A_45 = arith.constant 3072 : i32
      %add3A_46 = arith.addi %add3A_44, %add3A_45 : i32
      "tpu.region"() ({
        %run_scoped3A = tpu.sem_alloc : memref<!tpu.dma_semaphore, #tpu.memory_space<semaphore_mem>>
        %dma_start3A = arith.constant 0 : i32
        %dma_start3A_47 = arith.constant 0 : i32
        %dma_start3A_48 = tpu.memref_slice %arg11[%dma_start3A, %dma_start3A_47] : memref<512x32xf32, #tpu.memory_space<vmem>> -> memref<56x32xf32, #tpu.memory_space<vmem>>
        %dma_start3A_49 = arith.constant 0 : i32
        %dma_start3A_50 = tpu.memref_slice %arg6[%add3A_46, %dma_start3A_49] : memref<100000x32xf32, #tpu.memory_space<hbm>> -> memref<56x32xf32, #tpu.memory_space<hbm>>
        %dma_start3A_51 = arith.constant 0 : i32
        %dma_start3A_52 = tpu.memref_slice %arg6[%add3A_46, %dma_start3A_51] : memref<100000x32xf32, #tpu.memory_space<hbm>> -> memref<56x32xf32, #tpu.memory_space<hbm>>
        %dma_start3A_53 = arith.constant 0 : i32
        %dma_start3A_54 = arith.constant 0 : i32
        %dma_start3A_55 = tpu.memref_slice %arg11[%dma_start3A_53, %dma_start3A_54] : memref<512x32xf32, #tpu.memory_space<vmem>> -> memref<56x32xf32, #tpu.memory_space<vmem>>
        tpu.enqueue_dma source(%dma_start3A_55 : memref<56x32xf32, #tpu.memory_space<vmem>>) target(%dma_start3A_52 : memref<56x32xf32, #tpu.memory_space<hbm>>) target_semaphore(%run_scoped3A : memref<!tpu.dma_semaphore, #tpu.memory_space<semaphore_mem>>)
        %dma_wait3A = arith.constant 0 : i32
        %dma_wait3A_56 = arith.constant 0 : i32
        %dma_wait3A_57 = tpu.memref_slice %arg11[%dma_wait3A, %dma_wait3A_56] : memref<512x32xf32, #tpu.memory_space<vmem>> -> memref<56x32xf32, #tpu.memory_space<vmem>>
        %dma_wait3A_58 = arith.constant 0 : i32
        %dma_wait3A_59 = tpu.memref_slice %arg6[%add3A_46, %dma_wait3A_58] : memref<100000x32xf32, #tpu.memory_space<hbm>> -> memref<56x32xf32, #tpu.memory_space<hbm>>
        %dma_wait3A_60 = arith.constant 0 : i32
        %dma_wait3A_61 = tpu.memref_slice %arg6[%add3A_46, %dma_wait3A_60] : memref<100000x32xf32, #tpu.memory_space<hbm>> -> memref<56x32xf32, #tpu.memory_space<hbm>>
        %dma_wait3A_62 = arith.constant 0 : i32
        %dma_wait3A_63 = arith.constant 0 : i32
        %dma_wait3A_64 = tpu.memref_slice %arg11[%dma_wait3A_62, %dma_wait3A_63] : memref<512x32xf32, #tpu.memory_space<vmem>> -> memref<56x32xf32, #tpu.memory_space<vmem>>
        tpu.wait_dma2 semaphore(%run_scoped3A : memref<!tpu.dma_semaphore, #tpu.memory_space<semaphore_mem>>) src(%dma_wait3A_64 : memref<56x32xf32, #tpu.memory_space<vmem>>) dst(%dma_wait3A_61 : memref<56x32xf32, #tpu.memory_space<hbm>>)
        tpu.yield
      }) : () -> ()
    } else {
    }
    %eq3A = arith.constant 15 : i32
    %eq3A_38 = arith.cmpi eq, %arg1, %eq3A : i32
    %convert_element_type3A_39 = arith.extui %eq3A_38 : i1 to i32
    %cond3A_40 = arith.constant 0 : i32
    %cond3A_41 = arith.cmpi ne, %convert_element_type3A_39, %cond3A_40 : i32
    scf.if %cond3A_41 {
      %add3A_42 = arith.constant 3072 : i32
      %add3A_43 = arith.addi %mul3A_28, %add3A_42 : i32
      "tpu.region"() ({
        %run_scoped3A = tpu.sem_alloc : memref<!tpu.dma_semaphore, #tpu.memory_space<semaphore_mem>>
        %dma_start3A = arith.constant 0 : i32
        %dma_start3A_47 = arith.constant 0 : i32
        %dma_start3A_48 = tpu.memref_slice %arg11[%dma_start3A, %dma_start3A_47] : memref<512x32xf32, #tpu.memory_space<vmem>> -> memref<8x32xf32, #tpu.memory_space<vmem>>
        %dma_start3A_49 = arith.constant 0 : i32
        %dma_start3A_50 = tpu.memref_slice %arg12[%add3A_43, %dma_start3A_49] : memref<50048x32xf32, #tpu.memory_space<vmem_shared>> -> memref<8x32xf32, #tpu.memory_space<vmem_shared>>
        %dma_start3A_51 = arith.constant 0 : i32
        %dma_start3A_52 = arith.constant 0 : i32
        %dma_start3A_53 = tpu.memref_slice %arg11[%dma_start3A_51, %dma_start3A_52] : memref<512x32xf32, #tpu.memory_space<vmem>> -> memref<8x32xf32, #tpu.memory_space<vmem>>
        %dma_start3A_54 = arith.constant 0 : i32
        %dma_start3A_55 = tpu.memref_slice %arg12[%add3A_43, %dma_start3A_54] : memref<50048x32xf32, #tpu.memory_space<vmem_shared>> -> memref<8x32xf32, #tpu.memory_space<vmem_shared>>
        tpu.enqueue_dma source(%dma_start3A_55 : memref<8x32xf32, #tpu.memory_space<vmem_shared>>) target(%dma_start3A_53 : memref<8x32xf32, #tpu.memory_space<vmem>>) target_semaphore(%run_scoped3A : memref<!tpu.dma_semaphore, #tpu.memory_space<semaphore_mem>>)
        %dma_wait3A = arith.constant 0 : i32
        %dma_wait3A_56 = arith.constant 0 : i32
        %dma_wait3A_57 = tpu.memref_slice %arg11[%dma_wait3A, %dma_wait3A_56] : memref<512x32xf32, #tpu.memory_space<vmem>> -> memref<8x32xf32, #tpu.memory_space<vmem>>
        %dma_wait3A_58 = arith.constant 0 : i32
        %dma_wait3A_59 = tpu.memref_slice %arg12[%add3A_43, %dma_wait3A_58] : memref<50048x32xf32, #tpu.memory_space<vmem_shared>> -> memref<8x32xf32, #tpu.memory_space<vmem_shared>>
        %dma_wait3A_60 = arith.constant 0 : i32
        %dma_wait3A_61 = arith.constant 0 : i32
        %dma_wait3A_62 = tpu.memref_slice %arg11[%dma_wait3A_60, %dma_wait3A_61] : memref<512x32xf32, #tpu.memory_space<vmem>> -> memref<8x32xf32, #tpu.memory_space<vmem>>
        %dma_wait3A_63 = arith.constant 0 : i32
        %dma_wait3A_64 = tpu.memref_slice %arg12[%add3A_43, %dma_wait3A_63] : memref<50048x32xf32, #tpu.memory_space<vmem_shared>> -> memref<8x32xf32, #tpu.memory_space<vmem_shared>>
        tpu.wait_dma2 semaphore(%run_scoped3A : memref<!tpu.dma_semaphore, #tpu.memory_space<semaphore_mem>>) src(%dma_wait3A_64 : memref<8x32xf32, #tpu.memory_space<vmem_shared>>) dst(%dma_wait3A_62 : memref<8x32xf32, #tpu.memory_space<vmem>>)
        tpu.yield
      }) : () -> ()
      %add3A_44 = arith.addi %mul3A_0, %mul3A_28 : i32
      %add3A_45 = arith.constant 3072 : i32
      %add3A_46 = arith.addi %add3A_44, %add3A_45 : i32
      "tpu.region"() ({
        %run_scoped3A = tpu.sem_alloc : memref<!tpu.dma_semaphore, #tpu.memory_space<semaphore_mem>>
        %dma_start3A = arith.constant 0 : i32
        %dma_start3A_47 = arith.constant 0 : i32
        %dma_start3A_48 = tpu.memref_slice %arg11[%dma_start3A, %dma_start3A_47] : memref<512x32xf32, #tpu.memory_space<vmem>> -> memref<8x32xf32, #tpu.memory_space<vmem>>
        %dma_start3A_49 = arith.constant 0 : i32
        %dma_start3A_50 = tpu.memref_slice %arg6[%add3A_46, %dma_start3A_49] : memref<100000x32xf32, #tpu.memory_space<hbm>> -> memref<8x32xf32, #tpu.memory_space<hbm>>
        %dma_start3A_51 = arith.constant 0 : i32
        %dma_start3A_52 = tpu.memref_slice %arg6[%add3A_46, %dma_start3A_51] : memref<100000x32xf32, #tpu.memory_space<hbm>> -> memref<8x32xf32, #tpu.memory_space<hbm>>
        %dma_start3A_53 = arith.constant 0 : i32
        %dma_start3A_54 = arith.constant 0 : i32
        %dma_start3A_55 = tpu.memref_slice %arg11[%dma_start3A_53, %dma_start3A_54] : memref<512x32xf32, #tpu.memory_space<vmem>> -> memref<8x32xf32, #tpu.memory_space<vmem>>
        tpu.enqueue_dma source(%dma_start3A_55 : memref<8x32xf32, #tpu.memory_space<vmem>>) target(%dma_start3A_52 : memref<8x32xf32, #tpu.memory_space<hbm>>) target_semaphore(%run_scoped3A : memref<!tpu.dma_semaphore, #tpu.memory_space<semaphore_mem>>)
        %dma_wait3A = arith.constant 0 : i32
        %dma_wait3A_56 = arith.constant 0 : i32
        %dma_wait3A_57 = tpu.memref_slice %arg11[%dma_wait3A, %dma_wait3A_56] : memref<512x32xf32, #tpu.memory_space<vmem>> -> memref<8x32xf32, #tpu.memory_space<vmem>>
        %dma_wait3A_58 = arith.constant 0 : i32
        %dma_wait3A_59 = tpu.memref_slice %arg6[%add3A_46, %dma_wait3A_58] : memref<100000x32xf32, #tpu.memory_space<hbm>> -> memref<8x32xf32, #tpu.memory_space<hbm>>
        %dma_wait3A_60 = arith.constant 0 : i32
        %dma_wait3A_61 = tpu.memref_slice %arg6[%add3A_46, %dma_wait3A_60] : memref<100000x32xf32, #tpu.memory_space<hbm>> -> memref<8x32xf32, #tpu.memory_space<hbm>>
        %dma_wait3A_62 = arith.constant 0 : i32
        %dma_wait3A_63 = arith.constant 0 : i32
        %dma_wait3A_64 = tpu.memref_slice %arg11[%dma_wait3A_62, %dma_wait3A_63] : memref<512x32xf32, #tpu.memory_space<vmem>> -> memref<8x32xf32, #tpu.memory_space<vmem>>
        tpu.wait_dma2 semaphore(%run_scoped3A : memref<!tpu.dma_semaphore, #tpu.memory_space<semaphore_mem>>) src(%dma_wait3A_64 : memref<8x32xf32, #tpu.memory_space<vmem>>) dst(%dma_wait3A_61 : memref<8x32xf32, #tpu.memory_space<hbm>>)
        tpu.yield
      }) : () -> ()
    } else {
    }
    return
  }
}

#map = affine_map<(d0, d1) -> (0, 0)>
module attributes {stable_mosaic.version = 14 : i64} {
  func.func @_mean_body(%arg0: i32, %arg1: i32, %arg2: memref<100000x32xf32, #tpu.memory_space<hbm>>, %arg3: memref<100000x32xf32, #tpu.memory_space<hbm>>, %arg4: memref<100000x32xf32, #tpu.memory_space<hbm>>, %arg5: memref<100000x32xf32, #tpu.memory_space<hbm>>, %arg6: memref<1024x32xf32, #tpu.memory_space<vmem>>, %arg7: memref<1024x32xf32, #tpu.memory_space<vmem>>, %arg8: memref<1024x32xf32, #tpu.memory_space<vmem>>) attributes {dimension_semantics = [#tpu.dimension_semantics<core_parallel>, #tpu.dimension_semantics<subcore_parallel>], iteration_bounds = array<i64: 2, 16>, scalar_prefetch = 0 : i64, scratch_operands = 3 : i64, tpu.core_type = #tpu.core_type<sc_vector_subcore>, window_params = [{transform_indices = #map}, {transform_indices = #map}, {transform_indices = #map}, {transform_indices = #map}]} {
    %mul3A = arith.constant 50000 : i32
    %mul3A_0 = arith.muli %arg0, %mul3A : i32
    %mul3A_1 = arith.constant 3128 : i32
    %mul3A_2 = arith.muli %arg1, %mul3A_1 : i32
    %add3A = arith.addi %mul3A_0, %mul3A_2 : i32
    %add3A_3 = arith.constant 0 : i32
    %add3A_4 = arith.addi %add3A, %add3A_3 : i32
    "tpu.region"() ({
      %run_scoped3A = tpu.sem_alloc : memref<!tpu.dma_semaphore, #tpu.memory_space<semaphore_mem>>
      %dma_start3A = arith.constant 0 : i32
      %dma_start3A_40 = arith.constant 0 : i32
      %dma_start3A_41 = tpu.memref_slice %arg6[%dma_start3A, %dma_start3A_40] : memref<1024x32xf32, #tpu.memory_space<vmem>> -> memref<1024x32xf32, #tpu.memory_space<vmem>>
      %dma_start3A_42 = arith.constant 0 : i32
      %dma_start3A_43 = tpu.memref_slice %arg2[%add3A_4, %dma_start3A_42] : memref<100000x32xf32, #tpu.memory_space<hbm>> -> memref<1024x32xf32, #tpu.memory_space<hbm>>
      %dma_start3A_44 = arith.constant 0 : i32
      %dma_start3A_45 = arith.constant 0 : i32
      %dma_start3A_46 = tpu.memref_slice %arg6[%dma_start3A_44, %dma_start3A_45] : memref<1024x32xf32, #tpu.memory_space<vmem>> -> memref<1024x32xf32, #tpu.memory_space<vmem>>
      %dma_start3A_47 = arith.constant 0 : i32
      %dma_start3A_48 = tpu.memref_slice %arg2[%add3A_4, %dma_start3A_47] : memref<100000x32xf32, #tpu.memory_space<hbm>> -> memref<1024x32xf32, #tpu.memory_space<hbm>>
      tpu.enqueue_dma source(%dma_start3A_48 : memref<1024x32xf32, #tpu.memory_space<hbm>>) target(%dma_start3A_46 : memref<1024x32xf32, #tpu.memory_space<vmem>>) target_semaphore(%run_scoped3A : memref<!tpu.dma_semaphore, #tpu.memory_space<semaphore_mem>>)
      %dma_wait3A = arith.constant 0 : i32
      %dma_wait3A_49 = arith.constant 0 : i32
      %dma_wait3A_50 = tpu.memref_slice %arg6[%dma_wait3A, %dma_wait3A_49] : memref<1024x32xf32, #tpu.memory_space<vmem>> -> memref<1024x32xf32, #tpu.memory_space<vmem>>
      %dma_wait3A_51 = arith.constant 0 : i32
      %dma_wait3A_52 = tpu.memref_slice %arg2[%add3A_4, %dma_wait3A_51] : memref<100000x32xf32, #tpu.memory_space<hbm>> -> memref<1024x32xf32, #tpu.memory_space<hbm>>
      %dma_wait3A_53 = arith.constant 0 : i32
      %dma_wait3A_54 = arith.constant 0 : i32
      %dma_wait3A_55 = tpu.memref_slice %arg6[%dma_wait3A_53, %dma_wait3A_54] : memref<1024x32xf32, #tpu.memory_space<vmem>> -> memref<1024x32xf32, #tpu.memory_space<vmem>>
      %dma_wait3A_56 = arith.constant 0 : i32
      %dma_wait3A_57 = tpu.memref_slice %arg2[%add3A_4, %dma_wait3A_56] : memref<100000x32xf32, #tpu.memory_space<hbm>> -> memref<1024x32xf32, #tpu.memory_space<hbm>>
      tpu.wait_dma2 semaphore(%run_scoped3A : memref<!tpu.dma_semaphore, #tpu.memory_space<semaphore_mem>>) src(%dma_wait3A_57 : memref<1024x32xf32, #tpu.memory_space<hbm>>) dst(%dma_wait3A_55 : memref<1024x32xf32, #tpu.memory_space<vmem>>)
      tpu.yield
    }) : () -> ()
    "tpu.region"() ({
      %run_scoped3A = tpu.sem_alloc : memref<!tpu.dma_semaphore, #tpu.memory_space<semaphore_mem>>
      %dma_start3A = arith.constant 0 : i32
      %dma_start3A_40 = arith.constant 0 : i32
      %dma_start3A_41 = tpu.memref_slice %arg7[%dma_start3A, %dma_start3A_40] : memref<1024x32xf32, #tpu.memory_space<vmem>> -> memref<1024x32xf32, #tpu.memory_space<vmem>>
      %dma_start3A_42 = arith.constant 0 : i32
      %dma_start3A_43 = tpu.memref_slice %arg3[%add3A_4, %dma_start3A_42] : memref<100000x32xf32, #tpu.memory_space<hbm>> -> memref<1024x32xf32, #tpu.memory_space<hbm>>
      %dma_start3A_44 = arith.constant 0 : i32
      %dma_start3A_45 = arith.constant 0 : i32
      %dma_start3A_46 = tpu.memref_slice %arg7[%dma_start3A_44, %dma_start3A_45] : memref<1024x32xf32, #tpu.memory_space<vmem>> -> memref<1024x32xf32, #tpu.memory_space<vmem>>
      %dma_start3A_47 = arith.constant 0 : i32
      %dma_start3A_48 = tpu.memref_slice %arg3[%add3A_4, %dma_start3A_47] : memref<100000x32xf32, #tpu.memory_space<hbm>> -> memref<1024x32xf32, #tpu.memory_space<hbm>>
      tpu.enqueue_dma source(%dma_start3A_48 : memref<1024x32xf32, #tpu.memory_space<hbm>>) target(%dma_start3A_46 : memref<1024x32xf32, #tpu.memory_space<vmem>>) target_semaphore(%run_scoped3A : memref<!tpu.dma_semaphore, #tpu.memory_space<semaphore_mem>>)
      %dma_wait3A = arith.constant 0 : i32
      %dma_wait3A_49 = arith.constant 0 : i32
      %dma_wait3A_50 = tpu.memref_slice %arg7[%dma_wait3A, %dma_wait3A_49] : memref<1024x32xf32, #tpu.memory_space<vmem>> -> memref<1024x32xf32, #tpu.memory_space<vmem>>
      %dma_wait3A_51 = arith.constant 0 : i32
      %dma_wait3A_52 = tpu.memref_slice %arg3[%add3A_4, %dma_wait3A_51] : memref<100000x32xf32, #tpu.memory_space<hbm>> -> memref<1024x32xf32, #tpu.memory_space<hbm>>
      %dma_wait3A_53 = arith.constant 0 : i32
      %dma_wait3A_54 = arith.constant 0 : i32
      %dma_wait3A_55 = tpu.memref_slice %arg7[%dma_wait3A_53, %dma_wait3A_54] : memref<1024x32xf32, #tpu.memory_space<vmem>> -> memref<1024x32xf32, #tpu.memory_space<vmem>>
      %dma_wait3A_56 = arith.constant 0 : i32
      %dma_wait3A_57 = tpu.memref_slice %arg3[%add3A_4, %dma_wait3A_56] : memref<100000x32xf32, #tpu.memory_space<hbm>> -> memref<1024x32xf32, #tpu.memory_space<hbm>>
      tpu.wait_dma2 semaphore(%run_scoped3A : memref<!tpu.dma_semaphore, #tpu.memory_space<semaphore_mem>>) src(%dma_wait3A_57 : memref<1024x32xf32, #tpu.memory_space<hbm>>) dst(%dma_wait3A_55 : memref<1024x32xf32, #tpu.memory_space<vmem>>)
      tpu.yield
    }) : () -> ()
    "tpu.region"() ({
      %run_scoped3A = tpu.sem_alloc : memref<!tpu.dma_semaphore, #tpu.memory_space<semaphore_mem>>
      %dma_start3A = arith.constant 0 : i32
      %dma_start3A_40 = arith.constant 0 : i32
      %dma_start3A_41 = tpu.memref_slice %arg8[%dma_start3A, %dma_start3A_40] : memref<1024x32xf32, #tpu.memory_space<vmem>> -> memref<1024x32xf32, #tpu.memory_space<vmem>>
      %dma_start3A_42 = arith.constant 0 : i32
      %dma_start3A_43 = tpu.memref_slice %arg4[%add3A_4, %dma_start3A_42] : memref<100000x32xf32, #tpu.memory_space<hbm>> -> memref<1024x32xf32, #tpu.memory_space<hbm>>
      %dma_start3A_44 = arith.constant 0 : i32
      %dma_start3A_45 = arith.constant 0 : i32
      %dma_start3A_46 = tpu.memref_slice %arg8[%dma_start3A_44, %dma_start3A_45] : memref<1024x32xf32, #tpu.memory_space<vmem>> -> memref<1024x32xf32, #tpu.memory_space<vmem>>
      %dma_start3A_47 = arith.constant 0 : i32
      %dma_start3A_48 = tpu.memref_slice %arg4[%add3A_4, %dma_start3A_47] : memref<100000x32xf32, #tpu.memory_space<hbm>> -> memref<1024x32xf32, #tpu.memory_space<hbm>>
      tpu.enqueue_dma source(%dma_start3A_48 : memref<1024x32xf32, #tpu.memory_space<hbm>>) target(%dma_start3A_46 : memref<1024x32xf32, #tpu.memory_space<vmem>>) target_semaphore(%run_scoped3A : memref<!tpu.dma_semaphore, #tpu.memory_space<semaphore_mem>>)
      %dma_wait3A = arith.constant 0 : i32
      %dma_wait3A_49 = arith.constant 0 : i32
      %dma_wait3A_50 = tpu.memref_slice %arg8[%dma_wait3A, %dma_wait3A_49] : memref<1024x32xf32, #tpu.memory_space<vmem>> -> memref<1024x32xf32, #tpu.memory_space<vmem>>
      %dma_wait3A_51 = arith.constant 0 : i32
      %dma_wait3A_52 = tpu.memref_slice %arg4[%add3A_4, %dma_wait3A_51] : memref<100000x32xf32, #tpu.memory_space<hbm>> -> memref<1024x32xf32, #tpu.memory_space<hbm>>
      %dma_wait3A_53 = arith.constant 0 : i32
      %dma_wait3A_54 = arith.constant 0 : i32
      %dma_wait3A_55 = tpu.memref_slice %arg8[%dma_wait3A_53, %dma_wait3A_54] : memref<1024x32xf32, #tpu.memory_space<vmem>> -> memref<1024x32xf32, #tpu.memory_space<vmem>>
      %dma_wait3A_56 = arith.constant 0 : i32
      %dma_wait3A_57 = tpu.memref_slice %arg4[%add3A_4, %dma_wait3A_56] : memref<100000x32xf32, #tpu.memory_space<hbm>> -> memref<1024x32xf32, #tpu.memory_space<hbm>>
      tpu.wait_dma2 semaphore(%run_scoped3A : memref<!tpu.dma_semaphore, #tpu.memory_space<semaphore_mem>>) src(%dma_wait3A_57 : memref<1024x32xf32, #tpu.memory_space<hbm>>) dst(%dma_wait3A_55 : memref<1024x32xf32, #tpu.memory_space<vmem>>)
      tpu.yield
    }) : () -> ()
    %scan3A = arith.constant 0.333333343 : f32
    %scan3A_5 = arith.constant 0 : i32
    %scan3A_6 = arith.constant 0 : i32
    %scan3A_7 = arith.constant 2048 : i32
    %scan3A_8 = arith.addi %scan3A_6, %scan3A_7 : i32
    %scan3A_9 = arith.constant 1 : i32
    %scan3A_10 = scf.for %scan3A_40 = %scan3A_6 to %scan3A_8 step %scan3A_9 iter_args(%scan3A_41 = %scan3A_5) -> (i32)  : i32 {
      %shift_right_arithmetic3A = arith.constant 1 : i32
      %shift_right_arithmetic3A_42 = arith.shrsi %scan3A_40, %shift_right_arithmetic3A : i32
      %and3A = arith.constant 1 : i32
      %and3A_43 = arith.andi %scan3A_40, %and3A : i32
      %mul3A_44 = arith.constant 16 : i32
      %mul3A_45 = arith.muli %and3A_43, %mul3A_44 : i32
      %get3A = arith.index_cast %shift_right_arithmetic3A_42 : i32 to index
      %get3A_46 = arith.index_cast %mul3A_45 : i32 to index
      %get3A_47 = tpu.vector_load %arg6[%get3A, %get3A_46] {strides = array<i32>} : memref<1024x32xf32, #tpu.memory_space<vmem>>, vector<1x16xf32>,
      %get3A_48 = vector.shape_cast %get3A_47 : vector<1x16xf32> to vector<16xf32>
      %get3A_49 = arith.index_cast %shift_right_arithmetic3A_42 : i32 to index
      %get3A_50 = arith.index_cast %mul3A_45 : i32 to index
      %get3A_51 = tpu.vector_load %arg7[%get3A_49, %get3A_50] {strides = array<i32>} : memref<1024x32xf32, #tpu.memory_space<vmem>>, vector<1x16xf32>,
      %get3A_52 = vector.shape_cast %get3A_51 : vector<1x16xf32> to vector<16xf32>
      %add3A_53 = arith.addf %get3A_48, %get3A_52 : vector<16xf32>
      %get3A_54 = arith.index_cast %shift_right_arithmetic3A_42 : i32 to index
      %get3A_55 = arith.index_cast %mul3A_45 : i32 to index
      %get3A_56 = tpu.vector_load %arg8[%get3A_54, %get3A_55] {strides = array<i32>} : memref<1024x32xf32, #tpu.memory_space<vmem>>, vector<1x16xf32>,
      %get3A_57 = vector.shape_cast %get3A_56 : vector<1x16xf32> to vector<16xf32>
      %add3A_58 = arith.addf %add3A_53, %get3A_57 : vector<16xf32>
      %mul3A_59 = vector.broadcast %scan3A : f32 to vector<16xf32>
      %mul3A_60 = arith.mulf %add3A_58, %mul3A_59 : vector<16xf32>
      %swap3A = arith.index_cast %shift_right_arithmetic3A_42 : i32 to index
      %swap3A_61 = arith.index_cast %mul3A_45 : i32 to index
      %swap3A_62 = tpu.vector_load %arg6[%swap3A, %swap3A_61] {strides = array<i32>} : memref<1024x32xf32, #tpu.memory_space<vmem>>, vector<1x16xf32>,
      %swap3A_63 = vector.shape_cast %swap3A_62 : vector<1x16xf32> to vector<16xf32>
      %swap3A_64 = vector.shape_cast %mul3A_60 : vector<16xf32> to vector<1x16xf32>
      tpu.vector_store %arg6[%swap3A, %swap3A_61], %swap3A_64 {strides = array<i32>} : memref<1024x32xf32, #tpu.memory_space<vmem>>, vector<1x16xf32>,
      %scan3A_65 = arith.constant 0 : i32
      scf.yield %scan3A_65 : i32
    }
    %scan3A_11 = arith.constant 2048 : i32
    "tpu.region"() ({
      %run_scoped3A = tpu.sem_alloc : memref<!tpu.dma_semaphore, #tpu.memory_space<semaphore_mem>>
      %dma_start3A = arith.constant 0 : i32
      %dma_start3A_40 = arith.constant 0 : i32
      %dma_start3A_41 = tpu.memref_slice %arg6[%dma_start3A, %dma_start3A_40] : memref<1024x32xf32, #tpu.memory_space<vmem>> -> memref<1024x32xf32, #tpu.memory_space<vmem>>
      %dma_start3A_42 = arith.constant 0 : i32
      %dma_start3A_43 = tpu.memref_slice %arg5[%add3A_4, %dma_start3A_42] : memref<100000x32xf32, #tpu.memory_space<hbm>> -> memref<1024x32xf32, #tpu.memory_space<hbm>>
      %dma_start3A_44 = arith.constant 0 : i32
      %dma_start3A_45 = tpu.memref_slice %arg5[%add3A_4, %dma_start3A_44] : memref<100000x32xf32, #tpu.memory_space<hbm>> -> memref<1024x32xf32, #tpu.memory_space<hbm>>
      %dma_start3A_46 = arith.constant 0 : i32
      %dma_start3A_47 = arith.constant 0 : i32
      %dma_start3A_48 = tpu.memref_slice %arg6[%dma_start3A_46, %dma_start3A_47] : memref<1024x32xf32, #tpu.memory_space<vmem>> -> memref<1024x32xf32, #tpu.memory_space<vmem>>
      tpu.enqueue_dma source(%dma_start3A_48 : memref<1024x32xf32, #tpu.memory_space<vmem>>) target(%dma_start3A_45 : memref<1024x32xf32, #tpu.memory_space<hbm>>) target_semaphore(%run_scoped3A : memref<!tpu.dma_semaphore, #tpu.memory_space<semaphore_mem>>)
      %dma_wait3A = arith.constant 0 : i32
      %dma_wait3A_49 = arith.constant 0 : i32
      %dma_wait3A_50 = tpu.memref_slice %arg6[%dma_wait3A, %dma_wait3A_49] : memref<1024x32xf32, #tpu.memory_space<vmem>> -> memref<1024x32xf32, #tpu.memory_space<vmem>>
      %dma_wait3A_51 = arith.constant 0 : i32
      %dma_wait3A_52 = tpu.memref_slice %arg5[%add3A_4, %dma_wait3A_51] : memref<100000x32xf32, #tpu.memory_space<hbm>> -> memref<1024x32xf32, #tpu.memory_space<hbm>>
      %dma_wait3A_53 = arith.constant 0 : i32
      %dma_wait3A_54 = tpu.memref_slice %arg5[%add3A_4, %dma_wait3A_53] : memref<100000x32xf32, #tpu.memory_space<hbm>> -> memref<1024x32xf32, #tpu.memory_space<hbm>>
      %dma_wait3A_55 = arith.constant 0 : i32
      %dma_wait3A_56 = arith.constant 0 : i32
      %dma_wait3A_57 = tpu.memref_slice %arg6[%dma_wait3A_55, %dma_wait3A_56] : memref<1024x32xf32, #tpu.memory_space<vmem>> -> memref<1024x32xf32, #tpu.memory_space<vmem>>
      tpu.wait_dma2 semaphore(%run_scoped3A : memref<!tpu.dma_semaphore, #tpu.memory_space<semaphore_mem>>) src(%dma_wait3A_57 : memref<1024x32xf32, #tpu.memory_space<vmem>>) dst(%dma_wait3A_54 : memref<1024x32xf32, #tpu.memory_space<hbm>>)
      tpu.yield
    }) : () -> ()
    %add3A_12 = arith.constant 1024 : i32
    %add3A_13 = arith.addi %add3A, %add3A_12 : i32
    "tpu.region"() ({
      %run_scoped3A = tpu.sem_alloc : memref<!tpu.dma_semaphore, #tpu.memory_space<semaphore_mem>>
      %dma_start3A = arith.constant 0 : i32
      %dma_start3A_40 = arith.constant 0 : i32
      %dma_start3A_41 = tpu.memref_slice %arg6[%dma_start3A, %dma_start3A_40] : memref<1024x32xf32, #tpu.memory_space<vmem>> -> memref<1024x32xf32, #tpu.memory_space<vmem>>
      %dma_start3A_42 = arith.constant 0 : i32
      %dma_start3A_43 = tpu.memref_slice %arg2[%add3A_13, %dma_start3A_42] : memref<100000x32xf32, #tpu.memory_space<hbm>> -> memref<1024x32xf32, #tpu.memory_space<hbm>>
      %dma_start3A_44 = arith.constant 0 : i32
      %dma_start3A_45 = arith.constant 0 : i32
      %dma_start3A_46 = tpu.memref_slice %arg6[%dma_start3A_44, %dma_start3A_45] : memref<1024x32xf32, #tpu.memory_space<vmem>> -> memref<1024x32xf32, #tpu.memory_space<vmem>>
      %dma_start3A_47 = arith.constant 0 : i32
      %dma_start3A_48 = tpu.memref_slice %arg2[%add3A_13, %dma_start3A_47] : memref<100000x32xf32, #tpu.memory_space<hbm>> -> memref<1024x32xf32, #tpu.memory_space<hbm>>
      tpu.enqueue_dma source(%dma_start3A_48 : memref<1024x32xf32, #tpu.memory_space<hbm>>) target(%dma_start3A_46 : memref<1024x32xf32, #tpu.memory_space<vmem>>) target_semaphore(%run_scoped3A : memref<!tpu.dma_semaphore, #tpu.memory_space<semaphore_mem>>)
      %dma_wait3A = arith.constant 0 : i32
      %dma_wait3A_49 = arith.constant 0 : i32
      %dma_wait3A_50 = tpu.memref_slice %arg6[%dma_wait3A, %dma_wait3A_49] : memref<1024x32xf32, #tpu.memory_space<vmem>> -> memref<1024x32xf32, #tpu.memory_space<vmem>>
      %dma_wait3A_51 = arith.constant 0 : i32
      %dma_wait3A_52 = tpu.memref_slice %arg2[%add3A_13, %dma_wait3A_51] : memref<100000x32xf32, #tpu.memory_space<hbm>> -> memref<1024x32xf32, #tpu.memory_space<hbm>>
      %dma_wait3A_53 = arith.constant 0 : i32
      %dma_wait3A_54 = arith.constant 0 : i32
      %dma_wait3A_55 = tpu.memref_slice %arg6[%dma_wait3A_53, %dma_wait3A_54] : memref<1024x32xf32, #tpu.memory_space<vmem>> -> memref<1024x32xf32, #tpu.memory_space<vmem>>
      %dma_wait3A_56 = arith.constant 0 : i32
      %dma_wait3A_57 = tpu.memref_slice %arg2[%add3A_13, %dma_wait3A_56] : memref<100000x32xf32, #tpu.memory_space<hbm>> -> memref<1024x32xf32, #tpu.memory_space<hbm>>
      tpu.wait_dma2 semaphore(%run_scoped3A : memref<!tpu.dma_semaphore, #tpu.memory_space<semaphore_mem>>) src(%dma_wait3A_57 : memref<1024x32xf32, #tpu.memory_space<hbm>>) dst(%dma_wait3A_55 : memref<1024x32xf32, #tpu.memory_space<vmem>>)
      tpu.yield
    }) : () -> ()
    "tpu.region"() ({
      %run_scoped3A = tpu.sem_alloc : memref<!tpu.dma_semaphore, #tpu.memory_space<semaphore_mem>>
      %dma_start3A = arith.constant 0 : i32
      %dma_start3A_40 = arith.constant 0 : i32
      %dma_start3A_41 = tpu.memref_slice %arg7[%dma_start3A, %dma_start3A_40] : memref<1024x32xf32, #tpu.memory_space<vmem>> -> memref<1024x32xf32, #tpu.memory_space<vmem>>
      %dma_start3A_42 = arith.constant 0 : i32
      %dma_start3A_43 = tpu.memref_slice %arg3[%add3A_13, %dma_start3A_42] : memref<100000x32xf32, #tpu.memory_space<hbm>> -> memref<1024x32xf32, #tpu.memory_space<hbm>>
      %dma_start3A_44 = arith.constant 0 : i32
      %dma_start3A_45 = arith.constant 0 : i32
      %dma_start3A_46 = tpu.memref_slice %arg7[%dma_start3A_44, %dma_start3A_45] : memref<1024x32xf32, #tpu.memory_space<vmem>> -> memref<1024x32xf32, #tpu.memory_space<vmem>>
      %dma_start3A_47 = arith.constant 0 : i32
      %dma_start3A_48 = tpu.memref_slice %arg3[%add3A_13, %dma_start3A_47] : memref<100000x32xf32, #tpu.memory_space<hbm>> -> memref<1024x32xf32, #tpu.memory_space<hbm>>
      tpu.enqueue_dma source(%dma_start3A_48 : memref<1024x32xf32, #tpu.memory_space<hbm>>) target(%dma_start3A_46 : memref<1024x32xf32, #tpu.memory_space<vmem>>) target_semaphore(%run_scoped3A : memref<!tpu.dma_semaphore, #tpu.memory_space<semaphore_mem>>)
      %dma_wait3A = arith.constant 0 : i32
      %dma_wait3A_49 = arith.constant 0 : i32
      %dma_wait3A_50 = tpu.memref_slice %arg7[%dma_wait3A, %dma_wait3A_49] : memref<1024x32xf32, #tpu.memory_space<vmem>> -> memref<1024x32xf32, #tpu.memory_space<vmem>>
      %dma_wait3A_51 = arith.constant 0 : i32
      %dma_wait3A_52 = tpu.memref_slice %arg3[%add3A_13, %dma_wait3A_51] : memref<100000x32xf32, #tpu.memory_space<hbm>> -> memref<1024x32xf32, #tpu.memory_space<hbm>>
      %dma_wait3A_53 = arith.constant 0 : i32
      %dma_wait3A_54 = arith.constant 0 : i32
      %dma_wait3A_55 = tpu.memref_slice %arg7[%dma_wait3A_53, %dma_wait3A_54] : memref<1024x32xf32, #tpu.memory_space<vmem>> -> memref<1024x32xf32, #tpu.memory_space<vmem>>
      %dma_wait3A_56 = arith.constant 0 : i32
      %dma_wait3A_57 = tpu.memref_slice %arg3[%add3A_13, %dma_wait3A_56] : memref<100000x32xf32, #tpu.memory_space<hbm>> -> memref<1024x32xf32, #tpu.memory_space<hbm>>
      tpu.wait_dma2 semaphore(%run_scoped3A : memref<!tpu.dma_semaphore, #tpu.memory_space<semaphore_mem>>) src(%dma_wait3A_57 : memref<1024x32xf32, #tpu.memory_space<hbm>>) dst(%dma_wait3A_55 : memref<1024x32xf32, #tpu.memory_space<vmem>>)
      tpu.yield
    }) : () -> ()
    "tpu.region"() ({
      %run_scoped3A = tpu.sem_alloc : memref<!tpu.dma_semaphore, #tpu.memory_space<semaphore_mem>>
      %dma_start3A = arith.constant 0 : i32
      %dma_start3A_40 = arith.constant 0 : i32
      %dma_start3A_41 = tpu.memref_slice %arg8[%dma_start3A, %dma_start3A_40] : memref<1024x32xf32, #tpu.memory_space<vmem>> -> memref<1024x32xf32, #tpu.memory_space<vmem>>
      %dma_start3A_42 = arith.constant 0 : i32
      %dma_start3A_43 = tpu.memref_slice %arg4[%add3A_13, %dma_start3A_42] : memref<100000x32xf32, #tpu.memory_space<hbm>> -> memref<1024x32xf32, #tpu.memory_space<hbm>>
      %dma_start3A_44 = arith.constant 0 : i32
      %dma_start3A_45 = arith.constant 0 : i32
      %dma_start3A_46 = tpu.memref_slice %arg8[%dma_start3A_44, %dma_start3A_45] : memref<1024x32xf32, #tpu.memory_space<vmem>> -> memref<1024x32xf32, #tpu.memory_space<vmem>>
      %dma_start3A_47 = arith.constant 0 : i32
      %dma_start3A_48 = tpu.memref_slice %arg4[%add3A_13, %dma_start3A_47] : memref<100000x32xf32, #tpu.memory_space<hbm>> -> memref<1024x32xf32, #tpu.memory_space<hbm>>
      tpu.enqueue_dma source(%dma_start3A_48 : memref<1024x32xf32, #tpu.memory_space<hbm>>) target(%dma_start3A_46 : memref<1024x32xf32, #tpu.memory_space<vmem>>) target_semaphore(%run_scoped3A : memref<!tpu.dma_semaphore, #tpu.memory_space<semaphore_mem>>)
      %dma_wait3A = arith.constant 0 : i32
      %dma_wait3A_49 = arith.constant 0 : i32
      %dma_wait3A_50 = tpu.memref_slice %arg8[%dma_wait3A, %dma_wait3A_49] : memref<1024x32xf32, #tpu.memory_space<vmem>> -> memref<1024x32xf32, #tpu.memory_space<vmem>>
      %dma_wait3A_51 = arith.constant 0 : i32
      %dma_wait3A_52 = tpu.memref_slice %arg4[%add3A_13, %dma_wait3A_51] : memref<100000x32xf32, #tpu.memory_space<hbm>> -> memref<1024x32xf32, #tpu.memory_space<hbm>>
      %dma_wait3A_53 = arith.constant 0 : i32
      %dma_wait3A_54 = arith.constant 0 : i32
      %dma_wait3A_55 = tpu.memref_slice %arg8[%dma_wait3A_53, %dma_wait3A_54] : memref<1024x32xf32, #tpu.memory_space<vmem>> -> memref<1024x32xf32, #tpu.memory_space<vmem>>
      %dma_wait3A_56 = arith.constant 0 : i32
      %dma_wait3A_57 = tpu.memref_slice %arg4[%add3A_13, %dma_wait3A_56] : memref<100000x32xf32, #tpu.memory_space<hbm>> -> memref<1024x32xf32, #tpu.memory_space<hbm>>
      tpu.wait_dma2 semaphore(%run_scoped3A : memref<!tpu.dma_semaphore, #tpu.memory_space<semaphore_mem>>) src(%dma_wait3A_57 : memref<1024x32xf32, #tpu.memory_space<hbm>>) dst(%dma_wait3A_55 : memref<1024x32xf32, #tpu.memory_space<vmem>>)
      tpu.yield
    }) : () -> ()
    %scan3A_14 = arith.constant 0.333333343 : f32
    %scan3A_15 = arith.constant 0 : i32
    %scan3A_16 = arith.constant 0 : i32
    %scan3A_17 = arith.constant 2048 : i32
    %scan3A_18 = arith.addi %scan3A_16, %scan3A_17 : i32
    %scan3A_19 = arith.constant 1 : i32
    %scan3A_20 = scf.for %scan3A_40 = %scan3A_16 to %scan3A_18 step %scan3A_19 iter_args(%scan3A_41 = %scan3A_15) -> (i32)  : i32 {
      %shift_right_arithmetic3A = arith.constant 1 : i32
      %shift_right_arithmetic3A_42 = arith.shrsi %scan3A_40, %shift_right_arithmetic3A : i32
      %and3A = arith.constant 1 : i32
      %and3A_43 = arith.andi %scan3A_40, %and3A : i32
      %mul3A_44 = arith.constant 16 : i32
      %mul3A_45 = arith.muli %and3A_43, %mul3A_44 : i32
      %get3A = arith.index_cast %shift_right_arithmetic3A_42 : i32 to index
      %get3A_46 = arith.index_cast %mul3A_45 : i32 to index
      %get3A_47 = tpu.vector_load %arg6[%get3A, %get3A_46] {strides = array<i32>} : memref<1024x32xf32, #tpu.memory_space<vmem>>, vector<1x16xf32>,
      %get3A_48 = vector.shape_cast %get3A_47 : vector<1x16xf32> to vector<16xf32>
      %get3A_49 = arith.index_cast %shift_right_arithmetic3A_42 : i32 to index
      %get3A_50 = arith.index_cast %mul3A_45 : i32 to index
      %get3A_51 = tpu.vector_load %arg7[%get3A_49, %get3A_50] {strides = array<i32>} : memref<1024x32xf32, #tpu.memory_space<vmem>>, vector<1x16xf32>,
      %get3A_52 = vector.shape_cast %get3A_51 : vector<1x16xf32> to vector<16xf32>
      %add3A_53 = arith.addf %get3A_48, %get3A_52 : vector<16xf32>
      %get3A_54 = arith.index_cast %shift_right_arithmetic3A_42 : i32 to index
      %get3A_55 = arith.index_cast %mul3A_45 : i32 to index
      %get3A_56 = tpu.vector_load %arg8[%get3A_54, %get3A_55] {strides = array<i32>} : memref<1024x32xf32, #tpu.memory_space<vmem>>, vector<1x16xf32>,
      %get3A_57 = vector.shape_cast %get3A_56 : vector<1x16xf32> to vector<16xf32>
      %add3A_58 = arith.addf %add3A_53, %get3A_57 : vector<16xf32>
      %mul3A_59 = vector.broadcast %scan3A_14 : f32 to vector<16xf32>
      %mul3A_60 = arith.mulf %add3A_58, %mul3A_59 : vector<16xf32>
      %swap3A = arith.index_cast %shift_right_arithmetic3A_42 : i32 to index
      %swap3A_61 = arith.index_cast %mul3A_45 : i32 to index
      %swap3A_62 = tpu.vector_load %arg6[%swap3A, %swap3A_61] {strides = array<i32>} : memref<1024x32xf32, #tpu.memory_space<vmem>>, vector<1x16xf32>,
      %swap3A_63 = vector.shape_cast %swap3A_62 : vector<1x16xf32> to vector<16xf32>
      %swap3A_64 = vector.shape_cast %mul3A_60 : vector<16xf32> to vector<1x16xf32>
      tpu.vector_store %arg6[%swap3A, %swap3A_61], %swap3A_64 {strides = array<i32>} : memref<1024x32xf32, #tpu.memory_space<vmem>>, vector<1x16xf32>,
      %scan3A_65 = arith.constant 0 : i32
      scf.yield %scan3A_65 : i32
    }
    %scan3A_21 = arith.constant 2048 : i32
    "tpu.region"() ({
      %run_scoped3A = tpu.sem_alloc : memref<!tpu.dma_semaphore, #tpu.memory_space<semaphore_mem>>
      %dma_start3A = arith.constant 0 : i32
      %dma_start3A_40 = arith.constant 0 : i32
      %dma_start3A_41 = tpu.memref_slice %arg6[%dma_start3A, %dma_start3A_40] : memref<1024x32xf32, #tpu.memory_space<vmem>> -> memref<1024x32xf32, #tpu.memory_space<vmem>>
      %dma_start3A_42 = arith.constant 0 : i32
      %dma_start3A_43 = tpu.memref_slice %arg5[%add3A_13, %dma_start3A_42] : memref<100000x32xf32, #tpu.memory_space<hbm>> -> memref<1024x32xf32, #tpu.memory_space<hbm>>
      %dma_start3A_44 = arith.constant 0 : i32
      %dma_start3A_45 = tpu.memref_slice %arg5[%add3A_13, %dma_start3A_44] : memref<100000x32xf32, #tpu.memory_space<hbm>> -> memref<1024x32xf32, #tpu.memory_space<hbm>>
      %dma_start3A_46 = arith.constant 0 : i32
      %dma_start3A_47 = arith.constant 0 : i32
      %dma_start3A_48 = tpu.memref_slice %arg6[%dma_start3A_46, %dma_start3A_47] : memref<1024x32xf32, #tpu.memory_space<vmem>> -> memref<1024x32xf32, #tpu.memory_space<vmem>>
      tpu.enqueue_dma source(%dma_start3A_48 : memref<1024x32xf32, #tpu.memory_space<vmem>>) target(%dma_start3A_45 : memref<1024x32xf32, #tpu.memory_space<hbm>>) target_semaphore(%run_scoped3A : memref<!tpu.dma_semaphore, #tpu.memory_space<semaphore_mem>>)
      %dma_wait3A = arith.constant 0 : i32
      %dma_wait3A_49 = arith.constant 0 : i32
      %dma_wait3A_50 = tpu.memref_slice %arg6[%dma_wait3A, %dma_wait3A_49] : memref<1024x32xf32, #tpu.memory_space<vmem>> -> memref<1024x32xf32, #tpu.memory_space<vmem>>
      %dma_wait3A_51 = arith.constant 0 : i32
      %dma_wait3A_52 = tpu.memref_slice %arg5[%add3A_13, %dma_wait3A_51] : memref<100000x32xf32, #tpu.memory_space<hbm>> -> memref<1024x32xf32, #tpu.memory_space<hbm>>
      %dma_wait3A_53 = arith.constant 0 : i32
      %dma_wait3A_54 = tpu.memref_slice %arg5[%add3A_13, %dma_wait3A_53] : memref<100000x32xf32, #tpu.memory_space<hbm>> -> memref<1024x32xf32, #tpu.memory_space<hbm>>
      %dma_wait3A_55 = arith.constant 0 : i32
      %dma_wait3A_56 = arith.constant 0 : i32
      %dma_wait3A_57 = tpu.memref_slice %arg6[%dma_wait3A_55, %dma_wait3A_56] : memref<1024x32xf32, #tpu.memory_space<vmem>> -> memref<1024x32xf32, #tpu.memory_space<vmem>>
      tpu.wait_dma2 semaphore(%run_scoped3A : memref<!tpu.dma_semaphore, #tpu.memory_space<semaphore_mem>>) src(%dma_wait3A_57 : memref<1024x32xf32, #tpu.memory_space<vmem>>) dst(%dma_wait3A_54 : memref<1024x32xf32, #tpu.memory_space<hbm>>)
      tpu.yield
    }) : () -> ()
    %add3A_22 = arith.constant 2048 : i32
    %add3A_23 = arith.addi %add3A, %add3A_22 : i32
    "tpu.region"() ({
      %run_scoped3A = tpu.sem_alloc : memref<!tpu.dma_semaphore, #tpu.memory_space<semaphore_mem>>
      %dma_start3A = arith.constant 0 : i32
      %dma_start3A_40 = arith.constant 0 : i32
      %dma_start3A_41 = tpu.memref_slice %arg6[%dma_start3A, %dma_start3A_40] : memref<1024x32xf32, #tpu.memory_space<vmem>> -> memref<1024x32xf32, #tpu.memory_space<vmem>>
      %dma_start3A_42 = arith.constant 0 : i32
      %dma_start3A_43 = tpu.memref_slice %arg2[%add3A_23, %dma_start3A_42] : memref<100000x32xf32, #tpu.memory_space<hbm>> -> memref<1024x32xf32, #tpu.memory_space<hbm>>
      %dma_start3A_44 = arith.constant 0 : i32
      %dma_start3A_45 = arith.constant 0 : i32
      %dma_start3A_46 = tpu.memref_slice %arg6[%dma_start3A_44, %dma_start3A_45] : memref<1024x32xf32, #tpu.memory_space<vmem>> -> memref<1024x32xf32, #tpu.memory_space<vmem>>
      %dma_start3A_47 = arith.constant 0 : i32
      %dma_start3A_48 = tpu.memref_slice %arg2[%add3A_23, %dma_start3A_47] : memref<100000x32xf32, #tpu.memory_space<hbm>> -> memref<1024x32xf32, #tpu.memory_space<hbm>>
      tpu.enqueue_dma source(%dma_start3A_48 : memref<1024x32xf32, #tpu.memory_space<hbm>>) target(%dma_start3A_46 : memref<1024x32xf32, #tpu.memory_space<vmem>>) target_semaphore(%run_scoped3A : memref<!tpu.dma_semaphore, #tpu.memory_space<semaphore_mem>>)
      %dma_wait3A = arith.constant 0 : i32
      %dma_wait3A_49 = arith.constant 0 : i32
      %dma_wait3A_50 = tpu.memref_slice %arg6[%dma_wait3A, %dma_wait3A_49] : memref<1024x32xf32, #tpu.memory_space<vmem>> -> memref<1024x32xf32, #tpu.memory_space<vmem>>
      %dma_wait3A_51 = arith.constant 0 : i32
      %dma_wait3A_52 = tpu.memref_slice %arg2[%add3A_23, %dma_wait3A_51] : memref<100000x32xf32, #tpu.memory_space<hbm>> -> memref<1024x32xf32, #tpu.memory_space<hbm>>
      %dma_wait3A_53 = arith.constant 0 : i32
      %dma_wait3A_54 = arith.constant 0 : i32
      %dma_wait3A_55 = tpu.memref_slice %arg6[%dma_wait3A_53, %dma_wait3A_54] : memref<1024x32xf32, #tpu.memory_space<vmem>> -> memref<1024x32xf32, #tpu.memory_space<vmem>>
      %dma_wait3A_56 = arith.constant 0 : i32
      %dma_wait3A_57 = tpu.memref_slice %arg2[%add3A_23, %dma_wait3A_56] : memref<100000x32xf32, #tpu.memory_space<hbm>> -> memref<1024x32xf32, #tpu.memory_space<hbm>>
      tpu.wait_dma2 semaphore(%run_scoped3A : memref<!tpu.dma_semaphore, #tpu.memory_space<semaphore_mem>>) src(%dma_wait3A_57 : memref<1024x32xf32, #tpu.memory_space<hbm>>) dst(%dma_wait3A_55 : memref<1024x32xf32, #tpu.memory_space<vmem>>)
      tpu.yield
    }) : () -> ()
    "tpu.region"() ({
      %run_scoped3A = tpu.sem_alloc : memref<!tpu.dma_semaphore, #tpu.memory_space<semaphore_mem>>
      %dma_start3A = arith.constant 0 : i32
      %dma_start3A_40 = arith.constant 0 : i32
      %dma_start3A_41 = tpu.memref_slice %arg7[%dma_start3A, %dma_start3A_40] : memref<1024x32xf32, #tpu.memory_space<vmem>> -> memref<1024x32xf32, #tpu.memory_space<vmem>>
      %dma_start3A_42 = arith.constant 0 : i32
      %dma_start3A_43 = tpu.memref_slice %arg3[%add3A_23, %dma_start3A_42] : memref<100000x32xf32, #tpu.memory_space<hbm>> -> memref<1024x32xf32, #tpu.memory_space<hbm>>
      %dma_start3A_44 = arith.constant 0 : i32
      %dma_start3A_45 = arith.constant 0 : i32
      %dma_start3A_46 = tpu.memref_slice %arg7[%dma_start3A_44, %dma_start3A_45] : memref<1024x32xf32, #tpu.memory_space<vmem>> -> memref<1024x32xf32, #tpu.memory_space<vmem>>
      %dma_start3A_47 = arith.constant 0 : i32
      %dma_start3A_48 = tpu.memref_slice %arg3[%add3A_23, %dma_start3A_47] : memref<100000x32xf32, #tpu.memory_space<hbm>> -> memref<1024x32xf32, #tpu.memory_space<hbm>>
      tpu.enqueue_dma source(%dma_start3A_48 : memref<1024x32xf32, #tpu.memory_space<hbm>>) target(%dma_start3A_46 : memref<1024x32xf32, #tpu.memory_space<vmem>>) target_semaphore(%run_scoped3A : memref<!tpu.dma_semaphore, #tpu.memory_space<semaphore_mem>>)
      %dma_wait3A = arith.constant 0 : i32
      %dma_wait3A_49 = arith.constant 0 : i32
      %dma_wait3A_50 = tpu.memref_slice %arg7[%dma_wait3A, %dma_wait3A_49] : memref<1024x32xf32, #tpu.memory_space<vmem>> -> memref<1024x32xf32, #tpu.memory_space<vmem>>
      %dma_wait3A_51 = arith.constant 0 : i32
      %dma_wait3A_52 = tpu.memref_slice %arg3[%add3A_23, %dma_wait3A_51] : memref<100000x32xf32, #tpu.memory_space<hbm>> -> memref<1024x32xf32, #tpu.memory_space<hbm>>
      %dma_wait3A_53 = arith.constant 0 : i32
      %dma_wait3A_54 = arith.constant 0 : i32
      %dma_wait3A_55 = tpu.memref_slice %arg7[%dma_wait3A_53, %dma_wait3A_54] : memref<1024x32xf32, #tpu.memory_space<vmem>> -> memref<1024x32xf32, #tpu.memory_space<vmem>>
      %dma_wait3A_56 = arith.constant 0 : i32
      %dma_wait3A_57 = tpu.memref_slice %arg3[%add3A_23, %dma_wait3A_56] : memref<100000x32xf32, #tpu.memory_space<hbm>> -> memref<1024x32xf32, #tpu.memory_space<hbm>>
      tpu.wait_dma2 semaphore(%run_scoped3A : memref<!tpu.dma_semaphore, #tpu.memory_space<semaphore_mem>>) src(%dma_wait3A_57 : memref<1024x32xf32, #tpu.memory_space<hbm>>) dst(%dma_wait3A_55 : memref<1024x32xf32, #tpu.memory_space<vmem>>)
      tpu.yield
    }) : () -> ()
    "tpu.region"() ({
      %run_scoped3A = tpu.sem_alloc : memref<!tpu.dma_semaphore, #tpu.memory_space<semaphore_mem>>
      %dma_start3A = arith.constant 0 : i32
      %dma_start3A_40 = arith.constant 0 : i32
      %dma_start3A_41 = tpu.memref_slice %arg8[%dma_start3A, %dma_start3A_40] : memref<1024x32xf32, #tpu.memory_space<vmem>> -> memref<1024x32xf32, #tpu.memory_space<vmem>>
      %dma_start3A_42 = arith.constant 0 : i32
      %dma_start3A_43 = tpu.memref_slice %arg4[%add3A_23, %dma_start3A_42] : memref<100000x32xf32, #tpu.memory_space<hbm>> -> memref<1024x32xf32, #tpu.memory_space<hbm>>
      %dma_start3A_44 = arith.constant 0 : i32
      %dma_start3A_45 = arith.constant 0 : i32
      %dma_start3A_46 = tpu.memref_slice %arg8[%dma_start3A_44, %dma_start3A_45] : memref<1024x32xf32, #tpu.memory_space<vmem>> -> memref<1024x32xf32, #tpu.memory_space<vmem>>
      %dma_start3A_47 = arith.constant 0 : i32
      %dma_start3A_48 = tpu.memref_slice %arg4[%add3A_23, %dma_start3A_47] : memref<100000x32xf32, #tpu.memory_space<hbm>> -> memref<1024x32xf32, #tpu.memory_space<hbm>>
      tpu.enqueue_dma source(%dma_start3A_48 : memref<1024x32xf32, #tpu.memory_space<hbm>>) target(%dma_start3A_46 : memref<1024x32xf32, #tpu.memory_space<vmem>>) target_semaphore(%run_scoped3A : memref<!tpu.dma_semaphore, #tpu.memory_space<semaphore_mem>>)
      %dma_wait3A = arith.constant 0 : i32
      %dma_wait3A_49 = arith.constant 0 : i32
      %dma_wait3A_50 = tpu.memref_slice %arg8[%dma_wait3A, %dma_wait3A_49] : memref<1024x32xf32, #tpu.memory_space<vmem>> -> memref<1024x32xf32, #tpu.memory_space<vmem>>
      %dma_wait3A_51 = arith.constant 0 : i32
      %dma_wait3A_52 = tpu.memref_slice %arg4[%add3A_23, %dma_wait3A_51] : memref<100000x32xf32, #tpu.memory_space<hbm>> -> memref<1024x32xf32, #tpu.memory_space<hbm>>
      %dma_wait3A_53 = arith.constant 0 : i32
      %dma_wait3A_54 = arith.constant 0 : i32
      %dma_wait3A_55 = tpu.memref_slice %arg8[%dma_wait3A_53, %dma_wait3A_54] : memref<1024x32xf32, #tpu.memory_space<vmem>> -> memref<1024x32xf32, #tpu.memory_space<vmem>>
      %dma_wait3A_56 = arith.constant 0 : i32
      %dma_wait3A_57 = tpu.memref_slice %arg4[%add3A_23, %dma_wait3A_56] : memref<100000x32xf32, #tpu.memory_space<hbm>> -> memref<1024x32xf32, #tpu.memory_space<hbm>>
      tpu.wait_dma2 semaphore(%run_scoped3A : memref<!tpu.dma_semaphore, #tpu.memory_space<semaphore_mem>>) src(%dma_wait3A_57 : memref<1024x32xf32, #tpu.memory_space<hbm>>) dst(%dma_wait3A_55 : memref<1024x32xf32, #tpu.memory_space<vmem>>)
      tpu.yield
    }) : () -> ()
    %scan3A_24 = arith.constant 0.333333343 : f32
    %scan3A_25 = arith.constant 0 : i32
    %scan3A_26 = arith.constant 0 : i32
    %scan3A_27 = arith.constant 2048 : i32
    %scan3A_28 = arith.addi %scan3A_26, %scan3A_27 : i32
    %scan3A_29 = arith.constant 1 : i32
    %scan3A_30 = scf.for %scan3A_40 = %scan3A_26 to %scan3A_28 step %scan3A_29 iter_args(%scan3A_41 = %scan3A_25) -> (i32)  : i32 {
      %shift_right_arithmetic3A = arith.constant 1 : i32
      %shift_right_arithmetic3A_42 = arith.shrsi %scan3A_40, %shift_right_arithmetic3A : i32
      %and3A = arith.constant 1 : i32
      %and3A_43 = arith.andi %scan3A_40, %and3A : i32
      %mul3A_44 = arith.constant 16 : i32
      %mul3A_45 = arith.muli %and3A_43, %mul3A_44 : i32
      %get3A = arith.index_cast %shift_right_arithmetic3A_42 : i32 to index
      %get3A_46 = arith.index_cast %mul3A_45 : i32 to index
      %get3A_47 = tpu.vector_load %arg6[%get3A, %get3A_46] {strides = array<i32>} : memref<1024x32xf32, #tpu.memory_space<vmem>>, vector<1x16xf32>,
      %get3A_48 = vector.shape_cast %get3A_47 : vector<1x16xf32> to vector<16xf32>
      %get3A_49 = arith.index_cast %shift_right_arithmetic3A_42 : i32 to index
      %get3A_50 = arith.index_cast %mul3A_45 : i32 to index
      %get3A_51 = tpu.vector_load %arg7[%get3A_49, %get3A_50] {strides = array<i32>} : memref<1024x32xf32, #tpu.memory_space<vmem>>, vector<1x16xf32>,
      %get3A_52 = vector.shape_cast %get3A_51 : vector<1x16xf32> to vector<16xf32>
      %add3A_53 = arith.addf %get3A_48, %get3A_52 : vector<16xf32>
      %get3A_54 = arith.index_cast %shift_right_arithmetic3A_42 : i32 to index
      %get3A_55 = arith.index_cast %mul3A_45 : i32 to index
      %get3A_56 = tpu.vector_load %arg8[%get3A_54, %get3A_55] {strides = array<i32>} : memref<1024x32xf32, #tpu.memory_space<vmem>>, vector<1x16xf32>,
      %get3A_57 = vector.shape_cast %get3A_56 : vector<1x16xf32> to vector<16xf32>
      %add3A_58 = arith.addf %add3A_53, %get3A_57 : vector<16xf32>
      %mul3A_59 = vector.broadcast %scan3A_24 : f32 to vector<16xf32>
      %mul3A_60 = arith.mulf %add3A_58, %mul3A_59 : vector<16xf32>
      %swap3A = arith.index_cast %shift_right_arithmetic3A_42 : i32 to index
      %swap3A_61 = arith.index_cast %mul3A_45 : i32 to index
      %swap3A_62 = tpu.vector_load %arg6[%swap3A, %swap3A_61] {strides = array<i32>} : memref<1024x32xf32, #tpu.memory_space<vmem>>, vector<1x16xf32>,
      %swap3A_63 = vector.shape_cast %swap3A_62 : vector<1x16xf32> to vector<16xf32>
      %swap3A_64 = vector.shape_cast %mul3A_60 : vector<16xf32> to vector<1x16xf32>
      tpu.vector_store %arg6[%swap3A, %swap3A_61], %swap3A_64 {strides = array<i32>} : memref<1024x32xf32, #tpu.memory_space<vmem>>, vector<1x16xf32>,
      %scan3A_65 = arith.constant 0 : i32
      scf.yield %scan3A_65 : i32
    }
    %scan3A_31 = arith.constant 2048 : i32
    "tpu.region"() ({
      %run_scoped3A = tpu.sem_alloc : memref<!tpu.dma_semaphore, #tpu.memory_space<semaphore_mem>>
      %dma_start3A = arith.constant 0 : i32
      %dma_start3A_40 = arith.constant 0 : i32
      %dma_start3A_41 = tpu.memref_slice %arg6[%dma_start3A, %dma_start3A_40] : memref<1024x32xf32, #tpu.memory_space<vmem>> -> memref<1024x32xf32, #tpu.memory_space<vmem>>
      %dma_start3A_42 = arith.constant 0 : i32
      %dma_start3A_43 = tpu.memref_slice %arg5[%add3A_23, %dma_start3A_42] : memref<100000x32xf32, #tpu.memory_space<hbm>> -> memref<1024x32xf32, #tpu.memory_space<hbm>>
      %dma_start3A_44 = arith.constant 0 : i32
      %dma_start3A_45 = tpu.memref_slice %arg5[%add3A_23, %dma_start3A_44] : memref<100000x32xf32, #tpu.memory_space<hbm>> -> memref<1024x32xf32, #tpu.memory_space<hbm>>
      %dma_start3A_46 = arith.constant 0 : i32
      %dma_start3A_47 = arith.constant 0 : i32
      %dma_start3A_48 = tpu.memref_slice %arg6[%dma_start3A_46, %dma_start3A_47] : memref<1024x32xf32, #tpu.memory_space<vmem>> -> memref<1024x32xf32, #tpu.memory_space<vmem>>
      tpu.enqueue_dma source(%dma_start3A_48 : memref<1024x32xf32, #tpu.memory_space<vmem>>) target(%dma_start3A_45 : memref<1024x32xf32, #tpu.memory_space<hbm>>) target_semaphore(%run_scoped3A : memref<!tpu.dma_semaphore, #tpu.memory_space<semaphore_mem>>)
      %dma_wait3A = arith.constant 0 : i32
      %dma_wait3A_49 = arith.constant 0 : i32
      %dma_wait3A_50 = tpu.memref_slice %arg6[%dma_wait3A, %dma_wait3A_49] : memref<1024x32xf32, #tpu.memory_space<vmem>> -> memref<1024x32xf32, #tpu.memory_space<vmem>>
      %dma_wait3A_51 = arith.constant 0 : i32
      %dma_wait3A_52 = tpu.memref_slice %arg5[%add3A_23, %dma_wait3A_51] : memref<100000x32xf32, #tpu.memory_space<hbm>> -> memref<1024x32xf32, #tpu.memory_space<hbm>>
      %dma_wait3A_53 = arith.constant 0 : i32
      %dma_wait3A_54 = tpu.memref_slice %arg5[%add3A_23, %dma_wait3A_53] : memref<100000x32xf32, #tpu.memory_space<hbm>> -> memref<1024x32xf32, #tpu.memory_space<hbm>>
      %dma_wait3A_55 = arith.constant 0 : i32
      %dma_wait3A_56 = arith.constant 0 : i32
      %dma_wait3A_57 = tpu.memref_slice %arg6[%dma_wait3A_55, %dma_wait3A_56] : memref<1024x32xf32, #tpu.memory_space<vmem>> -> memref<1024x32xf32, #tpu.memory_space<vmem>>
      tpu.wait_dma2 semaphore(%run_scoped3A : memref<!tpu.dma_semaphore, #tpu.memory_space<semaphore_mem>>) src(%dma_wait3A_57 : memref<1024x32xf32, #tpu.memory_space<vmem>>) dst(%dma_wait3A_54 : memref<1024x32xf32, #tpu.memory_space<hbm>>)
      tpu.yield
    }) : () -> ()
    %lt3A = arith.constant 15 : i32
    %lt3A_32 = arith.cmpi slt, %arg1, %lt3A : i32
    %convert_element_type3A = arith.extui %lt3A_32 : i1 to i32
    %cond3A = arith.constant 0.333333343 : f32
    %cond3A_33 = arith.constant 0 : i32
    %cond3A_34 = arith.cmpi ne, %convert_element_type3A, %cond3A_33 : i32
    scf.if %cond3A_34 {
      %add3A_40 = arith.constant 3072 : i32
      %add3A_41 = arith.addi %add3A, %add3A_40 : i32
      "tpu.region"() ({
        %run_scoped3A = tpu.sem_alloc : memref<!tpu.dma_semaphore, #tpu.memory_space<semaphore_mem>>
        %dma_start3A = arith.constant 0 : i32
        %dma_start3A_49 = arith.constant 0 : i32
        %dma_start3A_50 = tpu.memref_slice %arg6[%dma_start3A, %dma_start3A_49] : memref<1024x32xf32, #tpu.memory_space<vmem>> -> memref<56x32xf32, #tpu.memory_space<vmem>>
        %dma_start3A_51 = arith.constant 0 : i32
        %dma_start3A_52 = tpu.memref_slice %arg2[%add3A_41, %dma_start3A_51] : memref<100000x32xf32, #tpu.memory_space<hbm>> -> memref<56x32xf32, #tpu.memory_space<hbm>>
        %dma_start3A_53 = arith.constant 0 : i32
        %dma_start3A_54 = arith.constant 0 : i32
        %dma_start3A_55 = tpu.memref_slice %arg6[%dma_start3A_53, %dma_start3A_54] : memref<1024x32xf32, #tpu.memory_space<vmem>> -> memref<56x32xf32, #tpu.memory_space<vmem>>
        %dma_start3A_56 = arith.constant 0 : i32
        %dma_start3A_57 = tpu.memref_slice %arg2[%add3A_41, %dma_start3A_56] : memref<100000x32xf32, #tpu.memory_space<hbm>> -> memref<56x32xf32, #tpu.memory_space<hbm>>
        tpu.enqueue_dma source(%dma_start3A_57 : memref<56x32xf32, #tpu.memory_space<hbm>>) target(%dma_start3A_55 : memref<56x32xf32, #tpu.memory_space<vmem>>) target_semaphore(%run_scoped3A : memref<!tpu.dma_semaphore, #tpu.memory_space<semaphore_mem>>)
        %dma_wait3A = arith.constant 0 : i32
        %dma_wait3A_58 = arith.constant 0 : i32
        %dma_wait3A_59 = tpu.memref_slice %arg6[%dma_wait3A, %dma_wait3A_58] : memref<1024x32xf32, #tpu.memory_space<vmem>> -> memref<56x32xf32, #tpu.memory_space<vmem>>
        %dma_wait3A_60 = arith.constant 0 : i32
        %dma_wait3A_61 = tpu.memref_slice %arg2[%add3A_41, %dma_wait3A_60] : memref<100000x32xf32, #tpu.memory_space<hbm>> -> memref<56x32xf32, #tpu.memory_space<hbm>>
        %dma_wait3A_62 = arith.constant 0 : i32
        %dma_wait3A_63 = arith.constant 0 : i32
        %dma_wait3A_64 = tpu.memref_slice %arg6[%dma_wait3A_62, %dma_wait3A_63] : memref<1024x32xf32, #tpu.memory_space<vmem>> -> memref<56x32xf32, #tpu.memory_space<vmem>>
        %dma_wait3A_65 = arith.constant 0 : i32
        %dma_wait3A_66 = tpu.memref_slice %arg2[%add3A_41, %dma_wait3A_65] : memref<100000x32xf32, #tpu.memory_space<hbm>> -> memref<56x32xf32, #tpu.memory_space<hbm>>
        tpu.wait_dma2 semaphore(%run_scoped3A : memref<!tpu.dma_semaphore, #tpu.memory_space<semaphore_mem>>) src(%dma_wait3A_66 : memref<56x32xf32, #tpu.memory_space<hbm>>) dst(%dma_wait3A_64 : memref<56x32xf32, #tpu.memory_space<vmem>>)
        tpu.yield
      }) : () -> ()
      "tpu.region"() ({
        %run_scoped3A = tpu.sem_alloc : memref<!tpu.dma_semaphore, #tpu.memory_space<semaphore_mem>>
        %dma_start3A = arith.constant 0 : i32
        %dma_start3A_49 = arith.constant 0 : i32
        %dma_start3A_50 = tpu.memref_slice %arg7[%dma_start3A, %dma_start3A_49] : memref<1024x32xf32, #tpu.memory_space<vmem>> -> memref<56x32xf32, #tpu.memory_space<vmem>>
        %dma_start3A_51 = arith.constant 0 : i32
        %dma_start3A_52 = tpu.memref_slice %arg3[%add3A_41, %dma_start3A_51] : memref<100000x32xf32, #tpu.memory_space<hbm>> -> memref<56x32xf32, #tpu.memory_space<hbm>>
        %dma_start3A_53 = arith.constant 0 : i32
        %dma_start3A_54 = arith.constant 0 : i32
        %dma_start3A_55 = tpu.memref_slice %arg7[%dma_start3A_53, %dma_start3A_54] : memref<1024x32xf32, #tpu.memory_space<vmem>> -> memref<56x32xf32, #tpu.memory_space<vmem>>
        %dma_start3A_56 = arith.constant 0 : i32
        %dma_start3A_57 = tpu.memref_slice %arg3[%add3A_41, %dma_start3A_56] : memref<100000x32xf32, #tpu.memory_space<hbm>> -> memref<56x32xf32, #tpu.memory_space<hbm>>
        tpu.enqueue_dma source(%dma_start3A_57 : memref<56x32xf32, #tpu.memory_space<hbm>>) target(%dma_start3A_55 : memref<56x32xf32, #tpu.memory_space<vmem>>) target_semaphore(%run_scoped3A : memref<!tpu.dma_semaphore, #tpu.memory_space<semaphore_mem>>)
        %dma_wait3A = arith.constant 0 : i32
        %dma_wait3A_58 = arith.constant 0 : i32
        %dma_wait3A_59 = tpu.memref_slice %arg7[%dma_wait3A, %dma_wait3A_58] : memref<1024x32xf32, #tpu.memory_space<vmem>> -> memref<56x32xf32, #tpu.memory_space<vmem>>
        %dma_wait3A_60 = arith.constant 0 : i32
        %dma_wait3A_61 = tpu.memref_slice %arg3[%add3A_41, %dma_wait3A_60] : memref<100000x32xf32, #tpu.memory_space<hbm>> -> memref<56x32xf32, #tpu.memory_space<hbm>>
        %dma_wait3A_62 = arith.constant 0 : i32
        %dma_wait3A_63 = arith.constant 0 : i32
        %dma_wait3A_64 = tpu.memref_slice %arg7[%dma_wait3A_62, %dma_wait3A_63] : memref<1024x32xf32, #tpu.memory_space<vmem>> -> memref<56x32xf32, #tpu.memory_space<vmem>>
        %dma_wait3A_65 = arith.constant 0 : i32
        %dma_wait3A_66 = tpu.memref_slice %arg3[%add3A_41, %dma_wait3A_65] : memref<100000x32xf32, #tpu.memory_space<hbm>> -> memref<56x32xf32, #tpu.memory_space<hbm>>
        tpu.wait_dma2 semaphore(%run_scoped3A : memref<!tpu.dma_semaphore, #tpu.memory_space<semaphore_mem>>) src(%dma_wait3A_66 : memref<56x32xf32, #tpu.memory_space<hbm>>) dst(%dma_wait3A_64 : memref<56x32xf32, #tpu.memory_space<vmem>>)
        tpu.yield
      }) : () -> ()
      "tpu.region"() ({
        %run_scoped3A = tpu.sem_alloc : memref<!tpu.dma_semaphore, #tpu.memory_space<semaphore_mem>>
        %dma_start3A = arith.constant 0 : i32
        %dma_start3A_49 = arith.constant 0 : i32
        %dma_start3A_50 = tpu.memref_slice %arg8[%dma_start3A, %dma_start3A_49] : memref<1024x32xf32, #tpu.memory_space<vmem>> -> memref<56x32xf32, #tpu.memory_space<vmem>>
        %dma_start3A_51 = arith.constant 0 : i32
        %dma_start3A_52 = tpu.memref_slice %arg4[%add3A_41, %dma_start3A_51] : memref<100000x32xf32, #tpu.memory_space<hbm>> -> memref<56x32xf32, #tpu.memory_space<hbm>>
        %dma_start3A_53 = arith.constant 0 : i32
        %dma_start3A_54 = arith.constant 0 : i32
        %dma_start3A_55 = tpu.memref_slice %arg8[%dma_start3A_53, %dma_start3A_54] : memref<1024x32xf32, #tpu.memory_space<vmem>> -> memref<56x32xf32, #tpu.memory_space<vmem>>
        %dma_start3A_56 = arith.constant 0 : i32
        %dma_start3A_57 = tpu.memref_slice %arg4[%add3A_41, %dma_start3A_56] : memref<100000x32xf32, #tpu.memory_space<hbm>> -> memref<56x32xf32, #tpu.memory_space<hbm>>
        tpu.enqueue_dma source(%dma_start3A_57 : memref<56x32xf32, #tpu.memory_space<hbm>>) target(%dma_start3A_55 : memref<56x32xf32, #tpu.memory_space<vmem>>) target_semaphore(%run_scoped3A : memref<!tpu.dma_semaphore, #tpu.memory_space<semaphore_mem>>)
        %dma_wait3A = arith.constant 0 : i32
        %dma_wait3A_58 = arith.constant 0 : i32
        %dma_wait3A_59 = tpu.memref_slice %arg8[%dma_wait3A, %dma_wait3A_58] : memref<1024x32xf32, #tpu.memory_space<vmem>> -> memref<56x32xf32, #tpu.memory_space<vmem>>
        %dma_wait3A_60 = arith.constant 0 : i32
        %dma_wait3A_61 = tpu.memref_slice %arg4[%add3A_41, %dma_wait3A_60] : memref<100000x32xf32, #tpu.memory_space<hbm>> -> memref<56x32xf32, #tpu.memory_space<hbm>>
        %dma_wait3A_62 = arith.constant 0 : i32
        %dma_wait3A_63 = arith.constant 0 : i32
        %dma_wait3A_64 = tpu.memref_slice %arg8[%dma_wait3A_62, %dma_wait3A_63] : memref<1024x32xf32, #tpu.memory_space<vmem>> -> memref<56x32xf32, #tpu.memory_space<vmem>>
        %dma_wait3A_65 = arith.constant 0 : i32
        %dma_wait3A_66 = tpu.memref_slice %arg4[%add3A_41, %dma_wait3A_65] : memref<100000x32xf32, #tpu.memory_space<hbm>> -> memref<56x32xf32, #tpu.memory_space<hbm>>
        tpu.wait_dma2 semaphore(%run_scoped3A : memref<!tpu.dma_semaphore, #tpu.memory_space<semaphore_mem>>) src(%dma_wait3A_66 : memref<56x32xf32, #tpu.memory_space<hbm>>) dst(%dma_wait3A_64 : memref<56x32xf32, #tpu.memory_space<vmem>>)
        tpu.yield
      }) : () -> ()
      %scan3A_42 = arith.constant 0 : i32
      %scan3A_43 = arith.constant 0 : i32
      %scan3A_44 = arith.constant 112 : i32
      %scan3A_45 = arith.addi %scan3A_43, %scan3A_44 : i32
      %scan3A_46 = arith.constant 1 : i32
      %scan3A_47 = scf.for %scan3A_49 = %scan3A_43 to %scan3A_45 step %scan3A_46 iter_args(%scan3A_50 = %scan3A_42) -> (i32)  : i32 {
        %shift_right_arithmetic3A = arith.constant 1 : i32
        %shift_right_arithmetic3A_51 = arith.shrsi %scan3A_49, %shift_right_arithmetic3A : i32
        %and3A = arith.constant 1 : i32
        %and3A_52 = arith.andi %scan3A_49, %and3A : i32
        %mul3A_53 = arith.constant 16 : i32
        %mul3A_54 = arith.muli %and3A_52, %mul3A_53 : i32
        %get3A = arith.index_cast %shift_right_arithmetic3A_51 : i32 to index
        %get3A_55 = arith.index_cast %mul3A_54 : i32 to index
        %get3A_56 = tpu.vector_load %arg6[%get3A, %get3A_55] {strides = array<i32>} : memref<1024x32xf32, #tpu.memory_space<vmem>>, vector<1x16xf32>,
        %get3A_57 = vector.shape_cast %get3A_56 : vector<1x16xf32> to vector<16xf32>
        %get3A_58 = arith.index_cast %shift_right_arithmetic3A_51 : i32 to index
        %get3A_59 = arith.index_cast %mul3A_54 : i32 to index
        %get3A_60 = tpu.vector_load %arg7[%get3A_58, %get3A_59] {strides = array<i32>} : memref<1024x32xf32, #tpu.memory_space<vmem>>, vector<1x16xf32>,
        %get3A_61 = vector.shape_cast %get3A_60 : vector<1x16xf32> to vector<16xf32>
        %add3A_62 = arith.addf %get3A_57, %get3A_61 : vector<16xf32>
        %get3A_63 = arith.index_cast %shift_right_arithmetic3A_51 : i32 to index
        %get3A_64 = arith.index_cast %mul3A_54 : i32 to index
        %get3A_65 = tpu.vector_load %arg8[%get3A_63, %get3A_64] {strides = array<i32>} : memref<1024x32xf32, #tpu.memory_space<vmem>>, vector<1x16xf32>,
        %get3A_66 = vector.shape_cast %get3A_65 : vector<1x16xf32> to vector<16xf32>
        %add3A_67 = arith.addf %add3A_62, %get3A_66 : vector<16xf32>
        %mul3A_68 = vector.broadcast %cond3A : f32 to vector<16xf32>
        %mul3A_69 = arith.mulf %add3A_67, %mul3A_68 : vector<16xf32>
        %swap3A = arith.index_cast %shift_right_arithmetic3A_51 : i32 to index
        %swap3A_70 = arith.index_cast %mul3A_54 : i32 to index
        %swap3A_71 = tpu.vector_load %arg6[%swap3A, %swap3A_70] {strides = array<i32>} : memref<1024x32xf32, #tpu.memory_space<vmem>>, vector<1x16xf32>,
        %swap3A_72 = vector.shape_cast %swap3A_71 : vector<1x16xf32> to vector<16xf32>
        %swap3A_73 = vector.shape_cast %mul3A_69 : vector<16xf32> to vector<1x16xf32>
        tpu.vector_store %arg6[%swap3A, %swap3A_70], %swap3A_73 {strides = array<i32>} : memref<1024x32xf32, #tpu.memory_space<vmem>>, vector<1x16xf32>,
        %scan3A_74 = arith.constant 0 : i32
        scf.yield %scan3A_74 : i32
      }
      %scan3A_48 = arith.constant 112 : i32
      "tpu.region"() ({
        %run_scoped3A = tpu.sem_alloc : memref<!tpu.dma_semaphore, #tpu.memory_space<semaphore_mem>>
        %dma_start3A = arith.constant 0 : i32
        %dma_start3A_49 = arith.constant 0 : i32
        %dma_start3A_50 = tpu.memref_slice %arg6[%dma_start3A, %dma_start3A_49] : memref<1024x32xf32, #tpu.memory_space<vmem>> -> memref<56x32xf32, #tpu.memory_space<vmem>>
        %dma_start3A_51 = arith.constant 0 : i32
        %dma_start3A_52 = tpu.memref_slice %arg5[%add3A_41, %dma_start3A_51] : memref<100000x32xf32, #tpu.memory_space<hbm>> -> memref<56x32xf32, #tpu.memory_space<hbm>>
        %dma_start3A_53 = arith.constant 0 : i32
        %dma_start3A_54 = tpu.memref_slice %arg5[%add3A_41, %dma_start3A_53] : memref<100000x32xf32, #tpu.memory_space<hbm>> -> memref<56x32xf32, #tpu.memory_space<hbm>>
        %dma_start3A_55 = arith.constant 0 : i32
        %dma_start3A_56 = arith.constant 0 : i32
        %dma_start3A_57 = tpu.memref_slice %arg6[%dma_start3A_55, %dma_start3A_56] : memref<1024x32xf32, #tpu.memory_space<vmem>> -> memref<56x32xf32, #tpu.memory_space<vmem>>
        tpu.enqueue_dma source(%dma_start3A_57 : memref<56x32xf32, #tpu.memory_space<vmem>>) target(%dma_start3A_54 : memref<56x32xf32, #tpu.memory_space<hbm>>) target_semaphore(%run_scoped3A : memref<!tpu.dma_semaphore, #tpu.memory_space<semaphore_mem>>)
        %dma_wait3A = arith.constant 0 : i32
        %dma_wait3A_58 = arith.constant 0 : i32
        %dma_wait3A_59 = tpu.memref_slice %arg6[%dma_wait3A, %dma_wait3A_58] : memref<1024x32xf32, #tpu.memory_space<vmem>> -> memref<56x32xf32, #tpu.memory_space<vmem>>
        %dma_wait3A_60 = arith.constant 0 : i32
        %dma_wait3A_61 = tpu.memref_slice %arg5[%add3A_41, %dma_wait3A_60] : memref<100000x32xf32, #tpu.memory_space<hbm>> -> memref<56x32xf32, #tpu.memory_space<hbm>>
        %dma_wait3A_62 = arith.constant 0 : i32
        %dma_wait3A_63 = tpu.memref_slice %arg5[%add3A_41, %dma_wait3A_62] : memref<100000x32xf32, #tpu.memory_space<hbm>> -> memref<56x32xf32, #tpu.memory_space<hbm>>
        %dma_wait3A_64 = arith.constant 0 : i32
        %dma_wait3A_65 = arith.constant 0 : i32
        %dma_wait3A_66 = tpu.memref_slice %arg6[%dma_wait3A_64, %dma_wait3A_65] : memref<1024x32xf32, #tpu.memory_space<vmem>> -> memref<56x32xf32, #tpu.memory_space<vmem>>
        tpu.wait_dma2 semaphore(%run_scoped3A : memref<!tpu.dma_semaphore, #tpu.memory_space<semaphore_mem>>) src(%dma_wait3A_66 : memref<56x32xf32, #tpu.memory_space<vmem>>) dst(%dma_wait3A_63 : memref<56x32xf32, #tpu.memory_space<hbm>>)
        tpu.yield
      }) : () -> ()
    } else {
    }
    %eq3A = arith.constant 15 : i32
    %eq3A_35 = arith.cmpi eq, %arg1, %eq3A : i32
    %convert_element_type3A_36 = arith.extui %eq3A_35 : i1 to i32
    %cond3A_37 = arith.constant 0.333333343 : f32
    %cond3A_38 = arith.constant 0 : i32
    %cond3A_39 = arith.cmpi ne, %convert_element_type3A_36, %cond3A_38 : i32
    scf.if %cond3A_39 {
      %add3A_40 = arith.constant 3072 : i32
      %add3A_41 = arith.addi %add3A, %add3A_40 : i32
      "tpu.region"() ({
        %run_scoped3A = tpu.sem_alloc : memref<!tpu.dma_semaphore, #tpu.memory_space<semaphore_mem>>
        %dma_start3A = arith.constant 0 : i32
        %dma_start3A_49 = arith.constant 0 : i32
        %dma_start3A_50 = tpu.memref_slice %arg6[%dma_start3A, %dma_start3A_49] : memref<1024x32xf32, #tpu.memory_space<vmem>> -> memref<8x32xf32, #tpu.memory_space<vmem>>
        %dma_start3A_51 = arith.constant 0 : i32
        %dma_start3A_52 = tpu.memref_slice %arg2[%add3A_41, %dma_start3A_51] : memref<100000x32xf32, #tpu.memory_space<hbm>> -> memref<8x32xf32, #tpu.memory_space<hbm>>
        %dma_start3A_53 = arith.constant 0 : i32
        %dma_start3A_54 = arith.constant 0 : i32
        %dma_start3A_55 = tpu.memref_slice %arg6[%dma_start3A_53, %dma_start3A_54] : memref<1024x32xf32, #tpu.memory_space<vmem>> -> memref<8x32xf32, #tpu.memory_space<vmem>>
        %dma_start3A_56 = arith.constant 0 : i32
        %dma_start3A_57 = tpu.memref_slice %arg2[%add3A_41, %dma_start3A_56] : memref<100000x32xf32, #tpu.memory_space<hbm>> -> memref<8x32xf32, #tpu.memory_space<hbm>>
        tpu.enqueue_dma source(%dma_start3A_57 : memref<8x32xf32, #tpu.memory_space<hbm>>) target(%dma_start3A_55 : memref<8x32xf32, #tpu.memory_space<vmem>>) target_semaphore(%run_scoped3A : memref<!tpu.dma_semaphore, #tpu.memory_space<semaphore_mem>>)
        %dma_wait3A = arith.constant 0 : i32
        %dma_wait3A_58 = arith.constant 0 : i32
        %dma_wait3A_59 = tpu.memref_slice %arg6[%dma_wait3A, %dma_wait3A_58] : memref<1024x32xf32, #tpu.memory_space<vmem>> -> memref<8x32xf32, #tpu.memory_space<vmem>>
        %dma_wait3A_60 = arith.constant 0 : i32
        %dma_wait3A_61 = tpu.memref_slice %arg2[%add3A_41, %dma_wait3A_60] : memref<100000x32xf32, #tpu.memory_space<hbm>> -> memref<8x32xf32, #tpu.memory_space<hbm>>
        %dma_wait3A_62 = arith.constant 0 : i32
        %dma_wait3A_63 = arith.constant 0 : i32
        %dma_wait3A_64 = tpu.memref_slice %arg6[%dma_wait3A_62, %dma_wait3A_63] : memref<1024x32xf32, #tpu.memory_space<vmem>> -> memref<8x32xf32, #tpu.memory_space<vmem>>
        %dma_wait3A_65 = arith.constant 0 : i32
        %dma_wait3A_66 = tpu.memref_slice %arg2[%add3A_41, %dma_wait3A_65] : memref<100000x32xf32, #tpu.memory_space<hbm>> -> memref<8x32xf32, #tpu.memory_space<hbm>>
        tpu.wait_dma2 semaphore(%run_scoped3A : memref<!tpu.dma_semaphore, #tpu.memory_space<semaphore_mem>>) src(%dma_wait3A_66 : memref<8x32xf32, #tpu.memory_space<hbm>>) dst(%dma_wait3A_64 : memref<8x32xf32, #tpu.memory_space<vmem>>)
        tpu.yield
      }) : () -> ()
      "tpu.region"() ({
        %run_scoped3A = tpu.sem_alloc : memref<!tpu.dma_semaphore, #tpu.memory_space<semaphore_mem>>
        %dma_start3A = arith.constant 0 : i32
        %dma_start3A_49 = arith.constant 0 : i32
        %dma_start3A_50 = tpu.memref_slice %arg7[%dma_start3A, %dma_start3A_49] : memref<1024x32xf32, #tpu.memory_space<vmem>> -> memref<8x32xf32, #tpu.memory_space<vmem>>
        %dma_start3A_51 = arith.constant 0 : i32
        %dma_start3A_52 = tpu.memref_slice %arg3[%add3A_41, %dma_start3A_51] : memref<100000x32xf32, #tpu.memory_space<hbm>> -> memref<8x32xf32, #tpu.memory_space<hbm>>
        %dma_start3A_53 = arith.constant 0 : i32
        %dma_start3A_54 = arith.constant 0 : i32
        %dma_start3A_55 = tpu.memref_slice %arg7[%dma_start3A_53, %dma_start3A_54] : memref<1024x32xf32, #tpu.memory_space<vmem>> -> memref<8x32xf32, #tpu.memory_space<vmem>>
        %dma_start3A_56 = arith.constant 0 : i32
        %dma_start3A_57 = tpu.memref_slice %arg3[%add3A_41, %dma_start3A_56] : memref<100000x32xf32, #tpu.memory_space<hbm>> -> memref<8x32xf32, #tpu.memory_space<hbm>>
        tpu.enqueue_dma source(%dma_start3A_57 : memref<8x32xf32, #tpu.memory_space<hbm>>) target(%dma_start3A_55 : memref<8x32xf32, #tpu.memory_space<vmem>>) target_semaphore(%run_scoped3A : memref<!tpu.dma_semaphore, #tpu.memory_space<semaphore_mem>>)
        %dma_wait3A = arith.constant 0 : i32
        %dma_wait3A_58 = arith.constant 0 : i32
        %dma_wait3A_59 = tpu.memref_slice %arg7[%dma_wait3A, %dma_wait3A_58] : memref<1024x32xf32, #tpu.memory_space<vmem>> -> memref<8x32xf32, #tpu.memory_space<vmem>>
        %dma_wait3A_60 = arith.constant 0 : i32
        %dma_wait3A_61 = tpu.memref_slice %arg3[%add3A_41, %dma_wait3A_60] : memref<100000x32xf32, #tpu.memory_space<hbm>> -> memref<8x32xf32, #tpu.memory_space<hbm>>
        %dma_wait3A_62 = arith.constant 0 : i32
        %dma_wait3A_63 = arith.constant 0 : i32
        %dma_wait3A_64 = tpu.memref_slice %arg7[%dma_wait3A_62, %dma_wait3A_63] : memref<1024x32xf32, #tpu.memory_space<vmem>> -> memref<8x32xf32, #tpu.memory_space<vmem>>
        %dma_wait3A_65 = arith.constant 0 : i32
        %dma_wait3A_66 = tpu.memref_slice %arg3[%add3A_41, %dma_wait3A_65] : memref<100000x32xf32, #tpu.memory_space<hbm>> -> memref<8x32xf32, #tpu.memory_space<hbm>>
        tpu.wait_dma2 semaphore(%run_scoped3A : memref<!tpu.dma_semaphore, #tpu.memory_space<semaphore_mem>>) src(%dma_wait3A_66 : memref<8x32xf32, #tpu.memory_space<hbm>>) dst(%dma_wait3A_64 : memref<8x32xf32, #tpu.memory_space<vmem>>)
        tpu.yield
      }) : () -> ()
      "tpu.region"() ({
        %run_scoped3A = tpu.sem_alloc : memref<!tpu.dma_semaphore, #tpu.memory_space<semaphore_mem>>
        %dma_start3A = arith.constant 0 : i32
        %dma_start3A_49 = arith.constant 0 : i32
        %dma_start3A_50 = tpu.memref_slice %arg8[%dma_start3A, %dma_start3A_49] : memref<1024x32xf32, #tpu.memory_space<vmem>> -> memref<8x32xf32, #tpu.memory_space<vmem>>
        %dma_start3A_51 = arith.constant 0 : i32
        %dma_start3A_52 = tpu.memref_slice %arg4[%add3A_41, %dma_start3A_51] : memref<100000x32xf32, #tpu.memory_space<hbm>> -> memref<8x32xf32, #tpu.memory_space<hbm>>
        %dma_start3A_53 = arith.constant 0 : i32
        %dma_start3A_54 = arith.constant 0 : i32
        %dma_start3A_55 = tpu.memref_slice %arg8[%dma_start3A_53, %dma_start3A_54] : memref<1024x32xf32, #tpu.memory_space<vmem>> -> memref<8x32xf32, #tpu.memory_space<vmem>>
        %dma_start3A_56 = arith.constant 0 : i32
        %dma_start3A_57 = tpu.memref_slice %arg4[%add3A_41, %dma_start3A_56] : memref<100000x32xf32, #tpu.memory_space<hbm>> -> memref<8x32xf32, #tpu.memory_space<hbm>>
        tpu.enqueue_dma source(%dma_start3A_57 : memref<8x32xf32, #tpu.memory_space<hbm>>) target(%dma_start3A_55 : memref<8x32xf32, #tpu.memory_space<vmem>>) target_semaphore(%run_scoped3A : memref<!tpu.dma_semaphore, #tpu.memory_space<semaphore_mem>>)
        %dma_wait3A = arith.constant 0 : i32
        %dma_wait3A_58 = arith.constant 0 : i32
        %dma_wait3A_59 = tpu.memref_slice %arg8[%dma_wait3A, %dma_wait3A_58] : memref<1024x32xf32, #tpu.memory_space<vmem>> -> memref<8x32xf32, #tpu.memory_space<vmem>>
        %dma_wait3A_60 = arith.constant 0 : i32
        %dma_wait3A_61 = tpu.memref_slice %arg4[%add3A_41, %dma_wait3A_60] : memref<100000x32xf32, #tpu.memory_space<hbm>> -> memref<8x32xf32, #tpu.memory_space<hbm>>
        %dma_wait3A_62 = arith.constant 0 : i32
        %dma_wait3A_63 = arith.constant 0 : i32
        %dma_wait3A_64 = tpu.memref_slice %arg8[%dma_wait3A_62, %dma_wait3A_63] : memref<1024x32xf32, #tpu.memory_space<vmem>> -> memref<8x32xf32, #tpu.memory_space<vmem>>
        %dma_wait3A_65 = arith.constant 0 : i32
        %dma_wait3A_66 = tpu.memref_slice %arg4[%add3A_41, %dma_wait3A_65] : memref<100000x32xf32, #tpu.memory_space<hbm>> -> memref<8x32xf32, #tpu.memory_space<hbm>>
        tpu.wait_dma2 semaphore(%run_scoped3A : memref<!tpu.dma_semaphore, #tpu.memory_space<semaphore_mem>>) src(%dma_wait3A_66 : memref<8x32xf32, #tpu.memory_space<hbm>>) dst(%dma_wait3A_64 : memref<8x32xf32, #tpu.memory_space<vmem>>)
        tpu.yield
      }) : () -> ()
      %scan3A_42 = arith.constant 0 : i32
      %scan3A_43 = arith.constant 0 : i32
      %scan3A_44 = arith.constant 16 : i32
      %scan3A_45 = arith.addi %scan3A_43, %scan3A_44 : i32
      %scan3A_46 = arith.constant 1 : i32
      %scan3A_47 = scf.for %scan3A_49 = %scan3A_43 to %scan3A_45 step %scan3A_46 iter_args(%scan3A_50 = %scan3A_42) -> (i32)  : i32 {
        %shift_right_arithmetic3A = arith.constant 1 : i32
        %shift_right_arithmetic3A_51 = arith.shrsi %scan3A_49, %shift_right_arithmetic3A : i32
        %and3A = arith.constant 1 : i32
        %and3A_52 = arith.andi %scan3A_49, %and3A : i32
        %mul3A_53 = arith.constant 16 : i32
        %mul3A_54 = arith.muli %and3A_52, %mul3A_53 : i32
        %get3A = arith.index_cast %shift_right_arithmetic3A_51 : i32 to index
        %get3A_55 = arith.index_cast %mul3A_54 : i32 to index
        %get3A_56 = tpu.vector_load %arg6[%get3A, %get3A_55] {strides = array<i32>} : memref<1024x32xf32, #tpu.memory_space<vmem>>, vector<1x16xf32>,
        %get3A_57 = vector.shape_cast %get3A_56 : vector<1x16xf32> to vector<16xf32>
        %get3A_58 = arith.index_cast %shift_right_arithmetic3A_51 : i32 to index
        %get3A_59 = arith.index_cast %mul3A_54 : i32 to index
        %get3A_60 = tpu.vector_load %arg7[%get3A_58, %get3A_59] {strides = array<i32>} : memref<1024x32xf32, #tpu.memory_space<vmem>>, vector<1x16xf32>,
        %get3A_61 = vector.shape_cast %get3A_60 : vector<1x16xf32> to vector<16xf32>
        %add3A_62 = arith.addf %get3A_57, %get3A_61 : vector<16xf32>
        %get3A_63 = arith.index_cast %shift_right_arithmetic3A_51 : i32 to index
        %get3A_64 = arith.index_cast %mul3A_54 : i32 to index
        %get3A_65 = tpu.vector_load %arg8[%get3A_63, %get3A_64] {strides = array<i32>} : memref<1024x32xf32, #tpu.memory_space<vmem>>, vector<1x16xf32>,
        %get3A_66 = vector.shape_cast %get3A_65 : vector<1x16xf32> to vector<16xf32>
        %add3A_67 = arith.addf %add3A_62, %get3A_66 : vector<16xf32>
        %mul3A_68 = vector.broadcast %cond3A_37 : f32 to vector<16xf32>
        %mul3A_69 = arith.mulf %add3A_67, %mul3A_68 : vector<16xf32>
        %swap3A = arith.index_cast %shift_right_arithmetic3A_51 : i32 to index
        %swap3A_70 = arith.index_cast %mul3A_54 : i32 to index
        %swap3A_71 = tpu.vector_load %arg6[%swap3A, %swap3A_70] {strides = array<i32>} : memref<1024x32xf32, #tpu.memory_space<vmem>>, vector<1x16xf32>,
        %swap3A_72 = vector.shape_cast %swap3A_71 : vector<1x16xf32> to vector<16xf32>
        %swap3A_73 = vector.shape_cast %mul3A_69 : vector<16xf32> to vector<1x16xf32>
        tpu.vector_store %arg6[%swap3A, %swap3A_70], %swap3A_73 {strides = array<i32>} : memref<1024x32xf32, #tpu.memory_space<vmem>>, vector<1x16xf32>,
        %scan3A_74 = arith.constant 0 : i32
        scf.yield %scan3A_74 : i32
      }
      %scan3A_48 = arith.constant 16 : i32
      "tpu.region"() ({
        %run_scoped3A = tpu.sem_alloc : memref<!tpu.dma_semaphore, #tpu.memory_space<semaphore_mem>>
        %dma_start3A = arith.constant 0 : i32
        %dma_start3A_49 = arith.constant 0 : i32
        %dma_start3A_50 = tpu.memref_slice %arg6[%dma_start3A, %dma_start3A_49] : memref<1024x32xf32, #tpu.memory_space<vmem>> -> memref<8x32xf32, #tpu.memory_space<vmem>>
        %dma_start3A_51 = arith.constant 0 : i32
        %dma_start3A_52 = tpu.memref_slice %arg5[%add3A_41, %dma_start3A_51] : memref<100000x32xf32, #tpu.memory_space<hbm>> -> memref<8x32xf32, #tpu.memory_space<hbm>>
        %dma_start3A_53 = arith.constant 0 : i32
        %dma_start3A_54 = tpu.memref_slice %arg5[%add3A_41, %dma_start3A_53] : memref<100000x32xf32, #tpu.memory_space<hbm>> -> memref<8x32xf32, #tpu.memory_space<hbm>>
        %dma_start3A_55 = arith.constant 0 : i32
        %dma_start3A_56 = arith.constant 0 : i32
        %dma_start3A_57 = tpu.memref_slice %arg6[%dma_start3A_55, %dma_start3A_56] : memref<1024x32xf32, #tpu.memory_space<vmem>> -> memref<8x32xf32, #tpu.memory_space<vmem>>
        tpu.enqueue_dma source(%dma_start3A_57 : memref<8x32xf32, #tpu.memory_space<vmem>>) target(%dma_start3A_54 : memref<8x32xf32, #tpu.memory_space<hbm>>) target_semaphore(%run_scoped3A : memref<!tpu.dma_semaphore, #tpu.memory_space<semaphore_mem>>)
        %dma_wait3A = arith.constant 0 : i32
        %dma_wait3A_58 = arith.constant 0 : i32
        %dma_wait3A_59 = tpu.memref_slice %arg6[%dma_wait3A, %dma_wait3A_58] : memref<1024x32xf32, #tpu.memory_space<vmem>> -> memref<8x32xf32, #tpu.memory_space<vmem>>
        %dma_wait3A_60 = arith.constant 0 : i32
        %dma_wait3A_61 = tpu.memref_slice %arg5[%add3A_41, %dma_wait3A_60] : memref<100000x32xf32, #tpu.memory_space<hbm>> -> memref<8x32xf32, #tpu.memory_space<hbm>>
        %dma_wait3A_62 = arith.constant 0 : i32
        %dma_wait3A_63 = tpu.memref_slice %arg5[%add3A_41, %dma_wait3A_62] : memref<100000x32xf32, #tpu.memory_space<hbm>> -> memref<8x32xf32, #tpu.memory_space<hbm>>
        %dma_wait3A_64 = arith.constant 0 : i32
        %dma_wait3A_65 = arith.constant 0 : i32
        %dma_wait3A_66 = tpu.memref_slice %arg6[%dma_wait3A_64, %dma_wait3A_65] : memref<1024x32xf32, #tpu.memory_space<vmem>> -> memref<8x32xf32, #tpu.memory_space<vmem>>
        tpu.wait_dma2 semaphore(%run_scoped3A : memref<!tpu.dma_semaphore, #tpu.memory_space<semaphore_mem>>) src(%dma_wait3A_66 : memref<8x32xf32, #tpu.memory_space<vmem>>) dst(%dma_wait3A_63 : memref<8x32xf32, #tpu.memory_space<hbm>>)
        tpu.yield
      }) : () -> ()
    } else {
    }
    return
  }
}

</mosaic_0001>

<sc_bundles>
// kernel: kernel.12.cloned.1.call-start
scs
__scs_entry_jumppad:
0x0: {  	(pc) =	sbr.rel $0x88, $3  }
0x1: {  	(tag) =	ssettag $0x0;
	lr =	simm.s32 $0x1  }
0x2: {  	[smem:$0x3F9D] =	sst lr;
	_ =	strace $0xD0000000  }
0x3: {  	_ = 	snop  }
0x4: {  	_ = 	snop  }
0x5: {  	_ = 	snop  }
0x6: {  	_ = 	snop  }
0x7: {  	_ = 	snop  }
__scs_overlays_trampoline_lowered:
0x8: {  	[smem:$0x3FAC] =	sst s0  }
0x9: {  	[smem:$0x3FAD] =	sst s1  }
0xa: {  	[smem:$0x3FAE] =	sst s2  }
0xb: {  	[smem:$0x3FAF] =	sst s3  }
0xc: {  	[smem:$0x3FB0] =	sst s4  }
0xd: {  	[smem:$0x3FB1] =	sst s5  }
0xe: {  	[smem:$0x3FB2] =	sst s6  }
0xf: {  	[smem:$0x3FB3] =	sst s7  }
0x10: {  	[smem:$0x3FB4] =	sst s8  }
0x11: {  	[smem:$0x3FB5] =	sst s9;
	s0 =	simm.s32 @!p0 $0x0  }
0x12: {  	s1 =	sld [smem:$0x3F9B];
	s0 =	simm.s32 @p0 $0x1  }
0x13: {  	[smem:$0x3FB6] =	sst s0;
	s0 =	simm.s32 @!p1 $0x0  }
0x14: {  	s2 =	sld [smem:$0x3F9A];
	s0 =	simm.s32 @p1 $0x1  }
0x15: {  	[smem:$0x3FB7] =	sst s0;
	s0 =	simm.s32 @!p2 $0x0  }
0x16: {  	s3 =	sld [smem:$0x3FDB];
	s0 =	simm.s32 @p2 $0x1  }
0x17: {  	s4 =	simm.s32 $0x1BF5;
	[smem:$0x3FB9] =	sst s0  }
0x18: {  	s0 =	sld [smem:$0x3F9C];
	_ =	swait.ge [sflag:s4], $0x0  }
0x19: {  	s7 =	sld [smem:$0x3F9D]  }
0x1a: {  	s8 =	sadd.s32 $0xFFFFE003, lr  }
0x1b: {  	s9 =	sadd.s32 $0xFFFFFEF7, lr;
	s5 =	simm.s32 $0xFFFFFFFF;
	p2 =	slt.u32 s8, $0xFFFFF086  }
0x1c: {  	p1 =	slt.u32 s9, $0xF7A;
	s5 =	simm.s32 @!p2 $0x0  }
0x1d: {  	s5 =	simm.s32 @p1 $0x1;
	p0 =	seq.s32 s7, s2  }
0x1e: {  	s7 =	smul.u32 @!p0 $0xF7A, s2;
	p2 =	seq.s32 @!p0 s5, $0x0  }
0x1f: {  	s9 =	smul.u32 $0xF7A, s1;
	s8 =	simm.s32 @!p0 $0x1BF5;
	p2 =	por !p2, p0  }
0x20: {  	[sflag:s8] =	ssyncset.s32 @!p0 $0xFFFFF086;
	s6 =	sadd.s32 @!p0 s3, s7;
	s7 =	simm.s32 @!p0 $0x108  }
0x21: {  	s3 =	sadd.s32 s3, s9;
	s6 =	sadd.s32 @!p0 $0x88, s6;
	s7 =	simm.s32 @p2 $0x1082  }
0x22: {  	[simem:s7], [sflag:s8] =	dma.local @!p0 [hbm:s6], $0xF7A  }
0x23: {  	s9 =	sor.u32 $0xD0000000, s2;
	s6 =	simm.s32 $0x108;
	_ =	swait.ge @!p0 [sflag:s8], $0x0  }
0x24: {  	s3 =	sadd.s32 $0x88, s3;
	s6 =	simm.s32 @!p1 $0x1082;
	[sflag:s4] =	ssyncset.s32 $0xFFFFF086  }
0x25: {  	[simem:s6], [sflag:s4] =	dma.local [hbm:s3], $0xF7A  }
0x26: {  	[smem:$0x3F9D] =	sst s1;
	(tag) =	ssettag s2;
	_ =	strace s9  }
0x27: {  	s1 =	sld [smem:$0x3FAD]  }
0x28: {  	s2 =	sld [smem:$0x3FAE]  }
0x29: {  	s4 =	sld [smem:$0x3FB0]  }
0x2a: {  	p0 =	seq.s32 s5, $0x0;
	s5 =	sld [smem:$0x3FB1]  }
0x2b: {  	s6 =	sld [smem:$0x3FB2]  }
0x2c: {  	s7 =	sld [smem:$0x3FB3]  }
0x2d: {  	s3 =	simm.s32 $0x108;
	s8 =	sld [smem:$0x3FB4]  }
0x2e: {  	s3 =	simm.s32 @!p0 $0x1082;
	s9 =	sld [smem:$0x3FB5]  }
0x2f: {  	lr =	sadd.s32 s0, s3;
	s0 =	sld [smem:$0x3FAC]  }
0x30: {  	s3 =	sld [smem:$0x3FAF]  }
0x31: {  	[smem:$0x3FB8] =	sst s10  }
0x32: {  	s10 =	sld [smem:$0x3FB6];
	_ =	sdelay $0x3  }
0x33: {  	p0 =	seq.s32 s10, $0x1;
	s10 =	sld [smem:$0x3FB8];
	_ =	sdelay $0x3  }
0x34: {  	[smem:$0x3FB8] =	sst s10  }
0x35: {  	s10 =	sld [smem:$0x3FB7];
	_ =	sdelay $0x3  }
0x36: {  	p1 =	seq.s32 s10, $0x1;
	s10 =	sld [smem:$0x3FB8];
	_ =	sdelay $0x3  }
0x37: {  	[smem:$0x3FB8] =	sst s10  }
0x38: {  	s10 =	sld [smem:$0x3FB9]  }
0x39: {  	_ = 	snop;
	(pc) =	sbr.ind lr, $3  }
0x3a: {  	_ = 	snop  }
0x3b: {  	_ = 	snop  }
0x3c: {  	p2 =	seq.s32 s10, $0x1;
	s10 =	sld [smem:$0x3FB8]  }
0x3d: {  	_ =	shalt  }
0x3e: {  	_ =	shalt  }
0x3f: {  	_ =	shalt  }
0x40: {  	_ =	shalt  }
0x41: {  	_ =	shalt  }
0x42: {  	_ =	shalt  }
0x43: {  	_ =	shalt  }
0x44: {  	_ =	shalt  }
0x45: {  	_ =	shalt  }
0x46: {  	_ =	shalt  }
0x47: {  	_ =	shalt  }
0x48: {  	_ =	shalt  }
0x49: {  	_ =	shalt  }
0x4a: {  	_ =	shalt  }
0x4b: {  	_ =	shalt  }
0x4c: {  	_ =	shalt  }
0x4d: {  	_ =	shalt  }
0x4e: {  	_ =	shalt  }
0x4f: {  	_ =	shalt  }
0x50: {  	_ =	shalt  }
0x51: {  	_ =	shalt  }
0x52: {  	_ =	shalt  }
0x53: {  	_ =	shalt  }
0x54: {  	_ =	shalt  }
0x55: {  	_ =	shalt  }
0x56: {  	_ =	shalt  }
0x57: {  	_ =	shalt  }
0x58: {  	_ =	shalt  }
0x59: {  	_ =	shalt  }
0x5a: {  	_ =	shalt  }
0x5b: {  	_ =	shalt  }
0x5c: {  	_ =	shalt  }
0x5d: {  	_ =	shalt  }
0x5e: {  	_ =	shalt  }
0x5f: {  	_ =	shalt  }
0x60: {  	_ =	shalt  }
0x61: {  	_ =	shalt  }
0x62: {  	_ =	shalt  }
0x63: {  	_ =	shalt  }
0x64: {  	_ =	shalt  }
0x65: {  	_ =	shalt  }
0x66: {  	_ =	shalt  }
0x67: {  	_ =	shalt  }
0x68: {  	_ =	shalt  }
0x69: {  	_ =	shalt  }
0x6a: {  	_ =	shalt  }
0x6b: {  	_ =	shalt  }
0x6c: {  	_ =	shalt  }
0x6d: {  	_ =	shalt  }
0x6e: {  	_ =	shalt  }
0x6f: {  	_ =	shalt  }
0x70: {  	_ =	shalt  }
0x71: {  	_ =	shalt  }
0x72: {  	_ =	shalt  }
0x73: {  	_ =	shalt  }
0x74: {  	_ =	shalt  }
0x75: {  	_ =	shalt  }
0x76: {  	_ =	shalt  }
0x77: {  	_ =	shalt  }
0x78: {  	_ =	shalt  }
0x79: {  	_ =	shalt  }
0x7a: {  	_ =	shalt  }
0x7b: {  	_ =	shalt  }
0x7c: {  	_ =	shalt  }
0x7d: {  	_ =	shalt  }
0x7e: {  	_ =	shalt  }
0x7f: {  	_ =	shalt  }
0x80: {  	_ =	shalt  }
0x81: {  	_ =	shalt  }
0x82: {  	_ =	shalt  }
0x83: {  	_ =	shalt  }
0x84: {  	_ =	shalt  }
0x85: {  	_ =	shalt  }
0x86: {  	_ =	shalt  }
0x87: {  	_ =	shalt  }
.Lfunc_end0:
.L_simem_size_0:
called_computation.2_lowered:
.L_overlay_start_0:
0x88: {  	s2 =	sld [smem:$0x3FD9]  }
0x89: {  	s3 =	sld [smem:$0x3FFE];
	_ =	sdelay $0x1  }
0x8a: {  	s1 =	srdreg.scid  }
0x8b: {  	s0 =	sand.u32 $0x1, s1  }
0x8c: {  	s16 =	sshll.u32 s0, $0xA;
	s2 =	sadd.s32 s3, s2  }
0x8d: {  	s2 =	sadd.s32 s2, s16  }
0x8e: {  	[smem:$0x3FC4] =	sst s2  }
0x8f: {  	_ = 	snop  }
0x90: {  	(tm) =	ssettm $0x1  }
0x91: {  	s17 =	sld [smem:$0x3FFB];
	_ =	sdelay $0x3  }
0x92: {  	_ =	strace s17  }
0x93: {  	s2 =	sld [smem:$0x3FFC];
	_ =	sdelay $0x3  }
0x94: {  	_ =	strace s2  }
0x95: {  	s2 =	sld [smem:$0x3FFD];
	_ =	sdelay $0x3  }
0x96: {  	_ =	strace s2  }
0x97: {  	_ =	strace $0x8FFFFFFF  }
0x98: {  	s18 =	sld [smem:$0x3FDB];
	_ =	sdelay $0x1  }
0x99: {  	s19 =	simm.s32 $_scs_section_size  }
0x9a: {  	s4 =	simm.s32 $_size__tile_overlayer_lowered;
	s5 =	simm.s32 $_tile_overlayer_lowered  }
0x9b: {  	s22 =	simm.s32 $0x1BFF;
	s21 =	sshll.u32 s5, $0x1;
	s2 =	sadd.s32 s19, s18  }
0x9c: {  	s6 =	simm.s32 $0x0;
	s20 =	sshll.u32 s4, $0x1;
	s4 =	sadd.s32 s21, s2  }
0x9d: {  	[timem:s6], [sflag:s22] =	dma.local [hbm:s4], s20  }
0x9e: {  	_ =	swait.ge [sflag:s22], s20  }
0x9f: {  	s3 =	ssub.s32 $0x0, s20;
	[sflag:s22] =	ssyncset.done $0x0  }
0xa0: {  	[sflag:s22] =	ssyncadd.s32 s3;
	_ =	sdelay $0x1  }
0xa1: {  	s23 =	simm.s32 $0x1B8B  }
0xa2: {  	_ =	swait.ge [sflag:s23], $0x1  }
0xa3: {  	[sflag:s23] =	ssyncset.done $0x0  }
0xa4: {  	s25 =	simm.s32 $0x1B8E;
	s24 =	sld [smem:$0x3FFE];
	[sflag:s23] =	ssyncadd.s32 $0xFFFFFFFF  }
0xa5: {  	s26 =	simm.s32 $execute0_lowered;
	[smem:$0x3FD2] =	sst s25  }
0xa6: {  	s4 =	sshll.u32 s26, $0x1;
	_ =	strace $0x8000004C;
	[dreg:$0x1] =	wrdreg $0xFFFFFFFF  }
0xa7: {  	s28 =	simm.s32 $_size_execute0_lowered;
	s2 =	sadd.s32 s2, s4;
	[dreg:$0x0] =	wrdreg $0x0  }
0xa8: {  	s4 =	sshll.u32 s28, $0x1;
	[dreg:$0x2] =	wrdreg s2  }
0xa9: {  	[dreg:$0x3] =	wrdreg s4  }
0xaa: {  	[dreg:$0x4] =	wrdreg $0xC0  }
0xab: {  	_ =	task [dreg:s6], $0x5FFFF  }
0xac: {  	[dreg:$0x1] =	wrdreg $0xFFFFFFFF  }
0xad: {  	[dreg:$0x0] =	wrdreg $0x60  }
0xae: {  	[dreg:$0x2] =	wrdreg s24  }
0xaf: {  	[dreg:$0x3] =	wrdreg $0x48000  }
0xb0: {  	[dreg:$0x4] =	wrdreg $0x9  }
0xb1: {  	_ =	task.clear_ibuf [dreg:s6], $0x5FFFF;
	_ =	strace $0x9000004C  }
0xb2: {  	s29 =	simm.s32 $0x9;
	_ =	strace $0x8000004E  }
0xb3: {  	_ =	swait.ge [sflag:s29], $0x1  }
0xb4: {  	[sflag:s29] =	ssyncadd.s32 $0xFFFFFFFF  }
0xb5: {  	_ =	strace $0x9000004E  }
0xb6: {  	_ =	sfence  }
0xb7: {  	s30 =	sld [smem:$0x0];
	_ =	sdelay $0x2  }
0xb8: {  	s31 =	sshll.u32 s1, $0xD;
	s1 =	sshrl.u32 s1, $0x2  }
0xb9: {  	s3 =	sand.u32 $0x4000, s31;
	s1 =	sadd.s32 s1, s30  }
0xba: {  	s0 =	sor.u32 s3, s0;
	s1 =	sshll.u32 s1, $0x11  }
0xbb: {  	s0 =	sor.u32 s1, s0  }
0xbc: {  	s0 =	sadd.s32 $0x8F2B, s0  }
0xbd: {  	[sflag:s0] =	ssyncadd.remote.s32 $0x1  }
0xbe: {  	_ =	sfence.sel $0xFFFF  }
0xbf: {  	[dreg:$0x0] =	wrdreg $0xFFFFFFFF;
	(pc) =	sbr.abs _section_cstart, $3  }
0xc0: {  	[dreg:$0x1] =	wrdreg $0xFFFFFFFF  }
0xc1: {  	_ =	task.clear_ibuf [dreg:s6], $0x2FFFF;
	_ =	strace $0x9FFFFFFF  }
0xc2: {  	(tm) =	ssettm $0x7FFFFFFF  }
0xc3: {  	_ =	shalt  }
tec
execute0_lowered:
.L_overlay_start_1:
0x0: {  	(tag) =	ssettag $0x1  }
0x1: {  	s0 =	rddreg [dreg:$0x0]  }
0x2: {  	s1 =	rddreg [dreg:$0x1]  }
0x3: {  	s2 =	simm.s32 $0x0;
	s3 =	srdreg.scid;
	s15 =	stileid.u32  }
0x4: {  	s28 =	simm.s32 $0x400;
	s29 =	simm.s32 $0x80;
	s30 =	simm.s32 $0x1800  }
0x5: {  	s31 =	simm.s32 $0x100;
	[smem:$0x7FF] =	sst s2;
	s4 =	sadd.s32 $0xF7800, s0  }
0x6: {  	s5 =	sadd.s32 $0x33C00, s0;
	s6 =	sadd.s32 $0x2C00, s0;
	s3 =	sand.u32 $0x1, s3  }
0x7: {  	s8 =	smul.u32 $0x61C00, s15;
	s7 =	sadd.s32 $0x64C00, s0;
	s9 =	ssub.s32 $0x2, s3  }
0x8: {  	s0 =	sadd.s32 $0x159400, s0;
	s10 =	smul.u32 $0xC38, s15;
	s12 =	sshrl.u32 s9, $0x1  }
0x9: {  	p0 =	seq.s32 s15, $0xF;
	s8 =	sshrl.u32 s8, $0x2;
	s12 =	ssub.s32 s9, s12  }
0xa: {  	_ =	strace $0x8000004D;
	s19 =	sadd.s32 s8, s1;
	s12 =	smax.u32 s12, $0x1  }
0xb: {  	s11 =	smul.u32 $0xC350, s3;
	s16 =	sadd.s32 $0x8000, s19;
	[dreg:$0x6] =	wrdreg s12  }
0xc: {  	s3 =	smul.u32 $0x186A00, s3;
	s17 =	sadd.s32 $0xC000, s19;
	[dreg:$0x8] =	wrdreg s16  }
0xd: {  	s13 =	sadd.s32 s10, s11;
	s20 =	sadd.s32 $0x10000, s19;
	[dreg:$0x9] =	wrdreg s17  }
0xe: {  	s10 =	smul.u32 $0x18800, s15;
	s21 =	sadd.s32 $0x14000, s19;
	[dreg:$0xa] =	wrdreg s20  }
0xf: {  	s13 =	sshll.u32 s13, $0x2;
	s18 =	sadd.s32 $0x4000, s19;
	[dreg:$0xb] =	wrdreg s21  }
0x10: {  	s3 =	sshrl.u32 s3, $0x3;
	s13 =	sadd.s32 s0, s13;
	[dreg:$0x7] =	wrdreg s18  }
0x11: {  	s0 =	sadd.s32 s0, s3;
	s8 =	sadd.s32 $0x3000, s13;
	[dreg:$0x3] =	wrdreg s13  }
0x12: {  	s14 =	sadd.s32 $0xC350, s11;
	s0 =	sadd.s32 $0x30D20, s0;
	[dreg:$0x4] =	wrdreg s8  }
0x13: {  	s9 =	sadd.s32 $0x18000, s19;
	s22 =	sadd.s32 $0x800, s13;
	[dreg:$0x5] =	wrdreg s0  }
0x14: {  	v1 =	vmov s14;
	s14 =	simm.s32 $0x600;
	s23 =	sadd.s32 $0x1000, s13;
	[dreg:$0xc] =	wrdreg s22  }
0x15: {  	v2 =	vimm.f32 $0.0e+00;
	v3 =	vimm.s32 $0x0;
	v4 =	vimm.s32 $0x1;
	s3 =	simm.s32 $0x180;
	s24 =	sadd.s32 $0x1800, s13;
	[dreg:$0xd] =	wrdreg s23  }
0x16: {  	v5 =	vimm.s32 $0x2;
	v6 =	vimm.s32 $0x3;
	v7 =	vimm.s32 $0x4;
	s12 =	simm.s32 $0x3800;
	s25 =	sadd.s32 $0x2000, s13;
	[dreg:$0xe] =	wrdreg s24  }
0x17: {  	v8 =	vimm.s32 $0x5;
	v9 =	vimm.s32 $0x6;
	v10 =	vimm.s32 $0x7;
	s20 =	simm.s32 $0x680;
	s26 =	sadd.s32 $0x2800, s13;
	[dreg:$0xf] =	wrdreg s25  }
0x18: {  	v11 =	vimm.s32 $0x8;
	v12 =	vimm.s32 $0x9;
	v13 =	vimm.s32 $0xA;
	s21 =	simm.s32 $0x700;
	s13 =	simm.s32 $0x1;
	[dreg:$0x10] =	wrdreg s26  }
0x19: {  	v14 =	vimm.s32 $0xB;
	v15 =	vimm.s32 $0xC;
	v16 =	vimm.s32 $0xD;
	s25 =	simm.s32 $0x800;
	s26 =	simm.s32 $0x3;
	s0 =	simm.s32 $0x2800  }
0x1a: {  	v17 =	vimm.s32 $0xE;
	v18 =	vimm.s32 $0xF;
	v0 =	vmov s11;
	s22 =	simm.s32 $0x780;
	s23 =	simm.s32 $0x2;
	s24 =	simm.s32 $0x0  }
.LBB2_1:
0x1b: {  	s11 =	simm.s32 $0x80;
	s15 =	simm.s32 $0x0  }
.LBB2_2:
0x1c: {  	p1 =	sne.s32 s11, $0xFF80;
	[tilespmem:s15+$0x800] =	vst v2;
	s16 =	smov.u32 s11;
	s11 =	sadd.s32 $0x80, s11  }
.Ltmp0:
0x1d: {  	[tilespmem:s15+$0x810] =	vst v2;
	(pc) =	sbr.rel @p1 .LBB2_2-.Ltmp0, $2  }
0x1e: {  	_ =	sdelay $0x2  }
0x1f: {  	s15 =	sshra.s32 s16, $0x2  }
0x20: {  	[tilespmem:s15+$0x800] =	vst v2  }
0x21: {  	[tilespmem:s15+$0x810] =	vst v2  }
0x22: {  	[spmem:s19] =	stream.linear.scatter [tilespmem:s25], [sflag:$0x3], $0x4000, $0x38;
	[tilespmem:$0x1CF00] =	vst v63  }
0x23: {  	_ =	swait.ge [sflag:s26], $0x4000  }
0x24: {  	[sflag:s26] =	ssyncset.done $0x0  }
0x25: {  	[sflag:s26] =	ssyncadd.s32 $0xFFFFC000  }
0x26: {  	[spmem:s18] =	stream.linear.scatter [tilespmem:s25], [sflag:$0x3], $0x4000, $0x38;
	[tilespmem:$0x1CF00] =	vst v63  }
0x27: {  	_ =	swait.ge [sflag:s26], $0x4000  }
0x28: {  	[sflag:s26] =	ssyncset.done $0x0  }
0x29: {  	s11 =	rddreg [dreg:$0x8];
	[sflag:s26] =	ssyncadd.s32 $0xFFFFC000  }
0x2a: {  	[spmem:s11] =	stream.linear.scatter [tilespmem:s25], [sflag:$0x3], $0x4000, $0x38;
	[tilespmem:$0x1CF00] =	vst v63  }
0x2b: {  	_ =	swait.ge [sflag:s26], $0x4000  }
0x2c: {  	[sflag:s26] =	ssyncset.done $0x0  }
0x2d: {  	s17 =	rddreg [dreg:$0x9];
	[sflag:s26] =	ssyncadd.s32 $0xFFFFC000  }
0x2e: {  	[spmem:s17] =	stream.linear.scatter [tilespmem:s25], [sflag:$0x3], $0x4000, $0x38;
	[tilespmem:$0x1CF00] =	vst v63  }
0x2f: {  	_ =	swait.ge [sflag:s26], $0x4000  }
0x30: {  	[sflag:s26] =	ssyncset.done $0x0  }
0x31: {  	s18 =	rddreg [dreg:$0xa];
	[sflag:s26] =	ssyncadd.s32 $0xFFFFC000  }
0x32: {  	[spmem:s18] =	stream.linear.scatter [tilespmem:s25], [sflag:$0x3], $0x4000, $0x38;
	[tilespmem:$0x1CF00] =	vst v63  }
0x33: {  	_ =	swait.ge [sflag:s26], $0x4000  }
0x34: {  	[sflag:s26] =	ssyncset.done $0x0  }
0x35: {  	s8 =	smov.u32 s19;
	s19 =	rddreg [dreg:$0xb];
	[sflag:s26] =	ssyncadd.s32 $0xFFFFC000  }
0x36: {  	[spmem:s19] =	stream.linear.scatter [tilespmem:s25], [sflag:$0x3], $0x4000, $0x38;
	[tilespmem:$0x1CF00] =	vst v63  }
0x37: {  	_ =	swait.ge [sflag:s26], $0x4000  }
0x38: {  	[sflag:s26] =	ssyncset.done $0x0  }
0x39: {  	[sflag:s26] =	ssyncadd.s32 $0xFFFFC000  }
0x3a: {  	[spmem:s9] =	stream.linear.scatter [tilespmem:s25], [sflag:$0x3], $0x700, $0x38;
	[tilespmem:$0x1CF00] =	vst v63  }
0x3b: {  	_ =	swait.ge [sflag:s26], $0x700  }
0x3c: {  	[sflag:s26] =	ssyncset.done $0x0  }
0x3d: {  	[sflag:s26] =	ssyncadd.s32 $0xFFFFF900  }
0x3e: {  	s15 =	simm.s32 $0x0;
	s11 =	simm.s32 $0x0;
	[bflag:$0x0] =	sbarrier.arrive $0xFFFF  }
.LBB2_4:
0x3f: {  	s16 =	sshll.u32 s15, $0x9  }
0x40: {  	s16 =	sadd.s32 s10, s16  }
0x41: {  	s17 =	sshrl.u32 s16, $0x3  }
0x42: {  	s16 =	sadd.s32 s5, s17  }
0x43: {  	[tilespmem:s11], [sflag:$0x3] =	stream.linear.gather [hbm4b:s16+s11], $0x200, $0x38;
	[tilespmem:$0x1CF00] =	vst v63  }
0x44: {  	_ =	swait.ge [sflag:s26], $0x200  }
0x45: {  	[sflag:s26] =	ssyncset.done $0x0  }
0x46: {  	s18 =	sadd.s32 s6, s17;
	s16 =	simm.s32 $0x200;
	[sflag:s26] =	ssyncadd.s32 $0xFFFFFE00  }
0x47: {  	[tilespmem:s16], [sflag:$0x3] =	stream.linear.gather [hbm4b:s18+s11], $0x200, $0x38;
	[tilespmem:$0x1CF00] =	vst v63  }
0x48: {  	_ =	swait.ge [sflag:s26], $0x200  }
0x49: {  	[sflag:s26] =	ssyncset.done $0x0  }
0x4a: {  	s17 =	sadd.s32 s7, s17;
	[sflag:s26] =	ssyncadd.s32 $0xFFFFFE00  }
0x4b: {  	[tilespmem:s28], [sflag:$0x3] =	stream.linear.gather [hbm4b:s17+s11], $0x200, $0x38;
	[tilespmem:$0x1CF00] =	vst v63  }
0x4c: {  	_ =	swait.ge [sflag:s26], $0x200  }
0x4d: {  	[sflag:s26] =	ssyncset.done $0x0  }
0x4e: {  	[sflag:s26] =	ssyncadd.s32 $0xFFFFFE00  }
0x4f: {  	[tilespmem:s25], [sflag:$0x1] =	stream.indirect.gather [hbm4b:s4+s29], $0x20, s11, s29, $0xb8;
	[tilespmem:$0x1CF00] =	vst v63  }
0x50: {  	_ = 	snop  }
0x51: {  	[tilespmem:s30], [sflag:$0x1] =	stream.indirect.gather [hbm4b:s4+s29], $0x20, s29, s29, $0xb8;
	[tilespmem:$0x1CF00] =	vst v63  }
0x52: {  	_ = 	snop  }
0x53: {  	[tilespmem:s0], [sflag:$0x1] =	stream.indirect.gather [hbm4b:s4+s29], $0x20, s31, s29, $0xb8;
	[tilespmem:$0x1CF00] =	vst v63  }
0x54: {  	_ = 	snop  }
0x55: {  	[tilespmem:s12], [sflag:$0x1] =	stream.indirect.gather [hbm4b:s4+s29], $0x20, s3, s29, $0xb8;
	[tilespmem:$0x1CF00] =	vst v63  }
0x56: {  	_ =	swait.ge [sflag:s13], $0x1000  }
0x57: {  	[sflag:s13] =	ssyncset.done $0x0  }
0x58: {  	[sflag:s13] =	ssyncadd.s32 $0xFFFFF000  }
0x59: {  	_ =	swait.ge [sflag:s13], $0x1000  }
0x5a: {  	[sflag:s13] =	ssyncset.done $0x0  }
0x5b: {  	[sflag:s13] =	ssyncadd.s32 $0xFFFFF000  }
0x5c: {  	_ =	swait.ge [sflag:s13], $0x1000  }
0x5d: {  	[sflag:s13] =	ssyncset.done $0x0  }
0x5e: {  	[sflag:s13] =	ssyncadd.s32 $0xFFFFF000  }
0x5f: {  	_ =	swait.ge [sflag:s13], $0x1000  }
0x60: {  	[sflag:s13] =	ssyncset.done $0x0  }
0x61: {  	[sflag:s13] =	ssyncadd.s32 $0xFFFFF000  }
0x62: {  	s18 =	simm.s32 $0x10;
	s17 =	simm.s32 $0x0;
	v19 =	vld [tilespmem:s16+$0x0]  }
.LBB2_5:
0x63: {  	p1 =	sne.s32 s18, $0x1F0;
	_ =	sdelay $0x3  }
.Ltmp1:
0x64: {  	vm0 =	vge.s32 v19, v0;
	vm1 =	vlt.s32 v19, v1;
	(pc) =	sbr.rel @p1 .LBB2_5-.Ltmp1, $4  }
0x65: {  	v19 =	vsub.s32 v19, v0;
	vm0 =	vmand vm0, vm1  }
0x66: {  	s19 =	sand.u32 $0x1F0, s17;
	s17 =	smov.u32 s18;
	v19 =	vnsel vm0, $0xC350, v19  }
0x67: {  	s16 =	sadd.s32 $0x10, s16;
	[tilespmem:s19+$0x600] =	vst v19  }
0x68: {  	s18 =	sadd.s32 $0x10, s18;
	v19 =	vld [tilespmem:s16+$0x0]  }
0x69: {  	_ =	sdelay $0x3  }
0x6a: {  	vm0 =	vge.s32 v19, v0;
	vm1 =	vlt.s32 v19, v1  }
0x6b: {  	v19 =	vsub.s32 v19, v0;
	vm0 =	vmand vm0, vm1  }
0x6c: {  	s16 =	sand.u32 $0x1F0, s17;
	v19 =	vnsel vm0, $0xC350, v19  }
0x6d: {  	[tilespmem:s16+$0x600] =	vst v19;
	s16 =	simm.s32 $0x900  }
0x6e: {  	v24 =	vld [tilespmem:s16+$0xFFFFFFA0]  }
0x6f: {  	v22 =	vld [tilespmem:s16+$0xFFFFFFF0]  }
0x70: {  	v19 =	vld [tilespmem:s16+$0xFFFFFF60]  }
0x71: {  	v25 =	vld [tilespmem:s16+$0xFFFFFFD0]  }
0x72: {  	v26 =	vld [tilespmem:s16+$0x80]  }
0x73: {  	v29 =	vld [tilespmem:s16+$0xFFFFFF10]  }
0x74: {  	v33 =	vld [tilespmem:s16+$0xE0]  }
0x75: {  	v28 =	vld [tilespmem:s16+$0xFFFFFF40]  }
0x76: {  	s19 =	simm.s32 $0x0;
	v20 =	vld [tilespmem:s16+$0xFFFFFF90]  }
0x77: {  	v21 =	vld [tilespmem:s19+$0x400]  }
0x78: {  	v27 =	vld [tilespmem:s16+$0xFFFFFFC0]  }
0x79: {  	v30 =	vld [tilespmem:s16+$0xFFFFFF00]  }
0x7a: {  	v31 =	vld [tilespmem:s16+$0xD0]  }
0x7b: {  	v40 =	vld [tilespmem:s16+$0xC0]  }
0x7c: {  	v38 =	vld [tilespmem:s16+$0x90];
	v36 =	vperm.xlane v21, v3;
	v23 =	vperm.xlane v21, v18  }
0x7d: {  	v39 =	vld [tilespmem:s16+$0xFFFFFF50];
	v37 =	vperm.xlane v21, v5;
	v35 =	vperm.xlane v21, v17  }
0x7e: {  	v34 =	vld [tilespmem:s16+$0xB0];
	v32 =	vperm.xlane v21, v15;
	v42 =	vmul.f32 v30, v36  }
0x7f: {  	s17 =	simm.s32 $0x40;
	s18 =	simm.s32 $0x900;
	v30 =	vperm.xlane v21, v16;
	v41 =	vmul.f32 v28, v37;
	v28 =	vld [tilespmem:s16+$0x60]  }
.LBB2_7:
0x80: {  	p1 =	sne.s32 s17, $0x7C0  }
0x81: {  	[tilespmem:s16+$0xFFFFFF00] =	vst v42;
	v42 =	vld [tilespmem:s16+$0xFFFFFFB0];
	v40 =	vmul.f32 v40, v35;
	v33 =	vmul.f32 v33, v23;
	s18 =	sadd.s32 $0x200, s18;
	s19 =	smov.u32 s17;
	s17 =	sadd.s32 $0x40, s17  }
0x82: {  	[tilespmem:s16+$0xFFFFFF40] =	vst v41;
	v41 =	vperm.xlane v21, v13;
	v38 =	vmul.f32 v38, v32;
	v43 =	vld [tilespmem:s16+$0xA0]  }
0x83: {  	v29 =	vmul.f32 v29, v36;
	v36 =	vmul.f32 v39, v37;
	v37 =	vld [tilespmem:s16+$0x70];
	[tilespmem:s16+$0xE0] =	vst v33  }
0x84: {  	v33 =	vperm.xlane v21, v8;
	v39 =	vld [tilespmem:s16+$0xFFFFFFE0];
	v34 =	vmul.f32 v34, v30;
	[tilespmem:s16+$0xC0] =	vst v40  }
0x85: {  	v31 =	vmul.f32 v31, v35;
	[tilespmem:s16+$0xFFFFFF10] =	vst v29;
	v29 =	vperm.xlane v21, v9;
	v40 =	vld [tilespmem:s16+$0x40]  }
0x86: {  	v44 =	vperm.xlane v21, v14;
	v24 =	vmul.f32 v24, v33;
	v35 =	vld [tilespmem:s16+$0xFFFFFF20];
	[tilespmem:s16+$0x90] =	vst v38  }
0x87: {  	[tilespmem:s16+$0xFFFFFF50] =	vst v36;
	v36 =	vperm.xlane v21, v12;
	v38 =	vld [tilespmem:s16+$0x20];
	v30 =	vmul.f32 v43, v30  }
0x88: {  	v33 =	vmul.f32 v42, v33;
	v42 =	vld [tilespmem:s16+$0x50];
	v37 =	vmul.f32 v37, v44;
	[tilespmem:s16+$0xD0] =	vst v31  }
0x89: {  	v26 =	vmul.f32 v26, v32;
	v31 =	vperm.xlane v21, v10;
	v43 =	vld [tilespmem:s16+$0x30];
	[tilespmem:s16+$0xA0] =	vst v30  }
0x8a: {  	v27 =	vmul.f32 v27, v29;
	v30 =	vperm.xlane v21, v6;
	v32 =	vld [tilespmem:s16+$0x0];
	[tilespmem:s16+$0x70] =	vst v37  }
0x8b: {  	v28 =	vmul.f32 v28, v44;
	v25 =	vmul.f32 v25, v29;
	v29 =	vld [tilespmem:s16+$0x10];
	[tilespmem:s16+$0x80] =	vst v26  }
0x8c: {  	v37 =	vperm.xlane v21, v11;
	v40 =	vmul.f32 v40, v41;
	v26 =	vld [tilespmem:s16+$0xFFFFFF30];
	[tilespmem:s16+$0xB0] =	vst v34  }
0x8d: {  	v34 =	vperm.xlane v21, v4;
	v44 =	vld [tilespmem:s16+$0xFFFFFF70];
	[tilespmem:s16+$0xFFFFFFD0] =	vst v25;
	v41 =	vmul.f32 v42, v41  }
0x8e: {  	v22 =	vmul.f32 v22, v31;
	v25 =	vmul.f32 v39, v31;
	[tilespmem:s16+$0xFFFFFFC0] =	vst v27;
	v27 =	vld [tilespmem:s16+$0xF0]  }
0x8f: {  	v39 =	vmul.f32 v43, v36;
	v31 =	vld [tilespmem:s16+$0xFFFFFF80];
	[tilespmem:s16+$0xFFFFFFA0] =	vst v24;
	v32 =	vmul.f32 v32, v37  }
0x90: {  	v24 =	vld [tilespmem:s18+$0xFFFFFFA0];
	[tilespmem:s16+$0xFFFFFFF0] =	vst v22;
	v37 =	vmul.f32 v29, v37;
	v29 =	vmul.f32 v38, v36  }
0x91: {  	v22 =	vmul.f32 v35, v34;
	v34 =	vmul.f32 v26, v34;
	[tilespmem:s16+$0x60] =	vst v28  }
0x92: {  	v19 =	vmul.f32 v19, v30;
	v26 =	vmul.f32 v44, v30;
	[tilespmem:s16+$0xFFFFFFB0] =	vst v33  }
0x93: {  	v21 =	vperm.xlane v21, v7;
	[tilespmem:s16+$0xFFFFFF20] =	vst v22;
	v22 =	vmul.f32 v27, v23  }
0x94: {  	[tilespmem:s16+$0xFFFFFF60] =	vst v19  }
0x95: {  	v23 =	vmul.f32 v31, v21;
	v19 =	vmul.f32 v20, v21;
	[tilespmem:s16+$0x40] =	vst v40  }
0x96: {  	[tilespmem:s16+$0xFFFFFFE0] =	vst v25  }
0x97: {  	[tilespmem:s16+$0xF0] =	vst v22  }
0x98: {  	[tilespmem:s16+$0xFFFFFF90] =	vst v19  }
0x99: {  	v22 =	vld [tilespmem:s18+$0xFFFFFFF0];
	[tilespmem:s16+$0xFFFFFF70] =	vst v26  }
0x9a: {  	v19 =	vld [tilespmem:s18+$0xFFFFFF60];
	[tilespmem:s16+$0x20] =	vst v29  }
0x9b: {  	v25 =	vld [tilespmem:s18+$0xFFFFFFD0];
	[tilespmem:s16+$0x30] =	vst v39  }
0x9c: {  	v26 =	vld [tilespmem:s18+$0x80];
	[tilespmem:s16+$0xFFFFFF80] =	vst v23  }
0x9d: {  	v29 =	vld [tilespmem:s18+$0xFFFFFF10];
	[tilespmem:s16+$0x50] =	vst v41  }
0x9e: {  	v33 =	vld [tilespmem:s18+$0xE0];
	[tilespmem:s16+$0x0] =	vst v32  }
0x9f: {  	v28 =	vld [tilespmem:s18+$0xFFFFFF40];
	[tilespmem:s16+$0xFFFFFF30] =	vst v34  }
0xa0: {  	s19 =	sshra.s32 s19, $0x2;
	v20 =	vld [tilespmem:s18+$0xFFFFFF90];
	[tilespmem:s16+$0x10] =	vst v37;
	s16 =	smov.u32 s18  }
0xa1: {  	v21 =	vld [tilespmem:s19+$0x400]  }
0xa2: {  	v27 =	vld [tilespmem:s18+$0xFFFFFFC0]  }
0xa3: {  	v30 =	vld [tilespmem:s18+$0xFFFFFF00]  }
0xa4: {  	v31 =	vld [tilespmem:s18+$0xD0]  }
.Ltmp2:
0xa5: {  	v40 =	vld [tilespmem:s18+$0xC0];
	(pc) =	sbr.rel @p1 .LBB2_7-.Ltmp2, $4  }
0xa6: {  	v36 =	vperm.xlane v21, v3;
	v38 =	vld [tilespmem:s18+$0x90];
	v23 =	vperm.xlane v21, v18  }
0xa7: {  	v37 =	vperm.xlane v21, v5;
	v35 =	vperm.xlane v21, v17;
	v39 =	vld [tilespmem:s18+$0xFFFFFF50]  }
0xa8: {  	v42 =	vmul.f32 v30, v36;
	v30 =	vperm.xlane v21, v16;
	v34 =	vld [tilespmem:s18+$0xB0]  }
0xa9: {  	v32 =	vperm.xlane v21, v15;
	v41 =	vmul.f32 v28, v37;
	v28 =	vld [tilespmem:s18+$0x60]  }
0xaa: {  	[tilespmem:s16+$0xFFFFFF00] =	vst v42;
	v33 =	vmul.f32 v33, v23  }
0xab: {  	v40 =	vmul.f32 v40, v35;
	[tilespmem:s16+$0xFFFFFF40] =	vst v41  }
0xac: {  	v29 =	vmul.f32 v29, v36;
	[tilespmem:s16+$0xE0] =	vst v33  }
0xad: {  	v56 =	vmul.f32 v31, v35;
	[tilespmem:s16+$0xC0] =	vst v40  }
0xae: {  	v54 =	vmul.f32 v38, v32;
	[tilespmem:s16+$0xFFFFFF10] =	vst v29  }
0xaf: {  	v62 =	vperm.xlane v21, v9;
	v26 =	vmul.f32 v26, v32;
	[tilespmem:s16+$0xD0] =	vst v56  }
0xb0: {  	v37 =	vmul.f32 v39, v37;
	[tilespmem:s16+$0x90] =	vst v54  }
0xb1: {  	v44 =	vperm.xlane v21, v8;
	v25 =	vmul.f32 v25, v62;
	[tilespmem:s16+$0x80] =	vst v26  }
0xb2: {  	v52 =	vld [tilespmem:s16+$0xA0];
	v46 =	vperm.xlane v21, v10;
	v27 =	vmul.f32 v27, v62;
	[tilespmem:s16+$0xFFFFFF50] =	vst v37  }
0xb3: {  	v53 =	vld [tilespmem:s16+$0x70];
	v24 =	vmul.f32 v24, v44;
	[tilespmem:s16+$0xFFFFFFD0] =	vst v25  }
0xb4: {  	v55 =	vld [tilespmem:s16+$0xFFFFFFB0];
	v58 =	vperm.xlane v21, v14;
	v22 =	vmul.f32 v22, v46;
	[tilespmem:s16+$0xFFFFFFC0] =	vst v27  }
0xb5: {  	v57 =	vld [tilespmem:s16+$0xFFFFFF20];
	v42 =	vmul.f32 v34, v30;
	[tilespmem:s16+$0xFFFFFFA0] =	vst v24  }
0xb6: {  	v59 =	vld [tilespmem:s16+$0xFFFFFFE0];
	v28 =	vmul.f32 v28, v58;
	[tilespmem:s16+$0xFFFFFFF0] =	vst v22  }
0xb7: {  	v60 =	vmul.f32 v52, v30;
	[tilespmem:s16+$0xB0] =	vst v42  }
0xb8: {  	v61 =	vld [tilespmem:s16+$0x40];
	v51 =	vperm.xlane v21, v4;
	v36 =	vmul.f32 v53, v58;
	[tilespmem:s16+$0x60] =	vst v28  }
0xb9: {  	v52 =	vmul.f32 v55, v44;
	[tilespmem:s16+$0xA0] =	vst v60  }
0xba: {  	v48 =	vld [tilespmem:s16+$0xFFFFFF70];
	v53 =	vperm.xlane v21, v6;
	v31 =	vmul.f32 v57, v51;
	[tilespmem:s16+$0x70] =	vst v36  }
0xbb: {  	v49 =	vld [tilespmem:s16+$0xFFFFFF80];
	v55 =	vperm.xlane v21, v13;
	v26 =	vmul.f32 v59, v46;
	[tilespmem:s16+$0xFFFFFFB0] =	vst v52  }
0xbc: {  	v54 =	vld [tilespmem:s16+$0xF0];
	v58 =	vperm.xlane v21, v7;
	v19 =	vmul.f32 v19, v53;
	[tilespmem:s16+$0xFFFFFF20] =	vst v31  }
0xbd: {  	v45 =	vld [tilespmem:s16+$0x30];
	v57 =	vmul.f32 v61, v55;
	[tilespmem:s16+$0xFFFFFFE0] =	vst v26  }
0xbe: {  	v43 =	vld [tilespmem:s16+$0x20];
	v20 =	vmul.f32 v20, v58;
	[tilespmem:s16+$0xFFFFFF60] =	vst v19  }
0xbf: {  	v47 =	vld [tilespmem:s16+$0x0];
	v60 =	vmul.f32 v48, v53;
	[tilespmem:s16+$0x40] =	vst v57  }
0xc0: {  	v63 =	vld [tilespmem:s16+$0x50];
	v59 =	vperm.xlane v21, v12;
	v62 =	vmul.f32 v49, v58;
	[tilespmem:s16+$0xFFFFFF90] =	vst v20  }
0xc1: {  	v56 =	vld [tilespmem:s16+$0xFFFFFF30];
	v19 =	vmul.f32 v54, v23;
	[tilespmem:s16+$0xFFFFFF70] =	vst v60  }
0xc2: {  	v50 =	vld [tilespmem:s16+$0x10];
	v61 =	vperm.xlane v21, v11;
	v20 =	vmul.f32 v45, v59;
	[tilespmem:s16+$0xFFFFFF80] =	vst v62  }
0xc3: {  	[tilespmem:s16+$0xF0] =	vst v19;
	v19 =	vmul.f32 v43, v59  }
0xc4: {  	[tilespmem:s16+$0x30] =	vst v20;
	v20 =	vmul.f32 v47, v61  }
0xc5: {  	[tilespmem:s16+$0x20] =	vst v19;
	v19 =	vmul.f32 v63, v55  }
0xc6: {  	v63 =	vmul.f32 v56, v51;
	[tilespmem:s16+$0x0] =	vst v20  }
0xc7: {  	[tilespmem:s16+$0x50] =	vst v19;
	v19 =	vmul.f32 v50, v61  }
0xc8: {  	[tilespmem:s16+$0xFFFFFF30] =	vst v63  }
0xc9: {  	[tilespmem:s16+$0x10] =	vst v19  }
0xca: {  	[spmem:s1] =	stream.indirect.scatter.add.f32 [tilespmem:s25], [sflag:$0x2], $0x20, s14, s29, $0xb8;
	[tilespmem:$0x1CF00] =	vst v63  }
0xcb: {  	_ = 	snop  }
0xcc: {  	[spmem:s1] =	stream.indirect.scatter.add.f32 [tilespmem:s30], [sflag:$0x2], $0x20, s20, s29, $0xb8;
	[tilespmem:$0x1CF00] =	vst v63  }
0xcd: {  	_ = 	snop  }
0xce: {  	[spmem:s1] =	stream.indirect.scatter.add.f32 [tilespmem:s0], [sflag:$0x2], $0x20, s21, s29, $0xb8;
	[tilespmem:$0x1CF00] =	vst v63  }
0xcf: {  	_ = 	snop  }
0xd0: {  	[spmem:s1] =	stream.indirect.scatter.add.f32 [tilespmem:s12], [sflag:$0x2], $0x20, s22, s29, $0xb8;
	[tilespmem:$0x1CF00] =	vst v63  }
0xd1: {  	_ =	swait.ge [sflag:s23], $0x1000  }
0xd2: {  	[sflag:s23] =	ssyncset.done $0x0  }
0xd3: {  	[sflag:s23] =	ssyncadd.s32 $0xFFFFF000  }
0xd4: {  	_ =	swait.ge [sflag:s23], $0x1000  }
0xd5: {  	[sflag:s23] =	ssyncset.done $0x0  }
0xd6: {  	s15 =	sadd.s32 $0x1, s15;
	[sflag:s23] =	ssyncadd.s32 $0xFFFFF000  }
0xd7: {  	p1 =	sne.s32 s15, $0xC4;
	_ =	swait.ge [sflag:s23], $0x1000  }
.Ltmp3:
0xd8: {  	[sflag:s23] =	ssyncset.done $0x0;
	(pc) =	sbr.rel @p1 .LBB2_4-.Ltmp3, $4  }
0xd9: {  	[sflag:s23] =	ssyncadd.s32 $0xFFFFF000  }
0xda: {  	_ =	swait.ge [sflag:s23], $0x1000  }
0xdb: {  	[sflag:s23] =	ssyncset.done $0x0  }
0xdc: {  	[sflag:s23] =	ssyncadd.s32 $0xFFFFF000  }
0xdd: {  	[bflag:$0x0] =	sbarrier.arrive $0xFFFF  }
0xde: {  	[tilespmem:s25], [sflag:$0x3] =	stream.linear.gather [spmem:s8], $0x4000, $0x38;
	[tilespmem:$0x1CF00] =	vst v63  }
0xdf: {  	_ =	swait.ge [sflag:s26], $0x4000  }
0xe0: {  	[sflag:s26] =	ssyncset.done $0x0  }
0xe1: {  	s11 =	rddreg [dreg:$0x3];
	[sflag:s26] =	ssyncadd.s32 $0xFFFFC000  }
0xe2: {  	[hbm4b:s11+s2] =	stream.linear.scatter [tilespmem:s25], [sflag:$0x3], $0x4000, $0x38;
	[tilespmem:$0x1CF00] =	vst v63  }
0xe3: {  	_ =	swait.ge [sflag:s26], $0x4000  }
0xe4: {  	[sflag:s26] =	ssyncset.done $0x0  }
0xe5: {  	s18 =	rddreg [dreg:$0x7];
	[sflag:s26] =	ssyncadd.s32 $0xFFFFC000  }
0xe6: {  	[tilespmem:s25], [sflag:$0x3] =	stream.linear.gather [spmem:s18], $0x4000, $0x38;
	[tilespmem:$0x1CF00] =	vst v63  }
0xe7: {  	_ =	swait.ge [sflag:s26], $0x4000  }
0xe8: {  	[sflag:s26] =	ssyncset.done $0x0  }
0xe9: {  	s16 =	rddreg [dreg:$0xc];
	[sflag:s26] =	ssyncadd.s32 $0xFFFFC000  }
0xea: {  	[hbm4b:s16+s2] =	stream.linear.scatter [tilespmem:s25], [sflag:$0x3], $0x4000, $0x38;
	[tilespmem:$0x1CF00] =	vst v63  }
0xeb: {  	_ =	swait.ge [sflag:s26], $0x4000  }
0xec: {  	[sflag:s26] =	ssyncset.done $0x0  }
0xed: {  	s17 =	rddreg [dreg:$0x8];
	[sflag:s26] =	ssyncadd.s32 $0xFFFFC000  }
0xee: {  	[tilespmem:s25], [sflag:$0x3] =	stream.linear.gather [spmem:s17], $0x4000, $0x38;
	[tilespmem:$0x1CF00] =	vst v63  }
0xef: {  	_ =	swait.ge [sflag:s26], $0x4000  }
0xf0: {  	[sflag:s26] =	ssyncset.done $0x0  }
0xf1: {  	s11 =	rddreg [dreg:$0xd];
	[sflag:s26] =	ssyncadd.s32 $0xFFFFC000  }
0xf2: {  	[hbm4b:s11+s2] =	stream.linear.scatter [tilespmem:s25], [sflag:$0x3], $0x4000, $0x38;
	[tilespmem:$0x1CF00] =	vst v63  }
0xf3: {  	_ =	swait.ge [sflag:s26], $0x4000  }
0xf4: {  	[sflag:s26] =	ssyncset.done $0x0  }
0xf5: {  	s15 =	rddreg [dreg:$0x9];
	[sflag:s26] =	ssyncadd.s32 $0xFFFFC000  }
0xf6: {  	[tilespmem:s25], [sflag:$0x3] =	stream.linear.gather [spmem:s15], $0x4000, $0x38;
	[tilespmem:$0x1CF00] =	vst v63  }
0xf7: {  	_ =	swait.ge [sflag:s26], $0x4000  }
0xf8: {  	[sflag:s26] =	ssyncset.done $0x0  }
0xf9: {  	s16 =	rddreg [dreg:$0xe];
	[sflag:s26] =	ssyncadd.s32 $0xFFFFC000  }
0xfa: {  	[hbm4b:s16+s2] =	stream.linear.scatter [tilespmem:s25], [sflag:$0x3], $0x4000, $0x38;
	[tilespmem:$0x1CF00] =	vst v63  }
0xfb: {  	_ =	swait.ge [sflag:s26], $0x4000  }
0xfc: {  	[sflag:s26] =	ssyncset.done $0x0  }
0xfd: {  	s17 =	rddreg [dreg:$0xa];
	[sflag:s26] =	ssyncadd.s32 $0xFFFFC000  }
0xfe: {  	[tilespmem:s25], [sflag:$0x3] =	stream.linear.gather [spmem:s17], $0x4000, $0x38;
	[tilespmem:$0x1CF00] =	vst v63  }
0xff: {  	_ =	swait.ge [sflag:s26], $0x4000  }
0x100: {  	[sflag:s26] =	ssyncset.done $0x0  }
0x101: {  	s11 =	rddreg [dreg:$0xf];
	[sflag:s26] =	ssyncadd.s32 $0xFFFFC000  }
0x102: {  	[hbm4b:s11+s2] =	stream.linear.scatter [tilespmem:s25], [sflag:$0x3], $0x4000, $0x38;
	[tilespmem:$0x1CF00] =	vst v63  }
0x103: {  	_ =	swait.ge [sflag:s26], $0x4000  }
0x104: {  	[sflag:s26] =	ssyncset.done $0x0  }
0x105: {  	s15 =	rddreg [dreg:$0xb];
	[sflag:s26] =	ssyncadd.s32 $0xFFFFC000  }
0x106: {  	[tilespmem:s25], [sflag:$0x3] =	stream.linear.gather [spmem:s15], $0x4000, $0x38;
	[tilespmem:$0x1CF00] =	vst v63  }
0x107: {  	_ =	swait.ge [sflag:s26], $0x4000  }
0x108: {  	[sflag:s26] =	ssyncset.done $0x0  }
0x109: {  	s16 =	rddreg [dreg:$0x10];
	[sflag:s26] =	ssyncadd.s32 $0xFFFFC000  }
0x10a: {  	[hbm4b:s16+s2] =	stream.linear.scatter [tilespmem:s25], [sflag:$0x3], $0x4000, $0x38;
	[tilespmem:$0x1CF00] =	vst v63  }
0x10b: {  	_ =	swait.ge [sflag:s26], $0x4000  }
0x10c: {  	[sflag:s26] =	ssyncset.done $0x0  }
0x10d: {  	s11 =	simm.s32 @p0 $0x800;
	s15 =	simm.s32 @p0 $0x3;
	[sflag:s26] =	ssyncadd.s32 $0xFFFFC000  }
0x10e: {  	[tilespmem:s11], [sflag:$0x3] =	stream.linear.gather @p0 [spmem:s9], $0x100, $0x38;
	[tilespmem:$0x1CF00] =	vst v63  }
0x10f: {  	_ =	swait.ge @p0 [sflag:s15], $0x100  }
0x110: {  	[sflag:s15] =	ssyncset.done @p0 $0x0  }
0x111: {  	s16 =	simm.s32 @p0 $0x0;
	s17 =	rddreg [dreg:$0x5];
	[sflag:s15] =	ssyncadd.s32 @p0 $0xFFFFFF00  }
0x112: {  	[hbm4b:s17+s16] =	stream.linear.scatter @p0 [tilespmem:s11], [sflag:$0x3], $0x100, $0x38;
	[tilespmem:$0x1CF00] =	vst v63  }
0x113: {  	_ =	swait.ge @p0 [sflag:s15], $0x100  }
0x114: {  	[sflag:s15] =	ssyncset.done @p0 $0x0  }
0x115: {  	s11 =	simm.s32 @!p0 $0x800;
	[sflag:s15] =	ssyncadd.s32 @p0 $0xFFFFFF00;
	s15 =	simm.s32 @!p0 $0x3  }
0x116: {  	[tilespmem:s11], [sflag:$0x3] =	stream.linear.gather @!p0 [spmem:s9], $0x700, $0x38;
	[tilespmem:$0x1CF00] =	vst v63  }
0x117: {  	_ =	swait.ge @!p0 [sflag:s15], $0x700  }
0x118: {  	[sflag:s15] =	ssyncset.done @!p0 $0x0  }
0x119: {  	s16 =	simm.s32 @!p0 $0x0;
	s17 =	rddreg [dreg:$0x4];
	[sflag:s15] =	ssyncadd.s32 @!p0 $0xFFFFF900  }
0x11a: {  	[hbm4b:s17+s16] =	stream.linear.scatter @!p0 [tilespmem:s11], [sflag:$0x3], $0x700, $0x38;
	[tilespmem:$0x1CF00] =	vst v63  }
0x11b: {  	_ =	swait.ge @!p0 [sflag:s15], $0x700  }
0x11c: {  	s24 =	sadd.s32 $0x1, s24;
	s17 =	rddreg [dreg:$0x6]  }
0x11d: {  	p1 =	sne.s32 s24, s17  }
.Ltmp4:
0x11e: {  	_ = 	snop;
	(pc) =	sbr.rel @p1 .LBB2_1-.Ltmp4, $3  }
0x11f: {  	_ =	sdelay $0x1  }
0x120: {  	[sflag:s15] =	ssyncset.done @!p0 $0x0  }
0x121: {  	s19 =	smov.u32 s8;
	[sflag:s15] =	ssyncadd.s32 @!p0 $0xFFFFF900  }
0x122: {  	_ =	sfence.sel $0x180000  }
0x123: {  	[bflag:$0x0] =	sbarrier.arrive $0xFFFF  }
0x124: {  	_ =	strace $0x9000004D  }
0x125: {  	s0 =	stileid.u32;
	[bflag:$0x2] =	sbarrier.arrive $0xFFFF  }
0x126: {  	p0 =	sne.s32 s0, $0x0;
	s0 =	rddreg [dreg:$0x2]  }
0x127: {  	s0 =	sadd.s32 @!p0 $0x100000, s0  }
0x128: {  	[sflag:s0] =	ssyncadd.tile.s32 @!p0 $0x1;
	_ =	shalt  }
.Lfunc_end2:
_tile_overlayer_lowered:
.L_overlay_start_2:
0x129: {  	(tag) =	ssettag $0x2  }
0x12a: {  	s0 =	rddreg [dreg:$0x0];
	s2 =	stileid.u32  }
0x12b: {  	s1 =	rddreg [dreg:$0x1];
	p0 =	sne.s32 s2, $0x0  }
0x12c: {  	s3 =	rddreg [dreg:$0x2];
	[bflag:$0x3] =	sbarrier.arrive $0xFFFF;
	s2 =	simm.s32 @!p0 $0x1C03  }
0x12d: {  	[timem:s3], [sflag:s2] =	dma.local @!p0 [hbm:s0], s1  }
0x12e: {  	s0 =	simm.s32 @!p0 $0x3  }
0x12f: {  	_ =	swait.ge @!p0 [sflag:s0], s1  }
0x130: {  	s1 =	ssub.s32 @!p0 $0x0, s1;
	[sflag:s0] =	ssyncset.done @!p0 $0x0  }
0x131: {  	[sflag:s0] =	ssyncadd.s32 @!p0 s1  }
0x132: {  	[bflag:$0x3] =	sbarrier.arrive $0xFFFF  }
0x133: {  	_ =	shalt  }

// kernel: kernel.15.cloned.1.call-start
scs
__scs_entry_jumppad:
0x0: {  	(pc) =	sbr.rel $0x88, $3  }
0x1: {  	(tag) =	ssettag $0x0;
	lr =	simm.s32 $0x1  }
0x2: {  	[smem:$0x3F9D] =	sst lr;
	_ =	strace $0xD0000000  }
0x3: {  	_ = 	snop  }
0x4: {  	_ = 	snop  }
0x5: {  	_ = 	snop  }
0x6: {  	_ = 	snop  }
0x7: {  	_ = 	snop  }
__scs_overlays_trampoline_lowered:
0x8: {  	[smem:$0x3FAC] =	sst s0  }
0x9: {  	[smem:$0x3FAD] =	sst s1  }
0xa: {  	[smem:$0x3FAE] =	sst s2  }
0xb: {  	[smem:$0x3FAF] =	sst s3  }
0xc: {  	[smem:$0x3FB0] =	sst s4  }
0xd: {  	[smem:$0x3FB1] =	sst s5  }
0xe: {  	[smem:$0x3FB2] =	sst s6  }
0xf: {  	[smem:$0x3FB3] =	sst s7  }
0x10: {  	[smem:$0x3FB4] =	sst s8  }
0x11: {  	[smem:$0x3FB5] =	sst s9;
	s0 =	simm.s32 @!p0 $0x0  }
0x12: {  	s1 =	sld [smem:$0x3F9B];
	s0 =	simm.s32 @p0 $0x1  }
0x13: {  	[smem:$0x3FB6] =	sst s0;
	s0 =	simm.s32 @!p1 $0x0  }
0x14: {  	s2 =	sld [smem:$0x3F9A];
	s0 =	simm.s32 @p1 $0x1  }
0x15: {  	[smem:$0x3FB7] =	sst s0;
	s0 =	simm.s32 @!p2 $0x0  }
0x16: {  	s3 =	sld [smem:$0x3FDB];
	s0 =	simm.s32 @p2 $0x1  }
0x17: {  	s4 =	simm.s32 $0x1BF5;
	[smem:$0x3FB9] =	sst s0  }
0x18: {  	s0 =	sld [smem:$0x3F9C];
	_ =	swait.ge [sflag:s4], $0x0  }
0x19: {  	s7 =	sld [smem:$0x3F9D]  }
0x1a: {  	s8 =	sadd.s32 $0xFFFFE003, lr  }
0x1b: {  	s9 =	sadd.s32 $0xFFFFFEF7, lr;
	s5 =	simm.s32 $0xFFFFFFFF;
	p2 =	slt.u32 s8, $0xFFFFF086  }
0x1c: {  	p1 =	slt.u32 s9, $0xF7A;
	s5 =	simm.s32 @!p2 $0x0  }
0x1d: {  	s5 =	simm.s32 @p1 $0x1;
	p0 =	seq.s32 s7, s2  }
0x1e: {  	s7 =	smul.u32 @!p0 $0xF7A, s2;
	p2 =	seq.s32 @!p0 s5, $0x0  }
0x1f: {  	s9 =	smul.u32 $0xF7A, s1;
	s8 =	simm.s32 @!p0 $0x1BF5;
	p2 =	por !p2, p0  }
0x20: {  	[sflag:s8] =	ssyncset.s32 @!p0 $0xFFFFF086;
	s6 =	sadd.s32 @!p0 s3, s7;
	s7 =	simm.s32 @!p0 $0x108  }
0x21: {  	s3 =	sadd.s32 s3, s9;
	s6 =	sadd.s32 @!p0 $0x88, s6;
	s7 =	simm.s32 @p2 $0x1082  }
0x22: {  	[simem:s7], [sflag:s8] =	dma.local @!p0 [hbm:s6], $0xF7A  }
0x23: {  	s9 =	sor.u32 $0xD0000000, s2;
	s6 =	simm.s32 $0x108;
	_ =	swait.ge @!p0 [sflag:s8], $0x0  }
0x24: {  	s3 =	sadd.s32 $0x88, s3;
	s6 =	simm.s32 @!p1 $0x1082;
	[sflag:s4] =	ssyncset.s32 $0xFFFFF086  }
0x25: {  	[simem:s6], [sflag:s4] =	dma.local [hbm:s3], $0xF7A  }
0x26: {  	[smem:$0x3F9D] =	sst s1;
	(tag) =	ssettag s2;
	_ =	strace s9  }
0x27: {  	s1 =	sld [smem:$0x3FAD]  }
0x28: {  	s2 =	sld [smem:$0x3FAE]  }
0x29: {  	s4 =	sld [smem:$0x3FB0]  }
0x2a: {  	p0 =	seq.s32 s5, $0x0;
	s5 =	sld [smem:$0x3FB1]  }
0x2b: {  	s6 =	sld [smem:$0x3FB2]  }
0x2c: {  	s7 =	sld [smem:$0x3FB3]  }
0x2d: {  	s3 =	simm.s32 $0x108;
	s8 =	sld [smem:$0x3FB4]  }
0x2e: {  	s3 =	simm.s32 @!p0 $0x1082;
	s9 =	sld [smem:$0x3FB5]  }
0x2f: {  	lr =	sadd.s32 s0, s3;
	s0 =	sld [smem:$0x3FAC]  }
0x30: {  	s3 =	sld [smem:$0x3FAF]  }
0x31: {  	[smem:$0x3FB8] =	sst s10  }
0x32: {  	s10 =	sld [smem:$0x3FB6];
	_ =	sdelay $0x3  }
0x33: {  	p0 =	seq.s32 s10, $0x1;
	s10 =	sld [smem:$0x3FB8];
	_ =	sdelay $0x3  }
0x34: {  	[smem:$0x3FB8] =	sst s10  }
0x35: {  	s10 =	sld [smem:$0x3FB7];
	_ =	sdelay $0x3  }
0x36: {  	p1 =	seq.s32 s10, $0x1;
	s10 =	sld [smem:$0x3FB8];
	_ =	sdelay $0x3  }
0x37: {  	[smem:$0x3FB8] =	sst s10  }
0x38: {  	s10 =	sld [smem:$0x3FB9]  }
0x39: {  	_ = 	snop;
	(pc) =	sbr.ind lr, $3  }
0x3a: {  	_ = 	snop  }
0x3b: {  	_ = 	snop  }
0x3c: {  	p2 =	seq.s32 s10, $0x1;
	s10 =	sld [smem:$0x3FB8]  }
0x3d: {  	_ =	shalt  }
0x3e: {  	_ =	shalt  }
0x3f: {  	_ =	shalt  }
0x40: {  	_ =	shalt  }
0x41: {  	_ =	shalt  }
0x42: {  	_ =	shalt  }
0x43: {  	_ =	shalt  }
0x44: {  	_ =	shalt  }
0x45: {  	_ =	shalt  }
0x46: {  	_ =	shalt  }
0x47: {  	_ =	shalt  }
0x48: {  	_ =	shalt  }
0x49: {  	_ =	shalt  }
0x4a: {  	_ =	shalt  }
0x4b: {  	_ =	shalt  }
0x4c: {  	_ =	shalt  }
0x4d: {  	_ =	shalt  }
0x4e: {  	_ =	shalt  }
0x4f: {  	_ =	shalt  }
0x50: {  	_ =	shalt  }
0x51: {  	_ =	shalt  }
0x52: {  	_ =	shalt  }
0x53: {  	_ =	shalt  }
0x54: {  	_ =	shalt  }
0x55: {  	_ =	shalt  }
0x56: {  	_ =	shalt  }
0x57: {  	_ =	shalt  }
0x58: {  	_ =	shalt  }
0x59: {  	_ =	shalt  }
0x5a: {  	_ =	shalt  }
0x5b: {  	_ =	shalt  }
0x5c: {  	_ =	shalt  }
0x5d: {  	_ =	shalt  }
0x5e: {  	_ =	shalt  }
0x5f: {  	_ =	shalt  }
0x60: {  	_ =	shalt  }
0x61: {  	_ =	shalt  }
0x62: {  	_ =	shalt  }
0x63: {  	_ =	shalt  }
0x64: {  	_ =	shalt  }
0x65: {  	_ =	shalt  }
0x66: {  	_ =	shalt  }
0x67: {  	_ =	shalt  }
0x68: {  	_ =	shalt  }
0x69: {  	_ =	shalt  }
0x6a: {  	_ =	shalt  }
0x6b: {  	_ =	shalt  }
0x6c: {  	_ =	shalt  }
0x6d: {  	_ =	shalt  }
0x6e: {  	_ =	shalt  }
0x6f: {  	_ =	shalt  }
0x70: {  	_ =	shalt  }
0x71: {  	_ =	shalt  }
0x72: {  	_ =	shalt  }
0x73: {  	_ =	shalt  }
0x74: {  	_ =	shalt  }
0x75: {  	_ =	shalt  }
0x76: {  	_ =	shalt  }
0x77: {  	_ =	shalt  }
0x78: {  	_ =	shalt  }
0x79: {  	_ =	shalt  }
0x7a: {  	_ =	shalt  }
0x7b: {  	_ =	shalt  }
0x7c: {  	_ =	shalt  }
0x7d: {  	_ =	shalt  }
0x7e: {  	_ =	shalt  }
0x7f: {  	_ =	shalt  }
0x80: {  	_ =	shalt  }
0x81: {  	_ =	shalt  }
0x82: {  	_ =	shalt  }
0x83: {  	_ =	shalt  }
0x84: {  	_ =	shalt  }
0x85: {  	_ =	shalt  }
0x86: {  	_ =	shalt  }
0x87: {  	_ =	shalt  }
.Lfunc_end0:
.L_simem_size_0:
called_computation.3_lowered:
.L_overlay_start_0:
0x88: {  	s2 =	sld [smem:$0x3FD9]  }
0x89: {  	s3 =	sld [smem:$0x3FFE];
	_ =	sdelay $0x1  }
0x8a: {  	s1 =	srdreg.scid  }
0x8b: {  	s0 =	sand.u32 $0x1, s1  }
0x8c: {  	s16 =	sshll.u32 s0, $0xA;
	s2 =	sadd.s32 s3, s2  }
0x8d: {  	s2 =	sadd.s32 s2, s16  }
0x8e: {  	[smem:$0x3FC4] =	sst s2  }
0x8f: {  	_ = 	snop  }
0x90: {  	(tm) =	ssettm $0x1  }
0x91: {  	s17 =	sld [smem:$0x3FFB];
	_ =	sdelay $0x3  }
0x92: {  	_ =	strace s17  }
0x93: {  	s2 =	sld [smem:$0x3FFC];
	_ =	sdelay $0x3  }
0x94: {  	_ =	strace s2  }
0x95: {  	s2 =	sld [smem:$0x3FFD];
	_ =	sdelay $0x3  }
0x96: {  	_ =	strace s2  }
0x97: {  	_ =	strace $0x8FFFFFFF  }
0x98: {  	s18 =	sld [smem:$0x3FDB];
	_ =	sdelay $0x1  }
0x99: {  	s19 =	simm.s32 $_scs_section_size  }
0x9a: {  	s4 =	simm.s32 $_size__tile_overlayer_lowered;
	s5 =	simm.s32 $_tile_overlayer_lowered  }
0x9b: {  	s22 =	simm.s32 $0x1BFF;
	s21 =	sshll.u32 s5, $0x1;
	s2 =	sadd.s32 s19, s18  }
0x9c: {  	s6 =	simm.s32 $0x0;
	s20 =	sshll.u32 s4, $0x1;
	s4 =	sadd.s32 s21, s2  }
0x9d: {  	[timem:s6], [sflag:s22] =	dma.local [hbm:s4], s20  }
0x9e: {  	_ =	swait.ge [sflag:s22], s20  }
0x9f: {  	s3 =	ssub.s32 $0x0, s20;
	[sflag:s22] =	ssyncset.done $0x0  }
0xa0: {  	[sflag:s22] =	ssyncadd.s32 s3;
	_ =	sdelay $0x1  }
0xa1: {  	s23 =	simm.s32 $0x1B8B  }
0xa2: {  	_ =	swait.ge [sflag:s23], $0x1  }
0xa3: {  	[sflag:s23] =	ssyncset.done $0x0  }
0xa4: {  	s25 =	simm.s32 $0x1B8E;
	s24 =	sld [smem:$0x3FFE];
	[sflag:s23] =	ssyncadd.s32 $0xFFFFFFFF  }
0xa5: {  	s26 =	simm.s32 $execute0_lowered;
	[smem:$0x3FD2] =	sst s25  }
0xa6: {  	s4 =	sshll.u32 s26, $0x1;
	_ =	strace $0x8000004F;
	[dreg:$0x1] =	wrdreg $0xFFFFFFFF  }
0xa7: {  	s28 =	simm.s32 $_size_execute0_lowered;
	s2 =	sadd.s32 s2, s4;
	[dreg:$0x0] =	wrdreg $0x0  }
0xa8: {  	s4 =	sshll.u32 s28, $0x1;
	[dreg:$0x2] =	wrdreg s2  }
0xa9: {  	[dreg:$0x3] =	wrdreg s4  }
0xaa: {  	[dreg:$0x4] =	wrdreg $0xC0  }
0xab: {  	_ =	task [dreg:s6], $0x5FFFF  }
0xac: {  	[dreg:$0x1] =	wrdreg $0xFFFFFFFF  }
0xad: {  	[dreg:$0x0] =	wrdreg $0x60  }
0xae: {  	[dreg:$0x2] =	wrdreg s24  }
0xaf: {  	[dreg:$0x3] =	wrdreg $0x9  }
0xb0: {  	_ =	task.clear_ibuf [dreg:s6], $0x4FFFF;
	_ =	strace $0x9000004F  }
0xb1: {  	s29 =	simm.s32 $0x9;
	_ =	strace $0x80000051  }
0xb2: {  	_ =	swait.ge [sflag:s29], $0x1  }
0xb3: {  	[sflag:s29] =	ssyncadd.s32 $0xFFFFFFFF  }
0xb4: {  	_ =	strace $0x90000051  }
0xb5: {  	_ =	sfence  }
0xb6: {  	s30 =	sld [smem:$0x0];
	_ =	sdelay $0x2  }
0xb7: {  	s31 =	sshll.u32 s1, $0xD;
	s1 =	sshrl.u32 s1, $0x2  }
0xb8: {  	s3 =	sand.u32 $0x4000, s31;
	s1 =	sadd.s32 s1, s30  }
0xb9: {  	s0 =	sor.u32 s3, s0;
	s1 =	sshll.u32 s1, $0x11  }
0xba: {  	s0 =	sor.u32 s1, s0  }
0xbb: {  	s0 =	sadd.s32 $0x8F2B, s0  }
0xbc: {  	[sflag:s0] =	ssyncadd.remote.s32 $0x1  }
0xbd: {  	_ =	sfence.sel $0xFFFF  }
0xbe: {  	[dreg:$0x0] =	wrdreg $0xFFFFFFFF;
	(pc) =	sbr.abs _section_cstart, $3  }
0xbf: {  	[dreg:$0x1] =	wrdreg $0xFFFFFFFF  }
0xc0: {  	_ =	task.clear_ibuf [dreg:s6], $0x2FFFF;
	_ =	strace $0x9FFFFFFF  }
0xc1: {  	(tm) =	ssettm $0x7FFFFFFF  }
tec
execute0_lowered:
.L_overlay_start_1:
0x0: {  	(tag) =	ssettag $0x1  }
0x1: {  	s3 =	rddreg [dreg:$0x0]  }
0x2: {  	s1 =	srdreg.scid;
	s0 =	rddreg [dreg:$0x1]  }
0x3: {  	s2 =	simm.s32 $0x0;
	s21 =	simm.s32 $0x8000;
	s22 =	simm.s32 $0x10000  }
0x4: {  	s23 =	simm.s32 $0x0;
	s4 =	sand.u32 $0x1, s1;
	s1 =	stileid.u32  }
0x5: {  	[smem:$0x7FF] =	sst s2;
	s15 =	sadd.s32 $0x95C00, s3;
	s5 =	smul.u32 $0xC350, s4  }
0x6: {  	s16 =	sadd.s32 $0xF7800, s3;
	s6 =	smul.u32 $0xC38, s1;
	s4 =	ssub.s32 $0x2, s4  }
0x7: {  	s17 =	sadd.s32 $0x159400, s3;
	s18 =	sadd.s32 $0x2C00, s3;
	s31 =	sshrl.u32 s4, $0x1  }
0x8: {  	_ =	strace $0x80000050;
	s5 =	sadd.s32 s6, s5;
	s19 =	ssub.s32 s4, s31  }
0x9: {  	p0 =	seq.s32 s1, $0xF;
	s13 =	sshll.u32 s5, $0x2;
	s19 =	smax.u32 s19, $0x1  }
0xa: {  	s3 =	sadd.s32 s15, s13;
	s4 =	sadd.s32 s16, s13;
	s5 =	sadd.s32 s17, s13  }
0xb: {  	s10 =	sadd.s32 $0x1000, s13;
	s6 =	sadd.s32 s18, s13;
	s14 =	sadd.s32 $0x2000, s13  }
.Ltmp0:
0xc: {  	s20 =	sadd.s32 $0x3000, s13;
	s7 =	sadd.s32 s15, s10;
	(pc) =	sbr.rel .LBB2_1-.Ltmp0, $4  }
0xd: {  	s8 =	sadd.s32 s16, s10;
	s9 =	sadd.s32 s17, s10;
	s10 =	sadd.s32 s18, s10  }
0xe: {  	s11 =	sadd.s32 s15, s14;
	s12 =	sadd.s32 s16, s14;
	s13 =	sadd.s32 s17, s14  }
0xf: {  	s14 =	sadd.s32 s18, s14;
	s15 =	sadd.s32 s15, s20;
	s16 =	sadd.s32 s16, s20  }
0x10: {  	s17 =	sadd.s32 s17, s20;
	s18 =	sadd.s32 s18, s20;
	s20 =	simm.s32 $0x1  }
.LBB2_10:
0x11: {  	v1 =	vld [tilespmem:s24+$0x0];
	_ =	sdelay $0x1  }
0x12: {  	v2 =	vld [tilespmem:s24+$0x10000];
	_ =	sdelay $0x2  }
0x13: {  	v0 =	vadd.f32 v0, v1;
	_ =	sdelay $0x1  }
0x14: {  	v0 =	vadd.f32 v2, v0;
	_ =	sdelay $0x1  }
0x15: {  	v0 =	vmul.f32 $3.333333430e-01, v0;
	_ =	sdelay $0x1  }
0x16: {  	[tilespmem:s24+$0x0] =	vst v0  }
0x17: {  	[hbm4b:s18+s2] =	stream.linear.scatter [tilespmem:s2], [sflag:$0x1], $0x700, $0x38;
	[tilespmem:$0x18000] =	vst v63  }
0x18: {  	_ =	swait.ge [sflag:s20], $0x700  }
0x19: {  	[sflag:s20] =	ssyncset.done $0x0  }
0x1a: {  	[sflag:s20] =	ssyncadd.s32 $0xFFFFF900  }
.LBB2_14:
0x1b: {  	s23 =	sadd.s32 $0x1, s23  }
0x1c: {  	p1 =	sne.s32 s23, s19  }
.Ltmp1:
0x1d: {  	_ = 	snop;
	(pc) =	sbr.rel @!p1 .LBB2_15-.Ltmp1, $1  }
0x1e: {  	_ =	sdelay $0x3  }
.LBB2_1:
0x1f: {  	[tilespmem:s2], [sflag:$0x1] =	stream.linear.gather [hbm4b:s3+s2], $0x8000, $0x38;
	[tilespmem:$0x18000] =	vst v63  }
0x20: {  	_ =	swait.ge [sflag:s20], $0x8000  }
0x21: {  	[sflag:s20] =	ssyncset.done $0x0  }
0x22: {  	[sflag:s20] =	ssyncadd.s32 $0xFFFF8000  }
0x23: {  	[tilespmem:s21], [sflag:$0x1] =	stream.linear.gather [hbm4b:s4+s2], $0x8000, $0x38;
	[tilespmem:$0x18000] =	vst v63  }
0x24: {  	_ =	swait.ge [sflag:s20], $0x8000  }
0x25: {  	[sflag:s20] =	ssyncset.done $0x0  }
0x26: {  	[sflag:s20] =	ssyncadd.s32 $0xFFFF8000  }
0x27: {  	[tilespmem:s22], [sflag:$0x1] =	stream.linear.gather [hbm4b:s5+s2], $0x8000, $0x38;
	[tilespmem:$0x18000] =	vst v63  }
0x28: {  	_ =	swait.ge [sflag:s20], $0x8000  }
0x29: {  	[sflag:s20] =	ssyncset.done $0x0  }
0x2a: {  	s24 =	simm.s32 $0x0;
	[sflag:s20] =	ssyncadd.s32 $0xFFFF8000  }
0x2b: {  	s25 =	simm.s32 $0x40;
	v0 =	vld [tilespmem:s24+$0x8000]  }
.LBB2_2:
0x2c: {  	p1 =	sne.s32 s25, $0x1FFC0;
	v1 =	vld [tilespmem:s24+$0x0];
	_ =	sdelay $0x1  }
0x2d: {  	v2 =	vld [tilespmem:s24+$0x10000];
	_ =	sdelay $0x2  }
0x2e: {  	v0 =	vadd.f32 v0, v1;
	_ =	sdelay $0x1  }
.Ltmp2:
0x2f: {  	v0 =	vadd.f32 v2, v0;
	(pc) =	sbr.rel @p1 .LBB2_2-.Ltmp2, $4  }
0x30: {  	_ = 	snop  }
0x31: {  	v1 =	vmul.f32 $3.333333430e-01, v0  }
0x32: {  	s26 =	sshra.s32 s25, $0x2  }
0x33: {  	s25 =	sadd.s32 $0x40, s25;
	v0 =	vld [tilespmem:s26+$0x8000];
	[tilespmem:s24+$0x0] =	vst v1;
	s24 =	smov.u32 s26  }
0x34: {  	v1 =	vld [tilespmem:s24+$0x0];
	_ =	sdelay $0x1  }
0x35: {  	v2 =	vld [tilespmem:s24+$0x10000];
	_ =	sdelay $0x2  }
0x36: {  	v0 =	vadd.f32 v0, v1;
	_ =	sdelay $0x1  }
0x37: {  	v0 =	vadd.f32 v2, v0;
	_ =	sdelay $0x1  }
0x38: {  	v0 =	vmul.f32 $3.333333430e-01, v0;
	_ =	sdelay $0x1  }
0x39: {  	s31 =	simm.s32 $0x0;
	[tilespmem:s24+$0x0] =	vst v0  }
0x3a: {  	[hbm4b:s6+s31] =	stream.linear.scatter [tilespmem:s31], [sflag:$0x1], $0x8000, $0x38;
	[tilespmem:$0x18000] =	vst v63  }
0x3b: {  	_ =	swait.ge [sflag:s20], $0x8000  }
0x3c: {  	[sflag:s20] =	ssyncset.done $0x0  }
0x3d: {  	[sflag:s20] =	ssyncadd.s32 $0xFFFF8000  }
0x3e: {  	[tilespmem:s31], [sflag:$0x1] =	stream.linear.gather [hbm4b:s7+s31], $0x8000, $0x38;
	[tilespmem:$0x18000] =	vst v63  }
0x3f: {  	_ =	swait.ge [sflag:s20], $0x8000  }
0x40: {  	[sflag:s20] =	ssyncset.done $0x0  }
0x41: {  	[sflag:s20] =	ssyncadd.s32 $0xFFFF8000  }
0x42: {  	[tilespmem:s21], [sflag:$0x1] =	stream.linear.gather [hbm4b:s8+s31], $0x8000, $0x38;
	[tilespmem:$0x18000] =	vst v63  }
0x43: {  	_ =	swait.ge [sflag:s20], $0x8000  }
0x44: {  	[sflag:s20] =	ssyncset.done $0x0  }
0x45: {  	[sflag:s20] =	ssyncadd.s32 $0xFFFF8000  }
0x46: {  	[tilespmem:s22], [sflag:$0x1] =	stream.linear.gather [hbm4b:s9+s31], $0x8000, $0x38;
	[tilespmem:$0x18000] =	vst v63  }
0x47: {  	_ =	swait.ge [sflag:s20], $0x8000  }
0x48: {  	[sflag:s20] =	ssyncset.done $0x0  }
0x49: {  	s24 =	simm.s32 $0x0;
	[sflag:s20] =	ssyncadd.s32 $0xFFFF8000  }
0x4a: {  	s25 =	simm.s32 $0x40;
	v0 =	vld [tilespmem:s24+$0x8000]  }
.LBB2_4:
0x4b: {  	p1 =	sne.s32 s25, $0x1FFC0;
	v1 =	vld [tilespmem:s24+$0x0];
	_ =	sdelay $0x1  }
0x4c: {  	v2 =	vld [tilespmem:s24+$0x10000];
	_ =	sdelay $0x2  }
0x4d: {  	v0 =	vadd.f32 v0, v1;
	_ =	sdelay $0x1  }
.Ltmp3:
0x4e: {  	v0 =	vadd.f32 v2, v0;
	(pc) =	sbr.rel @p1 .LBB2_4-.Ltmp3, $4  }
0x4f: {  	_ = 	snop  }
0x50: {  	v1 =	vmul.f32 $3.333333430e-01, v0  }
0x51: {  	s26 =	sshra.s32 s25, $0x2  }
0x52: {  	s25 =	sadd.s32 $0x40, s25;
	v0 =	vld [tilespmem:s26+$0x8000];
	[tilespmem:s24+$0x0] =	vst v1;
	s24 =	smov.u32 s26  }
0x53: {  	v1 =	vld [tilespmem:s24+$0x0];
	_ =	sdelay $0x1  }
0x54: {  	v2 =	vld [tilespmem:s24+$0x10000];
	_ =	sdelay $0x2  }
0x55: {  	v0 =	vadd.f32 v0, v1;
	_ =	sdelay $0x1  }
0x56: {  	v0 =	vadd.f32 v2, v0;
	_ =	sdelay $0x1  }
0x57: {  	v0 =	vmul.f32 $3.333333430e-01, v0;
	_ =	sdelay $0x1  }
0x58: {  	s31 =	simm.s32 $0x0;
	[tilespmem:s24+$0x0] =	vst v0  }
0x59: {  	[hbm4b:s10+s31] =	stream.linear.scatter [tilespmem:s31], [sflag:$0x1], $0x8000, $0x38;
	[tilespmem:$0x18000] =	vst v63  }
0x5a: {  	_ =	swait.ge [sflag:s20], $0x8000  }
0x5b: {  	[sflag:s20] =	ssyncset.done $0x0  }
0x5c: {  	[sflag:s20] =	ssyncadd.s32 $0xFFFF8000  }
0x5d: {  	[tilespmem:s31], [sflag:$0x1] =	stream.linear.gather [hbm4b:s11+s31], $0x8000, $0x38;
	[tilespmem:$0x18000] =	vst v63  }
0x5e: {  	_ =	swait.ge [sflag:s20], $0x8000  }
0x5f: {  	[sflag:s20] =	ssyncset.done $0x0  }
0x60: {  	[sflag:s20] =	ssyncadd.s32 $0xFFFF8000  }
0x61: {  	[tilespmem:s21], [sflag:$0x1] =	stream.linear.gather [hbm4b:s12+s31], $0x8000, $0x38;
	[tilespmem:$0x18000] =	vst v63  }
0x62: {  	_ =	swait.ge [sflag:s20], $0x8000  }
0x63: {  	[sflag:s20] =	ssyncset.done $0x0  }
0x64: {  	[sflag:s20] =	ssyncadd.s32 $0xFFFF8000  }
0x65: {  	[tilespmem:s22], [sflag:$0x1] =	stream.linear.gather [hbm4b:s13+s31], $0x8000, $0x38;
	[tilespmem:$0x18000] =	vst v63  }
0x66: {  	_ =	swait.ge [sflag:s20], $0x8000  }
0x67: {  	[sflag:s20] =	ssyncset.done $0x0  }
0x68: {  	s24 =	simm.s32 $0x0;
	[sflag:s20] =	ssyncadd.s32 $0xFFFF8000  }
0x69: {  	s25 =	simm.s32 $0x40;
	v0 =	vld [tilespmem:s24+$0x8000]  }
.LBB2_6:
0x6a: {  	p1 =	sne.s32 s25, $0x1FFC0;
	v1 =	vld [tilespmem:s24+$0x0];
	_ =	sdelay $0x1  }
0x6b: {  	v2 =	vld [tilespmem:s24+$0x10000];
	_ =	sdelay $0x2  }
0x6c: {  	v0 =	vadd.f32 v0, v1;
	_ =	sdelay $0x1  }
.Ltmp4:
0x6d: {  	v0 =	vadd.f32 v2, v0;
	(pc) =	sbr.rel @p1 .LBB2_6-.Ltmp4, $4  }
0x6e: {  	_ = 	snop  }
0x6f: {  	v1 =	vmul.f32 $3.333333430e-01, v0  }
0x70: {  	s26 =	sshra.s32 s25, $0x2  }
0x71: {  	s25 =	sadd.s32 $0x40, s25;
	v0 =	vld [tilespmem:s26+$0x8000];
	[tilespmem:s24+$0x0] =	vst v1;
	s24 =	smov.u32 s26  }
0x72: {  	v1 =	vld [tilespmem:s24+$0x0];
	_ =	sdelay $0x1  }
0x73: {  	v2 =	vld [tilespmem:s24+$0x10000];
	_ =	sdelay $0x2  }
0x74: {  	v0 =	vadd.f32 v0, v1;
	_ =	sdelay $0x1  }
0x75: {  	v0 =	vadd.f32 v2, v0;
	_ =	sdelay $0x1  }
0x76: {  	v0 =	vmul.f32 $3.333333430e-01, v0;
	_ =	sdelay $0x1  }
.Ltmp5:
0x77: {  	[tilespmem:s24+$0x0] =	vst v0;
	(pc) =	sbr.rel @!p0 .LBB2_8-.Ltmp5, $4  }
0x78: {  	[hbm4b:s14+s2] =	stream.linear.scatter [tilespmem:s2], [sflag:$0x1], $0x8000, $0x38;
	[tilespmem:$0x18000] =	vst v63  }
0x79: {  	_ =	swait.ge [sflag:s20], $0x8000  }
0x7a: {  	[sflag:s20] =	ssyncset.done $0x0  }
0x7b: {  	s24 =	simm.s32 $0x0;
	[sflag:s20] =	ssyncadd.s32 $0xFFFF8000  }
0x7c: {  	[tilespmem:s24], [sflag:$0x1] =	stream.linear.gather [hbm4b:s15+s24], $0x100, $0x38;
	[tilespmem:$0x18000] =	vst v63  }
0x7d: {  	_ =	swait.ge [sflag:s20], $0x100  }
0x7e: {  	[sflag:s20] =	ssyncset.done $0x0  }
0x7f: {  	[sflag:s20] =	ssyncadd.s32 $0xFFFFFF00  }
0x80: {  	[tilespmem:s21], [sflag:$0x1] =	stream.linear.gather [hbm4b:s16+s24], $0x100, $0x38;
	[tilespmem:$0x18000] =	vst v63  }
0x81: {  	_ =	swait.ge [sflag:s20], $0x100  }
0x82: {  	[sflag:s20] =	ssyncset.done $0x0  }
0x83: {  	[sflag:s20] =	ssyncadd.s32 $0xFFFFFF00  }
0x84: {  	[tilespmem:s22], [sflag:$0x1] =	stream.linear.gather [hbm4b:s17+s24], $0x100, $0x38;
	[tilespmem:$0x18000] =	vst v63  }
0x85: {  	_ =	swait.ge [sflag:s20], $0x100  }
0x86: {  	[sflag:s20] =	ssyncset.done $0x0  }
0x87: {  	s24 =	simm.s32 $0x0;
	[sflag:s20] =	ssyncadd.s32 $0xFFFFFF00  }
0x88: {  	s25 =	simm.s32 $0x40;
	v0 =	vld [tilespmem:s24+$0x8000]  }
.LBB2_12:
0x89: {  	p1 =	sne.s32 s25, $0x3C0;
	v1 =	vld [tilespmem:s24+$0x0];
	_ =	sdelay $0x1  }
0x8a: {  	v2 =	vld [tilespmem:s24+$0x10000];
	_ =	sdelay $0x2  }
0x8b: {  	v0 =	vadd.f32 v0, v1;
	_ =	sdelay $0x1  }
.Ltmp6:
0x8c: {  	v0 =	vadd.f32 v2, v0;
	(pc) =	sbr.rel @p1 .LBB2_12-.Ltmp6, $4  }
0x8d: {  	_ = 	snop  }
0x8e: {  	v1 =	vmul.f32 $3.333333430e-01, v0  }
0x8f: {  	s26 =	sshra.s32 s25, $0x2  }
0x90: {  	s25 =	sadd.s32 $0x40, s25;
	v0 =	vld [tilespmem:s26+$0x8000];
	[tilespmem:s24+$0x0] =	vst v1;
	s24 =	smov.u32 s26  }
0x91: {  	v1 =	vld [tilespmem:s24+$0x0];
	_ =	sdelay $0x1  }
0x92: {  	v2 =	vld [tilespmem:s24+$0x10000];
	_ =	sdelay $0x2  }
0x93: {  	v0 =	vadd.f32 v0, v1;
	_ =	sdelay $0x1  }
0x94: {  	v0 =	vadd.f32 v2, v0;
	_ =	sdelay $0x1  }
0x95: {  	v0 =	vmul.f32 $3.333333430e-01, v0;
	_ =	sdelay $0x1  }
.Ltmp7:
0x96: {  	[tilespmem:s24+$0x0] =	vst v0;
	(pc) =	sbr.rel .LBB2_14-.Ltmp7, $4  }
0x97: {  	[hbm4b:s18+s2] =	stream.linear.scatter [tilespmem:s2], [sflag:$0x1], $0x100, $0x38;
	[tilespmem:$0x18000] =	vst v63  }
0x98: {  	_ =	swait.ge [sflag:s20], $0x100  }
0x99: {  	[sflag:s20] =	ssyncset.done $0x0  }
0x9a: {  	[sflag:s20] =	ssyncadd.s32 $0xFFFFFF00  }
.LBB2_8:
0x9b: {  	[tilespmem:s24], [sflag:$0x1] =	stream.linear.gather [hbm4b:s15+s24], $0x700, $0x38;
	[tilespmem:$0x18000] =	vst v63  }
0x9c: {  	_ =	swait.ge [sflag:s20], $0x700  }
0x9d: {  	[sflag:s20] =	ssyncset.done $0x0  }
0x9e: {  	[sflag:s20] =	ssyncadd.s32 $0xFFFFF900  }
0x9f: {  	[tilespmem:s21], [sflag:$0x1] =	stream.linear.gather [hbm4b:s16+s24], $0x700, $0x38;
	[tilespmem:$0x18000] =	vst v63  }
0xa0: {  	_ =	swait.ge [sflag:s20], $0x700  }
0xa1: {  	[sflag:s20] =	ssyncset.done $0x0  }
0xa2: {  	[sflag:s20] =	ssyncadd.s32 $0xFFFFF900  }
0xa3: {  	[tilespmem:s22], [sflag:$0x1] =	stream.linear.gather [hbm4b:s17+s24], $0x700, $0x38;
	[tilespmem:$0x18000] =	vst v63  }
0xa4: {  	_ =	swait.ge [sflag:s20], $0x700  }
0xa5: {  	[sflag:s20] =	ssyncset.done $0x0  }
0xa6: {  	s24 =	simm.s32 $0x0;
	[sflag:s20] =	ssyncadd.s32 $0xFFFFF900  }
0xa7: {  	s25 =	simm.s32 $0x40;
	v0 =	vld [tilespmem:s24+$0x8000]  }
.LBB2_9:
0xa8: {  	p1 =	sne.s32 s25, $0x1BC0;
	v1 =	vld [tilespmem:s24+$0x0];
	_ =	sdelay $0x1  }
0xa9: {  	v2 =	vld [tilespmem:s24+$0x10000];
	_ =	sdelay $0x2  }
0xaa: {  	v0 =	vadd.f32 v0, v1;
	_ =	sdelay $0x1  }
.Ltmp8:
0xab: {  	v0 =	vadd.f32 v2, v0;
	(pc) =	sbr.rel @p1 .LBB2_9-.Ltmp8, $4  }
0xac: {  	_ = 	snop  }
0xad: {  	v1 =	vmul.f32 $3.333333430e-01, v0  }
0xae: {  	s26 =	sshra.s32 s25, $0x2  }
0xaf: {  	s25 =	sadd.s32 $0x40, s25;
	v0 =	vld [tilespmem:s26+$0x8000];
	[tilespmem:s24+$0x0] =	vst v1;
	s24 =	smov.u32 s26  }
.Ltmp9:
0xb0: {  	_ = 	snop;
	(pc) =	sbr.rel .LBB2_10-.Ltmp9, $1  }
0xb1: {  	_ =	sdelay $0x3  }
.LBB2_15:
0xb2: {  	_ =	sfence.sel $0x180000  }
0xb3: {  	[bflag:$0x0] =	sbarrier.arrive $0xFFFF  }
0xb4: {  	p0 =	sne.s32 s1, $0x0;
	_ =	strace $0x90000050  }
0xb5: {  	s0 =	sadd.s32 @!p0 $0x100000, s0;
	[bflag:$0x2] =	sbarrier.arrive $0xFFFF  }
0xb6: {  	[sflag:s0] =	ssyncadd.tile.s32 @!p0 $0x1;
	_ =	shalt  }
.Lfunc_end2:
_tile_overlayer_lowered:
.L_overlay_start_2:
0xb7: {  	(tag) =	ssettag $0x2  }
0xb8: {  	s0 =	rddreg [dreg:$0x0];
	s2 =	stileid.u32  }
0xb9: {  	s1 =	rddreg [dreg:$0x1];
	p0 =	sne.s32 s2, $0x0  }
0xba: {  	s3 =	rddreg [dreg:$0x2];
	[bflag:$0x3] =	sbarrier.arrive $0xFFFF;
	s2 =	simm.s32 @!p0 $0x1C01  }
0xbb: {  	[timem:s3], [sflag:s2] =	dma.local @!p0 [hbm:s0], s1  }
0xbc: {  	s0 =	simm.s32 @!p0 $0x1  }
0xbd: {  	_ =	swait.ge @!p0 [sflag:s0], s1  }
0xbe: {  	s1 =	ssub.s32 @!p0 $0x0, s1;
	[sflag:s0] =	ssyncset.done @!p0 $0x0  }
0xbf: {  	[sflag:s0] =	ssyncadd.s32 @!p0 s1  }
0xc0: {  	[bflag:$0x3] =	sbarrier.arrive $0xFFFF  }
0xc1: {  	_ =	shalt  }

// kernel: kernel.6.cloned.1.call-start
scs
__scs_entry_jumppad:
0x0: {  	(pc) =	sbr.rel $0x88, $3  }
0x1: {  	(tag) =	ssettag $0x0;
	lr =	simm.s32 $0x1  }
0x2: {  	[smem:$0x3F9D] =	sst lr;
	_ =	strace $0xD0000000  }
0x3: {  	_ = 	snop  }
0x4: {  	_ = 	snop  }
0x5: {  	_ = 	snop  }
0x6: {  	_ = 	snop  }
0x7: {  	_ = 	snop  }
__scs_overlays_trampoline_lowered:
0x8: {  	[smem:$0x3FAC] =	sst s0  }
0x9: {  	[smem:$0x3FAD] =	sst s1  }
0xa: {  	[smem:$0x3FAE] =	sst s2  }
0xb: {  	[smem:$0x3FAF] =	sst s3  }
0xc: {  	[smem:$0x3FB0] =	sst s4  }
0xd: {  	[smem:$0x3FB1] =	sst s5  }
0xe: {  	[smem:$0x3FB2] =	sst s6  }
0xf: {  	[smem:$0x3FB3] =	sst s7  }
0x10: {  	[smem:$0x3FB4] =	sst s8  }
0x11: {  	[smem:$0x3FB5] =	sst s9;
	s0 =	simm.s32 @!p0 $0x0  }
0x12: {  	s1 =	sld [smem:$0x3F9B];
	s0 =	simm.s32 @p0 $0x1  }
0x13: {  	[smem:$0x3FB6] =	sst s0;
	s0 =	simm.s32 @!p1 $0x0  }
0x14: {  	s2 =	sld [smem:$0x3F9A];
	s0 =	simm.s32 @p1 $0x1  }
0x15: {  	[smem:$0x3FB7] =	sst s0;
	s0 =	simm.s32 @!p2 $0x0  }
0x16: {  	s3 =	sld [smem:$0x3FDB];
	s0 =	simm.s32 @p2 $0x1  }
0x17: {  	s4 =	simm.s32 $0x1BF5;
	[smem:$0x3FB9] =	sst s0  }
0x18: {  	s0 =	sld [smem:$0x3F9C];
	_ =	swait.ge [sflag:s4], $0x0  }
0x19: {  	s7 =	sld [smem:$0x3F9D]  }
0x1a: {  	s8 =	sadd.s32 $0xFFFFE003, lr  }
0x1b: {  	s9 =	sadd.s32 $0xFFFFFEF7, lr;
	s5 =	simm.s32 $0xFFFFFFFF;
	p2 =	slt.u32 s8, $0xFFFFF086  }
0x1c: {  	p1 =	slt.u32 s9, $0xF7A;
	s5 =	simm.s32 @!p2 $0x0  }
0x1d: {  	s5 =	simm.s32 @p1 $0x1;
	p0 =	seq.s32 s7, s2  }
0x1e: {  	s7 =	smul.u32 @!p0 $0xF7A, s2;
	p2 =	seq.s32 @!p0 s5, $0x0  }
0x1f: {  	s9 =	smul.u32 $0xF7A, s1;
	s8 =	simm.s32 @!p0 $0x1BF5;
	p2 =	por !p2, p0  }
0x20: {  	[sflag:s8] =	ssyncset.s32 @!p0 $0xFFFFF086;
	s6 =	sadd.s32 @!p0 s3, s7;
	s7 =	simm.s32 @!p0 $0x108  }
0x21: {  	s3 =	sadd.s32 s3, s9;
	s6 =	sadd.s32 @!p0 $0x88, s6;
	s7 =	simm.s32 @p2 $0x1082  }
0x22: {  	[simem:s7], [sflag:s8] =	dma.local @!p0 [hbm:s6], $0xF7A  }
0x23: {  	s9 =	sor.u32 $0xD0000000, s2;
	s6 =	simm.s32 $0x108;
	_ =	swait.ge @!p0 [sflag:s8], $0x0  }
0x24: {  	s3 =	sadd.s32 $0x88, s3;
	s6 =	simm.s32 @!p1 $0x1082;
	[sflag:s4] =	ssyncset.s32 $0xFFFFF086  }
0x25: {  	[simem:s6], [sflag:s4] =	dma.local [hbm:s3], $0xF7A  }
0x26: {  	[smem:$0x3F9D] =	sst s1;
	(tag) =	ssettag s2;
	_ =	strace s9  }
0x27: {  	s1 =	sld [smem:$0x3FAD]  }
0x28: {  	s2 =	sld [smem:$0x3FAE]  }
0x29: {  	s4 =	sld [smem:$0x3FB0]  }
0x2a: {  	p0 =	seq.s32 s5, $0x0;
	s5 =	sld [smem:$0x3FB1]  }
0x2b: {  	s6 =	sld [smem:$0x3FB2]  }
0x2c: {  	s7 =	sld [smem:$0x3FB3]  }
0x2d: {  	s3 =	simm.s32 $0x108;
	s8 =	sld [smem:$0x3FB4]  }
0x2e: {  	s3 =	simm.s32 @!p0 $0x1082;
	s9 =	sld [smem:$0x3FB5]  }
0x2f: {  	lr =	sadd.s32 s0, s3;
	s0 =	sld [smem:$0x3FAC]  }
0x30: {  	s3 =	sld [smem:$0x3FAF]  }
0x31: {  	[smem:$0x3FB8] =	sst s10  }
0x32: {  	s10 =	sld [smem:$0x3FB6];
	_ =	sdelay $0x3  }
0x33: {  	p0 =	seq.s32 s10, $0x1;
	s10 =	sld [smem:$0x3FB8];
	_ =	sdelay $0x3  }
0x34: {  	[smem:$0x3FB8] =	sst s10  }
0x35: {  	s10 =	sld [smem:$0x3FB7];
	_ =	sdelay $0x3  }
0x36: {  	p1 =	seq.s32 s10, $0x1;
	s10 =	sld [smem:$0x3FB8];
	_ =	sdelay $0x3  }
0x37: {  	[smem:$0x3FB8] =	sst s10  }
0x38: {  	s10 =	sld [smem:$0x3FB9]  }
0x39: {  	_ = 	snop;
	(pc) =	sbr.ind lr, $3  }
0x3a: {  	_ = 	snop  }
0x3b: {  	_ = 	snop  }
0x3c: {  	p2 =	seq.s32 s10, $0x1;
	s10 =	sld [smem:$0x3FB8]  }
0x3d: {  	_ =	shalt  }
0x3e: {  	_ =	shalt  }
0x3f: {  	_ =	shalt  }
0x40: {  	_ =	shalt  }
0x41: {  	_ =	shalt  }
0x42: {  	_ =	shalt  }
0x43: {  	_ =	shalt  }
0x44: {  	_ =	shalt  }
0x45: {  	_ =	shalt  }
0x46: {  	_ =	shalt  }
0x47: {  	_ =	shalt  }
0x48: {  	_ =	shalt  }
0x49: {  	_ =	shalt  }
0x4a: {  	_ =	shalt  }
0x4b: {  	_ =	shalt  }
0x4c: {  	_ =	shalt  }
0x4d: {  	_ =	shalt  }
0x4e: {  	_ =	shalt  }
0x4f: {  	_ =	shalt  }
0x50: {  	_ =	shalt  }
0x51: {  	_ =	shalt  }
0x52: {  	_ =	shalt  }
0x53: {  	_ =	shalt  }
0x54: {  	_ =	shalt  }
0x55: {  	_ =	shalt  }
0x56: {  	_ =	shalt  }
0x57: {  	_ =	shalt  }
0x58: {  	_ =	shalt  }
0x59: {  	_ =	shalt  }
0x5a: {  	_ =	shalt  }
0x5b: {  	_ =	shalt  }
0x5c: {  	_ =	shalt  }
0x5d: {  	_ =	shalt  }
0x5e: {  	_ =	shalt  }
0x5f: {  	_ =	shalt  }
0x60: {  	_ =	shalt  }
0x61: {  	_ =	shalt  }
0x62: {  	_ =	shalt  }
0x63: {  	_ =	shalt  }
0x64: {  	_ =	shalt  }
0x65: {  	_ =	shalt  }
0x66: {  	_ =	shalt  }
0x67: {  	_ =	shalt  }
0x68: {  	_ =	shalt  }
0x69: {  	_ =	shalt  }
0x6a: {  	_ =	shalt  }
0x6b: {  	_ =	shalt  }
0x6c: {  	_ =	shalt  }
0x6d: {  	_ =	shalt  }
0x6e: {  	_ =	shalt  }
0x6f: {  	_ =	shalt  }
0x70: {  	_ =	shalt  }
0x71: {  	_ =	shalt  }
0x72: {  	_ =	shalt  }
0x73: {  	_ =	shalt  }
0x74: {  	_ =	shalt  }
0x75: {  	_ =	shalt  }
0x76: {  	_ =	shalt  }
0x77: {  	_ =	shalt  }
0x78: {  	_ =	shalt  }
0x79: {  	_ =	shalt  }
0x7a: {  	_ =	shalt  }
0x7b: {  	_ =	shalt  }
0x7c: {  	_ =	shalt  }
0x7d: {  	_ =	shalt  }
0x7e: {  	_ =	shalt  }
0x7f: {  	_ =	shalt  }
0x80: {  	_ =	shalt  }
0x81: {  	_ =	shalt  }
0x82: {  	_ =	shalt  }
0x83: {  	_ =	shalt  }
0x84: {  	_ =	shalt  }
0x85: {  	_ =	shalt  }
0x86: {  	_ =	shalt  }
0x87: {  	_ =	shalt  }
.Lfunc_end0:
.L_simem_size_0:
called_computation_lowered:
.L_overlay_start_0:
0x88: {  	s2 =	sld [smem:$0x3FD9]  }
0x89: {  	s3 =	sld [smem:$0x3FFE];
	_ =	sdelay $0x1  }
0x8a: {  	s1 =	srdreg.scid  }
0x8b: {  	s0 =	sand.u32 $0x1, s1  }
0x8c: {  	s16 =	sshll.u32 s0, $0xA;
	s2 =	sadd.s32 s3, s2  }
0x8d: {  	s2 =	sadd.s32 s2, s16  }
0x8e: {  	[smem:$0x3FC4] =	sst s2  }
0x8f: {  	_ = 	snop  }
0x90: {  	(tm) =	ssettm $0x1  }
0x91: {  	s17 =	sld [smem:$0x3FFB];
	_ =	sdelay $0x3  }
0x92: {  	_ =	strace s17  }
0x93: {  	s2 =	sld [smem:$0x3FFC];
	_ =	sdelay $0x3  }
0x94: {  	_ =	strace s2  }
0x95: {  	s2 =	sld [smem:$0x3FFD];
	_ =	sdelay $0x3  }
0x96: {  	_ =	strace s2  }
0x97: {  	_ =	strace $0x8FFFFFFF  }
0x98: {  	s18 =	sld [smem:$0x3FDB];
	_ =	sdelay $0x1  }
0x99: {  	s19 =	simm.s32 $_scs_section_size  }
0x9a: {  	s4 =	simm.s32 $_size__tile_overlayer_lowered;
	s5 =	simm.s32 $_tile_overlayer_lowered  }
0x9b: {  	s22 =	simm.s32 $0x1BFF;
	s21 =	sshll.u32 s5, $0x1;
	s2 =	sadd.s32 s19, s18  }
0x9c: {  	s6 =	simm.s32 $0x0;
	s20 =	sshll.u32 s4, $0x1;
	s4 =	sadd.s32 s21, s2  }
0x9d: {  	[timem:s6], [sflag:s22] =	dma.local [hbm:s4], s20  }
0x9e: {  	_ =	swait.ge [sflag:s22], s20  }
0x9f: {  	s3 =	ssub.s32 $0x0, s20;
	[sflag:s22] =	ssyncset.done $0x0  }
0xa0: {  	[sflag:s22] =	ssyncadd.s32 s3;
	_ =	sdelay $0x1  }
0xa1: {  	s23 =	simm.s32 $0x1B8B  }
0xa2: {  	_ =	swait.ge [sflag:s23], $0x1  }
0xa3: {  	[sflag:s23] =	ssyncset.done $0x0  }
0xa4: {  	s25 =	simm.s32 $0x1B8E;
	s24 =	sld [smem:$0x3FFE];
	[sflag:s23] =	ssyncadd.s32 $0xFFFFFFFF  }
0xa5: {  	s26 =	simm.s32 $execute0_lowered;
	[smem:$0x3FD2] =	sst s25  }
0xa6: {  	s4 =	sshll.u32 s26, $0x1;
	_ =	strace $0x80000046;
	[dreg:$0x1] =	wrdreg $0xFFFFFFFF  }
0xa7: {  	s28 =	simm.s32 $_size_execute0_lowered;
	s2 =	sadd.s32 s2, s4;
	[dreg:$0x0] =	wrdreg $0x0  }
0xa8: {  	s4 =	sshll.u32 s28, $0x1;
	[dreg:$0x2] =	wrdreg s2  }
0xa9: {  	[dreg:$0x3] =	wrdreg s4  }
0xaa: {  	[dreg:$0x4] =	wrdreg $0xC0  }
0xab: {  	_ =	task [dreg:s6], $0x5FFFF  }
0xac: {  	[dreg:$0x1] =	wrdreg $0xFFFFFFFF  }
0xad: {  	[dreg:$0x0] =	wrdreg $0x60  }
0xae: {  	[dreg:$0x2] =	wrdreg s24  }
0xaf: {  	[dreg:$0x3] =	wrdreg $0x48000  }
0xb0: {  	[dreg:$0x4] =	wrdreg $0x9  }
0xb1: {  	_ =	task.clear_ibuf [dreg:s6], $0x5FFFF;
	_ =	strace $0x90000046  }
0xb2: {  	s29 =	simm.s32 $0x9;
	_ =	strace $0x80000048  }
0xb3: {  	_ =	swait.ge [sflag:s29], $0x1  }
0xb4: {  	[sflag:s29] =	ssyncadd.s32 $0xFFFFFFFF  }
0xb5: {  	_ =	strace $0x90000048  }
0xb6: {  	_ =	sfence  }
0xb7: {  	s30 =	sld [smem:$0x0];
	_ =	sdelay $0x2  }
0xb8: {  	s31 =	sshll.u32 s1, $0xD;
	s1 =	sshrl.u32 s1, $0x2  }
0xb9: {  	s3 =	sand.u32 $0x4000, s31;
	s1 =	sadd.s32 s1, s30  }
0xba: {  	s0 =	sor.u32 s3, s0;
	s1 =	sshll.u32 s1, $0x11  }
0xbb: {  	s0 =	sor.u32 s1, s0  }
0xbc: {  	s0 =	sadd.s32 $0x8F2B, s0  }
0xbd: {  	[sflag:s0] =	ssyncadd.remote.s32 $0x1  }
0xbe: {  	_ =	sfence.sel $0xFFFF  }
0xbf: {  	[dreg:$0x0] =	wrdreg $0xFFFFFFFF;
	(pc) =	sbr.abs _section_cstart, $3  }
0xc0: {  	[dreg:$0x1] =	wrdreg $0xFFFFFFFF  }
0xc1: {  	_ =	task.clear_ibuf [dreg:s6], $0x2FFFF;
	_ =	strace $0x9FFFFFFF  }
0xc2: {  	(tm) =	ssettm $0x7FFFFFFF  }
0xc3: {  	_ =	shalt  }
tec
execute0_lowered:
.L_overlay_start_1:
0x0: {  	(tag) =	ssettag $0x1  }
0x1: {  	s0 =	rddreg [dreg:$0x0]  }
0x2: {  	s1 =	rddreg [dreg:$0x1]  }
0x3: {  	s2 =	simm.s32 $0x0;
	s3 =	srdreg.scid;
	s15 =	stileid.u32  }
0x4: {  	s28 =	simm.s32 $0x400;
	s29 =	simm.s32 $0x80;
	s30 =	simm.s32 $0x1800  }
0x5: {  	s31 =	simm.s32 $0x100;
	[smem:$0x7FF] =	sst s2;
	s4 =	sadd.s32 $0x1EB600, s0  }
0x6: {  	s5 =	sadd.s32 $0x33C00, s0;
	s6 =	sadd.s32 $0x2C00, s0;
	s3 =	sand.u32 $0x1, s3  }
0x7: {  	s8 =	smul.u32 $0x61C00, s15;
	s7 =	sadd.s32 $0x64C00, s0;
	s9 =	ssub.s32 $0x2, s3  }
0x8: {  	s0 =	sadd.s32 $0x95C00, s0;
	s10 =	smul.u32 $0xC38, s15;
	s12 =	sshrl.u32 s9, $0x1  }
0x9: {  	p0 =	seq.s32 s15, $0xF;
	s8 =	sshrl.u32 s8, $0x2;
	s12 =	ssub.s32 s9, s12  }
0xa: {  	_ =	strace $0x80000047;
	s19 =	sadd.s32 s8, s1;
	s12 =	smax.u32 s12, $0x1  }
0xb: {  	s11 =	smul.u32 $0xC350, s3;
	s16 =	sadd.s32 $0x8000, s19;
	[dreg:$0x6] =	wrdreg s12  }
0xc: {  	s3 =	smul.u32 $0x186A00, s3;
	s17 =	sadd.s32 $0xC000, s19;
	[dreg:$0x8] =	wrdreg s16  }
0xd: {  	s13 =	sadd.s32 s10, s11;
	s20 =	sadd.s32 $0x10000, s19;
	[dreg:$0x9] =	wrdreg s17  }
0xe: {  	s10 =	smul.u32 $0x18800, s15;
	s21 =	sadd.s32 $0x14000, s19;
	[dreg:$0xa] =	wrdreg s20  }
0xf: {  	s13 =	sshll.u32 s13, $0x2;
	s18 =	sadd.s32 $0x4000, s19;
	[dreg:$0xb] =	wrdreg s21  }
0x10: {  	s3 =	sshrl.u32 s3, $0x3;
	s13 =	sadd.s32 s0, s13;
	[dreg:$0x7] =	wrdreg s18  }
0x11: {  	s0 =	sadd.s32 s0, s3;
	s8 =	sadd.s32 $0x3000, s13;
	[dreg:$0x3] =	wrdreg s13  }
0x12: {  	s14 =	sadd.s32 $0xC350, s11;
	s0 =	sadd.s32 $0x30D20, s0;
	[dreg:$0x4] =	wrdreg s8  }
0x13: {  	s9 =	sadd.s32 $0x18000, s19;
	s22 =	sadd.s32 $0x800, s13;
	[dreg:$0x5] =	wrdreg s0  }
0x14: {  	v1 =	vmov s14;
	s14 =	simm.s32 $0x600;
	s23 =	sadd.s32 $0x1000, s13;
	[dreg:$0xc] =	wrdreg s22  }
0x15: {  	v2 =	vimm.f32 $0.0e+00;
	v3 =	vimm.s32 $0x0;
	v4 =	vimm.s32 $0x1;
	s3 =	simm.s32 $0x180;
	s24 =	sadd.s32 $0x1800, s13;
	[dreg:$0xd] =	wrdreg s23  }
0x16: {  	v5 =	vimm.s32 $0x2;
	v6 =	vimm.s32 $0x3;
	v7 =	vimm.s32 $0x4;
	s12 =	simm.s32 $0x3800;
	s25 =	sadd.s32 $0x2000, s13;
	[dreg:$0xe] =	wrdreg s24  }
0x17: {  	v8 =	vimm.s32 $0x5;
	v9 =	vimm.s32 $0x6;
	v10 =	vimm.s32 $0x7;
	s20 =	simm.s32 $0x680;
	s26 =	sadd.s32 $0x2800, s13;
	[dreg:$0xf] =	wrdreg s25  }
0x18: {  	v11 =	vimm.s32 $0x8;
	v12 =	vimm.s32 $0x9;
	v13 =	vimm.s32 $0xA;
	s21 =	simm.s32 $0x700;
	s13 =	simm.s32 $0x1;
	[dreg:$0x10] =	wrdreg s26  }
0x19: {  	v14 =	vimm.s32 $0xB;
	v15 =	vimm.s32 $0xC;
	v16 =	vimm.s32 $0xD;
	s25 =	simm.s32 $0x800;
	s26 =	simm.s32 $0x3;
	s0 =	simm.s32 $0x2800  }
0x1a: {  	v17 =	vimm.s32 $0xE;
	v18 =	vimm.s32 $0xF;
	v0 =	vmov s11;
	s22 =	simm.s32 $0x780;
	s23 =	simm.s32 $0x2;
	s24 =	simm.s32 $0x0  }
.LBB2_1:
0x1b: {  	s11 =	simm.s32 $0x80;
	s15 =	simm.s32 $0x0  }
.LBB2_2:
0x1c: {  	p1 =	sne.s32 s11, $0xFF80;
	[tilespmem:s15+$0x800] =	vst v2;
	s16 =	smov.u32 s11;
	s11 =	sadd.s32 $0x80, s11  }
.Ltmp0:
0x1d: {  	[tilespmem:s15+$0x810] =	vst v2;
	(pc) =	sbr.rel @p1 .LBB2_2-.Ltmp0, $2  }
0x1e: {  	_ =	sdelay $0x2  }
0x1f: {  	s15 =	sshra.s32 s16, $0x2  }
0x20: {  	[tilespmem:s15+$0x800] =	vst v2  }
0x21: {  	[tilespmem:s15+$0x810] =	vst v2  }
0x22: {  	[spmem:s19] =	stream.linear.scatter [tilespmem:s25], [sflag:$0x3], $0x4000, $0x38;
	[tilespmem:$0x1CF00] =	vst v63  }
0x23: {  	_ =	swait.ge [sflag:s26], $0x4000  }
0x24: {  	[sflag:s26] =	ssyncset.done $0x0  }
0x25: {  	[sflag:s26] =	ssyncadd.s32 $0xFFFFC000  }
0x26: {  	[spmem:s18] =	stream.linear.scatter [tilespmem:s25], [sflag:$0x3], $0x4000, $0x38;
	[tilespmem:$0x1CF00] =	vst v63  }
0x27: {  	_ =	swait.ge [sflag:s26], $0x4000  }
0x28: {  	[sflag:s26] =	ssyncset.done $0x0  }
0x29: {  	s11 =	rddreg [dreg:$0x8];
	[sflag:s26] =	ssyncadd.s32 $0xFFFFC000  }
0x2a: {  	[spmem:s11] =	stream.linear.scatter [tilespmem:s25], [sflag:$0x3], $0x4000, $0x38;
	[tilespmem:$0x1CF00] =	vst v63  }
0x2b: {  	_ =	swait.ge [sflag:s26], $0x4000  }
0x2c: {  	[sflag:s26] =	ssyncset.done $0x0  }
0x2d: {  	s17 =	rddreg [dreg:$0x9];
	[sflag:s26] =	ssyncadd.s32 $0xFFFFC000  }
0x2e: {  	[spmem:s17] =	stream.linear.scatter [tilespmem:s25], [sflag:$0x3], $0x4000, $0x38;
	[tilespmem:$0x1CF00] =	vst v63  }
0x2f: {  	_ =	swait.ge [sflag:s26], $0x4000  }
0x30: {  	[sflag:s26] =	ssyncset.done $0x0  }
0x31: {  	s18 =	rddreg [dreg:$0xa];
	[sflag:s26] =	ssyncadd.s32 $0xFFFFC000  }
0x32: {  	[spmem:s18] =	stream.linear.scatter [tilespmem:s25], [sflag:$0x3], $0x4000, $0x38;
	[tilespmem:$0x1CF00] =	vst v63  }
0x33: {  	_ =	swait.ge [sflag:s26], $0x4000  }
0x34: {  	[sflag:s26] =	ssyncset.done $0x0  }
0x35: {  	s8 =	smov.u32 s19;
	s19 =	rddreg [dreg:$0xb];
	[sflag:s26] =	ssyncadd.s32 $0xFFFFC000  }
0x36: {  	[spmem:s19] =	stream.linear.scatter [tilespmem:s25], [sflag:$0x3], $0x4000, $0x38;
	[tilespmem:$0x1CF00] =	vst v63  }
0x37: {  	_ =	swait.ge [sflag:s26], $0x4000  }
0x38: {  	[sflag:s26] =	ssyncset.done $0x0  }
0x39: {  	[sflag:s26] =	ssyncadd.s32 $0xFFFFC000  }
0x3a: {  	[spmem:s9] =	stream.linear.scatter [tilespmem:s25], [sflag:$0x3], $0x700, $0x38;
	[tilespmem:$0x1CF00] =	vst v63  }
0x3b: {  	_ =	swait.ge [sflag:s26], $0x700  }
0x3c: {  	[sflag:s26] =	ssyncset.done $0x0  }
0x3d: {  	[sflag:s26] =	ssyncadd.s32 $0xFFFFF900  }
0x3e: {  	s15 =	simm.s32 $0x0;
	s11 =	simm.s32 $0x0;
	[bflag:$0x0] =	sbarrier.arrive $0xFFFF  }
.LBB2_4:
0x3f: {  	s16 =	sshll.u32 s15, $0x9  }
0x40: {  	s16 =	sadd.s32 s10, s16  }
0x41: {  	s17 =	sshrl.u32 s16, $0x3  }
0x42: {  	s16 =	sadd.s32 s5, s17  }
0x43: {  	[tilespmem:s11], [sflag:$0x3] =	stream.linear.gather [hbm4b:s16+s11], $0x200, $0x38;
	[tilespmem:$0x1CF00] =	vst v63  }
0x44: {  	_ =	swait.ge [sflag:s26], $0x200  }
0x45: {  	[sflag:s26] =	ssyncset.done $0x0  }
0x46: {  	s18 =	sadd.s32 s6, s17;
	s16 =	simm.s32 $0x200;
	[sflag:s26] =	ssyncadd.s32 $0xFFFFFE00  }
0x47: {  	[tilespmem:s16], [sflag:$0x3] =	stream.linear.gather [hbm4b:s18+s11], $0x200, $0x38;
	[tilespmem:$0x1CF00] =	vst v63  }
0x48: {  	_ =	swait.ge [sflag:s26], $0x200  }
0x49: {  	[sflag:s26] =	ssyncset.done $0x0  }
0x4a: {  	s17 =	sadd.s32 s7, s17;
	[sflag:s26] =	ssyncadd.s32 $0xFFFFFE00  }
0x4b: {  	[tilespmem:s28], [sflag:$0x3] =	stream.linear.gather [hbm4b:s17+s11], $0x200, $0x38;
	[tilespmem:$0x1CF00] =	vst v63  }
0x4c: {  	_ =	swait.ge [sflag:s26], $0x200  }
0x4d: {  	[sflag:s26] =	ssyncset.done $0x0  }
0x4e: {  	[sflag:s26] =	ssyncadd.s32 $0xFFFFFE00  }
0x4f: {  	[tilespmem:s25], [sflag:$0x1] =	stream.indirect.gather [hbm4b:s4+s29], $0x20, s11, s29, $0xb8;
	[tilespmem:$0x1CF00] =	vst v63  }
0x50: {  	_ = 	snop  }
0x51: {  	[tilespmem:s30], [sflag:$0x1] =	stream.indirect.gather [hbm4b:s4+s29], $0x20, s29, s29, $0xb8;
	[tilespmem:$0x1CF00] =	vst v63  }
0x52: {  	_ = 	snop  }
0x53: {  	[tilespmem:s0], [sflag:$0x1] =	stream.indirect.gather [hbm4b:s4+s29], $0x20, s31, s29, $0xb8;
	[tilespmem:$0x1CF00] =	vst v63  }
0x54: {  	_ = 	snop  }
0x55: {  	[tilespmem:s12], [sflag:$0x1] =	stream.indirect.gather [hbm4b:s4+s29], $0x20, s3, s29, $0xb8;
	[tilespmem:$0x1CF00] =	vst v63  }
0x56: {  	_ =	swait.ge [sflag:s13], $0x1000  }
0x57: {  	[sflag:s13] =	ssyncset.done $0x0  }
0x58: {  	[sflag:s13] =	ssyncadd.s32 $0xFFFFF000  }
0x59: {  	_ =	swait.ge [sflag:s13], $0x1000  }
0x5a: {  	[sflag:s13] =	ssyncset.done $0x0  }
0x5b: {  	[sflag:s13] =	ssyncadd.s32 $0xFFFFF000  }
0x5c: {  	_ =	swait.ge [sflag:s13], $0x1000  }
0x5d: {  	[sflag:s13] =	ssyncset.done $0x0  }
0x5e: {  	[sflag:s13] =	ssyncadd.s32 $0xFFFFF000  }
0x5f: {  	_ =	swait.ge [sflag:s13], $0x1000  }
0x60: {  	[sflag:s13] =	ssyncset.done $0x0  }
0x61: {  	[sflag:s13] =	ssyncadd.s32 $0xFFFFF000  }
0x62: {  	s18 =	simm.s32 $0x10;
	s17 =	simm.s32 $0x0;
	v19 =	vld [tilespmem:s16+$0x0]  }
.LBB2_5:
0x63: {  	p1 =	sne.s32 s18, $0x1F0;
	_ =	sdelay $0x3  }
.Ltmp1:
0x64: {  	vm0 =	vge.s32 v19, v0;
	vm1 =	vlt.s32 v19, v1;
	(pc) =	sbr.rel @p1 .LBB2_5-.Ltmp1, $4  }
0x65: {  	v19 =	vsub.s32 v19, v0;
	vm0 =	vmand vm0, vm1  }
0x66: {  	s19 =	sand.u32 $0x1F0, s17;
	s17 =	smov.u32 s18;
	v19 =	vnsel vm0, $0xC350, v19  }
0x67: {  	s16 =	sadd.s32 $0x10, s16;
	[tilespmem:s19+$0x600] =	vst v19  }
0x68: {  	s18 =	sadd.s32 $0x10, s18;
	v19 =	vld [tilespmem:s16+$0x0]  }
0x69: {  	_ =	sdelay $0x3  }
0x6a: {  	vm0 =	vge.s32 v19, v0;
	vm1 =	vlt.s32 v19, v1  }
0x6b: {  	v19 =	vsub.s32 v19, v0;
	vm0 =	vmand vm0, vm1  }
0x6c: {  	s16 =	sand.u32 $0x1F0, s17;
	v19 =	vnsel vm0, $0xC350, v19  }
0x6d: {  	[tilespmem:s16+$0x600] =	vst v19;
	s16 =	simm.s32 $0x900  }
0x6e: {  	v24 =	vld [tilespmem:s16+$0xFFFFFFA0]  }
0x6f: {  	v22 =	vld [tilespmem:s16+$0xFFFFFFF0]  }
0x70: {  	v19 =	vld [tilespmem:s16+$0xFFFFFF60]  }
0x71: {  	v25 =	vld [tilespmem:s16+$0xFFFFFFD0]  }
0x72: {  	v26 =	vld [tilespmem:s16+$0x80]  }
0x73: {  	v29 =	vld [tilespmem:s16+$0xFFFFFF10]  }
0x74: {  	v33 =	vld [tilespmem:s16+$0xE0]  }
0x75: {  	v28 =	vld [tilespmem:s16+$0xFFFFFF40]  }
0x76: {  	s19 =	simm.s32 $0x0;
	v20 =	vld [tilespmem:s16+$0xFFFFFF90]  }
0x77: {  	v21 =	vld [tilespmem:s19+$0x400]  }
0x78: {  	v27 =	vld [tilespmem:s16+$0xFFFFFFC0]  }
0x79: {  	v30 =	vld [tilespmem:s16+$0xFFFFFF00]  }
0x7a: {  	v31 =	vld [tilespmem:s16+$0xD0]  }
0x7b: {  	v40 =	vld [tilespmem:s16+$0xC0]  }
0x7c: {  	v38 =	vld [tilespmem:s16+$0x90];
	v36 =	vperm.xlane v21, v3;
	v23 =	vperm.xlane v21, v18  }
0x7d: {  	v39 =	vld [tilespmem:s16+$0xFFFFFF50];
	v37 =	vperm.xlane v21, v5;
	v35 =	vperm.xlane v21, v17  }
0x7e: {  	v34 =	vld [tilespmem:s16+$0xB0];
	v32 =	vperm.xlane v21, v15;
	v42 =	vmul.f32 v30, v36  }
0x7f: {  	s17 =	simm.s32 $0x40;
	s18 =	simm.s32 $0x900;
	v30 =	vperm.xlane v21, v16;
	v41 =	vmul.f32 v28, v37;
	v28 =	vld [tilespmem:s16+$0x60]  }
.LBB2_7:
0x80: {  	p1 =	sne.s32 s17, $0x7C0  }
0x81: {  	[tilespmem:s16+$0xFFFFFF00] =	vst v42;
	v42 =	vld [tilespmem:s16+$0xFFFFFFB0];
	v40 =	vmul.f32 v40, v35;
	v33 =	vmul.f32 v33, v23;
	s18 =	sadd.s32 $0x200, s18;
	s19 =	smov.u32 s17;
	s17 =	sadd.s32 $0x40, s17  }
0x82: {  	[tilespmem:s16+$0xFFFFFF40] =	vst v41;
	v41 =	vperm.xlane v21, v13;
	v38 =	vmul.f32 v38, v32;
	v43 =	vld [tilespmem:s16+$0xA0]  }
0x83: {  	v29 =	vmul.f32 v29, v36;
	v36 =	vmul.f32 v39, v37;
	v37 =	vld [tilespmem:s16+$0x70];
	[tilespmem:s16+$0xE0] =	vst v33  }
0x84: {  	v33 =	vperm.xlane v21, v8;
	v39 =	vld [tilespmem:s16+$0xFFFFFFE0];
	v34 =	vmul.f32 v34, v30;
	[tilespmem:s16+$0xC0] =	vst v40  }
0x85: {  	v31 =	vmul.f32 v31, v35;
	[tilespmem:s16+$0xFFFFFF10] =	vst v29;
	v29 =	vperm.xlane v21, v9;
	v40 =	vld [tilespmem:s16+$0x40]  }
0x86: {  	v44 =	vperm.xlane v21, v14;
	v24 =	vmul.f32 v24, v33;
	v35 =	vld [tilespmem:s16+$0xFFFFFF20];
	[tilespmem:s16+$0x90] =	vst v38  }
0x87: {  	[tilespmem:s16+$0xFFFFFF50] =	vst v36;
	v36 =	vperm.xlane v21, v12;
	v38 =	vld [tilespmem:s16+$0x20];
	v30 =	vmul.f32 v43, v30  }
0x88: {  	v33 =	vmul.f32 v42, v33;
	v42 =	vld [tilespmem:s16+$0x50];
	v37 =	vmul.f32 v37, v44;
	[tilespmem:s16+$0xD0] =	vst v31  }
0x89: {  	v26 =	vmul.f32 v26, v32;
	v31 =	vperm.xlane v21, v10;
	v43 =	vld [tilespmem:s16+$0x30];
	[tilespmem:s16+$0xA0] =	vst v30  }
0x8a: {  	v27 =	vmul.f32 v27, v29;
	v30 =	vperm.xlane v21, v6;
	v32 =	vld [tilespmem:s16+$0x0];
	[tilespmem:s16+$0x70] =	vst v37  }
0x8b: {  	v28 =	vmul.f32 v28, v44;
	v25 =	vmul.f32 v25, v29;
	v29 =	vld [tilespmem:s16+$0x10];
	[tilespmem:s16+$0x80] =	vst v26  }
0x8c: {  	v37 =	vperm.xlane v21, v11;
	v40 =	vmul.f32 v40, v41;
	v26 =	vld [tilespmem:s16+$0xFFFFFF30];
	[tilespmem:s16+$0xB0] =	vst v34  }
0x8d: {  	v34 =	vperm.xlane v21, v4;
	v44 =	vld [tilespmem:s16+$0xFFFFFF70];
	[tilespmem:s16+$0xFFFFFFD0] =	vst v25;
	v41 =	vmul.f32 v42, v41  }
0x8e: {  	v22 =	vmul.f32 v22, v31;
	v25 =	vmul.f32 v39, v31;
	[tilespmem:s16+$0xFFFFFFC0] =	vst v27;
	v27 =	vld [tilespmem:s16+$0xF0]  }
0x8f: {  	v39 =	vmul.f32 v43, v36;
	v31 =	vld [tilespmem:s16+$0xFFFFFF80];
	[tilespmem:s16+$0xFFFFFFA0] =	vst v24;
	v32 =	vmul.f32 v32, v37  }
0x90: {  	v24 =	vld [tilespmem:s18+$0xFFFFFFA0];
	[tilespmem:s16+$0xFFFFFFF0] =	vst v22;
	v37 =	vmul.f32 v29, v37;
	v29 =	vmul.f32 v38, v36  }
0x91: {  	v22 =	vmul.f32 v35, v34;
	v34 =	vmul.f32 v26, v34;
	[tilespmem:s16+$0x60] =	vst v28  }
0x92: {  	v19 =	vmul.f32 v19, v30;
	v26 =	vmul.f32 v44, v30;
	[tilespmem:s16+$0xFFFFFFB0] =	vst v33  }
0x93: {  	v21 =	vperm.xlane v21, v7;
	[tilespmem:s16+$0xFFFFFF20] =	vst v22;
	v22 =	vmul.f32 v27, v23  }
0x94: {  	[tilespmem:s16+$0xFFFFFF60] =	vst v19  }
0x95: {  	v23 =	vmul.f32 v31, v21;
	v19 =	vmul.f32 v20, v21;
	[tilespmem:s16+$0x40] =	vst v40  }
0x96: {  	[tilespmem:s16+$0xFFFFFFE0] =	vst v25  }
0x97: {  	[tilespmem:s16+$0xF0] =	vst v22  }
0x98: {  	[tilespmem:s16+$0xFFFFFF90] =	vst v19  }
0x99: {  	v22 =	vld [tilespmem:s18+$0xFFFFFFF0];
	[tilespmem:s16+$0xFFFFFF70] =	vst v26  }
0x9a: {  	v19 =	vld [tilespmem:s18+$0xFFFFFF60];
	[tilespmem:s16+$0x20] =	vst v29  }
0x9b: {  	v25 =	vld [tilespmem:s18+$0xFFFFFFD0];
	[tilespmem:s16+$0x30] =	vst v39  }
0x9c: {  	v26 =	vld [tilespmem:s18+$0x80];
	[tilespmem:s16+$0xFFFFFF80] =	vst v23  }
0x9d: {  	v29 =	vld [tilespmem:s18+$0xFFFFFF10];
	[tilespmem:s16+$0x50] =	vst v41  }
0x9e: {  	v33 =	vld [tilespmem:s18+$0xE0];
	[tilespmem:s16+$0x0] =	vst v32  }
0x9f: {  	v28 =	vld [tilespmem:s18+$0xFFFFFF40];
	[tilespmem:s16+$0xFFFFFF30] =	vst v34  }
0xa0: {  	s19 =	sshra.s32 s19, $0x2;
	v20 =	vld [tilespmem:s18+$0xFFFFFF90];
	[tilespmem:s16+$0x10] =	vst v37;
	s16 =	smov.u32 s18  }
0xa1: {  	v21 =	vld [tilespmem:s19+$0x400]  }
0xa2: {  	v27 =	vld [tilespmem:s18+$0xFFFFFFC0]  }
0xa3: {  	v30 =	vld [tilespmem:s18+$0xFFFFFF00]  }
0xa4: {  	v31 =	vld [tilespmem:s18+$0xD0]  }
.Ltmp2:
0xa5: {  	v40 =	vld [tilespmem:s18+$0xC0];
	(pc) =	sbr.rel @p1 .LBB2_7-.Ltmp2, $4  }
0xa6: {  	v36 =	vperm.xlane v21, v3;
	v38 =	vld [tilespmem:s18+$0x90];
	v23 =	vperm.xlane v21, v18  }
0xa7: {  	v37 =	vperm.xlane v21, v5;
	v35 =	vperm.xlane v21, v17;
	v39 =	vld [tilespmem:s18+$0xFFFFFF50]  }
0xa8: {  	v42 =	vmul.f32 v30, v36;
	v30 =	vperm.xlane v21, v16;
	v34 =	vld [tilespmem:s18+$0xB0]  }
0xa9: {  	v32 =	vperm.xlane v21, v15;
	v41 =	vmul.f32 v28, v37;
	v28 =	vld [tilespmem:s18+$0x60]  }
0xaa: {  	[tilespmem:s16+$0xFFFFFF00] =	vst v42;
	v33 =	vmul.f32 v33, v23  }
0xab: {  	v40 =	vmul.f32 v40, v35;
	[tilespmem:s16+$0xFFFFFF40] =	vst v41  }
0xac: {  	v29 =	vmul.f32 v29, v36;
	[tilespmem:s16+$0xE0] =	vst v33  }
0xad: {  	v56 =	vmul.f32 v31, v35;
	[tilespmem:s16+$0xC0] =	vst v40  }
0xae: {  	v54 =	vmul.f32 v38, v32;
	[tilespmem:s16+$0xFFFFFF10] =	vst v29  }
0xaf: {  	v62 =	vperm.xlane v21, v9;
	v26 =	vmul.f32 v26, v32;
	[tilespmem:s16+$0xD0] =	vst v56  }
0xb0: {  	v37 =	vmul.f32 v39, v37;
	[tilespmem:s16+$0x90] =	vst v54  }
0xb1: {  	v44 =	vperm.xlane v21, v8;
	v25 =	vmul.f32 v25, v62;
	[tilespmem:s16+$0x80] =	vst v26  }
0xb2: {  	v52 =	vld [tilespmem:s16+$0xA0];
	v46 =	vperm.xlane v21, v10;
	v27 =	vmul.f32 v27, v62;
	[tilespmem:s16+$0xFFFFFF50] =	vst v37  }
0xb3: {  	v53 =	vld [tilespmem:s16+$0x70];
	v24 =	vmul.f32 v24, v44;
	[tilespmem:s16+$0xFFFFFFD0] =	vst v25  }
0xb4: {  	v55 =	vld [tilespmem:s16+$0xFFFFFFB0];
	v58 =	vperm.xlane v21, v14;
	v22 =	vmul.f32 v22, v46;
	[tilespmem:s16+$0xFFFFFFC0] =	vst v27  }
0xb5: {  	v57 =	vld [tilespmem:s16+$0xFFFFFF20];
	v42 =	vmul.f32 v34, v30;
	[tilespmem:s16+$0xFFFFFFA0] =	vst v24  }
0xb6: {  	v59 =	vld [tilespmem:s16+$0xFFFFFFE0];
	v28 =	vmul.f32 v28, v58;
	[tilespmem:s16+$0xFFFFFFF0] =	vst v22  }
0xb7: {  	v60 =	vmul.f32 v52, v30;
	[tilespmem:s16+$0xB0] =	vst v42  }
0xb8: {  	v61 =	vld [tilespmem:s16+$0x40];
	v51 =	vperm.xlane v21, v4;
	v36 =	vmul.f32 v53, v58;
	[tilespmem:s16+$0x60] =	vst v28  }
0xb9: {  	v52 =	vmul.f32 v55, v44;
	[tilespmem:s16+$0xA0] =	vst v60  }
0xba: {  	v48 =	vld [tilespmem:s16+$0xFFFFFF70];
	v53 =	vperm.xlane v21, v6;
	v31 =	vmul.f32 v57, v51;
	[tilespmem:s16+$0x70] =	vst v36  }
0xbb: {  	v49 =	vld [tilespmem:s16+$0xFFFFFF80];
	v55 =	vperm.xlane v21, v13;
	v26 =	vmul.f32 v59, v46;
	[tilespmem:s16+$0xFFFFFFB0] =	vst v52  }
0xbc: {  	v54 =	vld [tilespmem:s16+$0xF0];
	v58 =	vperm.xlane v21, v7;
	v19 =	vmul.f32 v19, v53;
	[tilespmem:s16+$0xFFFFFF20] =	vst v31  }
0xbd: {  	v45 =	vld [tilespmem:s16+$0x30];
	v57 =	vmul.f32 v61, v55;
	[tilespmem:s16+$0xFFFFFFE0] =	vst v26  }
0xbe: {  	v43 =	vld [tilespmem:s16+$0x20];
	v20 =	vmul.f32 v20, v58;
	[tilespmem:s16+$0xFFFFFF60] =	vst v19  }
0xbf: {  	v47 =	vld [tilespmem:s16+$0x0];
	v60 =	vmul.f32 v48, v53;
	[tilespmem:s16+$0x40] =	vst v57  }
0xc0: {  	v63 =	vld [tilespmem:s16+$0x50];
	v59 =	vperm.xlane v21, v12;
	v62 =	vmul.f32 v49, v58;
	[tilespmem:s16+$0xFFFFFF90] =	vst v20  }
0xc1: {  	v56 =	vld [tilespmem:s16+$0xFFFFFF30];
	v19 =	vmul.f32 v54, v23;
	[tilespmem:s16+$0xFFFFFF70] =	vst v60  }
0xc2: {  	v50 =	vld [tilespmem:s16+$0x10];
	v61 =	vperm.xlane v21, v11;
	v20 =	vmul.f32 v45, v59;
	[tilespmem:s16+$0xFFFFFF80] =	vst v62  }
0xc3: {  	[tilespmem:s16+$0xF0] =	vst v19;
	v19 =	vmul.f32 v43, v59  }
0xc4: {  	[tilespmem:s16+$0x30] =	vst v20;
	v20 =	vmul.f32 v47, v61  }
0xc5: {  	[tilespmem:s16+$0x20] =	vst v19;
	v19 =	vmul.f32 v63, v55  }
0xc6: {  	v63 =	vmul.f32 v56, v51;
	[tilespmem:s16+$0x0] =	vst v20  }
0xc7: {  	[tilespmem:s16+$0x50] =	vst v19;
	v19 =	vmul.f32 v50, v61  }
0xc8: {  	[tilespmem:s16+$0xFFFFFF30] =	vst v63  }
0xc9: {  	[tilespmem:s16+$0x10] =	vst v19  }
0xca: {  	[spmem:s1] =	stream.indirect.scatter.add.f32 [tilespmem:s25], [sflag:$0x2], $0x20, s14, s29, $0xb8;
	[tilespmem:$0x1CF00] =	vst v63  }
0xcb: {  	_ = 	snop  }
0xcc: {  	[spmem:s1] =	stream.indirect.scatter.add.f32 [tilespmem:s30], [sflag:$0x2], $0x20, s20, s29, $0xb8;
	[tilespmem:$0x1CF00] =	vst v63  }
0xcd: {  	_ = 	snop  }
0xce: {  	[spmem:s1] =	stream.indirect.scatter.add.f32 [tilespmem:s0], [sflag:$0x2], $0x20, s21, s29, $0xb8;
	[tilespmem:$0x1CF00] =	vst v63  }
0xcf: {  	_ = 	snop  }
0xd0: {  	[spmem:s1] =	stream.indirect.scatter.add.f32 [tilespmem:s12], [sflag:$0x2], $0x20, s22, s29, $0xb8;
	[tilespmem:$0x1CF00] =	vst v63  }
0xd1: {  	_ =	swait.ge [sflag:s23], $0x1000  }
0xd2: {  	[sflag:s23] =	ssyncset.done $0x0  }
0xd3: {  	[sflag:s23] =	ssyncadd.s32 $0xFFFFF000  }
0xd4: {  	_ =	swait.ge [sflag:s23], $0x1000  }
0xd5: {  	[sflag:s23] =	ssyncset.done $0x0  }
0xd6: {  	s15 =	sadd.s32 $0x1, s15;
	[sflag:s23] =	ssyncadd.s32 $0xFFFFF000  }
0xd7: {  	p1 =	sne.s32 s15, $0xC4;
	_ =	swait.ge [sflag:s23], $0x1000  }
.Ltmp3:
0xd8: {  	[sflag:s23] =	ssyncset.done $0x0;
	(pc) =	sbr.rel @p1 .LBB2_4-.Ltmp3, $4  }
0xd9: {  	[sflag:s23] =	ssyncadd.s32 $0xFFFFF000  }
0xda: {  	_ =	swait.ge [sflag:s23], $0x1000  }
0xdb: {  	[sflag:s23] =	ssyncset.done $0x0  }
0xdc: {  	[sflag:s23] =	ssyncadd.s32 $0xFFFFF000  }
0xdd: {  	[bflag:$0x0] =	sbarrier.arrive $0xFFFF  }
0xde: {  	[tilespmem:s25], [sflag:$0x3] =	stream.linear.gather [spmem:s8], $0x4000, $0x38;
	[tilespmem:$0x1CF00] =	vst v63  }
0xdf: {  	_ =	swait.ge [sflag:s26], $0x4000  }
0xe0: {  	[sflag:s26] =	ssyncset.done $0x0  }
0xe1: {  	s11 =	rddreg [dreg:$0x3];
	[sflag:s26] =	ssyncadd.s32 $0xFFFFC000  }
0xe2: {  	[hbm4b:s11+s2] =	stream.linear.scatter [tilespmem:s25], [sflag:$0x3], $0x4000, $0x38;
	[tilespmem:$0x1CF00] =	vst v63  }
0xe3: {  	_ =	swait.ge [sflag:s26], $0x4000  }
0xe4: {  	[sflag:s26] =	ssyncset.done $0x0  }
0xe5: {  	s18 =	rddreg [dreg:$0x7];
	[sflag:s26] =	ssyncadd.s32 $0xFFFFC000  }
0xe6: {  	[tilespmem:s25], [sflag:$0x3] =	stream.linear.gather [spmem:s18], $0x4000, $0x38;
	[tilespmem:$0x1CF00] =	vst v63  }
0xe7: {  	_ =	swait.ge [sflag:s26], $0x4000  }
0xe8: {  	[sflag:s26] =	ssyncset.done $0x0  }
0xe9: {  	s16 =	rddreg [dreg:$0xc];
	[sflag:s26] =	ssyncadd.s32 $0xFFFFC000  }
0xea: {  	[hbm4b:s16+s2] =	stream.linear.scatter [tilespmem:s25], [sflag:$0x3], $0x4000, $0x38;
	[tilespmem:$0x1CF00] =	vst v63  }
0xeb: {  	_ =	swait.ge [sflag:s26], $0x4000  }
0xec: {  	[sflag:s26] =	ssyncset.done $0x0  }
0xed: {  	s17 =	rddreg [dreg:$0x8];
	[sflag:s26] =	ssyncadd.s32 $0xFFFFC000  }
0xee: {  	[tilespmem:s25], [sflag:$0x3] =	stream.linear.gather [spmem:s17], $0x4000, $0x38;
	[tilespmem:$0x1CF00] =	vst v63  }
0xef: {  	_ =	swait.ge [sflag:s26], $0x4000  }
0xf0: {  	[sflag:s26] =	ssyncset.done $0x0  }
0xf1: {  	s11 =	rddreg [dreg:$0xd];
	[sflag:s26] =	ssyncadd.s32 $0xFFFFC000  }
0xf2: {  	[hbm4b:s11+s2] =	stream.linear.scatter [tilespmem:s25], [sflag:$0x3], $0x4000, $0x38;
	[tilespmem:$0x1CF00] =	vst v63  }
0xf3: {  	_ =	swait.ge [sflag:s26], $0x4000  }
0xf4: {  	[sflag:s26] =	ssyncset.done $0x0  }
0xf5: {  	s15 =	rddreg [dreg:$0x9];
	[sflag:s26] =	ssyncadd.s32 $0xFFFFC000  }
0xf6: {  	[tilespmem:s25], [sflag:$0x3] =	stream.linear.gather [spmem:s15], $0x4000, $0x38;
	[tilespmem:$0x1CF00] =	vst v63  }
0xf7: {  	_ =	swait.ge [sflag:s26], $0x4000  }
0xf8: {  	[sflag:s26] =	ssyncset.done $0x0  }
0xf9: {  	s16 =	rddreg [dreg:$0xe];
	[sflag:s26] =	ssyncadd.s32 $0xFFFFC000  }
0xfa: {  	[hbm4b:s16+s2] =	stream.linear.scatter [tilespmem:s25], [sflag:$0x3], $0x4000, $0x38;
	[tilespmem:$0x1CF00] =	vst v63  }
0xfb: {  	_ =	swait.ge [sflag:s26], $0x4000  }
0xfc: {  	[sflag:s26] =	ssyncset.done $0x0  }
0xfd: {  	s17 =	rddreg [dreg:$0xa];
	[sflag:s26] =	ssyncadd.s32 $0xFFFFC000  }
0xfe: {  	[tilespmem:s25], [sflag:$0x3] =	stream.linear.gather [spmem:s17], $0x4000, $0x38;
	[tilespmem:$0x1CF00] =	vst v63  }
0xff: {  	_ =	swait.ge [sflag:s26], $0x4000  }
0x100: {  	[sflag:s26] =	ssyncset.done $0x0  }
0x101: {  	s11 =	rddreg [dreg:$0xf];
	[sflag:s26] =	ssyncadd.s32 $0xFFFFC000  }
0x102: {  	[hbm4b:s11+s2] =	stream.linear.scatter [tilespmem:s25], [sflag:$0x3], $0x4000, $0x38;
	[tilespmem:$0x1CF00] =	vst v63  }
0x103: {  	_ =	swait.ge [sflag:s26], $0x4000  }
0x104: {  	[sflag:s26] =	ssyncset.done $0x0  }
0x105: {  	s15 =	rddreg [dreg:$0xb];
	[sflag:s26] =	ssyncadd.s32 $0xFFFFC000  }
0x106: {  	[tilespmem:s25], [sflag:$0x3] =	stream.linear.gather [spmem:s15], $0x4000, $0x38;
	[tilespmem:$0x1CF00] =	vst v63  }
0x107: {  	_ =	swait.ge [sflag:s26], $0x4000  }
0x108: {  	[sflag:s26] =	ssyncset.done $0x0  }
0x109: {  	s16 =	rddreg [dreg:$0x10];
	[sflag:s26] =	ssyncadd.s32 $0xFFFFC000  }
0x10a: {  	[hbm4b:s16+s2] =	stream.linear.scatter [tilespmem:s25], [sflag:$0x3], $0x4000, $0x38;
	[tilespmem:$0x1CF00] =	vst v63  }
0x10b: {  	_ =	swait.ge [sflag:s26], $0x4000  }
0x10c: {  	[sflag:s26] =	ssyncset.done $0x0  }
0x10d: {  	s11 =	simm.s32 @p0 $0x800;
	s15 =	simm.s32 @p0 $0x3;
	[sflag:s26] =	ssyncadd.s32 $0xFFFFC000  }
0x10e: {  	[tilespmem:s11], [sflag:$0x3] =	stream.linear.gather @p0 [spmem:s9], $0x100, $0x38;
	[tilespmem:$0x1CF00] =	vst v63  }
0x10f: {  	_ =	swait.ge @p0 [sflag:s15], $0x100  }
0x110: {  	[sflag:s15] =	ssyncset.done @p0 $0x0  }
0x111: {  	s16 =	simm.s32 @p0 $0x0;
	s17 =	rddreg [dreg:$0x5];
	[sflag:s15] =	ssyncadd.s32 @p0 $0xFFFFFF00  }
0x112: {  	[hbm4b:s17+s16] =	stream.linear.scatter @p0 [tilespmem:s11], [sflag:$0x3], $0x100, $0x38;
	[tilespmem:$0x1CF00] =	vst v63  }
0x113: {  	_ =	swait.ge @p0 [sflag:s15], $0x100  }
0x114: {  	[sflag:s15] =	ssyncset.done @p0 $0x0  }
0x115: {  	s11 =	simm.s32 @!p0 $0x800;
	[sflag:s15] =	ssyncadd.s32 @p0 $0xFFFFFF00;
	s15 =	simm.s32 @!p0 $0x3  }
0x116: {  	[tilespmem:s11], [sflag:$0x3] =	stream.linear.gather @!p0 [spmem:s9], $0x700, $0x38;
	[tilespmem:$0x1CF00] =	vst v63  }
0x117: {  	_ =	swait.ge @!p0 [sflag:s15], $0x700  }
0x118: {  	[sflag:s15] =	ssyncset.done @!p0 $0x0  }
0x119: {  	s16 =	simm.s32 @!p0 $0x0;
	s17 =	rddreg [dreg:$0x4];
	[sflag:s15] =	ssyncadd.s32 @!p0 $0xFFFFF900  }
0x11a: {  	[hbm4b:s17+s16] =	stream.linear.scatter @!p0 [tilespmem:s11], [sflag:$0x3], $0x700, $0x38;
	[tilespmem:$0x1CF00] =	vst v63  }
0x11b: {  	_ =	swait.ge @!p0 [sflag:s15], $0x700  }
0x11c: {  	s24 =	sadd.s32 $0x1, s24;
	s17 =	rddreg [dreg:$0x6]  }
0x11d: {  	p1 =	sne.s32 s24, s17  }
.Ltmp4:
0x11e: {  	_ = 	snop;
	(pc) =	sbr.rel @p1 .LBB2_1-.Ltmp4, $3  }
0x11f: {  	_ =	sdelay $0x1  }
0x120: {  	[sflag:s15] =	ssyncset.done @!p0 $0x0  }
0x121: {  	s19 =	smov.u32 s8;
	[sflag:s15] =	ssyncadd.s32 @!p0 $0xFFFFF900  }
0x122: {  	_ =	sfence.sel $0x180000  }
0x123: {  	[bflag:$0x0] =	sbarrier.arrive $0xFFFF  }
0x124: {  	_ =	strace $0x90000047  }
0x125: {  	s0 =	stileid.u32;
	[bflag:$0x2] =	sbarrier.arrive $0xFFFF  }
0x126: {  	p0 =	sne.s32 s0, $0x0;
	s0 =	rddreg [dreg:$0x2]  }
0x127: {  	s0 =	sadd.s32 @!p0 $0x100000, s0  }
0x128: {  	[sflag:s0] =	ssyncadd.tile.s32 @!p0 $0x1;
	_ =	shalt  }
.Lfunc_end2:
_tile_overlayer_lowered:
.L_overlay_start_2:
0x129: {  	(tag) =	ssettag $0x2  }
0x12a: {  	s0 =	rddreg [dreg:$0x0];
	s2 =	stileid.u32  }
0x12b: {  	s1 =	rddreg [dreg:$0x1];
	p0 =	sne.s32 s2, $0x0  }
0x12c: {  	s3 =	rddreg [dreg:$0x2];
	[bflag:$0x3] =	sbarrier.arrive $0xFFFF;
	s2 =	simm.s32 @!p0 $0x1C03  }
0x12d: {  	[timem:s3], [sflag:s2] =	dma.local @!p0 [hbm:s0], s1  }
0x12e: {  	s0 =	simm.s32 @!p0 $0x3  }
0x12f: {  	_ =	swait.ge @!p0 [sflag:s0], s1  }
0x130: {  	s1 =	ssub.s32 @!p0 $0x0, s1;
	[sflag:s0] =	ssyncset.done @!p0 $0x0  }
0x131: {  	[sflag:s0] =	ssyncadd.s32 @!p0 s1  }
0x132: {  	[bflag:$0x3] =	sbarrier.arrive $0xFFFF  }
0x133: {  	_ =	shalt  }

// kernel: kernel.9.cloned.1.call-start
scs
__scs_entry_jumppad:
0x0: {  	(pc) =	sbr.rel $0x88, $3  }
0x1: {  	(tag) =	ssettag $0x0;
	lr =	simm.s32 $0x1  }
0x2: {  	[smem:$0x3F9D] =	sst lr;
	_ =	strace $0xD0000000  }
0x3: {  	_ = 	snop  }
0x4: {  	_ = 	snop  }
0x5: {  	_ = 	snop  }
0x6: {  	_ = 	snop  }
0x7: {  	_ = 	snop  }
__scs_overlays_trampoline_lowered:
0x8: {  	[smem:$0x3FAC] =	sst s0  }
0x9: {  	[smem:$0x3FAD] =	sst s1  }
0xa: {  	[smem:$0x3FAE] =	sst s2  }
0xb: {  	[smem:$0x3FAF] =	sst s3  }
0xc: {  	[smem:$0x3FB0] =	sst s4  }
0xd: {  	[smem:$0x3FB1] =	sst s5  }
0xe: {  	[smem:$0x3FB2] =	sst s6  }
0xf: {  	[smem:$0x3FB3] =	sst s7  }
0x10: {  	[smem:$0x3FB4] =	sst s8  }
0x11: {  	[smem:$0x3FB5] =	sst s9;
	s0 =	simm.s32 @!p0 $0x0  }
0x12: {  	s1 =	sld [smem:$0x3F9B];
	s0 =	simm.s32 @p0 $0x1  }
0x13: {  	[smem:$0x3FB6] =	sst s0;
	s0 =	simm.s32 @!p1 $0x0  }
0x14: {  	s2 =	sld [smem:$0x3F9A];
	s0 =	simm.s32 @p1 $0x1  }
0x15: {  	[smem:$0x3FB7] =	sst s0;
	s0 =	simm.s32 @!p2 $0x0  }
0x16: {  	s3 =	sld [smem:$0x3FDB];
	s0 =	simm.s32 @p2 $0x1  }
0x17: {  	s4 =	simm.s32 $0x1BF5;
	[smem:$0x3FB9] =	sst s0  }
0x18: {  	s0 =	sld [smem:$0x3F9C];
	_ =	swait.ge [sflag:s4], $0x0  }
0x19: {  	s7 =	sld [smem:$0x3F9D]  }
0x1a: {  	s8 =	sadd.s32 $0xFFFFE003, lr  }
0x1b: {  	s9 =	sadd.s32 $0xFFFFFEF7, lr;
	s5 =	simm.s32 $0xFFFFFFFF;
	p2 =	slt.u32 s8, $0xFFFFF086  }
0x1c: {  	p1 =	slt.u32 s9, $0xF7A;
	s5 =	simm.s32 @!p2 $0x0  }
0x1d: {  	s5 =	simm.s32 @p1 $0x1;
	p0 =	seq.s32 s7, s2  }
0x1e: {  	s7 =	smul.u32 @!p0 $0xF7A, s2;
	p2 =	seq.s32 @!p0 s5, $0x0  }
0x1f: {  	s9 =	smul.u32 $0xF7A, s1;
	s8 =	simm.s32 @!p0 $0x1BF5;
	p2 =	por !p2, p0  }
0x20: {  	[sflag:s8] =	ssyncset.s32 @!p0 $0xFFFFF086;
	s6 =	sadd.s32 @!p0 s3, s7;
	s7 =	simm.s32 @!p0 $0x108  }
0x21: {  	s3 =	sadd.s32 s3, s9;
	s6 =	sadd.s32 @!p0 $0x88, s6;
	s7 =	simm.s32 @p2 $0x1082  }
0x22: {  	[simem:s7], [sflag:s8] =	dma.local @!p0 [hbm:s6], $0xF7A  }
0x23: {  	s9 =	sor.u32 $0xD0000000, s2;
	s6 =	simm.s32 $0x108;
	_ =	swait.ge @!p0 [sflag:s8], $0x0  }
0x24: {  	s3 =	sadd.s32 $0x88, s3;
	s6 =	simm.s32 @!p1 $0x1082;
	[sflag:s4] =	ssyncset.s32 $0xFFFFF086  }
0x25: {  	[simem:s6], [sflag:s4] =	dma.local [hbm:s3], $0xF7A  }
0x26: {  	[smem:$0x3F9D] =	sst s1;
	(tag) =	ssettag s2;
	_ =	strace s9  }
0x27: {  	s1 =	sld [smem:$0x3FAD]  }
0x28: {  	s2 =	sld [smem:$0x3FAE]  }
0x29: {  	s4 =	sld [smem:$0x3FB0]  }
0x2a: {  	p0 =	seq.s32 s5, $0x0;
	s5 =	sld [smem:$0x3FB1]  }
0x2b: {  	s6 =	sld [smem:$0x3FB2]  }
0x2c: {  	s7 =	sld [smem:$0x3FB3]  }
0x2d: {  	s3 =	simm.s32 $0x108;
	s8 =	sld [smem:$0x3FB4]  }
0x2e: {  	s3 =	simm.s32 @!p0 $0x1082;
	s9 =	sld [smem:$0x3FB5]  }
0x2f: {  	lr =	sadd.s32 s0, s3;
	s0 =	sld [smem:$0x3FAC]  }
0x30: {  	s3 =	sld [smem:$0x3FAF]  }
0x31: {  	[smem:$0x3FB8] =	sst s10  }
0x32: {  	s10 =	sld [smem:$0x3FB6];
	_ =	sdelay $0x3  }
0x33: {  	p0 =	seq.s32 s10, $0x1;
	s10 =	sld [smem:$0x3FB8];
	_ =	sdelay $0x3  }
0x34: {  	[smem:$0x3FB8] =	sst s10  }
0x35: {  	s10 =	sld [smem:$0x3FB7];
	_ =	sdelay $0x3  }
0x36: {  	p1 =	seq.s32 s10, $0x1;
	s10 =	sld [smem:$0x3FB8];
	_ =	sdelay $0x3  }
0x37: {  	[smem:$0x3FB8] =	sst s10  }
0x38: {  	s10 =	sld [smem:$0x3FB9]  }
0x39: {  	_ = 	snop;
	(pc) =	sbr.ind lr, $3  }
0x3a: {  	_ = 	snop  }
0x3b: {  	_ = 	snop  }
0x3c: {  	p2 =	seq.s32 s10, $0x1;
	s10 =	sld [smem:$0x3FB8]  }
0x3d: {  	_ =	shalt  }
0x3e: {  	_ =	shalt  }
0x3f: {  	_ =	shalt  }
0x40: {  	_ =	shalt  }
0x41: {  	_ =	shalt  }
0x42: {  	_ =	shalt  }
0x43: {  	_ =	shalt  }
0x44: {  	_ =	shalt  }
0x45: {  	_ =	shalt  }
0x46: {  	_ =	shalt  }
0x47: {  	_ =	shalt  }
0x48: {  	_ =	shalt  }
0x49: {  	_ =	shalt  }
0x4a: {  	_ =	shalt  }
0x4b: {  	_ =	shalt  }
0x4c: {  	_ =	shalt  }
0x4d: {  	_ =	shalt  }
0x4e: {  	_ =	shalt  }
0x4f: {  	_ =	shalt  }
0x50: {  	_ =	shalt  }
0x51: {  	_ =	shalt  }
0x52: {  	_ =	shalt  }
0x53: {  	_ =	shalt  }
0x54: {  	_ =	shalt  }
0x55: {  	_ =	shalt  }
0x56: {  	_ =	shalt  }
0x57: {  	_ =	shalt  }
0x58: {  	_ =	shalt  }
0x59: {  	_ =	shalt  }
0x5a: {  	_ =	shalt  }
0x5b: {  	_ =	shalt  }
0x5c: {  	_ =	shalt  }
0x5d: {  	_ =	shalt  }
0x5e: {  	_ =	shalt  }
0x5f: {  	_ =	shalt  }
0x60: {  	_ =	shalt  }
0x61: {  	_ =	shalt  }
0x62: {  	_ =	shalt  }
0x63: {  	_ =	shalt  }
0x64: {  	_ =	shalt  }
0x65: {  	_ =	shalt  }
0x66: {  	_ =	shalt  }
0x67: {  	_ =	shalt  }
0x68: {  	_ =	shalt  }
0x69: {  	_ =	shalt  }
0x6a: {  	_ =	shalt  }
0x6b: {  	_ =	shalt  }
0x6c: {  	_ =	shalt  }
0x6d: {  	_ =	shalt  }
0x6e: {  	_ =	shalt  }
0x6f: {  	_ =	shalt  }
0x70: {  	_ =	shalt  }
0x71: {  	_ =	shalt  }
0x72: {  	_ =	shalt  }
0x73: {  	_ =	shalt  }
0x74: {  	_ =	shalt  }
0x75: {  	_ =	shalt  }
0x76: {  	_ =	shalt  }
0x77: {  	_ =	shalt  }
0x78: {  	_ =	shalt  }
0x79: {  	_ =	shalt  }
0x7a: {  	_ =	shalt  }
0x7b: {  	_ =	shalt  }
0x7c: {  	_ =	shalt  }
0x7d: {  	_ =	shalt  }
0x7e: {  	_ =	shalt  }
0x7f: {  	_ =	shalt  }
0x80: {  	_ =	shalt  }
0x81: {  	_ =	shalt  }
0x82: {  	_ =	shalt  }
0x83: {  	_ =	shalt  }
0x84: {  	_ =	shalt  }
0x85: {  	_ =	shalt  }
0x86: {  	_ =	shalt  }
0x87: {  	_ =	shalt  }
.Lfunc_end0:
.L_simem_size_0:
called_computation.1_lowered:
.L_overlay_start_0:
0x88: {  	s2 =	sld [smem:$0x3FD9]  }
0x89: {  	s3 =	sld [smem:$0x3FFE];
	_ =	sdelay $0x1  }
0x8a: {  	s1 =	srdreg.scid  }
0x8b: {  	s0 =	sand.u32 $0x1, s1  }
0x8c: {  	s16 =	sshll.u32 s0, $0xA;
	s2 =	sadd.s32 s3, s2  }
0x8d: {  	s2 =	sadd.s32 s2, s16  }
0x8e: {  	[smem:$0x3FC4] =	sst s2  }
0x8f: {  	_ = 	snop  }
0x90: {  	(tm) =	ssettm $0x1  }
0x91: {  	s17 =	sld [smem:$0x3FFB];
	_ =	sdelay $0x3  }
0x92: {  	_ =	strace s17  }
0x93: {  	s2 =	sld [smem:$0x3FFC];
	_ =	sdelay $0x3  }
0x94: {  	_ =	strace s2  }
0x95: {  	s2 =	sld [smem:$0x3FFD];
	_ =	sdelay $0x3  }
0x96: {  	_ =	strace s2  }
0x97: {  	_ =	strace $0x8FFFFFFF  }
0x98: {  	s18 =	sld [smem:$0x3FDB];
	_ =	sdelay $0x1  }
0x99: {  	s19 =	simm.s32 $_scs_section_size  }
0x9a: {  	s4 =	simm.s32 $_size__tile_overlayer_lowered;
	s5 =	simm.s32 $_tile_overlayer_lowered  }
0x9b: {  	s22 =	simm.s32 $0x1BFF;
	s21 =	sshll.u32 s5, $0x1;
	s2 =	sadd.s32 s19, s18  }
0x9c: {  	s6 =	simm.s32 $0x0;
	s20 =	sshll.u32 s4, $0x1;
	s4 =	sadd.s32 s21, s2  }
0x9d: {  	[timem:s6], [sflag:s22] =	dma.local [hbm:s4], s20  }
0x9e: {  	_ =	swait.ge [sflag:s22], s20  }
0x9f: {  	s3 =	ssub.s32 $0x0, s20;
	[sflag:s22] =	ssyncset.done $0x0  }
0xa0: {  	[sflag:s22] =	ssyncadd.s32 s3;
	_ =	sdelay $0x1  }
0xa1: {  	s23 =	simm.s32 $0x1B8B  }
0xa2: {  	_ =	swait.ge [sflag:s23], $0x1  }
0xa3: {  	[sflag:s23] =	ssyncset.done $0x0  }
0xa4: {  	s25 =	simm.s32 $0x1B8E;
	s24 =	sld [smem:$0x3FFE];
	[sflag:s23] =	ssyncadd.s32 $0xFFFFFFFF  }
0xa5: {  	s26 =	simm.s32 $execute0_lowered;
	[smem:$0x3FD2] =	sst s25  }
0xa6: {  	s4 =	sshll.u32 s26, $0x1;
	_ =	strace $0x80000049;
	[dreg:$0x1] =	wrdreg $0xFFFFFFFF  }
0xa7: {  	s28 =	simm.s32 $_size_execute0_lowered;
	s2 =	sadd.s32 s2, s4;
	[dreg:$0x0] =	wrdreg $0x0  }
0xa8: {  	s4 =	sshll.u32 s28, $0x1;
	[dreg:$0x2] =	wrdreg s2  }
0xa9: {  	[dreg:$0x3] =	wrdreg s4  }
0xaa: {  	[dreg:$0x4] =	wrdreg $0xC0  }
0xab: {  	_ =	task [dreg:s6], $0x5FFFF  }
0xac: {  	[dreg:$0x1] =	wrdreg $0xFFFFFFFF  }
0xad: {  	[dreg:$0x0] =	wrdreg $0x60  }
0xae: {  	[dreg:$0x2] =	wrdreg s24  }
0xaf: {  	[dreg:$0x3] =	wrdreg $0x48000  }
0xb0: {  	[dreg:$0x4] =	wrdreg $0x9  }
0xb1: {  	_ =	task.clear_ibuf [dreg:s6], $0x5FFFF;
	_ =	strace $0x90000049  }
0xb2: {  	s29 =	simm.s32 $0x9;
	_ =	strace $0x8000004B  }
0xb3: {  	_ =	swait.ge [sflag:s29], $0x1  }
0xb4: {  	[sflag:s29] =	ssyncadd.s32 $0xFFFFFFFF  }
0xb5: {  	_ =	strace $0x9000004B  }
0xb6: {  	_ =	sfence  }
0xb7: {  	s30 =	sld [smem:$0x0];
	_ =	sdelay $0x2  }
0xb8: {  	s31 =	sshll.u32 s1, $0xD;
	s1 =	sshrl.u32 s1, $0x2  }
0xb9: {  	s3 =	sand.u32 $0x4000, s31;
	s1 =	sadd.s32 s1, s30  }
0xba: {  	s0 =	sor.u32 s3, s0;
	s1 =	sshll.u32 s1, $0x11  }
0xbb: {  	s0 =	sor.u32 s1, s0  }
0xbc: {  	s0 =	sadd.s32 $0x8F2B, s0  }
0xbd: {  	[sflag:s0] =	ssyncadd.remote.s32 $0x1  }
0xbe: {  	_ =	sfence.sel $0xFFFF  }
0xbf: {  	[dreg:$0x0] =	wrdreg $0xFFFFFFFF;
	(pc) =	sbr.abs _section_cstart, $3  }
0xc0: {  	[dreg:$0x1] =	wrdreg $0xFFFFFFFF  }
0xc1: {  	_ =	task.clear_ibuf [dreg:s6], $0x2FFFF;
	_ =	strace $0x9FFFFFFF  }
0xc2: {  	(tm) =	ssettm $0x7FFFFFFF  }
0xc3: {  	_ =	shalt  }
tec
execute0_lowered:
.L_overlay_start_1:
0x0: {  	(tag) =	ssettag $0x1  }
0x1: {  	s0 =	rddreg [dreg:$0x0]  }
0x2: {  	s1 =	rddreg [dreg:$0x1]  }
0x3: {  	s2 =	simm.s32 $0x0;
	s3 =	srdreg.scid;
	s15 =	stileid.u32  }
0x4: {  	s28 =	simm.s32 $0x400;
	s29 =	simm.s32 $0x80;
	s30 =	simm.s32 $0x1800  }
0x5: {  	s31 =	simm.s32 $0x100;
	[smem:$0x7FF] =	sst s2;
	s4 =	sadd.s32 $0x95C00, s0  }
0x6: {  	s5 =	sadd.s32 $0x33C00, s0;
	s6 =	sadd.s32 $0x2C00, s0;
	s3 =	sand.u32 $0x1, s3  }
0x7: {  	s8 =	smul.u32 $0x61C00, s15;
	s7 =	sadd.s32 $0x64C00, s0;
	s9 =	ssub.s32 $0x2, s3  }
0x8: {  	s0 =	sadd.s32 $0xF7800, s0;
	s10 =	smul.u32 $0xC38, s15;
	s12 =	sshrl.u32 s9, $0x1  }
0x9: {  	p0 =	seq.s32 s15, $0xF;
	s8 =	sshrl.u32 s8, $0x2;
	s12 =	ssub.s32 s9, s12  }
0xa: {  	_ =	strace $0x8000004A;
	s19 =	sadd.s32 s8, s1;
	s12 =	smax.u32 s12, $0x1  }
0xb: {  	s11 =	smul.u32 $0xC350, s3;
	s16 =	sadd.s32 $0x8000, s19;
	[dreg:$0x6] =	wrdreg s12  }
0xc: {  	s3 =	smul.u32 $0x186A00, s3;
	s17 =	sadd.s32 $0xC000, s19;
	[dreg:$0x8] =	wrdreg s16  }
0xd: {  	s13 =	sadd.s32 s10, s11;
	s20 =	sadd.s32 $0x10000, s19;
	[dreg:$0x9] =	wrdreg s17  }
0xe: {  	s10 =	smul.u32 $0x18800, s15;
	s21 =	sadd.s32 $0x14000, s19;
	[dreg:$0xa] =	wrdreg s20  }
0xf: {  	s13 =	sshll.u32 s13, $0x2;
	s18 =	sadd.s32 $0x4000, s19;
	[dreg:$0xb] =	wrdreg s21  }
0x10: {  	s3 =	sshrl.u32 s3, $0x3;
	s13 =	sadd.s32 s0, s13;
	[dreg:$0x7] =	wrdreg s18  }
0x11: {  	s0 =	sadd.s32 s0, s3;
	s8 =	sadd.s32 $0x3000, s13;
	[dreg:$0x3] =	wrdreg s13  }
0x12: {  	s14 =	sadd.s32 $0xC350, s11;
	s0 =	sadd.s32 $0x30D20, s0;
	[dreg:$0x4] =	wrdreg s8  }
0x13: {  	s9 =	sadd.s32 $0x18000, s19;
	s22 =	sadd.s32 $0x800, s13;
	[dreg:$0x5] =	wrdreg s0  }
0x14: {  	v1 =	vmov s14;
	s14 =	simm.s32 $0x600;
	s23 =	sadd.s32 $0x1000, s13;
	[dreg:$0xc] =	wrdreg s22  }
0x15: {  	v2 =	vimm.f32 $0.0e+00;
	v3 =	vimm.s32 $0x0;
	v4 =	vimm.s32 $0x1;
	s3 =	simm.s32 $0x180;
	s24 =	sadd.s32 $0x1800, s13;
	[dreg:$0xd] =	wrdreg s23  }
0x16: {  	v5 =	vimm.s32 $0x2;
	v6 =	vimm.s32 $0x3;
	v7 =	vimm.s32 $0x4;
	s12 =	simm.s32 $0x3800;
	s25 =	sadd.s32 $0x2000, s13;
	[dreg:$0xe] =	wrdreg s24  }
0x17: {  	v8 =	vimm.s32 $0x5;
	v9 =	vimm.s32 $0x6;
	v10 =	vimm.s32 $0x7;
	s20 =	simm.s32 $0x680;
	s26 =	sadd.s32 $0x2800, s13;
	[dreg:$0xf] =	wrdreg s25  }
0x18: {  	v11 =	vimm.s32 $0x8;
	v12 =	vimm.s32 $0x9;
	v13 =	vimm.s32 $0xA;
	s21 =	simm.s32 $0x700;
	s13 =	simm.s32 $0x1;
	[dreg:$0x10] =	wrdreg s26  }
0x19: {  	v14 =	vimm.s32 $0xB;
	v15 =	vimm.s32 $0xC;
	v16 =	vimm.s32 $0xD;
	s25 =	simm.s32 $0x800;
	s26 =	simm.s32 $0x3;
	s0 =	simm.s32 $0x2800  }
0x1a: {  	v17 =	vimm.s32 $0xE;
	v18 =	vimm.s32 $0xF;
	v0 =	vmov s11;
	s22 =	simm.s32 $0x780;
	s23 =	simm.s32 $0x2;
	s24 =	simm.s32 $0x0  }
.LBB2_1:
0x1b: {  	s11 =	simm.s32 $0x80;
	s15 =	simm.s32 $0x0  }
.LBB2_2:
0x1c: {  	p1 =	sne.s32 s11, $0xFF80;
	[tilespmem:s15+$0x800] =	vst v2;
	s16 =	smov.u32 s11;
	s11 =	sadd.s32 $0x80, s11  }
.Ltmp0:
0x1d: {  	[tilespmem:s15+$0x810] =	vst v2;
	(pc) =	sbr.rel @p1 .LBB2_2-.Ltmp0, $2  }
0x1e: {  	_ =	sdelay $0x2  }
0x1f: {  	s15 =	sshra.s32 s16, $0x2  }
0x20: {  	[tilespmem:s15+$0x800] =	vst v2  }
0x21: {  	[tilespmem:s15+$0x810] =	vst v2  }
0x22: {  	[spmem:s19] =	stream.linear.scatter [tilespmem:s25], [sflag:$0x3], $0x4000, $0x38;
	[tilespmem:$0x1CF00] =	vst v63  }
0x23: {  	_ =	swait.ge [sflag:s26], $0x4000  }
0x24: {  	[sflag:s26] =	ssyncset.done $0x0  }
0x25: {  	[sflag:s26] =	ssyncadd.s32 $0xFFFFC000  }
0x26: {  	[spmem:s18] =	stream.linear.scatter [tilespmem:s25], [sflag:$0x3], $0x4000, $0x38;
	[tilespmem:$0x1CF00] =	vst v63  }
0x27: {  	_ =	swait.ge [sflag:s26], $0x4000  }
0x28: {  	[sflag:s26] =	ssyncset.done $0x0  }
0x29: {  	s11 =	rddreg [dreg:$0x8];
	[sflag:s26] =	ssyncadd.s32 $0xFFFFC000  }
0x2a: {  	[spmem:s11] =	stream.linear.scatter [tilespmem:s25], [sflag:$0x3], $0x4000, $0x38;
	[tilespmem:$0x1CF00] =	vst v63  }
0x2b: {  	_ =	swait.ge [sflag:s26], $0x4000  }
0x2c: {  	[sflag:s26] =	ssyncset.done $0x0  }
0x2d: {  	s17 =	rddreg [dreg:$0x9];
	[sflag:s26] =	ssyncadd.s32 $0xFFFFC000  }
0x2e: {  	[spmem:s17] =	stream.linear.scatter [tilespmem:s25], [sflag:$0x3], $0x4000, $0x38;
	[tilespmem:$0x1CF00] =	vst v63  }
0x2f: {  	_ =	swait.ge [sflag:s26], $0x4000  }
0x30: {  	[sflag:s26] =	ssyncset.done $0x0  }
0x31: {  	s18 =	rddreg [dreg:$0xa];
	[sflag:s26] =	ssyncadd.s32 $0xFFFFC000  }
0x32: {  	[spmem:s18] =	stream.linear.scatter [tilespmem:s25], [sflag:$0x3], $0x4000, $0x38;
	[tilespmem:$0x1CF00] =	vst v63  }
0x33: {  	_ =	swait.ge [sflag:s26], $0x4000  }
0x34: {  	[sflag:s26] =	ssyncset.done $0x0  }
0x35: {  	s8 =	smov.u32 s19;
	s19 =	rddreg [dreg:$0xb];
	[sflag:s26] =	ssyncadd.s32 $0xFFFFC000  }
0x36: {  	[spmem:s19] =	stream.linear.scatter [tilespmem:s25], [sflag:$0x3], $0x4000, $0x38;
	[tilespmem:$0x1CF00] =	vst v63  }
0x37: {  	_ =	swait.ge [sflag:s26], $0x4000  }
0x38: {  	[sflag:s26] =	ssyncset.done $0x0  }
0x39: {  	[sflag:s26] =	ssyncadd.s32 $0xFFFFC000  }
0x3a: {  	[spmem:s9] =	stream.linear.scatter [tilespmem:s25], [sflag:$0x3], $0x700, $0x38;
	[tilespmem:$0x1CF00] =	vst v63  }
0x3b: {  	_ =	swait.ge [sflag:s26], $0x700  }
0x3c: {  	[sflag:s26] =	ssyncset.done $0x0  }
0x3d: {  	[sflag:s26] =	ssyncadd.s32 $0xFFFFF900  }
0x3e: {  	s15 =	simm.s32 $0x0;
	s11 =	simm.s32 $0x0;
	[bflag:$0x0] =	sbarrier.arrive $0xFFFF  }
.LBB2_4:
0x3f: {  	s16 =	sshll.u32 s15, $0x9  }
0x40: {  	s16 =	sadd.s32 s10, s16  }
0x41: {  	s17 =	sshrl.u32 s16, $0x3  }
0x42: {  	s16 =	sadd.s32 s5, s17  }
0x43: {  	[tilespmem:s11], [sflag:$0x3] =	stream.linear.gather [hbm4b:s16+s11], $0x200, $0x38;
	[tilespmem:$0x1CF00] =	vst v63  }
0x44: {  	_ =	swait.ge [sflag:s26], $0x200  }
0x45: {  	[sflag:s26] =	ssyncset.done $0x0  }
0x46: {  	s18 =	sadd.s32 s6, s17;
	s16 =	simm.s32 $0x200;
	[sflag:s26] =	ssyncadd.s32 $0xFFFFFE00  }
0x47: {  	[tilespmem:s16], [sflag:$0x3] =	stream.linear.gather [hbm4b:s18+s11], $0x200, $0x38;
	[tilespmem:$0x1CF00] =	vst v63  }
0x48: {  	_ =	swait.ge [sflag:s26], $0x200  }
0x49: {  	[sflag:s26] =	ssyncset.done $0x0  }
0x4a: {  	s17 =	sadd.s32 s7, s17;
	[sflag:s26] =	ssyncadd.s32 $0xFFFFFE00  }
0x4b: {  	[tilespmem:s28], [sflag:$0x3] =	stream.linear.gather [hbm4b:s17+s11], $0x200, $0x38;
	[tilespmem:$0x1CF00] =	vst v63  }
0x4c: {  	_ =	swait.ge [sflag:s26], $0x200  }
0x4d: {  	[sflag:s26] =	ssyncset.done $0x0  }
0x4e: {  	[sflag:s26] =	ssyncadd.s32 $0xFFFFFE00  }
0x4f: {  	[tilespmem:s25], [sflag:$0x1] =	stream.indirect.gather [hbm4b:s4+s29], $0x20, s11, s29, $0xb8;
	[tilespmem:$0x1CF00] =	vst v63  }
0x50: {  	_ = 	snop  }
0x51: {  	[tilespmem:s30], [sflag:$0x1] =	stream.indirect.gather [hbm4b:s4+s29], $0x20, s29, s29, $0xb8;
	[tilespmem:$0x1CF00] =	vst v63  }
0x52: {  	_ = 	snop  }
0x53: {  	[tilespmem:s0], [sflag:$0x1] =	stream.indirect.gather [hbm4b:s4+s29], $0x20, s31, s29, $0xb8;
	[tilespmem:$0x1CF00] =	vst v63  }
0x54: {  	_ = 	snop  }
0x55: {  	[tilespmem:s12], [sflag:$0x1] =	stream.indirect.gather [hbm4b:s4+s29], $0x20, s3, s29, $0xb8;
	[tilespmem:$0x1CF00] =	vst v63  }
0x56: {  	_ =	swait.ge [sflag:s13], $0x1000  }
0x57: {  	[sflag:s13] =	ssyncset.done $0x0  }
0x58: {  	[sflag:s13] =	ssyncadd.s32 $0xFFFFF000  }
0x59: {  	_ =	swait.ge [sflag:s13], $0x1000  }
0x5a: {  	[sflag:s13] =	ssyncset.done $0x0  }
0x5b: {  	[sflag:s13] =	ssyncadd.s32 $0xFFFFF000  }
0x5c: {  	_ =	swait.ge [sflag:s13], $0x1000  }
0x5d: {  	[sflag:s13] =	ssyncset.done $0x0  }
0x5e: {  	[sflag:s13] =	ssyncadd.s32 $0xFFFFF000  }
0x5f: {  	_ =	swait.ge [sflag:s13], $0x1000  }
0x60: {  	[sflag:s13] =	ssyncset.done $0x0  }
0x61: {  	[sflag:s13] =	ssyncadd.s32 $0xFFFFF000  }
0x62: {  	s18 =	simm.s32 $0x10;
	s17 =	simm.s32 $0x0;
	v19 =	vld [tilespmem:s16+$0x0]  }
.LBB2_5:
0x63: {  	p1 =	sne.s32 s18, $0x1F0;
	_ =	sdelay $0x3  }
.Ltmp1:
0x64: {  	vm0 =	vge.s32 v19, v0;
	vm1 =	vlt.s32 v19, v1;
	(pc) =	sbr.rel @p1 .LBB2_5-.Ltmp1, $4  }
0x65: {  	v19 =	vsub.s32 v19, v0;
	vm0 =	vmand vm0, vm1  }
0x66: {  	s19 =	sand.u32 $0x1F0, s17;
	s17 =	smov.u32 s18;
	v19 =	vnsel vm0, $0xC350, v19  }
0x67: {  	s16 =	sadd.s32 $0x10, s16;
	[tilespmem:s19+$0x600] =	vst v19  }
0x68: {  	s18 =	sadd.s32 $0x10, s18;
	v19 =	vld [tilespmem:s16+$0x0]  }
0x69: {  	_ =	sdelay $0x3  }
0x6a: {  	vm0 =	vge.s32 v19, v0;
	vm1 =	vlt.s32 v19, v1  }
0x6b: {  	v19 =	vsub.s32 v19, v0;
	vm0 =	vmand vm0, vm1  }
0x6c: {  	s16 =	sand.u32 $0x1F0, s17;
	v19 =	vnsel vm0, $0xC350, v19  }
0x6d: {  	[tilespmem:s16+$0x600] =	vst v19;
	s16 =	simm.s32 $0x900  }
0x6e: {  	v24 =	vld [tilespmem:s16+$0xFFFFFFA0]  }
0x6f: {  	v22 =	vld [tilespmem:s16+$0xFFFFFFF0]  }
0x70: {  	v19 =	vld [tilespmem:s16+$0xFFFFFF60]  }
0x71: {  	v25 =	vld [tilespmem:s16+$0xFFFFFFD0]  }
0x72: {  	v26 =	vld [tilespmem:s16+$0x80]  }
0x73: {  	v29 =	vld [tilespmem:s16+$0xFFFFFF10]  }
0x74: {  	v33 =	vld [tilespmem:s16+$0xE0]  }
0x75: {  	v28 =	vld [tilespmem:s16+$0xFFFFFF40]  }
0x76: {  	s19 =	simm.s32 $0x0;
	v20 =	vld [tilespmem:s16+$0xFFFFFF90]  }
0x77: {  	v21 =	vld [tilespmem:s19+$0x400]  }
0x78: {  	v27 =	vld [tilespmem:s16+$0xFFFFFFC0]  }
0x79: {  	v30 =	vld [tilespmem:s16+$0xFFFFFF00]  }
0x7a: {  	v31 =	vld [tilespmem:s16+$0xD0]  }
0x7b: {  	v40 =	vld [tilespmem:s16+$0xC0]  }
0x7c: {  	v38 =	vld [tilespmem:s16+$0x90];
	v36 =	vperm.xlane v21, v3;
	v23 =	vperm.xlane v21, v18  }
0x7d: {  	v39 =	vld [tilespmem:s16+$0xFFFFFF50];
	v37 =	vperm.xlane v21, v5;
	v35 =	vperm.xlane v21, v17  }
0x7e: {  	v34 =	vld [tilespmem:s16+$0xB0];
	v32 =	vperm.xlane v21, v15;
	v42 =	vmul.f32 v30, v36  }
0x7f: {  	s17 =	simm.s32 $0x40;
	s18 =	simm.s32 $0x900;
	v30 =	vperm.xlane v21, v16;
	v41 =	vmul.f32 v28, v37;
	v28 =	vld [tilespmem:s16+$0x60]  }
.LBB2_7:
0x80: {  	p1 =	sne.s32 s17, $0x7C0  }
0x81: {  	[tilespmem:s16+$0xFFFFFF00] =	vst v42;
	v42 =	vld [tilespmem:s16+$0xFFFFFFB0];
	v40 =	vmul.f32 v40, v35;
	v33 =	vmul.f32 v33, v23;
	s18 =	sadd.s32 $0x200, s18;
	s19 =	smov.u32 s17;
	s17 =	sadd.s32 $0x40, s17  }
0x82: {  	[tilespmem:s16+$0xFFFFFF40] =	vst v41;
	v41 =	vperm.xlane v21, v13;
	v38 =	vmul.f32 v38, v32;
	v43 =	vld [tilespmem:s16+$0xA0]  }
0x83: {  	v29 =	vmul.f32 v29, v36;
	v36 =	vmul.f32 v39, v37;
	v37 =	vld [tilespmem:s16+$0x70];
	[tilespmem:s16+$0xE0] =	vst v33  }
0x84: {  	v33 =	vperm.xlane v21, v8;
	v39 =	vld [tilespmem:s16+$0xFFFFFFE0];
	v34 =	vmul.f32 v34, v30;
	[tilespmem:s16+$0xC0] =	vst v40  }
0x85: {  	v31 =	vmul.f32 v31, v35;
	[tilespmem:s16+$0xFFFFFF10] =	vst v29;
	v29 =	vperm.xlane v21, v9;
	v40 =	vld [tilespmem:s16+$0x40]  }
0x86: {  	v44 =	vperm.xlane v21, v14;
	v24 =	vmul.f32 v24, v33;
	v35 =	vld [tilespmem:s16+$0xFFFFFF20];
	[tilespmem:s16+$0x90] =	vst v38  }
0x87: {  	[tilespmem:s16+$0xFFFFFF50] =	vst v36;
	v36 =	vperm.xlane v21, v12;
	v38 =	vld [tilespmem:s16+$0x20];
	v30 =	vmul.f32 v43, v30  }
0x88: {  	v33 =	vmul.f32 v42, v33;
	v42 =	vld [tilespmem:s16+$0x50];
	v37 =	vmul.f32 v37, v44;
	[tilespmem:s16+$0xD0] =	vst v31  }
0x89: {  	v26 =	vmul.f32 v26, v32;
	v31 =	vperm.xlane v21, v10;
	v43 =	vld [tilespmem:s16+$0x30];
	[tilespmem:s16+$0xA0] =	vst v30  }
0x8a: {  	v27 =	vmul.f32 v27, v29;
	v30 =	vperm.xlane v21, v6;
	v32 =	vld [tilespmem:s16+$0x0];
	[tilespmem:s16+$0x70] =	vst v37  }
0x8b: {  	v28 =	vmul.f32 v28, v44;
	v25 =	vmul.f32 v25, v29;
	v29 =	vld [tilespmem:s16+$0x10];
	[tilespmem:s16+$0x80] =	vst v26  }
0x8c: {  	v37 =	vperm.xlane v21, v11;
	v40 =	vmul.f32 v40, v41;
	v26 =	vld [tilespmem:s16+$0xFFFFFF30];
	[tilespmem:s16+$0xB0] =	vst v34  }
0x8d: {  	v34 =	vperm.xlane v21, v4;
	v44 =	vld [tilespmem:s16+$0xFFFFFF70];
	[tilespmem:s16+$0xFFFFFFD0] =	vst v25;
	v41 =	vmul.f32 v42, v41  }
0x8e: {  	v22 =	vmul.f32 v22, v31;
	v25 =	vmul.f32 v39, v31;
	[tilespmem:s16+$0xFFFFFFC0] =	vst v27;
	v27 =	vld [tilespmem:s16+$0xF0]  }
0x8f: {  	v39 =	vmul.f32 v43, v36;
	v31 =	vld [tilespmem:s16+$0xFFFFFF80];
	[tilespmem:s16+$0xFFFFFFA0] =	vst v24;
	v32 =	vmul.f32 v32, v37  }
0x90: {  	v24 =	vld [tilespmem:s18+$0xFFFFFFA0];
	[tilespmem:s16+$0xFFFFFFF0] =	vst v22;
	v37 =	vmul.f32 v29, v37;
	v29 =	vmul.f32 v38, v36  }
0x91: {  	v22 =	vmul.f32 v35, v34;
	v34 =	vmul.f32 v26, v34;
	[tilespmem:s16+$0x60] =	vst v28  }
0x92: {  	v19 =	vmul.f32 v19, v30;
	v26 =	vmul.f32 v44, v30;
	[tilespmem:s16+$0xFFFFFFB0] =	vst v33  }
0x93: {  	v21 =	vperm.xlane v21, v7;
	[tilespmem:s16+$0xFFFFFF20] =	vst v22;
	v22 =	vmul.f32 v27, v23  }
0x94: {  	[tilespmem:s16+$0xFFFFFF60] =	vst v19  }
0x95: {  	v23 =	vmul.f32 v31, v21;
	v19 =	vmul.f32 v20, v21;
	[tilespmem:s16+$0x40] =	vst v40  }
0x96: {  	[tilespmem:s16+$0xFFFFFFE0] =	vst v25  }
0x97: {  	[tilespmem:s16+$0xF0] =	vst v22  }
0x98: {  	[tilespmem:s16+$0xFFFFFF90] =	vst v19  }
0x99: {  	v22 =	vld [tilespmem:s18+$0xFFFFFFF0];
	[tilespmem:s16+$0xFFFFFF70] =	vst v26  }
0x9a: {  	v19 =	vld [tilespmem:s18+$0xFFFFFF60];
	[tilespmem:s16+$0x20] =	vst v29  }
0x9b: {  	v25 =	vld [tilespmem:s18+$0xFFFFFFD0];
	[tilespmem:s16+$0x30] =	vst v39  }
0x9c: {  	v26 =	vld [tilespmem:s18+$0x80];
	[tilespmem:s16+$0xFFFFFF80] =	vst v23  }
0x9d: {  	v29 =	vld [tilespmem:s18+$0xFFFFFF10];
	[tilespmem:s16+$0x50] =	vst v41  }
0x9e: {  	v33 =	vld [tilespmem:s18+$0xE0];
	[tilespmem:s16+$0x0] =	vst v32  }
0x9f: {  	v28 =	vld [tilespmem:s18+$0xFFFFFF40];
	[tilespmem:s16+$0xFFFFFF30] =	vst v34  }
0xa0: {  	s19 =	sshra.s32 s19, $0x2;
	v20 =	vld [tilespmem:s18+$0xFFFFFF90];
	[tilespmem:s16+$0x10] =	vst v37;
	s16 =	smov.u32 s18  }
0xa1: {  	v21 =	vld [tilespmem:s19+$0x400]  }
0xa2: {  	v27 =	vld [tilespmem:s18+$0xFFFFFFC0]  }
0xa3: {  	v30 =	vld [tilespmem:s18+$0xFFFFFF00]  }
0xa4: {  	v31 =	vld [tilespmem:s18+$0xD0]  }
.Ltmp2:
0xa5: {  	v40 =	vld [tilespmem:s18+$0xC0];
	(pc) =	sbr.rel @p1 .LBB2_7-.Ltmp2, $4  }
0xa6: {  	v36 =	vperm.xlane v21, v3;
	v38 =	vld [tilespmem:s18+$0x90];
	v23 =	vperm.xlane v21, v18  }
0xa7: {  	v37 =	vperm.xlane v21, v5;
	v35 =	vperm.xlane v21, v17;
	v39 =	vld [tilespmem:s18+$0xFFFFFF50]  }
0xa8: {  	v42 =	vmul.f32 v30, v36;
	v30 =	vperm.xlane v21, v16;
	v34 =	vld [tilespmem:s18+$0xB0]  }
0xa9: {  	v32 =	vperm.xlane v21, v15;
	v41 =	vmul.f32 v28, v37;
	v28 =	vld [tilespmem:s18+$0x60]  }
0xaa: {  	[tilespmem:s16+$0xFFFFFF00] =	vst v42;
	v33 =	vmul.f32 v33, v23  }
0xab: {  	v40 =	vmul.f32 v40, v35;
	[tilespmem:s16+$0xFFFFFF40] =	vst v41  }
0xac: {  	v29 =	vmul.f32 v29, v36;
	[tilespmem:s16+$0xE0] =	vst v33  }
0xad: {  	v56 =	vmul.f32 v31, v35;
	[tilespmem:s16+$0xC0] =	vst v40  }
0xae: {  	v54 =	vmul.f32 v38, v32;
	[tilespmem:s16+$0xFFFFFF10] =	vst v29  }
0xaf: {  	v62 =	vperm.xlane v21, v9;
	v26 =	vmul.f32 v26, v32;
	[tilespmem:s16+$0xD0] =	vst v56  }
0xb0: {  	v37 =	vmul.f32 v39, v37;
	[tilespmem:s16+$0x90] =	vst v54  }
0xb1: {  	v44 =	vperm.xlane v21, v8;
	v25 =	vmul.f32 v25, v62;
	[tilespmem:s16+$0x80] =	vst v26  }
0xb2: {  	v52 =	vld [tilespmem:s16+$0xA0];
	v46 =	vperm.xlane v21, v10;
	v27 =	vmul.f32 v27, v62;
	[tilespmem:s16+$0xFFFFFF50] =	vst v37  }
0xb3: {  	v53 =	vld [tilespmem:s16+$0x70];
	v24 =	vmul.f32 v24, v44;
	[tilespmem:s16+$0xFFFFFFD0] =	vst v25  }
0xb4: {  	v55 =	vld [tilespmem:s16+$0xFFFFFFB0];
	v58 =	vperm.xlane v21, v14;
	v22 =	vmul.f32 v22, v46;
	[tilespmem:s16+$0xFFFFFFC0] =	vst v27  }
0xb5: {  	v57 =	vld [tilespmem:s16+$0xFFFFFF20];
	v42 =	vmul.f32 v34, v30;
	[tilespmem:s16+$0xFFFFFFA0] =	vst v24  }
0xb6: {  	v59 =	vld [tilespmem:s16+$0xFFFFFFE0];
	v28 =	vmul.f32 v28, v58;
	[tilespmem:s16+$0xFFFFFFF0] =	vst v22  }
0xb7: {  	v60 =	vmul.f32 v52, v30;
	[tilespmem:s16+$0xB0] =	vst v42  }
0xb8: {  	v61 =	vld [tilespmem:s16+$0x40];
	v51 =	vperm.xlane v21, v4;
	v36 =	vmul.f32 v53, v58;
	[tilespmem:s16+$0x60] =	vst v28  }
0xb9: {  	v52 =	vmul.f32 v55, v44;
	[tilespmem:s16+$0xA0] =	vst v60  }
0xba: {  	v48 =	vld [tilespmem:s16+$0xFFFFFF70];
	v53 =	vperm.xlane v21, v6;
	v31 =	vmul.f32 v57, v51;
	[tilespmem:s16+$0x70] =	vst v36  }
0xbb: {  	v49 =	vld [tilespmem:s16+$0xFFFFFF80];
	v55 =	vperm.xlane v21, v13;
	v26 =	vmul.f32 v59, v46;
	[tilespmem:s16+$0xFFFFFFB0] =	vst v52  }
0xbc: {  	v54 =	vld [tilespmem:s16+$0xF0];
	v58 =	vperm.xlane v21, v7;
	v19 =	vmul.f32 v19, v53;
	[tilespmem:s16+$0xFFFFFF20] =	vst v31  }
0xbd: {  	v45 =	vld [tilespmem:s16+$0x30];
	v57 =	vmul.f32 v61, v55;
	[tilespmem:s16+$0xFFFFFFE0] =	vst v26  }
0xbe: {  	v43 =	vld [tilespmem:s16+$0x20];
	v20 =	vmul.f32 v20, v58;
	[tilespmem:s16+$0xFFFFFF60] =	vst v19  }
0xbf: {  	v47 =	vld [tilespmem:s16+$0x0];
	v60 =	vmul.f32 v48, v53;
	[tilespmem:s16+$0x40] =	vst v57  }
0xc0: {  	v63 =	vld [tilespmem:s16+$0x50];
	v59 =	vperm.xlane v21, v12;
	v62 =	vmul.f32 v49, v58;
	[tilespmem:s16+$0xFFFFFF90] =	vst v20  }
0xc1: {  	v56 =	vld [tilespmem:s16+$0xFFFFFF30];
	v19 =	vmul.f32 v54, v23;
	[tilespmem:s16+$0xFFFFFF70] =	vst v60  }
0xc2: {  	v50 =	vld [tilespmem:s16+$0x10];
	v61 =	vperm.xlane v21, v11;
	v20 =	vmul.f32 v45, v59;
	[tilespmem:s16+$0xFFFFFF80] =	vst v62  }
0xc3: {  	[tilespmem:s16+$0xF0] =	vst v19;
	v19 =	vmul.f32 v43, v59  }
0xc4: {  	[tilespmem:s16+$0x30] =	vst v20;
	v20 =	vmul.f32 v47, v61  }
0xc5: {  	[tilespmem:s16+$0x20] =	vst v19;
	v19 =	vmul.f32 v63, v55  }
0xc6: {  	v63 =	vmul.f32 v56, v51;
	[tilespmem:s16+$0x0] =	vst v20  }
0xc7: {  	[tilespmem:s16+$0x50] =	vst v19;
	v19 =	vmul.f32 v50, v61  }
0xc8: {  	[tilespmem:s16+$0xFFFFFF30] =	vst v63  }
0xc9: {  	[tilespmem:s16+$0x10] =	vst v19  }
0xca: {  	[spmem:s1] =	stream.indirect.scatter.add.f32 [tilespmem:s25], [sflag:$0x2], $0x20, s14, s29, $0xb8;
	[tilespmem:$0x1CF00] =	vst v63  }
0xcb: {  	_ = 	snop  }
0xcc: {  	[spmem:s1] =	stream.indirect.scatter.add.f32 [tilespmem:s30], [sflag:$0x2], $0x20, s20, s29, $0xb8;
	[tilespmem:$0x1CF00] =	vst v63  }
0xcd: {  	_ = 	snop  }
0xce: {  	[spmem:s1] =	stream.indirect.scatter.add.f32 [tilespmem:s0], [sflag:$0x2], $0x20, s21, s29, $0xb8;
	[tilespmem:$0x1CF00] =	vst v63  }
0xcf: {  	_ = 	snop  }
0xd0: {  	[spmem:s1] =	stream.indirect.scatter.add.f32 [tilespmem:s12], [sflag:$0x2], $0x20, s22, s29, $0xb8;
	[tilespmem:$0x1CF00] =	vst v63  }
0xd1: {  	_ =	swait.ge [sflag:s23], $0x1000  }
0xd2: {  	[sflag:s23] =	ssyncset.done $0x0  }
0xd3: {  	[sflag:s23] =	ssyncadd.s32 $0xFFFFF000  }
0xd4: {  	_ =	swait.ge [sflag:s23], $0x1000  }
0xd5: {  	[sflag:s23] =	ssyncset.done $0x0  }
0xd6: {  	s15 =	sadd.s32 $0x1, s15;
	[sflag:s23] =	ssyncadd.s32 $0xFFFFF000  }
0xd7: {  	p1 =	sne.s32 s15, $0xC4;
	_ =	swait.ge [sflag:s23], $0x1000  }
.Ltmp3:
0xd8: {  	[sflag:s23] =	ssyncset.done $0x0;
	(pc) =	sbr.rel @p1 .LBB2_4-.Ltmp3, $4  }
0xd9: {  	[sflag:s23] =	ssyncadd.s32 $0xFFFFF000  }
0xda: {  	_ =	swait.ge [sflag:s23], $0x1000  }
0xdb: {  	[sflag:s23] =	ssyncset.done $0x0  }
0xdc: {  	[sflag:s23] =	ssyncadd.s32 $0xFFFFF000  }
0xdd: {  	[bflag:$0x0] =	sbarrier.arrive $0xFFFF  }
0xde: {  	[tilespmem:s25], [sflag:$0x3] =	stream.linear.gather [spmem:s8], $0x4000, $0x38;
	[tilespmem:$0x1CF00] =	vst v63  }
0xdf: {  	_ =	swait.ge [sflag:s26], $0x4000  }
0xe0: {  	[sflag:s26] =	ssyncset.done $0x0  }
0xe1: {  	s11 =	rddreg [dreg:$0x3];
	[sflag:s26] =	ssyncadd.s32 $0xFFFFC000  }
0xe2: {  	[hbm4b:s11+s2] =	stream.linear.scatter [tilespmem:s25], [sflag:$0x3], $0x4000, $0x38;
	[tilespmem:$0x1CF00] =	vst v63  }
0xe3: {  	_ =	swait.ge [sflag:s26], $0x4000  }
0xe4: {  	[sflag:s26] =	ssyncset.done $0x0  }
0xe5: {  	s18 =	rddreg [dreg:$0x7];
	[sflag:s26] =	ssyncadd.s32 $0xFFFFC000  }
0xe6: {  	[tilespmem:s25], [sflag:$0x3] =	stream.linear.gather [spmem:s18], $0x4000, $0x38;
	[tilespmem:$0x1CF00] =	vst v63  }
0xe7: {  	_ =	swait.ge [sflag:s26], $0x4000  }
0xe8: {  	[sflag:s26] =	ssyncset.done $0x0  }
0xe9: {  	s16 =	rddreg [dreg:$0xc];
	[sflag:s26] =	ssyncadd.s32 $0xFFFFC000  }
0xea: {  	[hbm4b:s16+s2] =	stream.linear.scatter [tilespmem:s25], [sflag:$0x3], $0x4000, $0x38;
	[tilespmem:$0x1CF00] =	vst v63  }
0xeb: {  	_ =	swait.ge [sflag:s26], $0x4000  }
0xec: {  	[sflag:s26] =	ssyncset.done $0x0  }
0xed: {  	s17 =	rddreg [dreg:$0x8];
	[sflag:s26] =	ssyncadd.s32 $0xFFFFC000  }
0xee: {  	[tilespmem:s25], [sflag:$0x3] =	stream.linear.gather [spmem:s17], $0x4000, $0x38;
	[tilespmem:$0x1CF00] =	vst v63  }
0xef: {  	_ =	swait.ge [sflag:s26], $0x4000  }
0xf0: {  	[sflag:s26] =	ssyncset.done $0x0  }
0xf1: {  	s11 =	rddreg [dreg:$0xd];
	[sflag:s26] =	ssyncadd.s32 $0xFFFFC000  }
0xf2: {  	[hbm4b:s11+s2] =	stream.linear.scatter [tilespmem:s25], [sflag:$0x3], $0x4000, $0x38;
	[tilespmem:$0x1CF00] =	vst v63  }
0xf3: {  	_ =	swait.ge [sflag:s26], $0x4000  }
0xf4: {  	[sflag:s26] =	ssyncset.done $0x0  }
0xf5: {  	s15 =	rddreg [dreg:$0x9];
	[sflag:s26] =	ssyncadd.s32 $0xFFFFC000  }
0xf6: {  	[tilespmem:s25], [sflag:$0x3] =	stream.linear.gather [spmem:s15], $0x4000, $0x38;
	[tilespmem:$0x1CF00] =	vst v63  }
0xf7: {  	_ =	swait.ge [sflag:s26], $0x4000  }
0xf8: {  	[sflag:s26] =	ssyncset.done $0x0  }
0xf9: {  	s16 =	rddreg [dreg:$0xe];
	[sflag:s26] =	ssyncadd.s32 $0xFFFFC000  }
0xfa: {  	[hbm4b:s16+s2] =	stream.linear.scatter [tilespmem:s25], [sflag:$0x3], $0x4000, $0x38;
	[tilespmem:$0x1CF00] =	vst v63  }
0xfb: {  	_ =	swait.ge [sflag:s26], $0x4000  }
0xfc: {  	[sflag:s26] =	ssyncset.done $0x0  }
0xfd: {  	s17 =	rddreg [dreg:$0xa];
	[sflag:s26] =	ssyncadd.s32 $0xFFFFC000  }
0xfe: {  	[tilespmem:s25], [sflag:$0x3] =	stream.linear.gather [spmem:s17], $0x4000, $0x38;
	[tilespmem:$0x1CF00] =	vst v63  }
0xff: {  	_ =	swait.ge [sflag:s26], $0x4000  }
0x100: {  	[sflag:s26] =	ssyncset.done $0x0  }
0x101: {  	s11 =	rddreg [dreg:$0xf];
	[sflag:s26] =	ssyncadd.s32 $0xFFFFC000  }
0x102: {  	[hbm4b:s11+s2] =	stream.linear.scatter [tilespmem:s25], [sflag:$0x3], $0x4000, $0x38;
	[tilespmem:$0x1CF00] =	vst v63  }
0x103: {  	_ =	swait.ge [sflag:s26], $0x4000  }
0x104: {  	[sflag:s26] =	ssyncset.done $0x0  }
0x105: {  	s15 =	rddreg [dreg:$0xb];
	[sflag:s26] =	ssyncadd.s32 $0xFFFFC000  }
0x106: {  	[tilespmem:s25], [sflag:$0x3] =	stream.linear.gather [spmem:s15], $0x4000, $0x38;
	[tilespmem:$0x1CF00] =	vst v63  }
0x107: {  	_ =	swait.ge [sflag:s26], $0x4000  }
0x108: {  	[sflag:s26] =	ssyncset.done $0x0  }
0x109: {  	s16 =	rddreg [dreg:$0x10];
	[sflag:s26] =	ssyncadd.s32 $0xFFFFC000  }
0x10a: {  	[hbm4b:s16+s2] =	stream.linear.scatter [tilespmem:s25], [sflag:$0x3], $0x4000, $0x38;
	[tilespmem:$0x1CF00] =	vst v63  }
0x10b: {  	_ =	swait.ge [sflag:s26], $0x4000  }
0x10c: {  	[sflag:s26] =	ssyncset.done $0x0  }
0x10d: {  	s11 =	simm.s32 @p0 $0x800;
	s15 =	simm.s32 @p0 $0x3;
	[sflag:s26] =	ssyncadd.s32 $0xFFFFC000  }
0x10e: {  	[tilespmem:s11], [sflag:$0x3] =	stream.linear.gather @p0 [spmem:s9], $0x100, $0x38;
	[tilespmem:$0x1CF00] =	vst v63  }
0x10f: {  	_ =	swait.ge @p0 [sflag:s15], $0x100  }
0x110: {  	[sflag:s15] =	ssyncset.done @p0 $0x0  }
0x111: {  	s16 =	simm.s32 @p0 $0x0;
	s17 =	rddreg [dreg:$0x5];
	[sflag:s15] =	ssyncadd.s32 @p0 $0xFFFFFF00  }
0x112: {  	[hbm4b:s17+s16] =	stream.linear.scatter @p0 [tilespmem:s11], [sflag:$0x3], $0x100, $0x38;
	[tilespmem:$0x1CF00] =	vst v63  }
0x113: {  	_ =	swait.ge @p0 [sflag:s15], $0x100  }
0x114: {  	[sflag:s15] =	ssyncset.done @p0 $0x0  }
0x115: {  	s11 =	simm.s32 @!p0 $0x800;
	[sflag:s15] =	ssyncadd.s32 @p0 $0xFFFFFF00;
	s15 =	simm.s32 @!p0 $0x3  }
0x116: {  	[tilespmem:s11], [sflag:$0x3] =	stream.linear.gather @!p0 [spmem:s9], $0x700, $0x38;
	[tilespmem:$0x1CF00] =	vst v63  }
0x117: {  	_ =	swait.ge @!p0 [sflag:s15], $0x700  }
0x118: {  	[sflag:s15] =	ssyncset.done @!p0 $0x0  }
0x119: {  	s16 =	simm.s32 @!p0 $0x0;
	s17 =	rddreg [dreg:$0x4];
	[sflag:s15] =	ssyncadd.s32 @!p0 $0xFFFFF900  }
0x11a: {  	[hbm4b:s17+s16] =	stream.linear.scatter @!p0 [tilespmem:s11], [sflag:$0x3], $0x700, $0x38;
	[tilespmem:$0x1CF00] =	vst v63  }
0x11b: {  	_ =	swait.ge @!p0 [sflag:s15], $0x700  }
0x11c: {  	s24 =	sadd.s32 $0x1, s24;
	s17 =	rddreg [dreg:$0x6]  }
0x11d: {  	p1 =	sne.s32 s24, s17  }
.Ltmp4:
0x11e: {  	_ = 	snop;
	(pc) =	sbr.rel @p1 .LBB2_1-.Ltmp4, $3  }
0x11f: {  	_ =	sdelay $0x1  }
0x120: {  	[sflag:s15] =	ssyncset.done @!p0 $0x0  }
0x121: {  	s19 =	smov.u32 s8;
	[sflag:s15] =	ssyncadd.s32 @!p0 $0xFFFFF900  }
0x122: {  	_ =	sfence.sel $0x180000  }
0x123: {  	[bflag:$0x0] =	sbarrier.arrive $0xFFFF  }
0x124: {  	_ =	strace $0x9000004A  }
0x125: {  	s0 =	stileid.u32;
	[bflag:$0x2] =	sbarrier.arrive $0xFFFF  }
0x126: {  	p0 =	sne.s32 s0, $0x0;
	s0 =	rddreg [dreg:$0x2]  }
0x127: {  	s0 =	sadd.s32 @!p0 $0x100000, s0  }
0x128: {  	[sflag:s0] =	ssyncadd.tile.s32 @!p0 $0x1;
	_ =	shalt  }
.Lfunc_end2:
_tile_overlayer_lowered:
.L_overlay_start_2:
0x129: {  	(tag) =	ssettag $0x2  }
0x12a: {  	s0 =	rddreg [dreg:$0x0];
	s2 =	stileid.u32  }
0x12b: {  	s1 =	rddreg [dreg:$0x1];
	p0 =	sne.s32 s2, $0x0  }
0x12c: {  	s3 =	rddreg [dreg:$0x2];
	[bflag:$0x3] =	sbarrier.arrive $0xFFFF;
	s2 =	simm.s32 @!p0 $0x1C03  }
0x12d: {  	[timem:s3], [sflag:s2] =	dma.local @!p0 [hbm:s0], s1  }
0x12e: {  	s0 =	simm.s32 @!p0 $0x3  }
0x12f: {  	_ =	swait.ge @!p0 [sflag:s0], s1  }
0x130: {  	s1 =	ssub.s32 @!p0 $0x0, s1;
	[sflag:s0] =	ssyncset.done @!p0 $0x0  }
0x131: {  	[sflag:s0] =	ssyncadd.s32 @!p0 s1  }
0x132: {  	[bflag:$0x3] =	sbarrier.arrive $0xFFFF  }
0x133: {  	_ =	shalt  }

</sc_bundles>
